<compile_context>
chip_gen: v7x
topology: tpu7x:2x2x1
jax: 0.10.2.dev20260603
libtpu: 0.0.44.dev20260713+nightly
codegen_flags: <defaults>
</compile_context>

<pallas_src>
import functools

import jax
import jax.numpy as jnp
from jax import lax
from jax.experimental import pallas as pl
from jax.experimental.pallas import tpu as pltpu
from jax.experimental.pallas import tpu_sc as plsc

B, CH = 32, 768
H, W = 32, 32
GH, GW = 16, 16
NG = GH * GW
MERGE = 128
NKEEP = 512
NOUT = MERGE + NKEEP
ROWS_PER_CHUNK = 64
_HIGHEST = jax.lax.Precision.HIGHEST


def _dotg(a, b, ca, cb):
    return lax.dot_general(
        a, b, (((ca,), (cb,)), ((), ())),
        precision=_HIGHEST, preferred_element_type=jnp.float32)


def _red_c(d):
    s0 = jnp.sum(d[:, 0:128] + d[:, 128:256], axis=1, keepdims=True)
    s1 = jnp.sum(d[:, 256:384] + d[:, 384:512], axis=1, keepdims=True)
    s2 = jnp.sum(d[:, 512:640] + d[:, 640:768], axis=1, keepdims=True)
    return (s0 + s1) + s2


def _roll_sub(a, shift):
    return pltpu.roll(a, shift % a.shape[0], 0)


def _stage_a_body(xt_ref, score_ref, pool_ref):
    w_iota = lax.broadcasted_iota(jnp.int32, (W, 1), 0)
    w_odd = (w_iota & 1) == 1
    li = lax.broadcasted_iota(jnp.int32, (GW, W), 1)
    si = lax.broadcasted_iota(jnp.int32, (GW, W), 0)
    comp = (li == 2 * si).astype(jnp.float32)
    eps = jnp.float32(1e-8)

    for j in range(GH):
        a0 = xt_ref[0, 64 * j:64 * j + 32, :]
        a1 = xt_ref[0, 64 * j + 32:64 * j + 64, :]
        x0 = jnp.where(w_odd, _roll_sub(a0, 1), a0)

        dot0 = _red_c(x0 * a0)
        dot1 = _red_c(x0 * a1)
        n2_0 = _red_c(a0 * a0)
        n2_1 = _red_c(a1 * a1)
        n1_sq = _red_c(x0 * x0)

        n1s = jnp.sqrt(n1_sq)
        cos0 = dot0 / jnp.maximum(n1s * jnp.sqrt(n2_0), eps)
        cos1 = dot1 / jnp.maximum(n1s * jnp.sqrt(n2_1), eps)

        th = cos0 + cos1
        sc = (th + _roll_sub(th, -1)) * jnp.float32(0.25)

        score_ref[0, GW * j:GW * (j + 1), :] = _dotg(comp, sc, 1, 0)

        psum = (a0 + _roll_sub(a0, -1)) + (a1 + _roll_sub(a1, -1))
        pool_ref[0, GW * j:GW * (j + 1), :] = lax.dot_general(
            comp, psum, (((1,), (0,)), ((), ())),
            preferred_element_type=jnp.float32) * jnp.float32(0.25)


def _stage_b_body(score_ref, aligned_ref, gidx_ref):
    b = pl.program_id(0)
    s_col = score_ref[0]
    g_sub = lax.broadcasted_iota(jnp.int32, (NG, NG), 0)
    g_lane = lax.broadcasted_iota(jnp.int32, (NG, NG), 1)
    ident = (g_sub == g_lane).astype(jnp.float32)
    s_row = _dotg(s_col, ident, 0, 0)

    less = s_row < s_col
    eq = s_row == s_col
    m = jnp.where(less | (eq & (g_lane < g_sub)), 1, 0)
    rank_col = jnp.sum(m, axis=1, keepdims=True)

    r_lane = lax.broadcasted_iota(jnp.int32, (NG, NG), 1)
    oht = (rank_col == r_lane).astype(jnp.float32)

    g_col = lax.broadcasted_iota(jnp.int32, (NG, 1), 0)
    tok0_col = ((g_col >> 4) << 6) + ((g_col & 15) << 1)
    order_row = _dotg(g_col.astype(jnp.float32), oht, 0, 0)
    tok0_row = _dotg(tok0_col.astype(jnp.float32), oht, 0, 0)

    order_m = order_row[:, 0:MERGE].astype(jnp.int32)
    tok0_m = tok0_row[:, 0:MERGE].astype(jnp.int32)
    tok0_k = tok0_row[:, MERGE:NG].astype(jnp.int32)

    aligned_ref[0, 0, 0:128] = tok0_m[0]
    gidx_ref[0, 0, 0:128] = order_m[0] + b * NG
    for p, off in enumerate((0, 1, 32, 33)):
        tok_p = tok0_k[0] + off
        aligned_ref[0, 0, 128 + 128 * p:256 + 128 * p] = tok_p
        gidx_ref[0, 0, 128 + 128 * p:256 + 128 * p] = tok_p + b * (H * W)


def _make_gather_kernel():
    mesh = plsc.VectorSubcoreMesh(core_axis_name="c", subcore_axis_name="s")

    @functools.partial(
        pl.kernel,
        mesh=mesh,
        out_type=jax.ShapeDtypeStruct((B * NOUT, CH), jnp.float32),
        scratch_types=[
            pltpu.VMEM((NOUT,), jnp.int32),
            pltpu.VMEM((ROWS_PER_CHUNK, CH), jnp.float32),
            pltpu.VMEM((ROWS_PER_CHUNK, CH), jnp.float32),
            pltpu.SemaphoreType.DMA,
            pltpu.SemaphoreType.DMA,
        ],
    )
    def gather_kernel(xt_hbm, pool_hbm, gidx_hbm, out_hbm, idx_v, buf0, buf1, sem0, sem1):
        wid = lax.axis_index("s") * 2 + lax.axis_index("c")
        pltpu.sync_copy(gidx_hbm.at[wid], idx_v)
        bufs = (buf0, buf1)
        sems = (sem0, sem1)
        nchunks = NOUT // ROWS_PER_CHUNK

        def start(k):
            table = pool_hbm if k < 2 else xt_hbm
            idx_sl = idx_v.at[pl.ds(k * ROWS_PER_CHUNK, ROWS_PER_CHUNK)]
            return pltpu.async_copy(table.at[idx_sl], bufs[k % 2], sems[k % 2])

        cp = start(0)
        for k in range(nchunks):
            nxt = start(k + 1) if k + 1 < nchunks else None
            cp.wait()
            pltpu.sync_copy(
                bufs[k % 2],
                out_hbm.at[pl.ds(wid * NOUT + k * ROWS_PER_CHUNK, ROWS_PER_CHUNK)])
            cp = nxt

    return gather_kernel


def kernel(x):
    b, c, h, w = x.shape
    xt = jnp.transpose(x, (0, 2, 3, 1)).reshape(b, h * w, c)

    score_col, pool = pl.pallas_call(
        _stage_a_body,
        grid=(b,),
        in_specs=[pl.BlockSpec((1, h * w, c), lambda i: (i, 0, 0))],
        out_specs=[
            pl.BlockSpec((1, NG, 1), lambda i: (i, 0, 0)),
            pl.BlockSpec((1, NG, c), lambda i: (i, 0, 0)),
        ],
        out_shape=[
            jax.ShapeDtypeStruct((b, NG, 1), jnp.float32),
            jax.ShapeDtypeStruct((b, NG, c), jnp.float32),
        ],
    )(xt)

    aligned, gidx = pl.pallas_call(
        _stage_b_body,
        grid=(b,),
        in_specs=[pl.BlockSpec((1, NG, 1), lambda i: (i, 0, 0))],
        out_specs=[
            pl.BlockSpec((1, 1, NOUT), lambda i: (i, 0, 0)),
            pl.BlockSpec((1, 1, NOUT), lambda i: (i, 0, 0)),
        ],
        out_shape=[
            jax.ShapeDtypeStruct((b, 1, NOUT), jnp.int32),
            jax.ShapeDtypeStruct((b, 1, NOUT), jnp.int32),
        ],
    )(score_col)
    aligned = aligned.reshape(b, NOUT)
    gidx = gidx.reshape(b, NOUT)

    out_flat = _make_gather_kernel()(
        xt.reshape(b * h * w, c), pool.reshape(b * NG, c), gidx)
    return out_flat.reshape(b, NOUT, c), aligned

# --- scband reference (transcript-rebuilt; emitter-appended) ---
"""Pipeline reference for scband-nepam-ablation-24283745091989 (READ-ONLY COPY).

The authoritative reference and input builder live on the scoring server;
editing this copy changes nothing except your own understanding.
"""

import jax, jax.numpy as jnp
import numpy as np

FH, FW = 32, 32          # feature grid = img_size // patch_size
GH, GW = 16, 16          # group grid = feature // group_size
CH = 768                 # 3 * 16 * 16
MERGE = 128              # group_merged_num


def _token_idx2():
    # rearrange '(h hp w wp)->(hp wp) (h w)' with h=GH, hp=2, w=GW, wp=2
    idx = np.arange(FH * FW)
    idx = idx.reshape(GH, 2, GW, 2).transpose(1, 3, 0, 2).reshape(4, GH * GW)
    return jnp.asarray(idx, dtype=jnp.int64 if jax.config.jax_enable_x64 else jnp.int32)


def setup_inputs(seed: int = 0) -> dict:
    key = jax.random.key(seed)
    x = jax.random.normal(key, (32, CH, FH, FW), dtype=jnp.float32)
    return {"x": x}


def reference(x):
    B, C, H, W = x.shape
    token_idx2 = _token_idx2()
    # SelectRef: strided subsample at token_pos=(0,0) then 2x2 nearest upsample
    xr = x[:, :, 0::2, 0::2]
    x_ref = jnp.broadcast_to(xr[:, :, :, None, :, None], (B, C, GH, 2, GW, 2)).reshape(B, C, H, W)
    # cosine similarity along channel dim (torch F.cosine_similarity semantics)
    eps = 1e-8
    dot = jnp.sum(x_ref * x, axis=1)
    n1 = jnp.sqrt(jnp.sum(x_ref * x_ref, axis=1))
    n2 = jnp.sqrt(jnp.sum(x * x, axis=1))
    cos = dot / jnp.maximum(n1 * n2, eps)          # [B, H, W]
    # avg_pool2d(kernel=2, stride=2) then flatten -> per-group score
    score = cos.reshape(B, GH, 2, GW, 2).mean(axis=(2, 4)).reshape(B, GH * GW)  # [B, 256]
    # SortIndex (stable ascending argsort)
    order = jnp.argsort(score, axis=1, stable=True)
    idx_merge = order[:, :MERGE]                    # group indices, [B, 128]
    idx_keep = order[:, MERGE:]                     # group indices, [B, 128]
    keep_tok = jnp.take(token_idx2, idx_keep, axis=1).transpose(1, 0, 2).reshape(B, -1)  # [B, 512]
    token_idx = jnp.concatenate([idx_merge, keep_tok], axis=1)  # [B, 640]
    # MergeToken (merge_method='avg')
    x_pool = x.reshape(B, C, GH, 2, GW, 2).mean(axis=(3, 5)).reshape(B, C, GH * GW)
    xm = jnp.take_along_axis(x_pool, token_idx[:, None, :MERGE], axis=2)   # [B, C, 128]
    x_flat = x.reshape(B, C, H * W)
    xk = jnp.take_along_axis(x_flat, token_idx[:, None, MERGE:], axis=2)    # [B, C, 512]
    x_out = jnp.concatenate([xm, xk], axis=2).transpose(0, 2, 1)            # [B, 640, C]
    # AlignTokenIdx: map merged-group indices to the group's (0,0) token index
    aligned = jnp.concatenate([token_idx2[0][token_idx[:, :MERGE]], token_idx[:, MERGE:]], axis=1)
    return x_out, aligned

if __name__ == "__main__":
    import jax
    _d = setup_inputs()
    print(jax.jit(kernel)(*tuple(_d.values())))

</pallas_src>

<mosaic_0001>
#map = affine_map<(d0, d1) -> (0, 0)>
module attributes {stable_mosaic.version = 14 : i64} {
  func.func @gather_kernel(%arg0: i32, %arg1: i32, %arg2: memref<32768x768xf32, #tpu.memory_space<hbm>>, %arg3: memref<8192x768xf32, #tpu.memory_space<hbm>>, %arg4: memref<32x640xi32, #tpu.memory_space<hbm>>, %arg5: memref<20480x768xf32, #tpu.memory_space<hbm>>, %arg6: memref<640xi32, #tpu.memory_space<vmem>>, %arg7: memref<64x768xf32, #tpu.memory_space<vmem>>, %arg8: memref<64x768xf32, #tpu.memory_space<vmem>>, %arg9: memref<!tpu.dma_semaphore, #tpu.memory_space<semaphore_mem>>, %arg10: memref<!tpu.dma_semaphore, #tpu.memory_space<semaphore_mem>>) attributes {dimension_semantics = [#tpu.dimension_semantics<core_parallel>, #tpu.dimension_semantics<subcore_parallel>], iteration_bounds = array<i64: 2, 16>, scalar_prefetch = 0 : i64, scratch_operands = 5 : i64, tpu.core_type = #tpu.core_type<sc_vector_subcore>, window_params = [{transform_indices = #map}, {transform_indices = #map}, {transform_indices = #map}, {transform_indices = #map}]} {
    %mul3A = arith.constant 2 : i32
    %mul3A_0 = arith.muli %arg1, %mul3A : i32
    %add3A = arith.addi %mul3A_0, %arg0 : i32
    "tpu.region"() ({
      %run_scoped3A = tpu.sem_alloc : memref<!tpu.dma_semaphore, #tpu.memory_space<semaphore_mem>>
      %dma_start3A_139 = arith.constant 0 : i32
      %dma_start3A_140 = tpu.memref_slice %arg4[%add3A, %dma_start3A_139] : memref<32x640xi32, #tpu.memory_space<hbm>> -> memref<1x640xi32, #tpu.memory_space<hbm>>
      %dma_start3A_141 = tpu.memref_squeeze %dma_start3A_140 : memref<1x640xi32, #tpu.memory_space<hbm>> -> memref<640xi32, #tpu.memory_space<hbm>>
      %dma_start3A_142 = arith.constant 0 : i32
      %dma_start3A_143 = tpu.memref_slice %arg4[%add3A, %dma_start3A_142] : memref<32x640xi32, #tpu.memory_space<hbm>> -> memref<1x640xi32, #tpu.memory_space<hbm>>
      %dma_start3A_144 = tpu.memref_squeeze %dma_start3A_143 : memref<1x640xi32, #tpu.memory_space<hbm>> -> memref<640xi32, #tpu.memory_space<hbm>>
      tpu.enqueue_dma source(%dma_start3A_144 : memref<640xi32, #tpu.memory_space<hbm>>) target(%arg6 : memref<640xi32, #tpu.memory_space<vmem>>) target_semaphore(%run_scoped3A : memref<!tpu.dma_semaphore, #tpu.memory_space<semaphore_mem>>)
      %dma_wait3A_145 = arith.constant 0 : i32
      %dma_wait3A_146 = tpu.memref_slice %arg4[%add3A, %dma_wait3A_145] : memref<32x640xi32, #tpu.memory_space<hbm>> -> memref<1x640xi32, #tpu.memory_space<hbm>>
      %dma_wait3A_147 = tpu.memref_squeeze %dma_wait3A_146 : memref<1x640xi32, #tpu.memory_space<hbm>> -> memref<640xi32, #tpu.memory_space<hbm>>
      %dma_wait3A_148 = arith.constant 0 : i32
      %dma_wait3A_149 = tpu.memref_slice %arg4[%add3A, %dma_wait3A_148] : memref<32x640xi32, #tpu.memory_space<hbm>> -> memref<1x640xi32, #tpu.memory_space<hbm>>
      %dma_wait3A_150 = tpu.memref_squeeze %dma_wait3A_149 : memref<1x640xi32, #tpu.memory_space<hbm>> -> memref<640xi32, #tpu.memory_space<hbm>>
      tpu.wait_dma2 semaphore(%run_scoped3A : memref<!tpu.dma_semaphore, #tpu.memory_space<semaphore_mem>>) src(%dma_wait3A_150 : memref<640xi32, #tpu.memory_space<hbm>>) dst(%arg6 : memref<640xi32, #tpu.memory_space<vmem>>)
      tpu.yield
    }) : () -> ()
    %dma_start3A = arith.constant 0 : i32
    %dma_start3A_1 = tpu.memref_slice %arg6[%dma_start3A] : memref<640xi32, #tpu.memory_space<vmem>> -> memref<64xi32, #tpu.memory_space<vmem>>
    %dma_start3A_2 = arith.constant 0 : i32
    %dma_start3A_3 = arith.constant 0 : i32
    %dma_start3A_4 = tpu.memref_slice %arg3[%dma_start3A_2, %dma_start3A_3] : memref<8192x768xf32, #tpu.memory_space<hbm>> -> memref<8192x768xf32, #tpu.memory_space<hbm>>
    tpu.enqueue_indirect_dma source(%dma_start3A_4 : memref<8192x768xf32, #tpu.memory_space<hbm>>) target(%arg7 : memref<64x768xf32, #tpu.memory_space<vmem>>) offsets(%dma_start3A_1 : memref<64xi32, #tpu.memory_space<vmem>>) semaphore(%arg9 : memref<!tpu.dma_semaphore, #tpu.memory_space<semaphore_mem>>)
    %dma_start3A_5 = arith.constant 64 : i32
    %dma_start3A_6 = tpu.memref_slice %arg6[%dma_start3A_5] : memref<640xi32, #tpu.memory_space<vmem>> -> memref<64xi32, #tpu.memory_space<vmem>>
    %dma_start3A_7 = arith.constant 0 : i32
    %dma_start3A_8 = arith.constant 0 : i32
    %dma_start3A_9 = tpu.memref_slice %arg3[%dma_start3A_7, %dma_start3A_8] : memref<8192x768xf32, #tpu.memory_space<hbm>> -> memref<8192x768xf32, #tpu.memory_space<hbm>>
    tpu.enqueue_indirect_dma source(%dma_start3A_9 : memref<8192x768xf32, #tpu.memory_space<hbm>>) target(%arg8 : memref<64x768xf32, #tpu.memory_space<vmem>>) offsets(%dma_start3A_6 : memref<64xi32, #tpu.memory_space<vmem>>) semaphore(%arg10 : memref<!tpu.dma_semaphore, #tpu.memory_space<semaphore_mem>>)
    %dma_wait3A = arith.constant 0 : i32
    %dma_wait3A_10 = tpu.memref_slice %arg6[%dma_wait3A] : memref<640xi32, #tpu.memory_space<vmem>> -> memref<64xi32, #tpu.memory_space<vmem>>
    %dma_wait3A_11 = arith.constant 0 : i32
    %dma_wait3A_12 = arith.constant 0 : i32
    %dma_wait3A_13 = tpu.memref_slice %arg3[%dma_wait3A_11, %dma_wait3A_12] : memref<8192x768xf32, #tpu.memory_space<hbm>> -> memref<8192x768xf32, #tpu.memory_space<hbm>>
    tpu.wait_indirect_dma semaphore(%arg9 : memref<!tpu.dma_semaphore, #tpu.memory_space<semaphore_mem>>) src(%dma_wait3A_13 : memref<8192x768xf32, #tpu.memory_space<hbm>>) dst(%arg7 : memref<64x768xf32, #tpu.memory_space<vmem>>)
    %mul3A_14 = arith.constant 640 : i32
    %mul3A_15 = arith.muli %add3A, %mul3A_14 : i32
    %add3A_16 = arith.constant 0 : i32
    %add3A_17 = arith.addi %mul3A_15, %add3A_16 : i32
    "tpu.region"() ({
      %run_scoped3A = tpu.sem_alloc : memref<!tpu.dma_semaphore, #tpu.memory_space<semaphore_mem>>
      %dma_start3A_139 = arith.constant 0 : i32
      %dma_start3A_140 = tpu.memref_slice %arg5[%add3A_17, %dma_start3A_139] : memref<20480x768xf32, #tpu.memory_space<hbm>> -> memref<64x768xf32, #tpu.memory_space<hbm>>
      %dma_start3A_141 = arith.constant 0 : i32
      %dma_start3A_142 = tpu.memref_slice %arg5[%add3A_17, %dma_start3A_141] : memref<20480x768xf32, #tpu.memory_space<hbm>> -> memref<64x768xf32, #tpu.memory_space<hbm>>
      tpu.enqueue_dma source(%arg7 : memref<64x768xf32, #tpu.memory_space<vmem>>) target(%dma_start3A_142 : memref<64x768xf32, #tpu.memory_space<hbm>>) target_semaphore(%run_scoped3A : memref<!tpu.dma_semaphore, #tpu.memory_space<semaphore_mem>>)
      %dma_wait3A_143 = arith.constant 0 : i32
      %dma_wait3A_144 = tpu.memref_slice %arg5[%add3A_17, %dma_wait3A_143] : memref<20480x768xf32, #tpu.memory_space<hbm>> -> memref<64x768xf32, #tpu.memory_space<hbm>>
      %dma_wait3A_145 = arith.constant 0 : i32
      %dma_wait3A_146 = tpu.memref_slice %arg5[%add3A_17, %dma_wait3A_145] : memref<20480x768xf32, #tpu.memory_space<hbm>> -> memref<64x768xf32, #tpu.memory_space<hbm>>
      tpu.wait_dma2 semaphore(%run_scoped3A : memref<!tpu.dma_semaphore, #tpu.memory_space<semaphore_mem>>) src(%arg7 : memref<64x768xf32, #tpu.memory_space<vmem>>) dst(%dma_wait3A_146 : memref<64x768xf32, #tpu.memory_space<hbm>>)
      tpu.yield
    }) : () -> ()
    %dma_start3A_18 = arith.constant 128 : i32
    %dma_start3A_19 = tpu.memref_slice %arg6[%dma_start3A_18] : memref<640xi32, #tpu.memory_space<vmem>> -> memref<64xi32, #tpu.memory_space<vmem>>
    %dma_start3A_20 = arith.constant 0 : i32
    %dma_start3A_21 = arith.constant 0 : i32
    %dma_start3A_22 = tpu.memref_slice %arg2[%dma_start3A_20, %dma_start3A_21] : memref<32768x768xf32, #tpu.memory_space<hbm>> -> memref<32768x768xf32, #tpu.memory_space<hbm>>
    tpu.enqueue_indirect_dma source(%dma_start3A_22 : memref<32768x768xf32, #tpu.memory_space<hbm>>) target(%arg7 : memref<64x768xf32, #tpu.memory_space<vmem>>) offsets(%dma_start3A_19 : memref<64xi32, #tpu.memory_space<vmem>>) semaphore(%arg9 : memref<!tpu.dma_semaphore, #tpu.memory_space<semaphore_mem>>)
    %dma_wait3A_23 = arith.constant 64 : i32
    %dma_wait3A_24 = tpu.memref_slice %arg6[%dma_wait3A_23] : memref<640xi32, #tpu.memory_space<vmem>> -> memref<64xi32, #tpu.memory_space<vmem>>
    %dma_wait3A_25 = arith.constant 0 : i32
    %dma_wait3A_26 = arith.constant 0 : i32
    %dma_wait3A_27 = tpu.memref_slice %arg3[%dma_wait3A_25, %dma_wait3A_26] : memref<8192x768xf32, #tpu.memory_space<hbm>> -> memref<8192x768xf32, #tpu.memory_space<hbm>>
    tpu.wait_indirect_dma semaphore(%arg10 : memref<!tpu.dma_semaphore, #tpu.memory_space<semaphore_mem>>) src(%dma_wait3A_27 : memref<8192x768xf32, #tpu.memory_space<hbm>>) dst(%arg8 : memref<64x768xf32, #tpu.memory_space<vmem>>)
    %mul3A_28 = arith.constant 640 : i32
    %mul3A_29 = arith.muli %add3A, %mul3A_28 : i32
    %add3A_30 = arith.constant 64 : i32
    %add3A_31 = arith.addi %mul3A_29, %add3A_30 : i32
    "tpu.region"() ({
      %run_scoped3A = tpu.sem_alloc : memref<!tpu.dma_semaphore, #tpu.memory_space<semaphore_mem>>
      %dma_start3A_139 = arith.constant 0 : i32
      %dma_start3A_140 = tpu.memref_slice %arg5[%add3A_31, %dma_start3A_139] : memref<20480x768xf32, #tpu.memory_space<hbm>> -> memref<64x768xf32, #tpu.memory_space<hbm>>
      %dma_start3A_141 = arith.constant 0 : i32
      %dma_start3A_142 = tpu.memref_slice %arg5[%add3A_31, %dma_start3A_141] : memref<20480x768xf32, #tpu.memory_space<hbm>> -> memref<64x768xf32, #tpu.memory_space<hbm>>
      tpu.enqueue_dma source(%arg8 : memref<64x768xf32, #tpu.memory_space<vmem>>) target(%dma_start3A_142 : memref<64x768xf32, #tpu.memory_space<hbm>>) target_semaphore(%run_scoped3A : memref<!tpu.dma_semaphore, #tpu.memory_space<semaphore_mem>>)
      %dma_wait3A_143 = arith.constant 0 : i32
      %dma_wait3A_144 = tpu.memref_slice %arg5[%add3A_31, %dma_wait3A_143] : memref<20480x768xf32, #tpu.memory_space<hbm>> -> memref<64x768xf32, #tpu.memory_space<hbm>>
      %dma_wait3A_145 = arith.constant 0 : i32
      %dma_wait3A_146 = tpu.memref_slice %arg5[%add3A_31, %dma_wait3A_145] : memref<20480x768xf32, #tpu.memory_space<hbm>> -> memref<64x768xf32, #tpu.memory_space<hbm>>
      tpu.wait_dma2 semaphore(%run_scoped3A : memref<!tpu.dma_semaphore, #tpu.memory_space<semaphore_mem>>) src(%arg8 : memref<64x768xf32, #tpu.memory_space<vmem>>) dst(%dma_wait3A_146 : memref<64x768xf32, #tpu.memory_space<hbm>>)
      tpu.yield
    }) : () -> ()
    %dma_start3A_32 = arith.constant 192 : i32
    %dma_start3A_33 = tpu.memref_slice %arg6[%dma_start3A_32] : memref<640xi32, #tpu.memory_space<vmem>> -> memref<64xi32, #tpu.memory_space<vmem>>
    %dma_start3A_34 = arith.constant 0 : i32
    %dma_start3A_35 = arith.constant 0 : i32
    %dma_start3A_36 = tpu.memref_slice %arg2[%dma_start3A_34, %dma_start3A_35] : memref<32768x768xf32, #tpu.memory_space<hbm>> -> memref<32768x768xf32, #tpu.memory_space<hbm>>
    tpu.enqueue_indirect_dma source(%dma_start3A_36 : memref<32768x768xf32, #tpu.memory_space<hbm>>) target(%arg8 : memref<64x768xf32, #tpu.memory_space<vmem>>) offsets(%dma_start3A_33 : memref<64xi32, #tpu.memory_space<vmem>>) semaphore(%arg10 : memref<!tpu.dma_semaphore, #tpu.memory_space<semaphore_mem>>)
    %dma_wait3A_37 = arith.constant 128 : i32
    %dma_wait3A_38 = tpu.memref_slice %arg6[%dma_wait3A_37] : memref<640xi32, #tpu.memory_space<vmem>> -> memref<64xi32, #tpu.memory_space<vmem>>
    %dma_wait3A_39 = arith.constant 0 : i32
    %dma_wait3A_40 = arith.constant 0 : i32
    %dma_wait3A_41 = tpu.memref_slice %arg2[%dma_wait3A_39, %dma_wait3A_40] : memref<32768x768xf32, #tpu.memory_space<hbm>> -> memref<32768x768xf32, #tpu.memory_space<hbm>>
    tpu.wait_indirect_dma semaphore(%arg9 : memref<!tpu.dma_semaphore, #tpu.memory_space<semaphore_mem>>) src(%dma_wait3A_41 : memref<32768x768xf32, #tpu.memory_space<hbm>>) dst(%arg7 : memref<64x768xf32, #tpu.memory_space<vmem>>)
    %mul3A_42 = arith.constant 640 : i32
    %mul3A_43 = arith.muli %add3A, %mul3A_42 : i32
    %add3A_44 = arith.constant 128 : i32
    %add3A_45 = arith.addi %mul3A_43, %add3A_44 : i32
    "tpu.region"() ({
      %run_scoped3A = tpu.sem_alloc : memref<!tpu.dma_semaphore, #tpu.memory_space<semaphore_mem>>
      %dma_start3A_139 = arith.constant 0 : i32
      %dma_start3A_140 = tpu.memref_slice %arg5[%add3A_45, %dma_start3A_139] : memref<20480x768xf32, #tpu.memory_space<hbm>> -> memref<64x768xf32, #tpu.memory_space<hbm>>
      %dma_start3A_141 = arith.constant 0 : i32
      %dma_start3A_142 = tpu.memref_slice %arg5[%add3A_45, %dma_start3A_141] : memref<20480x768xf32, #tpu.memory_space<hbm>> -> memref<64x768xf32, #tpu.memory_space<hbm>>
      tpu.enqueue_dma source(%arg7 : memref<64x768xf32, #tpu.memory_space<vmem>>) target(%dma_start3A_142 : memref<64x768xf32, #tpu.memory_space<hbm>>) target_semaphore(%run_scoped3A : memref<!tpu.dma_semaphore, #tpu.memory_space<semaphore_mem>>)
      %dma_wait3A_143 = arith.constant 0 : i32
      %dma_wait3A_144 = tpu.memref_slice %arg5[%add3A_45, %dma_wait3A_143] : memref<20480x768xf32, #tpu.memory_space<hbm>> -> memref<64x768xf32, #tpu.memory_space<hbm>>
      %dma_wait3A_145 = arith.constant 0 : i32
      %dma_wait3A_146 = tpu.memref_slice %arg5[%add3A_45, %dma_wait3A_145] : memref<20480x768xf32, #tpu.memory_space<hbm>> -> memref<64x768xf32, #tpu.memory_space<hbm>>
      tpu.wait_dma2 semaphore(%run_scoped3A : memref<!tpu.dma_semaphore, #tpu.memory_space<semaphore_mem>>) src(%arg7 : memref<64x768xf32, #tpu.memory_space<vmem>>) dst(%dma_wait3A_146 : memref<64x768xf32, #tpu.memory_space<hbm>>)
      tpu.yield
    }) : () -> ()
    %dma_start3A_46 = arith.constant 256 : i32
    %dma_start3A_47 = tpu.memref_slice %arg6[%dma_start3A_46] : memref<640xi32, #tpu.memory_space<vmem>> -> memref<64xi32, #tpu.memory_space<vmem>>
    %dma_start3A_48 = arith.constant 0 : i32
    %dma_start3A_49 = arith.constant 0 : i32
    %dma_start3A_50 = tpu.memref_slice %arg2[%dma_start3A_48, %dma_start3A_49] : memref<32768x768xf32, #tpu.memory_space<hbm>> -> memref<32768x768xf32, #tpu.memory_space<hbm>>
    tpu.enqueue_indirect_dma source(%dma_start3A_50 : memref<32768x768xf32, #tpu.memory_space<hbm>>) target(%arg7 : memref<64x768xf32, #tpu.memory_space<vmem>>) offsets(%dma_start3A_47 : memref<64xi32, #tpu.memory_space<vmem>>) semaphore(%arg9 : memref<!tpu.dma_semaphore, #tpu.memory_space<semaphore_mem>>)
    %dma_wait3A_51 = arith.constant 192 : i32
    %dma_wait3A_52 = tpu.memref_slice %arg6[%dma_wait3A_51] : memref<640xi32, #tpu.memory_space<vmem>> -> memref<64xi32, #tpu.memory_space<vmem>>
    %dma_wait3A_53 = arith.constant 0 : i32
    %dma_wait3A_54 = arith.constant 0 : i32
    %dma_wait3A_55 = tpu.memref_slice %arg2[%dma_wait3A_53, %dma_wait3A_54] : memref<32768x768xf32, #tpu.memory_space<hbm>> -> memref<32768x768xf32, #tpu.memory_space<hbm>>
    tpu.wait_indirect_dma semaphore(%arg10 : memref<!tpu.dma_semaphore, #tpu.memory_space<semaphore_mem>>) src(%dma_wait3A_55 : memref<32768x768xf32, #tpu.memory_space<hbm>>) dst(%arg8 : memref<64x768xf32, #tpu.memory_space<vmem>>)
    %mul3A_56 = arith.constant 640 : i32
    %mul3A_57 = arith.muli %add3A, %mul3A_56 : i32
    %add3A_58 = arith.constant 192 : i32
    %add3A_59 = arith.addi %mul3A_57, %add3A_58 : i32
    "tpu.region"() ({
      %run_scoped3A = tpu.sem_alloc : memref<!tpu.dma_semaphore, #tpu.memory_space<semaphore_mem>>
      %dma_start3A_139 = arith.constant 0 : i32
      %dma_start3A_140 = tpu.memref_slice %arg5[%add3A_59, %dma_start3A_139] : memref<20480x768xf32, #tpu.memory_space<hbm>> -> memref<64x768xf32, #tpu.memory_space<hbm>>
      %dma_start3A_141 = arith.constant 0 : i32
      %dma_start3A_142 = tpu.memref_slice %arg5[%add3A_59, %dma_start3A_141] : memref<20480x768xf32, #tpu.memory_space<hbm>> -> memref<64x768xf32, #tpu.memory_space<hbm>>
      tpu.enqueue_dma source(%arg8 : memref<64x768xf32, #tpu.memory_space<vmem>>) target(%dma_start3A_142 : memref<64x768xf32, #tpu.memory_space<hbm>>) target_semaphore(%run_scoped3A : memref<!tpu.dma_semaphore, #tpu.memory_space<semaphore_mem>>)
      %dma_wait3A_143 = arith.constant 0 : i32
      %dma_wait3A_144 = tpu.memref_slice %arg5[%add3A_59, %dma_wait3A_143] : memref<20480x768xf32, #tpu.memory_space<hbm>> -> memref<64x768xf32, #tpu.memory_space<hbm>>
      %dma_wait3A_145 = arith.constant 0 : i32
      %dma_wait3A_146 = tpu.memref_slice %arg5[%add3A_59, %dma_wait3A_145] : memref<20480x768xf32, #tpu.memory_space<hbm>> -> memref<64x768xf32, #tpu.memory_space<hbm>>
      tpu.wait_dma2 semaphore(%run_scoped3A : memref<!tpu.dma_semaphore, #tpu.memory_space<semaphore_mem>>) src(%arg8 : memref<64x768xf32, #tpu.memory_space<vmem>>) dst(%dma_wait3A_146 : memref<64x768xf32, #tpu.memory_space<hbm>>)
      tpu.yield
    }) : () -> ()
    %dma_start3A_60 = arith.constant 320 : i32
    %dma_start3A_61 = tpu.memref_slice %arg6[%dma_start3A_60] : memref<640xi32, #tpu.memory_space<vmem>> -> memref<64xi32, #tpu.memory_space<vmem>>
    %dma_start3A_62 = arith.constant 0 : i32
    %dma_start3A_63 = arith.constant 0 : i32
    %dma_start3A_64 = tpu.memref_slice %arg2[%dma_start3A_62, %dma_start3A_63] : memref<32768x768xf32, #tpu.memory_space<hbm>> -> memref<32768x768xf32, #tpu.memory_space<hbm>>
    tpu.enqueue_indirect_dma source(%dma_start3A_64 : memref<32768x768xf32, #tpu.memory_space<hbm>>) target(%arg8 : memref<64x768xf32, #tpu.memory_space<vmem>>) offsets(%dma_start3A_61 : memref<64xi32, #tpu.memory_space<vmem>>) semaphore(%arg10 : memref<!tpu.dma_semaphore, #tpu.memory_space<semaphore_mem>>)
    %dma_wait3A_65 = arith.constant 256 : i32
    %dma_wait3A_66 = tpu.memref_slice %arg6[%dma_wait3A_65] : memref<640xi32, #tpu.memory_space<vmem>> -> memref<64xi32, #tpu.memory_space<vmem>>
    %dma_wait3A_67 = arith.constant 0 : i32
    %dma_wait3A_68 = arith.constant 0 : i32
    %dma_wait3A_69 = tpu.memref_slice %arg2[%dma_wait3A_67, %dma_wait3A_68] : memref<32768x768xf32, #tpu.memory_space<hbm>> -> memref<32768x768xf32, #tpu.memory_space<hbm>>
    tpu.wait_indirect_dma semaphore(%arg9 : memref<!tpu.dma_semaphore, #tpu.memory_space<semaphore_mem>>) src(%dma_wait3A_69 : memref<32768x768xf32, #tpu.memory_space<hbm>>) dst(%arg7 : memref<64x768xf32, #tpu.memory_space<vmem>>)
    %mul3A_70 = arith.constant 640 : i32
    %mul3A_71 = arith.muli %add3A, %mul3A_70 : i32
    %add3A_72 = arith.constant 256 : i32
    %add3A_73 = arith.addi %mul3A_71, %add3A_72 : i32
    "tpu.region"() ({
      %run_scoped3A = tpu.sem_alloc : memref<!tpu.dma_semaphore, #tpu.memory_space<semaphore_mem>>
      %dma_start3A_139 = arith.constant 0 : i32
      %dma_start3A_140 = tpu.memref_slice %arg5[%add3A_73, %dma_start3A_139] : memref<20480x768xf32, #tpu.memory_space<hbm>> -> memref<64x768xf32, #tpu.memory_space<hbm>>
      %dma_start3A_141 = arith.constant 0 : i32
      %dma_start3A_142 = tpu.memref_slice %arg5[%add3A_73, %dma_start3A_141] : memref<20480x768xf32, #tpu.memory_space<hbm>> -> memref<64x768xf32, #tpu.memory_space<hbm>>
      tpu.enqueue_dma source(%arg7 : memref<64x768xf32, #tpu.memory_space<vmem>>) target(%dma_start3A_142 : memref<64x768xf32, #tpu.memory_space<hbm>>) target_semaphore(%run_scoped3A : memref<!tpu.dma_semaphore, #tpu.memory_space<semaphore_mem>>)
      %dma_wait3A_143 = arith.constant 0 : i32
      %dma_wait3A_144 = tpu.memref_slice %arg5[%add3A_73, %dma_wait3A_143] : memref<20480x768xf32, #tpu.memory_space<hbm>> -> memref<64x768xf32, #tpu.memory_space<hbm>>
      %dma_wait3A_145 = arith.constant 0 : i32
      %dma_wait3A_146 = tpu.memref_slice %arg5[%add3A_73, %dma_wait3A_145] : memref<20480x768xf32, #tpu.memory_space<hbm>> -> memref<64x768xf32, #tpu.memory_space<hbm>>
      tpu.wait_dma2 semaphore(%run_scoped3A : memref<!tpu.dma_semaphore, #tpu.memory_space<semaphore_mem>>) src(%arg7 : memref<64x768xf32, #tpu.memory_space<vmem>>) dst(%dma_wait3A_146 : memref<64x768xf32, #tpu.memory_space<hbm>>)
      tpu.yield
    }) : () -> ()
    %dma_start3A_74 = arith.constant 384 : i32
    %dma_start3A_75 = tpu.memref_slice %arg6[%dma_start3A_74] : memref<640xi32, #tpu.memory_space<vmem>> -> memref<64xi32, #tpu.memory_space<vmem>>
    %dma_start3A_76 = arith.constant 0 : i32
    %dma_start3A_77 = arith.constant 0 : i32
    %dma_start3A_78 = tpu.memref_slice %arg2[%dma_start3A_76, %dma_start3A_77] : memref<32768x768xf32, #tpu.memory_space<hbm>> -> memref<32768x768xf32, #tpu.memory_space<hbm>>
    tpu.enqueue_indirect_dma source(%dma_start3A_78 : memref<32768x768xf32, #tpu.memory_space<hbm>>) target(%arg7 : memref<64x768xf32, #tpu.memory_space<vmem>>) offsets(%dma_start3A_75 : memref<64xi32, #tpu.memory_space<vmem>>) semaphore(%arg9 : memref<!tpu.dma_semaphore, #tpu.memory_space<semaphore_mem>>)
    %dma_wait3A_79 = arith.constant 320 : i32
    %dma_wait3A_80 = tpu.memref_slice %arg6[%dma_wait3A_79] : memref<640xi32, #tpu.memory_space<vmem>> -> memref<64xi32, #tpu.memory_space<vmem>>
    %dma_wait3A_81 = arith.constant 0 : i32
    %dma_wait3A_82 = arith.constant 0 : i32
    %dma_wait3A_83 = tpu.memref_slice %arg2[%dma_wait3A_81, %dma_wait3A_82] : memref<32768x768xf32, #tpu.memory_space<hbm>> -> memref<32768x768xf32, #tpu.memory_space<hbm>>
    tpu.wait_indirect_dma semaphore(%arg10 : memref<!tpu.dma_semaphore, #tpu.memory_space<semaphore_mem>>) src(%dma_wait3A_83 : memref<32768x768xf32, #tpu.memory_space<hbm>>) dst(%arg8 : memref<64x768xf32, #tpu.memory_space<vmem>>)
    %mul3A_84 = arith.constant 640 : i32
    %mul3A_85 = arith.muli %add3A, %mul3A_84 : i32
    %add3A_86 = arith.constant 320 : i32
    %add3A_87 = arith.addi %mul3A_85, %add3A_86 : i32
    "tpu.region"() ({
      %run_scoped3A = tpu.sem_alloc : memref<!tpu.dma_semaphore, #tpu.memory_space<semaphore_mem>>
      %dma_start3A_139 = arith.constant 0 : i32
      %dma_start3A_140 = tpu.memref_slice %arg5[%add3A_87, %dma_start3A_139] : memref<20480x768xf32, #tpu.memory_space<hbm>> -> memref<64x768xf32, #tpu.memory_space<hbm>>
      %dma_start3A_141 = arith.constant 0 : i32
      %dma_start3A_142 = tpu.memref_slice %arg5[%add3A_87, %dma_start3A_141] : memref<20480x768xf32, #tpu.memory_space<hbm>> -> memref<64x768xf32, #tpu.memory_space<hbm>>
      tpu.enqueue_dma source(%arg8 : memref<64x768xf32, #tpu.memory_space<vmem>>) target(%dma_start3A_142 : memref<64x768xf32, #tpu.memory_space<hbm>>) target_semaphore(%run_scoped3A : memref<!tpu.dma_semaphore, #tpu.memory_space<semaphore_mem>>)
      %dma_wait3A_143 = arith.constant 0 : i32
      %dma_wait3A_144 = tpu.memref_slice %arg5[%add3A_87, %dma_wait3A_143] : memref<20480x768xf32, #tpu.memory_space<hbm>> -> memref<64x768xf32, #tpu.memory_space<hbm>>
      %dma_wait3A_145 = arith.constant 0 : i32
      %dma_wait3A_146 = tpu.memref_slice %arg5[%add3A_87, %dma_wait3A_145] : memref<20480x768xf32, #tpu.memory_space<hbm>> -> memref<64x768xf32, #tpu.memory_space<hbm>>
      tpu.wait_dma2 semaphore(%run_scoped3A : memref<!tpu.dma_semaphore, #tpu.memory_space<semaphore_mem>>) src(%arg8 : memref<64x768xf32, #tpu.memory_space<vmem>>) dst(%dma_wait3A_146 : memref<64x768xf32, #tpu.memory_space<hbm>>)
      tpu.yield
    }) : () -> ()
    %dma_start3A_88 = arith.constant 448 : i32
    %dma_start3A_89 = tpu.memref_slice %arg6[%dma_start3A_88] : memref<640xi32, #tpu.memory_space<vmem>> -> memref<64xi32, #tpu.memory_space<vmem>>
    %dma_start3A_90 = arith.constant 0 : i32
    %dma_start3A_91 = arith.constant 0 : i32
    %dma_start3A_92 = tpu.memref_slice %arg2[%dma_start3A_90, %dma_start3A_91] : memref<32768x768xf32, #tpu.memory_space<hbm>> -> memref<32768x768xf32, #tpu.memory_space<hbm>>
    tpu.enqueue_indirect_dma source(%dma_start3A_92 : memref<32768x768xf32, #tpu.memory_space<hbm>>) target(%arg8 : memref<64x768xf32, #tpu.memory_space<vmem>>) offsets(%dma_start3A_89 : memref<64xi32, #tpu.memory_space<vmem>>) semaphore(%arg10 : memref<!tpu.dma_semaphore, #tpu.memory_space<semaphore_mem>>)
    %dma_wait3A_93 = arith.constant 384 : i32
    %dma_wait3A_94 = tpu.memref_slice %arg6[%dma_wait3A_93] : memref<640xi32, #tpu.memory_space<vmem>> -> memref<64xi32, #tpu.memory_space<vmem>>
    %dma_wait3A_95 = arith.constant 0 : i32
    %dma_wait3A_96 = arith.constant 0 : i32
    %dma_wait3A_97 = tpu.memref_slice %arg2[%dma_wait3A_95, %dma_wait3A_96] : memref<32768x768xf32, #tpu.memory_space<hbm>> -> memref<32768x768xf32, #tpu.memory_space<hbm>>
    tpu.wait_indirect_dma semaphore(%arg9 : memref<!tpu.dma_semaphore, #tpu.memory_space<semaphore_mem>>) src(%dma_wait3A_97 : memref<32768x768xf32, #tpu.memory_space<hbm>>) dst(%arg7 : memref<64x768xf32, #tpu.memory_space<vmem>>)
    %mul3A_98 = arith.constant 640 : i32
    %mul3A_99 = arith.muli %add3A, %mul3A_98 : i32
    %add3A_100 = arith.constant 384 : i32
    %add3A_101 = arith.addi %mul3A_99, %add3A_100 : i32
    "tpu.region"() ({
      %run_scoped3A = tpu.sem_alloc : memref<!tpu.dma_semaphore, #tpu.memory_space<semaphore_mem>>
      %dma_start3A_139 = arith.constant 0 : i32
      %dma_start3A_140 = tpu.memref_slice %arg5[%add3A_101, %dma_start3A_139] : memref<20480x768xf32, #tpu.memory_space<hbm>> -> memref<64x768xf32, #tpu.memory_space<hbm>>
      %dma_start3A_141 = arith.constant 0 : i32
      %dma_start3A_142 = tpu.memref_slice %arg5[%add3A_101, %dma_start3A_141] : memref<20480x768xf32, #tpu.memory_space<hbm>> -> memref<64x768xf32, #tpu.memory_space<hbm>>
      tpu.enqueue_dma source(%arg7 : memref<64x768xf32, #tpu.memory_space<vmem>>) target(%dma_start3A_142 : memref<64x768xf32, #tpu.memory_space<hbm>>) target_semaphore(%run_scoped3A : memref<!tpu.dma_semaphore, #tpu.memory_space<semaphore_mem>>)
      %dma_wait3A_143 = arith.constant 0 : i32
      %dma_wait3A_144 = tpu.memref_slice %arg5[%add3A_101, %dma_wait3A_143] : memref<20480x768xf32, #tpu.memory_space<hbm>> -> memref<64x768xf32, #tpu.memory_space<hbm>>
      %dma_wait3A_145 = arith.constant 0 : i32
      %dma_wait3A_146 = tpu.memref_slice %arg5[%add3A_101, %dma_wait3A_145] : memref<20480x768xf32, #tpu.memory_space<hbm>> -> memref<64x768xf32, #tpu.memory_space<hbm>>
      tpu.wait_dma2 semaphore(%run_scoped3A : memref<!tpu.dma_semaphore, #tpu.memory_space<semaphore_mem>>) src(%arg7 : memref<64x768xf32, #tpu.memory_space<vmem>>) dst(%dma_wait3A_146 : memref<64x768xf32, #tpu.memory_space<hbm>>)
      tpu.yield
    }) : () -> ()
    %dma_start3A_102 = arith.constant 512 : i32
    %dma_start3A_103 = tpu.memref_slice %arg6[%dma_start3A_102] : memref<640xi32, #tpu.memory_space<vmem>> -> memref<64xi32, #tpu.memory_space<vmem>>
    %dma_start3A_104 = arith.constant 0 : i32
    %dma_start3A_105 = arith.constant 0 : i32
    %dma_start3A_106 = tpu.memref_slice %arg2[%dma_start3A_104, %dma_start3A_105] : memref<32768x768xf32, #tpu.memory_space<hbm>> -> memref<32768x768xf32, #tpu.memory_space<hbm>>
    tpu.enqueue_indirect_dma source(%dma_start3A_106 : memref<32768x768xf32, #tpu.memory_space<hbm>>) target(%arg7 : memref<64x768xf32, #tpu.memory_space<vmem>>) offsets(%dma_start3A_103 : memref<64xi32, #tpu.memory_space<vmem>>) semaphore(%arg9 : memref<!tpu.dma_semaphore, #tpu.memory_space<semaphore_mem>>)
    %dma_wait3A_107 = arith.constant 448 : i32
    %dma_wait3A_108 = tpu.memref_slice %arg6[%dma_wait3A_107] : memref<640xi32, #tpu.memory_space<vmem>> -> memref<64xi32, #tpu.memory_space<vmem>>
    %dma_wait3A_109 = arith.constant 0 : i32
    %dma_wait3A_110 = arith.constant 0 : i32
    %dma_wait3A_111 = tpu.memref_slice %arg2[%dma_wait3A_109, %dma_wait3A_110] : memref<32768x768xf32, #tpu.memory_space<hbm>> -> memref<32768x768xf32, #tpu.memory_space<hbm>>
    tpu.wait_indirect_dma semaphore(%arg10 : memref<!tpu.dma_semaphore, #tpu.memory_space<semaphore_mem>>) src(%dma_wait3A_111 : memref<32768x768xf32, #tpu.memory_space<hbm>>) dst(%arg8 : memref<64x768xf32, #tpu.memory_space<vmem>>)
    %mul3A_112 = arith.constant 640 : i32
    %mul3A_113 = arith.muli %add3A, %mul3A_112 : i32
    %add3A_114 = arith.constant 448 : i32
    %add3A_115 = arith.addi %mul3A_113, %add3A_114 : i32
    "tpu.region"() ({
      %run_scoped3A = tpu.sem_alloc : memref<!tpu.dma_semaphore, #tpu.memory_space<semaphore_mem>>
      %dma_start3A_139 = arith.constant 0 : i32
      %dma_start3A_140 = tpu.memref_slice %arg5[%add3A_115, %dma_start3A_139] : memref<20480x768xf32, #tpu.memory_space<hbm>> -> memref<64x768xf32, #tpu.memory_space<hbm>>
      %dma_start3A_141 = arith.constant 0 : i32
      %dma_start3A_142 = tpu.memref_slice %arg5[%add3A_115, %dma_start3A_141] : memref<20480x768xf32, #tpu.memory_space<hbm>> -> memref<64x768xf32, #tpu.memory_space<hbm>>
      tpu.enqueue_dma source(%arg8 : memref<64x768xf32, #tpu.memory_space<vmem>>) target(%dma_start3A_142 : memref<64x768xf32, #tpu.memory_space<hbm>>) target_semaphore(%run_scoped3A : memref<!tpu.dma_semaphore, #tpu.memory_space<semaphore_mem>>)
      %dma_wait3A_143 = arith.constant 0 : i32
      %dma_wait3A_144 = tpu.memref_slice %arg5[%add3A_115, %dma_wait3A_143] : memref<20480x768xf32, #tpu.memory_space<hbm>> -> memref<64x768xf32, #tpu.memory_space<hbm>>
      %dma_wait3A_145 = arith.constant 0 : i32
      %dma_wait3A_146 = tpu.memref_slice %arg5[%add3A_115, %dma_wait3A_145] : memref<20480x768xf32, #tpu.memory_space<hbm>> -> memref<64x768xf32, #tpu.memory_space<hbm>>
      tpu.wait_dma2 semaphore(%run_scoped3A : memref<!tpu.dma_semaphore, #tpu.memory_space<semaphore_mem>>) src(%arg8 : memref<64x768xf32, #tpu.memory_space<vmem>>) dst(%dma_wait3A_146 : memref<64x768xf32, #tpu.memory_space<hbm>>)
      tpu.yield
    }) : () -> ()
    %dma_start3A_116 = arith.constant 576 : i32
    %dma_start3A_117 = tpu.memref_slice %arg6[%dma_start3A_116] : memref<640xi32, #tpu.memory_space<vmem>> -> memref<64xi32, #tpu.memory_space<vmem>>
    %dma_start3A_118 = arith.constant 0 : i32
    %dma_start3A_119 = arith.constant 0 : i32
    %dma_start3A_120 = tpu.memref_slice %arg2[%dma_start3A_118, %dma_start3A_119] : memref<32768x768xf32, #tpu.memory_space<hbm>> -> memref<32768x768xf32, #tpu.memory_space<hbm>>
    tpu.enqueue_indirect_dma source(%dma_start3A_120 : memref<32768x768xf32, #tpu.memory_space<hbm>>) target(%arg8 : memref<64x768xf32, #tpu.memory_space<vmem>>) offsets(%dma_start3A_117 : memref<64xi32, #tpu.memory_space<vmem>>) semaphore(%arg10 : memref<!tpu.dma_semaphore, #tpu.memory_space<semaphore_mem>>)
    %dma_wait3A_121 = arith.constant 512 : i32
    %dma_wait3A_122 = tpu.memref_slice %arg6[%dma_wait3A_121] : memref<640xi32, #tpu.memory_space<vmem>> -> memref<64xi32, #tpu.memory_space<vmem>>
    %dma_wait3A_123 = arith.constant 0 : i32
    %dma_wait3A_124 = arith.constant 0 : i32
    %dma_wait3A_125 = tpu.memref_slice %arg2[%dma_wait3A_123, %dma_wait3A_124] : memref<32768x768xf32, #tpu.memory_space<hbm>> -> memref<32768x768xf32, #tpu.memory_space<hbm>>
    tpu.wait_indirect_dma semaphore(%arg9 : memref<!tpu.dma_semaphore, #tpu.memory_space<semaphore_mem>>) src(%dma_wait3A_125 : memref<32768x768xf32, #tpu.memory_space<hbm>>) dst(%arg7 : memref<64x768xf32, #tpu.memory_space<vmem>>)
    %mul3A_126 = arith.constant 640 : i32
    %mul3A_127 = arith.muli %add3A, %mul3A_126 : i32
    %add3A_128 = arith.constant 512 : i32
    %add3A_129 = arith.addi %mul3A_127, %add3A_128 : i32
    "tpu.region"() ({
      %run_scoped3A = tpu.sem_alloc : memref<!tpu.dma_semaphore, #tpu.memory_space<semaphore_mem>>
      %dma_start3A_139 = arith.constant 0 : i32
      %dma_start3A_140 = tpu.memref_slice %arg5[%add3A_129, %dma_start3A_139] : memref<20480x768xf32, #tpu.memory_space<hbm>> -> memref<64x768xf32, #tpu.memory_space<hbm>>
      %dma_start3A_141 = arith.constant 0 : i32
      %dma_start3A_142 = tpu.memref_slice %arg5[%add3A_129, %dma_start3A_141] : memref<20480x768xf32, #tpu.memory_space<hbm>> -> memref<64x768xf32, #tpu.memory_space<hbm>>
      tpu.enqueue_dma source(%arg7 : memref<64x768xf32, #tpu.memory_space<vmem>>) target(%dma_start3A_142 : memref<64x768xf32, #tpu.memory_space<hbm>>) target_semaphore(%run_scoped3A : memref<!tpu.dma_semaphore, #tpu.memory_space<semaphore_mem>>)
      %dma_wait3A_143 = arith.constant 0 : i32
      %dma_wait3A_144 = tpu.memref_slice %arg5[%add3A_129, %dma_wait3A_143] : memref<20480x768xf32, #tpu.memory_space<hbm>> -> memref<64x768xf32, #tpu.memory_space<hbm>>
      %dma_wait3A_145 = arith.constant 0 : i32
      %dma_wait3A_146 = tpu.memref_slice %arg5[%add3A_129, %dma_wait3A_145] : memref<20480x768xf32, #tpu.memory_space<hbm>> -> memref<64x768xf32, #tpu.memory_space<hbm>>
      tpu.wait_dma2 semaphore(%run_scoped3A : memref<!tpu.dma_semaphore, #tpu.memory_space<semaphore_mem>>) src(%arg7 : memref<64x768xf32, #tpu.memory_space<vmem>>) dst(%dma_wait3A_146 : memref<64x768xf32, #tpu.memory_space<hbm>>)
      tpu.yield
    }) : () -> ()
    %dma_wait3A_130 = arith.constant 576 : i32
    %dma_wait3A_131 = tpu.memref_slice %arg6[%dma_wait3A_130] : memref<640xi32, #tpu.memory_space<vmem>> -> memref<64xi32, #tpu.memory_space<vmem>>
    %dma_wait3A_132 = arith.constant 0 : i32
    %dma_wait3A_133 = arith.constant 0 : i32
    %dma_wait3A_134 = tpu.memref_slice %arg2[%dma_wait3A_132, %dma_wait3A_133] : memref<32768x768xf32, #tpu.memory_space<hbm>> -> memref<32768x768xf32, #tpu.memory_space<hbm>>
    tpu.wait_indirect_dma semaphore(%arg10 : memref<!tpu.dma_semaphore, #tpu.memory_space<semaphore_mem>>) src(%dma_wait3A_134 : memref<32768x768xf32, #tpu.memory_space<hbm>>) dst(%arg8 : memref<64x768xf32, #tpu.memory_space<vmem>>)
    %mul3A_135 = arith.constant 640 : i32
    %mul3A_136 = arith.muli %add3A, %mul3A_135 : i32
    %add3A_137 = arith.constant 576 : i32
    %add3A_138 = arith.addi %mul3A_136, %add3A_137 : i32
    "tpu.region"() ({
      %run_scoped3A = tpu.sem_alloc : memref<!tpu.dma_semaphore, #tpu.memory_space<semaphore_mem>>
      %dma_start3A_139 = arith.constant 0 : i32
      %dma_start3A_140 = tpu.memref_slice %arg5[%add3A_138, %dma_start3A_139] : memref<20480x768xf32, #tpu.memory_space<hbm>> -> memref<64x768xf32, #tpu.memory_space<hbm>>
      %dma_start3A_141 = arith.constant 0 : i32
      %dma_start3A_142 = tpu.memref_slice %arg5[%add3A_138, %dma_start3A_141] : memref<20480x768xf32, #tpu.memory_space<hbm>> -> memref<64x768xf32, #tpu.memory_space<hbm>>
      tpu.enqueue_dma source(%arg8 : memref<64x768xf32, #tpu.memory_space<vmem>>) target(%dma_start3A_142 : memref<64x768xf32, #tpu.memory_space<hbm>>) target_semaphore(%run_scoped3A : memref<!tpu.dma_semaphore, #tpu.memory_space<semaphore_mem>>)
      %dma_wait3A_143 = arith.constant 0 : i32
      %dma_wait3A_144 = tpu.memref_slice %arg5[%add3A_138, %dma_wait3A_143] : memref<20480x768xf32, #tpu.memory_space<hbm>> -> memref<64x768xf32, #tpu.memory_space<hbm>>
      %dma_wait3A_145 = arith.constant 0 : i32
      %dma_wait3A_146 = tpu.memref_slice %arg5[%add3A_138, %dma_wait3A_145] : memref<20480x768xf32, #tpu.memory_space<hbm>> -> memref<64x768xf32, #tpu.memory_space<hbm>>
      tpu.wait_dma2 semaphore(%run_scoped3A : memref<!tpu.dma_semaphore, #tpu.memory_space<semaphore_mem>>) src(%arg8 : memref<64x768xf32, #tpu.memory_space<vmem>>) dst(%dma_wait3A_146 : memref<64x768xf32, #tpu.memory_space<hbm>>)
      tpu.yield
    }) : () -> ()
    return
  }
}

module attributes {stable_mosaic.version = 14 : i64} {
  func.func @_stage_b_body(%arg0: i32, %arg1: memref<1x256x1xf32, #tpu.memory_space<vmem>>, %arg2: memref<1x1x640xi32, #tpu.memory_space<vmem>>, %arg3: memref<1x1x640xi32, #tpu.memory_space<vmem>>) attributes {dimension_semantics = [#tpu.dimension_semantics<arbitrary>], iteration_bounds = array<i64: 32>, scalar_prefetch = 0 : i64, scratch_operands = 0 : i64, tpu.core_type = #tpu.core_type<tc>, window_params = [{transform_indices = @transform_0, window_bounds = array<i64: 1, 256, 1>}, {transform_indices = @transform_1, window_bounds = array<i64: 1, 1, 640>}, {transform_indices = @transform_2, window_bounds = array<i64: 1, 1, 640>}]} {
    %get3A = arith.constant 0 : index
    %get3A_0 = arith.constant 0 : index
    %get3A_1 = arith.constant 0 : index
    %get3A_2 = vector.load %arg1[%get3A, %get3A_0, %get3A_1] : memref<1x256x1xf32, #tpu.memory_space<vmem>>, vector<1x256x1xf32>
    %get3A_3 = vector.shape_cast %get3A_2 : vector<1x256x1xf32> to vector<256x1xf32>
    %iota3A = tpu.iota {dimensions = array<i32: 0>} : vector<256x256xi32>
    %iota3A_4 = tpu.iota {dimensions = array<i32: 1>} : vector<256x256xi32>
    %eq3A = arith.cmpi eq, %iota3A, %iota3A_4 : vector<256x256xi32>
    %convert_element_type3A = arith.extui %eq3A : vector<256x256xi1> to vector<256x256xi32>
    %convert_element_type3A_5 = arith.sitofp %convert_element_type3A : vector<256x256xi32> to vector<256x256xf32>
    %dot_general3A = arith.constant dense<0.000000e+00> : vector<1x256xf32>
    %dot_general3A_6 = tpu.matmul %get3A_3, %convert_element_type3A_5, %dot_general3A {dimension_numbers = #tpu.dot_dimension_numbers<[0], [0], [1], [1], [0, 1, 1, 1], [], []>, precision = #tpu.contract_precision<fp32>, transpose_lhs_hint = false} : vector<256x1xf32>, vector<256x256xf32>, vector<1x256xf32> -> vector<1x256xf32>
    %lt3A = vector.broadcast %dot_general3A_6 : vector<1x256xf32> to vector<256x256xf32>
    %lt3A_7 = vector.broadcast %get3A_3 : vector<256x1xf32> to vector<256x256xf32>
    %lt3A_8 = arith.cmpf olt, %lt3A, %lt3A_7 : vector<256x256xf32>
    %eq3A_9 = vector.broadcast %dot_general3A_6 : vector<1x256xf32> to vector<256x256xf32>
    %eq3A_10 = vector.broadcast %get3A_3 : vector<256x1xf32> to vector<256x256xf32>
    %eq3A_11 = arith.cmpf oeq, %eq3A_9, %eq3A_10 : vector<256x256xf32>
    %lt3A_12 = arith.cmpi slt, %iota3A_4, %iota3A : vector<256x256xi32>
    %and3A = arith.andi %eq3A_11, %lt3A_12 : vector<256x256xi1>
    %or3A = arith.ori %lt3A_8, %and3A : vector<256x256xi1>
    %jit3A = arith.constant 1 : i32
    %jit3A_13 = arith.constant 0 : i32
    %broadcast_in_dim3A = vector.broadcast %jit3A : i32 to vector<256x256xi32>
    %broadcast_in_dim3A_14 = vector.broadcast %jit3A_13 : i32 to vector<256x256xi32>
    %select_n3A = arith.select %or3A, %broadcast_in_dim3A, %broadcast_in_dim3A_14 : vector<256x256xi1>, vector<256x256xi32>
    %reduce_sum3A = arith.constant dense<0> : vector<256xi32>
    %reduce_sum3A_15 = vector.multi_reduction <add>, %select_n3A, %reduce_sum3A [1] : vector<256x256xi32> to vector<256xi32>
    %broadcast_in_dim3A_16 = vector.shape_cast %reduce_sum3A_15 : vector<256xi32> to vector<256x1xi32>
    %iota3A_17 = tpu.iota {dimensions = array<i32: 1>} : vector<256x256xi32>
    %eq3A_18 = vector.broadcast %broadcast_in_dim3A_16 : vector<256x1xi32> to vector<256x256xi32>
    %eq3A_19 = arith.cmpi eq, %eq3A_18, %iota3A_17 : vector<256x256xi32>
    %convert_element_type3A_20 = arith.extui %eq3A_19 : vector<256x256xi1> to vector<256x256xi32>
    %convert_element_type3A_21 = arith.sitofp %convert_element_type3A_20 : vector<256x256xi32> to vector<256x256xf32>
    %iota3A_22 = tpu.iota {dimensions = array<i32: 0>} : vector<256x1xi32>
    %shift_right_arithmetic3A = arith.constant 4 : i32
    %shift_right_arithmetic3A_23 = vector.broadcast %shift_right_arithmetic3A : i32 to vector<256x1xi32>
    %shift_right_arithmetic3A_24 = arith.shrsi %iota3A_22, %shift_right_arithmetic3A_23 : vector<256x1xi32>
    %shift_left3A = arith.constant 6 : i32
    %shift_left3A_25 = vector.broadcast %shift_left3A : i32 to vector<256x1xi32>
    %shift_left3A_26 = arith.shli %shift_right_arithmetic3A_24, %shift_left3A_25 : vector<256x1xi32>
    %and3A_27 = arith.constant 15 : i32
    %and3A_28 = vector.broadcast %and3A_27 : i32 to vector<256x1xi32>
    %and3A_29 = arith.andi %iota3A_22, %and3A_28 : vector<256x1xi32>
    %shift_left3A_30 = arith.constant 1 : i32
    %shift_left3A_31 = vector.broadcast %shift_left3A_30 : i32 to vector<256x1xi32>
    %shift_left3A_32 = arith.shli %and3A_29, %shift_left3A_31 : vector<256x1xi32>
    %add3A = arith.addi %shift_left3A_26, %shift_left3A_32 : vector<256x1xi32>
    %convert_element_type3A_33 = arith.sitofp %iota3A_22 : vector<256x1xi32> to vector<256x1xf32>
    %dot_general3A_34 = arith.constant dense<0.000000e+00> : vector<1x256xf32>
    %dot_general3A_35 = tpu.matmul %convert_element_type3A_33, %convert_element_type3A_21, %dot_general3A_34 {dimension_numbers = #tpu.dot_dimension_numbers<[0], [0], [1], [1], [0, 1, 1, 1], [], []>, precision = #tpu.contract_precision<fp32>, transpose_lhs_hint = false} : vector<256x1xf32>, vector<256x256xf32>, vector<1x256xf32> -> vector<1x256xf32>
    %convert_element_type3A_36 = arith.sitofp %add3A : vector<256x1xi32> to vector<256x1xf32>
    %dot_general3A_37 = arith.constant dense<0.000000e+00> : vector<1x256xf32>
    %dot_general3A_38 = tpu.matmul %convert_element_type3A_36, %convert_element_type3A_21, %dot_general3A_37 {dimension_numbers = #tpu.dot_dimension_numbers<[0], [0], [1], [1], [0, 1, 1, 1], [], []>, precision = #tpu.contract_precision<fp32>, transpose_lhs_hint = false} : vector<256x1xf32>, vector<256x256xf32>, vector<1x256xf32> -> vector<1x256xf32>
    %slice3A = vector.extract_strided_slice %dot_general3A_35 {offsets = [0, 0], sizes = [1, 128], strides = [1, 1]} : vector<1x256xf32> to vector<1x128xf32>
    %convert_element_type3A_39 = arith.fptosi %slice3A : vector<1x128xf32> to vector<1x128xi32>
    %slice3A_40 = vector.extract_strided_slice %dot_general3A_38 {offsets = [0, 0], sizes = [1, 128], strides = [1, 1]} : vector<1x256xf32> to vector<1x128xf32>
    %convert_element_type3A_41 = arith.fptosi %slice3A_40 : vector<1x128xf32> to vector<1x128xi32>
    %slice3A_42 = vector.extract_strided_slice %dot_general3A_38 {offsets = [0, 128], sizes = [1, 128], strides = [1, 1]} : vector<1x256xf32> to vector<1x128xf32>
    %convert_element_type3A_43 = arith.fptosi %slice3A_42 : vector<1x128xf32> to vector<1x128xi32>
    %squeeze3A = vector.shape_cast %convert_element_type3A_41 : vector<1x128xi32> to vector<128xi32>
    %swap3A = arith.constant 0 : index
    %swap3A_44 = arith.constant 0 : index
    %swap3A_45 = arith.constant 0 : index
    %swap3A_46 = vector.load %arg2[%swap3A, %swap3A_44, %swap3A_45] : memref<1x1x640xi32, #tpu.memory_space<vmem>>, vector<1x1x128xi32>
    %swap3A_47 = vector.shape_cast %swap3A_46 : vector<1x1x128xi32> to vector<128xi32>
    %swap3A_48 = vector.shape_cast %squeeze3A : vector<128xi32> to vector<1x1x128xi32>
    tpu.vector_store %arg2[%swap3A, %swap3A_44, %swap3A_45], %swap3A_48 {strides = array<i32>} : memref<1x1x640xi32, #tpu.memory_space<vmem>>, vector<1x1x128xi32>,
    %squeeze3A_49 = vector.shape_cast %convert_element_type3A_39 : vector<1x128xi32> to vector<128xi32>
    %mul3A = arith.constant 256 : i32
    %mul3A_50 = arith.muli %arg0, %mul3A : i32
    %add3A_51 = vector.broadcast %mul3A_50 : i32 to vector<128xi32>
    %add3A_52 = arith.addi %squeeze3A_49, %add3A_51 : vector<128xi32>
    %swap3A_53 = arith.constant 0 : index
    %swap3A_54 = arith.constant 0 : index
    %swap3A_55 = arith.constant 0 : index
    %swap3A_56 = vector.load %arg3[%swap3A_53, %swap3A_54, %swap3A_55] : memref<1x1x640xi32, #tpu.memory_space<vmem>>, vector<1x1x128xi32>
    %swap3A_57 = vector.shape_cast %swap3A_56 : vector<1x1x128xi32> to vector<128xi32>
    %swap3A_58 = vector.shape_cast %add3A_52 : vector<128xi32> to vector<1x1x128xi32>
    tpu.vector_store %arg3[%swap3A_53, %swap3A_54, %swap3A_55], %swap3A_58 {strides = array<i32>} : memref<1x1x640xi32, #tpu.memory_space<vmem>>, vector<1x1x128xi32>,
    %squeeze3A_59 = vector.shape_cast %convert_element_type3A_43 : vector<1x128xi32> to vector<128xi32>
    %add3A_60 = arith.constant 0 : i32
    %add3A_61 = vector.broadcast %add3A_60 : i32 to vector<128xi32>
    %add3A_62 = arith.addi %squeeze3A_59, %add3A_61 : vector<128xi32>
    %swap3A_63 = arith.constant 0 : index
    %swap3A_64 = arith.constant 0 : index
    %swap3A_65 = arith.constant 128 : index
    %swap3A_66 = vector.load %arg2[%swap3A_63, %swap3A_64, %swap3A_65] : memref<1x1x640xi32, #tpu.memory_space<vmem>>, vector<1x1x128xi32>
    %swap3A_67 = vector.shape_cast %swap3A_66 : vector<1x1x128xi32> to vector<128xi32>
    %swap3A_68 = vector.shape_cast %add3A_62 : vector<128xi32> to vector<1x1x128xi32>
    tpu.vector_store %arg2[%swap3A_63, %swap3A_64, %swap3A_65], %swap3A_68 {strides = array<i32>} : memref<1x1x640xi32, #tpu.memory_space<vmem>>, vector<1x1x128xi32>,
    %mul3A_69 = arith.constant 1024 : i32
    %mul3A_70 = arith.muli %arg0, %mul3A_69 : i32
    %add3A_71 = vector.broadcast %mul3A_70 : i32 to vector<128xi32>
    %add3A_72 = arith.addi %add3A_62, %add3A_71 : vector<128xi32>
    %swap3A_73 = arith.constant 0 : index
    %swap3A_74 = arith.constant 0 : index
    %swap3A_75 = arith.constant 128 : index
    %swap3A_76 = vector.load %arg3[%swap3A_73, %swap3A_74, %swap3A_75] : memref<1x1x640xi32, #tpu.memory_space<vmem>>, vector<1x1x128xi32>
    %swap3A_77 = vector.shape_cast %swap3A_76 : vector<1x1x128xi32> to vector<128xi32>
    %swap3A_78 = vector.shape_cast %add3A_72 : vector<128xi32> to vector<1x1x128xi32>
    tpu.vector_store %arg3[%swap3A_73, %swap3A_74, %swap3A_75], %swap3A_78 {strides = array<i32>} : memref<1x1x640xi32, #tpu.memory_space<vmem>>, vector<1x1x128xi32>,
    %squeeze3A_79 = vector.shape_cast %convert_element_type3A_43 : vector<1x128xi32> to vector<128xi32>
    %add3A_80 = arith.constant 1 : i32
    %add3A_81 = vector.broadcast %add3A_80 : i32 to vector<128xi32>
    %add3A_82 = arith.addi %squeeze3A_79, %add3A_81 : vector<128xi32>
    %swap3A_83 = arith.constant 0 : index
    %swap3A_84 = arith.constant 0 : index
    %swap3A_85 = arith.constant 256 : index
    %swap3A_86 = vector.load %arg2[%swap3A_83, %swap3A_84, %swap3A_85] : memref<1x1x640xi32, #tpu.memory_space<vmem>>, vector<1x1x128xi32>
    %swap3A_87 = vector.shape_cast %swap3A_86 : vector<1x1x128xi32> to vector<128xi32>
    %swap3A_88 = vector.shape_cast %add3A_82 : vector<128xi32> to vector<1x1x128xi32>
    tpu.vector_store %arg2[%swap3A_83, %swap3A_84, %swap3A_85], %swap3A_88 {strides = array<i32>} : memref<1x1x640xi32, #tpu.memory_space<vmem>>, vector<1x1x128xi32>,
    %mul3A_89 = arith.constant 1024 : i32
    %mul3A_90 = arith.muli %arg0, %mul3A_89 : i32
    %add3A_91 = vector.broadcast %mul3A_90 : i32 to vector<128xi32>
    %add3A_92 = arith.addi %add3A_82, %add3A_91 : vector<128xi32>
    %swap3A_93 = arith.constant 0 : index
    %swap3A_94 = arith.constant 0 : index
    %swap3A_95 = arith.constant 256 : index
    %swap3A_96 = vector.load %arg3[%swap3A_93, %swap3A_94, %swap3A_95] : memref<1x1x640xi32, #tpu.memory_space<vmem>>, vector<1x1x128xi32>
    %swap3A_97 = vector.shape_cast %swap3A_96 : vector<1x1x128xi32> to vector<128xi32>
    %swap3A_98 = vector.shape_cast %add3A_92 : vector<128xi32> to vector<1x1x128xi32>
    tpu.vector_store %arg3[%swap3A_93, %swap3A_94, %swap3A_95], %swap3A_98 {strides = array<i32>} : memref<1x1x640xi32, #tpu.memory_space<vmem>>, vector<1x1x128xi32>,
    %squeeze3A_99 = vector.shape_cast %convert_element_type3A_43 : vector<1x128xi32> to vector<128xi32>
    %add3A_100 = arith.constant 32 : i32
    %add3A_101 = vector.broadcast %add3A_100 : i32 to vector<128xi32>
    %add3A_102 = arith.addi %squeeze3A_99, %add3A_101 : vector<128xi32>
    %swap3A_103 = arith.constant 0 : index
    %swap3A_104 = arith.constant 0 : index
    %swap3A_105 = arith.constant 384 : index
    %swap3A_106 = vector.load %arg2[%swap3A_103, %swap3A_104, %swap3A_105] : memref<1x1x640xi32, #tpu.memory_space<vmem>>, vector<1x1x128xi32>
    %swap3A_107 = vector.shape_cast %swap3A_106 : vector<1x1x128xi32> to vector<128xi32>
    %swap3A_108 = vector.shape_cast %add3A_102 : vector<128xi32> to vector<1x1x128xi32>
    tpu.vector_store %arg2[%swap3A_103, %swap3A_104, %swap3A_105], %swap3A_108 {strides = array<i32>} : memref<1x1x640xi32, #tpu.memory_space<vmem>>, vector<1x1x128xi32>,
    %mul3A_109 = arith.constant 1024 : i32
    %mul3A_110 = arith.muli %arg0, %mul3A_109 : i32
    %add3A_111 = vector.broadcast %mul3A_110 : i32 to vector<128xi32>
    %add3A_112 = arith.addi %add3A_102, %add3A_111 : vector<128xi32>
    %swap3A_113 = arith.constant 0 : index
    %swap3A_114 = arith.constant 0 : index
    %swap3A_115 = arith.constant 384 : index
    %swap3A_116 = vector.load %arg3[%swap3A_113, %swap3A_114, %swap3A_115] : memref<1x1x640xi32, #tpu.memory_space<vmem>>, vector<1x1x128xi32>
    %swap3A_117 = vector.shape_cast %swap3A_116 : vector<1x1x128xi32> to vector<128xi32>
    %swap3A_118 = vector.shape_cast %add3A_112 : vector<128xi32> to vector<1x1x128xi32>
    tpu.vector_store %arg3[%swap3A_113, %swap3A_114, %swap3A_115], %swap3A_118 {strides = array<i32>} : memref<1x1x640xi32, #tpu.memory_space<vmem>>, vector<1x1x128xi32>,
    %squeeze3A_119 = vector.shape_cast %convert_element_type3A_43 : vector<1x128xi32> to vector<128xi32>
    %add3A_120 = arith.constant 33 : i32
    %add3A_121 = vector.broadcast %add3A_120 : i32 to vector<128xi32>
    %add3A_122 = arith.addi %squeeze3A_119, %add3A_121 : vector<128xi32>
    %swap3A_123 = arith.constant 0 : index
    %swap3A_124 = arith.constant 0 : index
    %swap3A_125 = arith.constant 512 : index
    %swap3A_126 = vector.load %arg2[%swap3A_123, %swap3A_124, %swap3A_125] : memref<1x1x640xi32, #tpu.memory_space<vmem>>, vector<1x1x128xi32>
    %swap3A_127 = vector.shape_cast %swap3A_126 : vector<1x1x128xi32> to vector<128xi32>
    %swap3A_128 = vector.shape_cast %add3A_122 : vector<128xi32> to vector<1x1x128xi32>
    tpu.vector_store %arg2[%swap3A_123, %swap3A_124, %swap3A_125], %swap3A_128 {strides = array<i32>} : memref<1x1x640xi32, #tpu.memory_space<vmem>>, vector<1x1x128xi32>,
    %mul3A_129 = arith.constant 1024 : i32
    %mul3A_130 = arith.muli %arg0, %mul3A_129 : i32
    %add3A_131 = vector.broadcast %mul3A_130 : i32 to vector<128xi32>
    %add3A_132 = arith.addi %add3A_122, %add3A_131 : vector<128xi32>
    %swap3A_133 = arith.constant 0 : index
    %swap3A_134 = arith.constant 0 : index
    %swap3A_135 = arith.constant 512 : index
    %swap3A_136 = vector.load %arg3[%swap3A_133, %swap3A_134, %swap3A_135] : memref<1x1x640xi32, #tpu.memory_space<vmem>>, vector<1x1x128xi32>
    %swap3A_137 = vector.shape_cast %swap3A_136 : vector<1x1x128xi32> to vector<128xi32>
    %swap3A_138 = vector.shape_cast %add3A_132 : vector<128xi32> to vector<1x1x128xi32>
    tpu.vector_store %arg3[%swap3A_133, %swap3A_134, %swap3A_135], %swap3A_138 {strides = array<i32>} : memref<1x1x640xi32, #tpu.memory_space<vmem>>, vector<1x1x128xi32>,
    return
  }
  func.func @transform_0(%arg0: i32) -> (i32, i32, i32) {
    %c0_i32 = arith.constant 0 : i32
    %c0_i32_0 = arith.constant 0 : i32
    %c0_i32_1 = arith.constant 0 : i32
    return %arg0, %c0_i32, %c0_i32_0 : i32, i32, i32
  }
  func.func @transform_1(%arg0: i32) -> (i32, i32, i32) {
    %c0_i32 = arith.constant 0 : i32
    %c0_i32_0 = arith.constant 0 : i32
    %c0_i32_1 = arith.constant 0 : i32
    return %arg0, %c0_i32, %c0_i32_0 : i32, i32, i32
  }
  func.func @transform_2(%arg0: i32) -> (i32, i32, i32) {
    %c0_i32 = arith.constant 0 : i32
    %c0_i32_0 = arith.constant 0 : i32
    %c0_i32_1 = arith.constant 0 : i32
    return %arg0, %c0_i32, %c0_i32_0 : i32, i32, i32
  }
}

module attributes {stable_mosaic.version = 14 : i64} {
  func.func @_stage_a_body(%arg0: i32, %arg1: memref<1x1024x768xf32, #tpu.memory_space<vmem>>, %arg2: memref<1x256x1xf32, #tpu.memory_space<vmem>>, %arg3: memref<1x256x768xf32, #tpu.memory_space<vmem>>) attributes {dimension_semantics = [#tpu.dimension_semantics<arbitrary>], iteration_bounds = array<i64: 32>, scalar_prefetch = 0 : i64, scratch_operands = 0 : i64, tpu.core_type = #tpu.core_type<tc>, window_params = [{transform_indices = @transform_0, window_bounds = array<i64: 1, 1024, 768>}, {transform_indices = @transform_1, window_bounds = array<i64: 1, 256, 1>}, {transform_indices = @transform_2, window_bounds = array<i64: 1, 256, 768>}]} {
    %iota3A = tpu.iota {dimensions = array<i32: 0>} : vector<32x1xi32>
    %and3A = arith.constant 1 : i32
    %and3A_0 = vector.broadcast %and3A : i32 to vector<32x1xi32>
    %and3A_1 = arith.andi %iota3A, %and3A_0 : vector<32x1xi32>
    %eq3A = arith.constant 1 : i32
    %eq3A_2 = vector.broadcast %eq3A : i32 to vector<32x1xi32>
    %eq3A_3 = arith.cmpi eq, %and3A_1, %eq3A_2 : vector<32x1xi32>
    %iota3A_4 = tpu.iota {dimensions = array<i32: 1>} : vector<16x32xi32>
    %iota3A_5 = tpu.iota {dimensions = array<i32: 0>} : vector<16x32xi32>
    %mul3A = arith.constant 2 : i32
    %mul3A_6 = vector.broadcast %mul3A : i32 to vector<16x32xi32>
    %mul3A_7 = arith.muli %mul3A_6, %iota3A_5 : vector<16x32xi32>
    %eq3A_8 = arith.cmpi eq, %iota3A_4, %mul3A_7 : vector<16x32xi32>
    %convert_element_type3A = arith.extui %eq3A_8 : vector<16x32xi1> to vector<16x32xi32>
    %convert_element_type3A_9 = arith.sitofp %convert_element_type3A : vector<16x32xi32> to vector<16x32xf32>
    %get3A = arith.constant 0 : index
    %get3A_10 = arith.constant 0 : index
    %get3A_11 = arith.constant 0 : index
    %get3A_12 = vector.load %arg1[%get3A, %get3A_10, %get3A_11] : memref<1x1024x768xf32, #tpu.memory_space<vmem>>, vector<1x32x768xf32>
    %get3A_13 = vector.shape_cast %get3A_12 : vector<1x32x768xf32> to vector<32x768xf32>
    %get3A_14 = arith.constant 0 : index
    %get3A_15 = arith.constant 32 : index
    %get3A_16 = arith.constant 0 : index
    %get3A_17 = vector.load %arg1[%get3A_14, %get3A_15, %get3A_16] : memref<1x1024x768xf32, #tpu.memory_space<vmem>>, vector<1x32x768xf32>
    %get3A_18 = vector.shape_cast %get3A_17 : vector<1x32x768xf32> to vector<32x768xf32>
    %roll3A = arith.constant 1 : i32
    %roll3A_19 = tpu.dynamic_rotate %get3A_13 by %roll3A dim 0 : vector<32x768xf32>, i32 -> vector<32x768xf32>
    %broadcast_in_dim3A = vector.shape_cast %eq3A_3 : vector<32x1xi1> to vector<32x1xi1>
    %broadcast_in_dim3A_20 = vector.broadcast %broadcast_in_dim3A : vector<32x1xi1> to vector<32x768xi1>
    %select_n3A = arith.select %broadcast_in_dim3A_20, %roll3A_19, %get3A_13 : vector<32x768xi1>, vector<32x768xf32>
    %mul3A_21 = arith.mulf %select_n3A, %get3A_13 : vector<32x768xf32>
    %slice3A = vector.extract_strided_slice %mul3A_21 {offsets = [0, 0], sizes = [32, 128], strides = [1, 1]} : vector<32x768xf32> to vector<32x128xf32>
    %slice3A_22 = vector.extract_strided_slice %mul3A_21 {offsets = [0, 128], sizes = [32, 128], strides = [1, 1]} : vector<32x768xf32> to vector<32x128xf32>
    %add3A = arith.addf %slice3A, %slice3A_22 : vector<32x128xf32>
    %reduce_sum3A = arith.constant dense<0.000000e+00> : vector<32xf32>
    %reduce_sum3A_23 = vector.multi_reduction <add>, %add3A, %reduce_sum3A [1] : vector<32x128xf32> to vector<32xf32>
    %broadcast_in_dim3A_24 = vector.shape_cast %reduce_sum3A_23 : vector<32xf32> to vector<32x1xf32>
    %slice3A_25 = vector.extract_strided_slice %mul3A_21 {offsets = [0, 256], sizes = [32, 128], strides = [1, 1]} : vector<32x768xf32> to vector<32x128xf32>
    %slice3A_26 = vector.extract_strided_slice %mul3A_21 {offsets = [0, 384], sizes = [32, 128], strides = [1, 1]} : vector<32x768xf32> to vector<32x128xf32>
    %add3A_27 = arith.addf %slice3A_25, %slice3A_26 : vector<32x128xf32>
    %reduce_sum3A_28 = arith.constant dense<0.000000e+00> : vector<32xf32>
    %reduce_sum3A_29 = vector.multi_reduction <add>, %add3A_27, %reduce_sum3A_28 [1] : vector<32x128xf32> to vector<32xf32>
    %broadcast_in_dim3A_30 = vector.shape_cast %reduce_sum3A_29 : vector<32xf32> to vector<32x1xf32>
    %slice3A_31 = vector.extract_strided_slice %mul3A_21 {offsets = [0, 512], sizes = [32, 128], strides = [1, 1]} : vector<32x768xf32> to vector<32x128xf32>
    %slice3A_32 = vector.extract_strided_slice %mul3A_21 {offsets = [0, 640], sizes = [32, 128], strides = [1, 1]} : vector<32x768xf32> to vector<32x128xf32>
    %add3A_33 = arith.addf %slice3A_31, %slice3A_32 : vector<32x128xf32>
    %reduce_sum3A_34 = arith.constant dense<0.000000e+00> : vector<32xf32>
    %reduce_sum3A_35 = vector.multi_reduction <add>, %add3A_33, %reduce_sum3A_34 [1] : vector<32x128xf32> to vector<32xf32>
    %broadcast_in_dim3A_36 = vector.shape_cast %reduce_sum3A_35 : vector<32xf32> to vector<32x1xf32>
    %add3A_37 = arith.addf %broadcast_in_dim3A_24, %broadcast_in_dim3A_30 : vector<32x1xf32>
    %add3A_38 = arith.addf %add3A_37, %broadcast_in_dim3A_36 : vector<32x1xf32>
    %mul3A_39 = arith.mulf %select_n3A, %get3A_18 : vector<32x768xf32>
    %slice3A_40 = vector.extract_strided_slice %mul3A_39 {offsets = [0, 0], sizes = [32, 128], strides = [1, 1]} : vector<32x768xf32> to vector<32x128xf32>
    %slice3A_41 = vector.extract_strided_slice %mul3A_39 {offsets = [0, 128], sizes = [32, 128], strides = [1, 1]} : vector<32x768xf32> to vector<32x128xf32>
    %add3A_42 = arith.addf %slice3A_40, %slice3A_41 : vector<32x128xf32>
    %reduce_sum3A_43 = arith.constant dense<0.000000e+00> : vector<32xf32>
    %reduce_sum3A_44 = vector.multi_reduction <add>, %add3A_42, %reduce_sum3A_43 [1] : vector<32x128xf32> to vector<32xf32>
    %broadcast_in_dim3A_45 = vector.shape_cast %reduce_sum3A_44 : vector<32xf32> to vector<32x1xf32>
    %slice3A_46 = vector.extract_strided_slice %mul3A_39 {offsets = [0, 256], sizes = [32, 128], strides = [1, 1]} : vector<32x768xf32> to vector<32x128xf32>
    %slice3A_47 = vector.extract_strided_slice %mul3A_39 {offsets = [0, 384], sizes = [32, 128], strides = [1, 1]} : vector<32x768xf32> to vector<32x128xf32>
    %add3A_48 = arith.addf %slice3A_46, %slice3A_47 : vector<32x128xf32>
    %reduce_sum3A_49 = arith.constant dense<0.000000e+00> : vector<32xf32>
    %reduce_sum3A_50 = vector.multi_reduction <add>, %add3A_48, %reduce_sum3A_49 [1] : vector<32x128xf32> to vector<32xf32>
    %broadcast_in_dim3A_51 = vector.shape_cast %reduce_sum3A_50 : vector<32xf32> to vector<32x1xf32>
    %slice3A_52 = vector.extract_strided_slice %mul3A_39 {offsets = [0, 512], sizes = [32, 128], strides = [1, 1]} : vector<32x768xf32> to vector<32x128xf32>
    %slice3A_53 = vector.extract_strided_slice %mul3A_39 {offsets = [0, 640], sizes = [32, 128], strides = [1, 1]} : vector<32x768xf32> to vector<32x128xf32>
    %add3A_54 = arith.addf %slice3A_52, %slice3A_53 : vector<32x128xf32>
    %reduce_sum3A_55 = arith.constant dense<0.000000e+00> : vector<32xf32>
    %reduce_sum3A_56 = vector.multi_reduction <add>, %add3A_54, %reduce_sum3A_55 [1] : vector<32x128xf32> to vector<32xf32>
    %broadcast_in_dim3A_57 = vector.shape_cast %reduce_sum3A_56 : vector<32xf32> to vector<32x1xf32>
    %add3A_58 = arith.addf %broadcast_in_dim3A_45, %broadcast_in_dim3A_51 : vector<32x1xf32>
    %add3A_59 = arith.addf %add3A_58, %broadcast_in_dim3A_57 : vector<32x1xf32>
    %mul3A_60 = arith.mulf %get3A_13, %get3A_13 : vector<32x768xf32>
    %slice3A_61 = vector.extract_strided_slice %mul3A_60 {offsets = [0, 0], sizes = [32, 128], strides = [1, 1]} : vector<32x768xf32> to vector<32x128xf32>
    %slice3A_62 = vector.extract_strided_slice %mul3A_60 {offsets = [0, 128], sizes = [32, 128], strides = [1, 1]} : vector<32x768xf32> to vector<32x128xf32>
    %add3A_63 = arith.addf %slice3A_61, %slice3A_62 : vector<32x128xf32>
    %reduce_sum3A_64 = arith.constant dense<0.000000e+00> : vector<32xf32>
    %reduce_sum3A_65 = vector.multi_reduction <add>, %add3A_63, %reduce_sum3A_64 [1] : vector<32x128xf32> to vector<32xf32>
    %broadcast_in_dim3A_66 = vector.shape_cast %reduce_sum3A_65 : vector<32xf32> to vector<32x1xf32>
    %slice3A_67 = vector.extract_strided_slice %mul3A_60 {offsets = [0, 256], sizes = [32, 128], strides = [1, 1]} : vector<32x768xf32> to vector<32x128xf32>
    %slice3A_68 = vector.extract_strided_slice %mul3A_60 {offsets = [0, 384], sizes = [32, 128], strides = [1, 1]} : vector<32x768xf32> to vector<32x128xf32>
    %add3A_69 = arith.addf %slice3A_67, %slice3A_68 : vector<32x128xf32>
    %reduce_sum3A_70 = arith.constant dense<0.000000e+00> : vector<32xf32>
    %reduce_sum3A_71 = vector.multi_reduction <add>, %add3A_69, %reduce_sum3A_70 [1] : vector<32x128xf32> to vector<32xf32>
    %broadcast_in_dim3A_72 = vector.shape_cast %reduce_sum3A_71 : vector<32xf32> to vector<32x1xf32>
    %slice3A_73 = vector.extract_strided_slice %mul3A_60 {offsets = [0, 512], sizes = [32, 128], strides = [1, 1]} : vector<32x768xf32> to vector<32x128xf32>
    %slice3A_74 = vector.extract_strided_slice %mul3A_60 {offsets = [0, 640], sizes = [32, 128], strides = [1, 1]} : vector<32x768xf32> to vector<32x128xf32>
    %add3A_75 = arith.addf %slice3A_73, %slice3A_74 : vector<32x128xf32>
    %reduce_sum3A_76 = arith.constant dense<0.000000e+00> : vector<32xf32>
    %reduce_sum3A_77 = vector.multi_reduction <add>, %add3A_75, %reduce_sum3A_76 [1] : vector<32x128xf32> to vector<32xf32>
    %broadcast_in_dim3A_78 = vector.shape_cast %reduce_sum3A_77 : vector<32xf32> to vector<32x1xf32>
    %add3A_79 = arith.addf %broadcast_in_dim3A_66, %broadcast_in_dim3A_72 : vector<32x1xf32>
    %add3A_80 = arith.addf %add3A_79, %broadcast_in_dim3A_78 : vector<32x1xf32>
    %mul3A_81 = arith.mulf %get3A_18, %get3A_18 : vector<32x768xf32>
    %slice3A_82 = vector.extract_strided_slice %mul3A_81 {offsets = [0, 0], sizes = [32, 128], strides = [1, 1]} : vector<32x768xf32> to vector<32x128xf32>
    %slice3A_83 = vector.extract_strided_slice %mul3A_81 {offsets = [0, 128], sizes = [32, 128], strides = [1, 1]} : vector<32x768xf32> to vector<32x128xf32>
    %add3A_84 = arith.addf %slice3A_82, %slice3A_83 : vector<32x128xf32>
    %reduce_sum3A_85 = arith.constant dense<0.000000e+00> : vector<32xf32>
    %reduce_sum3A_86 = vector.multi_reduction <add>, %add3A_84, %reduce_sum3A_85 [1] : vector<32x128xf32> to vector<32xf32>
    %broadcast_in_dim3A_87 = vector.shape_cast %reduce_sum3A_86 : vector<32xf32> to vector<32x1xf32>
    %slice3A_88 = vector.extract_strided_slice %mul3A_81 {offsets = [0, 256], sizes = [32, 128], strides = [1, 1]} : vector<32x768xf32> to vector<32x128xf32>
    %slice3A_89 = vector.extract_strided_slice %mul3A_81 {offsets = [0, 384], sizes = [32, 128], strides = [1, 1]} : vector<32x768xf32> to vector<32x128xf32>
    %add3A_90 = arith.addf %slice3A_88, %slice3A_89 : vector<32x128xf32>
    %reduce_sum3A_91 = arith.constant dense<0.000000e+00> : vector<32xf32>
    %reduce_sum3A_92 = vector.multi_reduction <add>, %add3A_90, %reduce_sum3A_91 [1] : vector<32x128xf32> to vector<32xf32>
    %broadcast_in_dim3A_93 = vector.shape_cast %reduce_sum3A_92 : vector<32xf32> to vector<32x1xf32>
    %slice3A_94 = vector.extract_strided_slice %mul3A_81 {offsets = [0, 512], sizes = [32, 128], strides = [1, 1]} : vector<32x768xf32> to vector<32x128xf32>
    %slice3A_95 = vector.extract_strided_slice %mul3A_81 {offsets = [0, 640], sizes = [32, 128], strides = [1, 1]} : vector<32x768xf32> to vector<32x128xf32>
    %add3A_96 = arith.addf %slice3A_94, %slice3A_95 : vector<32x128xf32>
    %reduce_sum3A_97 = arith.constant dense<0.000000e+00> : vector<32xf32>
    %reduce_sum3A_98 = vector.multi_reduction <add>, %add3A_96, %reduce_sum3A_97 [1] : vector<32x128xf32> to vector<32xf32>
    %broadcast_in_dim3A_99 = vector.shape_cast %reduce_sum3A_98 : vector<32xf32> to vector<32x1xf32>
    %add3A_100 = arith.addf %broadcast_in_dim3A_87, %broadcast_in_dim3A_93 : vector<32x1xf32>
    %add3A_101 = arith.addf %add3A_100, %broadcast_in_dim3A_99 : vector<32x1xf32>
    %mul3A_102 = arith.mulf %select_n3A, %select_n3A : vector<32x768xf32>
    %slice3A_103 = vector.extract_strided_slice %mul3A_102 {offsets = [0, 0], sizes = [32, 128], strides = [1, 1]} : vector<32x768xf32> to vector<32x128xf32>
    %slice3A_104 = vector.extract_strided_slice %mul3A_102 {offsets = [0, 128], sizes = [32, 128], strides = [1, 1]} : vector<32x768xf32> to vector<32x128xf32>
    %add3A_105 = arith.addf %slice3A_103, %slice3A_104 : vector<32x128xf32>
    %reduce_sum3A_106 = arith.constant dense<0.000000e+00> : vector<32xf32>
    %reduce_sum3A_107 = vector.multi_reduction <add>, %add3A_105, %reduce_sum3A_106 [1] : vector<32x128xf32> to vector<32xf32>
    %broadcast_in_dim3A_108 = vector.shape_cast %reduce_sum3A_107 : vector<32xf32> to vector<32x1xf32>
    %slice3A_109 = vector.extract_strided_slice %mul3A_102 {offsets = [0, 256], sizes = [32, 128], strides = [1, 1]} : vector<32x768xf32> to vector<32x128xf32>
    %slice3A_110 = vector.extract_strided_slice %mul3A_102 {offsets = [0, 384], sizes = [32, 128], strides = [1, 1]} : vector<32x768xf32> to vector<32x128xf32>
    %add3A_111 = arith.addf %slice3A_109, %slice3A_110 : vector<32x128xf32>
    %reduce_sum3A_112 = arith.constant dense<0.000000e+00> : vector<32xf32>
    %reduce_sum3A_113 = vector.multi_reduction <add>, %add3A_111, %reduce_sum3A_112 [1] : vector<32x128xf32> to vector<32xf32>
    %broadcast_in_dim3A_114 = vector.shape_cast %reduce_sum3A_113 : vector<32xf32> to vector<32x1xf32>
    %slice3A_115 = vector.extract_strided_slice %mul3A_102 {offsets = [0, 512], sizes = [32, 128], strides = [1, 1]} : vector<32x768xf32> to vector<32x128xf32>
    %slice3A_116 = vector.extract_strided_slice %mul3A_102 {offsets = [0, 640], sizes = [32, 128], strides = [1, 1]} : vector<32x768xf32> to vector<32x128xf32>
    %add3A_117 = arith.addf %slice3A_115, %slice3A_116 : vector<32x128xf32>
    %reduce_sum3A_118 = arith.constant dense<0.000000e+00> : vector<32xf32>
    %reduce_sum3A_119 = vector.multi_reduction <add>, %add3A_117, %reduce_sum3A_118 [1] : vector<32x128xf32> to vector<32xf32>
    %broadcast_in_dim3A_120 = vector.shape_cast %reduce_sum3A_119 : vector<32xf32> to vector<32x1xf32>
    %add3A_121 = arith.addf %broadcast_in_dim3A_108, %broadcast_in_dim3A_114 : vector<32x1xf32>
    %add3A_122 = arith.addf %add3A_121, %broadcast_in_dim3A_120 : vector<32x1xf32>
    %sqrt3A = math.sqrt %add3A_122 : vector<32x1xf32>
    %sqrt3A_123 = math.sqrt %add3A_80 : vector<32x1xf32>
    %mul3A_124 = arith.mulf %sqrt3A, %sqrt3A_123 : vector<32x1xf32>
    %max3A = arith.constant 9.99999993E-9 : f32
    %max3A_125 = vector.broadcast %max3A : f32 to vector<32x1xf32>
    %max3A_126 = arith.maximumf %mul3A_124, %max3A_125 : vector<32x1xf32>
    %div3A = arith.divf %add3A_38, %max3A_126 : vector<32x1xf32>
    %sqrt3A_127 = math.sqrt %add3A_101 : vector<32x1xf32>
    %mul3A_128 = arith.mulf %sqrt3A, %sqrt3A_127 : vector<32x1xf32>
    %max3A_129 = arith.constant 9.99999993E-9 : f32
    %max3A_130 = vector.broadcast %max3A_129 : f32 to vector<32x1xf32>
    %max3A_131 = arith.maximumf %mul3A_128, %max3A_130 : vector<32x1xf32>
    %div3A_132 = arith.divf %add3A_59, %max3A_131 : vector<32x1xf32>
    %add3A_133 = arith.addf %div3A, %div3A_132 : vector<32x1xf32>
    %roll3A_134 = arith.constant 31 : i32
    %roll3A_135 = tpu.dynamic_rotate %add3A_133 by %roll3A_134 dim 0 : vector<32x1xf32>, i32 -> vector<32x1xf32>
    %add3A_136 = arith.addf %add3A_133, %roll3A_135 : vector<32x1xf32>
    %mul3A_137 = arith.constant 2.500000e-01 : f32
    %mul3A_138 = vector.broadcast %mul3A_137 : f32 to vector<32x1xf32>
    %mul3A_139 = arith.mulf %add3A_136, %mul3A_138 : vector<32x1xf32>
    %dot_general3A = arith.constant dense<0.000000e+00> : vector<16x1xf32>
    %dot_general3A_140 = tpu.matmul %convert_element_type3A_9, %mul3A_139, %dot_general3A {dimension_numbers = #tpu.dot_dimension_numbers<[1], [0], [0], [1], [0, 0, 1, 1], [], []>, precision = #tpu.contract_precision<fp32>, transpose_lhs_hint = false} : vector<16x32xf32>, vector<32x1xf32>, vector<16x1xf32> -> vector<16x1xf32>
    %swap3A = arith.constant 0 : index
    %swap3A_141 = arith.constant 0 : index
    %swap3A_142 = arith.constant 0 : index
    %swap3A_143 = vector.load %arg2[%swap3A, %swap3A_141, %swap3A_142] : memref<1x256x1xf32, #tpu.memory_space<vmem>>, vector<1x16x1xf32>
    %swap3A_144 = vector.shape_cast %swap3A_143 : vector<1x16x1xf32> to vector<16x1xf32>
    %swap3A_145 = vector.shape_cast %dot_general3A_140 : vector<16x1xf32> to vector<1x16x1xf32>
    tpu.vector_store %arg2[%swap3A, %swap3A_141, %swap3A_142], %swap3A_145 {strides = array<i32>} : memref<1x256x1xf32, #tpu.memory_space<vmem>>, vector<1x16x1xf32>,
    %roll3A_146 = arith.constant 31 : i32
    %roll3A_147 = tpu.dynamic_rotate %get3A_13 by %roll3A_146 dim 0 : vector<32x768xf32>, i32 -> vector<32x768xf32>
    %add3A_148 = arith.addf %get3A_13, %roll3A_147 : vector<32x768xf32>
    %roll3A_149 = arith.constant 31 : i32
    %roll3A_150 = tpu.dynamic_rotate %get3A_18 by %roll3A_149 dim 0 : vector<32x768xf32>, i32 -> vector<32x768xf32>
    %add3A_151 = arith.addf %get3A_18, %roll3A_150 : vector<32x768xf32>
    %add3A_152 = arith.addf %add3A_148, %add3A_151 : vector<32x768xf32>
    %dot_general3A_153 = arith.constant dense<0.000000e+00> : vector<16x768xf32>
    %dot_general3A_154 = tpu.matmul %convert_element_type3A_9, %add3A_152, %dot_general3A_153 {dimension_numbers = #tpu.dot_dimension_numbers<[1], [0], [0], [1], [0, 0, 1, 1], [], []>, transpose_lhs_hint = false} : vector<16x32xf32>, vector<32x768xf32>, vector<16x768xf32> -> vector<16x768xf32>
    %mul3A_155 = arith.constant 2.500000e-01 : f32
    %mul3A_156 = vector.broadcast %mul3A_155 : f32 to vector<16x768xf32>
    %mul3A_157 = arith.mulf %dot_general3A_154, %mul3A_156 : vector<16x768xf32>
    %swap3A_158 = arith.constant 0 : index
    %swap3A_159 = arith.constant 0 : index
    %swap3A_160 = arith.constant 0 : index
    %swap3A_161 = vector.load %arg3[%swap3A_158, %swap3A_159, %swap3A_160] : memref<1x256x768xf32, #tpu.memory_space<vmem>>, vector<1x16x768xf32>
    %swap3A_162 = vector.shape_cast %swap3A_161 : vector<1x16x768xf32> to vector<16x768xf32>
    %swap3A_163 = vector.shape_cast %mul3A_157 : vector<16x768xf32> to vector<1x16x768xf32>
    tpu.vector_store %arg3[%swap3A_158, %swap3A_159, %swap3A_160], %swap3A_163 {strides = array<i32>} : memref<1x256x768xf32, #tpu.memory_space<vmem>>, vector<1x16x768xf32>,
    %get3A_164 = arith.constant 0 : index
    %get3A_165 = arith.constant 64 : index
    %get3A_166 = arith.constant 0 : index
    %get3A_167 = vector.load %arg1[%get3A_164, %get3A_165, %get3A_166] : memref<1x1024x768xf32, #tpu.memory_space<vmem>>, vector<1x32x768xf32>
    %get3A_168 = vector.shape_cast %get3A_167 : vector<1x32x768xf32> to vector<32x768xf32>
    %get3A_169 = arith.constant 0 : index
    %get3A_170 = arith.constant 96 : index
    %get3A_171 = arith.constant 0 : index
    %get3A_172 = vector.load %arg1[%get3A_169, %get3A_170, %get3A_171] : memref<1x1024x768xf32, #tpu.memory_space<vmem>>, vector<1x32x768xf32>
    %get3A_173 = vector.shape_cast %get3A_172 : vector<1x32x768xf32> to vector<32x768xf32>
    %roll3A_174 = arith.constant 1 : i32
    %roll3A_175 = tpu.dynamic_rotate %get3A_168 by %roll3A_174 dim 0 : vector<32x768xf32>, i32 -> vector<32x768xf32>
    %broadcast_in_dim3A_176 = vector.shape_cast %eq3A_3 : vector<32x1xi1> to vector<32x1xi1>
    %broadcast_in_dim3A_177 = vector.broadcast %broadcast_in_dim3A_176 : vector<32x1xi1> to vector<32x768xi1>
    %select_n3A_178 = arith.select %broadcast_in_dim3A_177, %roll3A_175, %get3A_168 : vector<32x768xi1>, vector<32x768xf32>
    %mul3A_179 = arith.mulf %select_n3A_178, %get3A_168 : vector<32x768xf32>
    %slice3A_180 = vector.extract_strided_slice %mul3A_179 {offsets = [0, 0], sizes = [32, 128], strides = [1, 1]} : vector<32x768xf32> to vector<32x128xf32>
    %slice3A_181 = vector.extract_strided_slice %mul3A_179 {offsets = [0, 128], sizes = [32, 128], strides = [1, 1]} : vector<32x768xf32> to vector<32x128xf32>
    %add3A_182 = arith.addf %slice3A_180, %slice3A_181 : vector<32x128xf32>
    %reduce_sum3A_183 = arith.constant dense<0.000000e+00> : vector<32xf32>
    %reduce_sum3A_184 = vector.multi_reduction <add>, %add3A_182, %reduce_sum3A_183 [1] : vector<32x128xf32> to vector<32xf32>
    %broadcast_in_dim3A_185 = vector.shape_cast %reduce_sum3A_184 : vector<32xf32> to vector<32x1xf32>
    %slice3A_186 = vector.extract_strided_slice %mul3A_179 {offsets = [0, 256], sizes = [32, 128], strides = [1, 1]} : vector<32x768xf32> to vector<32x128xf32>
    %slice3A_187 = vector.extract_strided_slice %mul3A_179 {offsets = [0, 384], sizes = [32, 128], strides = [1, 1]} : vector<32x768xf32> to vector<32x128xf32>
    %add3A_188 = arith.addf %slice3A_186, %slice3A_187 : vector<32x128xf32>
    %reduce_sum3A_189 = arith.constant dense<0.000000e+00> : vector<32xf32>
    %reduce_sum3A_190 = vector.multi_reduction <add>, %add3A_188, %reduce_sum3A_189 [1] : vector<32x128xf32> to vector<32xf32>
    %broadcast_in_dim3A_191 = vector.shape_cast %reduce_sum3A_190 : vector<32xf32> to vector<32x1xf32>
    %slice3A_192 = vector.extract_strided_slice %mul3A_179 {offsets = [0, 512], sizes = [32, 128], strides = [1, 1]} : vector<32x768xf32> to vector<32x128xf32>
    %slice3A_193 = vector.extract_strided_slice %mul3A_179 {offsets = [0, 640], sizes = [32, 128], strides = [1, 1]} : vector<32x768xf32> to vector<32x128xf32>
    %add3A_194 = arith.addf %slice3A_192, %slice3A_193 : vector<32x128xf32>
    %reduce_sum3A_195 = arith.constant dense<0.000000e+00> : vector<32xf32>
    %reduce_sum3A_196 = vector.multi_reduction <add>, %add3A_194, %reduce_sum3A_195 [1] : vector<32x128xf32> to vector<32xf32>
    %broadcast_in_dim3A_197 = vector.shape_cast %reduce_sum3A_196 : vector<32xf32> to vector<32x1xf32>
    %add3A_198 = arith.addf %broadcast_in_dim3A_185, %broadcast_in_dim3A_191 : vector<32x1xf32>
    %add3A_199 = arith.addf %add3A_198, %broadcast_in_dim3A_197 : vector<32x1xf32>
    %mul3A_200 = arith.mulf %select_n3A_178, %get3A_173 : vector<32x768xf32>
    %slice3A_201 = vector.extract_strided_slice %mul3A_200 {offsets = [0, 0], sizes = [32, 128], strides = [1, 1]} : vector<32x768xf32> to vector<32x128xf32>
    %slice3A_202 = vector.extract_strided_slice %mul3A_200 {offsets = [0, 128], sizes = [32, 128], strides = [1, 1]} : vector<32x768xf32> to vector<32x128xf32>
    %add3A_203 = arith.addf %slice3A_201, %slice3A_202 : vector<32x128xf32>
    %reduce_sum3A_204 = arith.constant dense<0.000000e+00> : vector<32xf32>
    %reduce_sum3A_205 = vector.multi_reduction <add>, %add3A_203, %reduce_sum3A_204 [1] : vector<32x128xf32> to vector<32xf32>
    %broadcast_in_dim3A_206 = vector.shape_cast %reduce_sum3A_205 : vector<32xf32> to vector<32x1xf32>
    %slice3A_207 = vector.extract_strided_slice %mul3A_200 {offsets = [0, 256], sizes = [32, 128], strides = [1, 1]} : vector<32x768xf32> to vector<32x128xf32>
    %slice3A_208 = vector.extract_strided_slice %mul3A_200 {offsets = [0, 384], sizes = [32, 128], strides = [1, 1]} : vector<32x768xf32> to vector<32x128xf32>
    %add3A_209 = arith.addf %slice3A_207, %slice3A_208 : vector<32x128xf32>
    %reduce_sum3A_210 = arith.constant dense<0.000000e+00> : vector<32xf32>
    %reduce_sum3A_211 = vector.multi_reduction <add>, %add3A_209, %reduce_sum3A_210 [1] : vector<32x128xf32> to vector<32xf32>
    %broadcast_in_dim3A_212 = vector.shape_cast %reduce_sum3A_211 : vector<32xf32> to vector<32x1xf32>
    %slice3A_213 = vector.extract_strided_slice %mul3A_200 {offsets = [0, 512], sizes = [32, 128], strides = [1, 1]} : vector<32x768xf32> to vector<32x128xf32>
    %slice3A_214 = vector.extract_strided_slice %mul3A_200 {offsets = [0, 640], sizes = [32, 128], strides = [1, 1]} : vector<32x768xf32> to vector<32x128xf32>
    %add3A_215 = arith.addf %slice3A_213, %slice3A_214 : vector<32x128xf32>
    %reduce_sum3A_216 = arith.constant dense<0.000000e+00> : vector<32xf32>
    %reduce_sum3A_217 = vector.multi_reduction <add>, %add3A_215, %reduce_sum3A_216 [1] : vector<32x128xf32> to vector<32xf32>
    %broadcast_in_dim3A_218 = vector.shape_cast %reduce_sum3A_217 : vector<32xf32> to vector<32x1xf32>
    %add3A_219 = arith.addf %broadcast_in_dim3A_206, %broadcast_in_dim3A_212 : vector<32x1xf32>
    %add3A_220 = arith.addf %add3A_219, %broadcast_in_dim3A_218 : vector<32x1xf32>
    %mul3A_221 = arith.mulf %get3A_168, %get3A_168 : vector<32x768xf32>
    %slice3A_222 = vector.extract_strided_slice %mul3A_221 {offsets = [0, 0], sizes = [32, 128], strides = [1, 1]} : vector<32x768xf32> to vector<32x128xf32>
    %slice3A_223 = vector.extract_strided_slice %mul3A_221 {offsets = [0, 128], sizes = [32, 128], strides = [1, 1]} : vector<32x768xf32> to vector<32x128xf32>
    %add3A_224 = arith.addf %slice3A_222, %slice3A_223 : vector<32x128xf32>
    %reduce_sum3A_225 = arith.constant dense<0.000000e+00> : vector<32xf32>
    %reduce_sum3A_226 = vector.multi_reduction <add>, %add3A_224, %reduce_sum3A_225 [1] : vector<32x128xf32> to vector<32xf32>
    %broadcast_in_dim3A_227 = vector.shape_cast %reduce_sum3A_226 : vector<32xf32> to vector<32x1xf32>
    %slice3A_228 = vector.extract_strided_slice %mul3A_221 {offsets = [0, 256], sizes = [32, 128], strides = [1, 1]} : vector<32x768xf32> to vector<32x128xf32>
    %slice3A_229 = vector.extract_strided_slice %mul3A_221 {offsets = [0, 384], sizes = [32, 128], strides = [1, 1]} : vector<32x768xf32> to vector<32x128xf32>
    %add3A_230 = arith.addf %slice3A_228, %slice3A_229 : vector<32x128xf32>
    %reduce_sum3A_231 = arith.constant dense<0.000000e+00> : vector<32xf32>
    %reduce_sum3A_232 = vector.multi_reduction <add>, %add3A_230, %reduce_sum3A_231 [1] : vector<32x128xf32> to vector<32xf32>
    %broadcast_in_dim3A_233 = vector.shape_cast %reduce_sum3A_232 : vector<32xf32> to vector<32x1xf32>
    %slice3A_234 = vector.extract_strided_slice %mul3A_221 {offsets = [0, 512], sizes = [32, 128], strides = [1, 1]} : vector<32x768xf32> to vector<32x128xf32>
    %slice3A_235 = vector.extract_strided_slice %mul3A_221 {offsets = [0, 640], sizes = [32, 128], strides = [1, 1]} : vector<32x768xf32> to vector<32x128xf32>
    %add3A_236 = arith.addf %slice3A_234, %slice3A_235 : vector<32x128xf32>
    %reduce_sum3A_237 = arith.constant dense<0.000000e+00> : vector<32xf32>
    %reduce_sum3A_238 = vector.multi_reduction <add>, %add3A_236, %reduce_sum3A_237 [1] : vector<32x128xf32> to vector<32xf32>
    %broadcast_in_dim3A_239 = vector.shape_cast %reduce_sum3A_238 : vector<32xf32> to vector<32x1xf32>
    %add3A_240 = arith.addf %broadcast_in_dim3A_227, %broadcast_in_dim3A_233 : vector<32x1xf32>
    %add3A_241 = arith.addf %add3A_240, %broadcast_in_dim3A_239 : vector<32x1xf32>
    %mul3A_242 = arith.mulf %get3A_173, %get3A_173 : vector<32x768xf32>
    %slice3A_243 = vector.extract_strided_slice %mul3A_242 {offsets = [0, 0], sizes = [32, 128], strides = [1, 1]} : vector<32x768xf32> to vector<32x128xf32>
    %slice3A_244 = vector.extract_strided_slice %mul3A_242 {offsets = [0, 128], sizes = [32, 128], strides = [1, 1]} : vector<32x768xf32> to vector<32x128xf32>
    %add3A_245 = arith.addf %slice3A_243, %slice3A_244 : vector<32x128xf32>
    %reduce_sum3A_246 = arith.constant dense<0.000000e+00> : vector<32xf32>
    %reduce_sum3A_247 = vector.multi_reduction <add>, %add3A_245, %reduce_sum3A_246 [1] : vector<32x128xf32> to vector<32xf32>
    %broadcast_in_dim3A_248 = vector.shape_cast %reduce_sum3A_247 : vector<32xf32> to vector<32x1xf32>
    %slice3A_249 = vector.extract_strided_slice %mul3A_242 {offsets = [0, 256], sizes = [32, 128], strides = [1, 1]} : vector<32x768xf32> to vector<32x128xf32>
    %slice3A_250 = vector.extract_strided_slice %mul3A_242 {offsets = [0, 384], sizes = [32, 128], strides = [1, 1]} : vector<32x768xf32> to vector<32x128xf32>
    %add3A_251 = arith.addf %slice3A_249, %slice3A_250 : vector<32x128xf32>
    %reduce_sum3A_252 = arith.constant dense<0.000000e+00> : vector<32xf32>
    %reduce_sum3A_253 = vector.multi_reduction <add>, %add3A_251, %reduce_sum3A_252 [1] : vector<32x128xf32> to vector<32xf32>
    %broadcast_in_dim3A_254 = vector.shape_cast %reduce_sum3A_253 : vector<32xf32> to vector<32x1xf32>
    %slice3A_255 = vector.extract_strided_slice %mul3A_242 {offsets = [0, 512], sizes = [32, 128], strides = [1, 1]} : vector<32x768xf32> to vector<32x128xf32>
    %slice3A_256 = vector.extract_strided_slice %mul3A_242 {offsets = [0, 640], sizes = [32, 128], strides = [1, 1]} : vector<32x768xf32> to vector<32x128xf32>
    %add3A_257 = arith.addf %slice3A_255, %slice3A_256 : vector<32x128xf32>
    %reduce_sum3A_258 = arith.constant dense<0.000000e+00> : vector<32xf32>
    %reduce_sum3A_259 = vector.multi_reduction <add>, %add3A_257, %reduce_sum3A_258 [1] : vector<32x128xf32> to vector<32xf32>
    %broadcast_in_dim3A_260 = vector.shape_cast %reduce_sum3A_259 : vector<32xf32> to vector<32x1xf32>
    %add3A_261 = arith.addf %broadcast_in_dim3A_248, %broadcast_in_dim3A_254 : vector<32x1xf32>
    %add3A_262 = arith.addf %add3A_261, %broadcast_in_dim3A_260 : vector<32x1xf32>
    %mul3A_263 = arith.mulf %select_n3A_178, %select_n3A_178 : vector<32x768xf32>
    %slice3A_264 = vector.extract_strided_slice %mul3A_263 {offsets = [0, 0], sizes = [32, 128], strides = [1, 1]} : vector<32x768xf32> to vector<32x128xf32>
    %slice3A_265 = vector.extract_strided_slice %mul3A_263 {offsets = [0, 128], sizes = [32, 128], strides = [1, 1]} : vector<32x768xf32> to vector<32x128xf32>
    %add3A_266 = arith.addf %slice3A_264, %slice3A_265 : vector<32x128xf32>
    %reduce_sum3A_267 = arith.constant dense<0.000000e+00> : vector<32xf32>
    %reduce_sum3A_268 = vector.multi_reduction <add>, %add3A_266, %reduce_sum3A_267 [1] : vector<32x128xf32> to vector<32xf32>
    %broadcast_in_dim3A_269 = vector.shape_cast %reduce_sum3A_268 : vector<32xf32> to vector<32x1xf32>
    %slice3A_270 = vector.extract_strided_slice %mul3A_263 {offsets = [0, 256], sizes = [32, 128], strides = [1, 1]} : vector<32x768xf32> to vector<32x128xf32>
    %slice3A_271 = vector.extract_strided_slice %mul3A_263 {offsets = [0, 384], sizes = [32, 128], strides = [1, 1]} : vector<32x768xf32> to vector<32x128xf32>
    %add3A_272 = arith.addf %slice3A_270, %slice3A_271 : vector<32x128xf32>
    %reduce_sum3A_273 = arith.constant dense<0.000000e+00> : vector<32xf32>
    %reduce_sum3A_274 = vector.multi_reduction <add>, %add3A_272, %reduce_sum3A_273 [1] : vector<32x128xf32> to vector<32xf32>
    %broadcast_in_dim3A_275 = vector.shape_cast %reduce_sum3A_274 : vector<32xf32> to vector<32x1xf32>
    %slice3A_276 = vector.extract_strided_slice %mul3A_263 {offsets = [0, 512], sizes = [32, 128], strides = [1, 1]} : vector<32x768xf32> to vector<32x128xf32>
    %slice3A_277 = vector.extract_strided_slice %mul3A_263 {offsets = [0, 640], sizes = [32, 128], strides = [1, 1]} : vector<32x768xf32> to vector<32x128xf32>
    %add3A_278 = arith.addf %slice3A_276, %slice3A_277 : vector<32x128xf32>
    %reduce_sum3A_279 = arith.constant dense<0.000000e+00> : vector<32xf32>
    %reduce_sum3A_280 = vector.multi_reduction <add>, %add3A_278, %reduce_sum3A_279 [1] : vector<32x128xf32> to vector<32xf32>
    %broadcast_in_dim3A_281 = vector.shape_cast %reduce_sum3A_280 : vector<32xf32> to vector<32x1xf32>
    %add3A_282 = arith.addf %broadcast_in_dim3A_269, %broadcast_in_dim3A_275 : vector<32x1xf32>
    %add3A_283 = arith.addf %add3A_282, %broadcast_in_dim3A_281 : vector<32x1xf32>
    %sqrt3A_284 = math.sqrt %add3A_283 : vector<32x1xf32>
    %sqrt3A_285 = math.sqrt %add3A_241 : vector<32x1xf32>
    %mul3A_286 = arith.mulf %sqrt3A_284, %sqrt3A_285 : vector<32x1xf32>
    %max3A_287 = arith.constant 9.99999993E-9 : f32
    %max3A_288 = vector.broadcast %max3A_287 : f32 to vector<32x1xf32>
    %max3A_289 = arith.maximumf %mul3A_286, %max3A_288 : vector<32x1xf32>
    %div3A_290 = arith.divf %add3A_199, %max3A_289 : vector<32x1xf32>
    %sqrt3A_291 = math.sqrt %add3A_262 : vector<32x1xf32>
    %mul3A_292 = arith.mulf %sqrt3A_284, %sqrt3A_291 : vector<32x1xf32>
    %max3A_293 = arith.constant 9.99999993E-9 : f32
    %max3A_294 = vector.broadcast %max3A_293 : f32 to vector<32x1xf32>
    %max3A_295 = arith.maximumf %mul3A_292, %max3A_294 : vector<32x1xf32>
    %div3A_296 = arith.divf %add3A_220, %max3A_295 : vector<32x1xf32>
    %add3A_297 = arith.addf %div3A_290, %div3A_296 : vector<32x1xf32>
    %roll3A_298 = arith.constant 31 : i32
    %roll3A_299 = tpu.dynamic_rotate %add3A_297 by %roll3A_298 dim 0 : vector<32x1xf32>, i32 -> vector<32x1xf32>
    %add3A_300 = arith.addf %add3A_297, %roll3A_299 : vector<32x1xf32>
    %mul3A_301 = arith.constant 2.500000e-01 : f32
    %mul3A_302 = vector.broadcast %mul3A_301 : f32 to vector<32x1xf32>
    %mul3A_303 = arith.mulf %add3A_300, %mul3A_302 : vector<32x1xf32>
    %dot_general3A_304 = arith.constant dense<0.000000e+00> : vector<16x1xf32>
    %dot_general3A_305 = tpu.matmul %convert_element_type3A_9, %mul3A_303, %dot_general3A_304 {dimension_numbers = #tpu.dot_dimension_numbers<[1], [0], [0], [1], [0, 0, 1, 1], [], []>, precision = #tpu.contract_precision<fp32>, transpose_lhs_hint = false} : vector<16x32xf32>, vector<32x1xf32>, vector<16x1xf32> -> vector<16x1xf32>
    %swap3A_306 = arith.constant 0 : index
    %swap3A_307 = arith.constant 16 : index
    %swap3A_308 = arith.constant 0 : index
    %swap3A_309 = vector.load %arg2[%swap3A_306, %swap3A_307, %swap3A_308] : memref<1x256x1xf32, #tpu.memory_space<vmem>>, vector<1x16x1xf32>
    %swap3A_310 = vector.shape_cast %swap3A_309 : vector<1x16x1xf32> to vector<16x1xf32>
    %swap3A_311 = vector.shape_cast %dot_general3A_305 : vector<16x1xf32> to vector<1x16x1xf32>
    tpu.vector_store %arg2[%swap3A_306, %swap3A_307, %swap3A_308], %swap3A_311 {strides = array<i32>} : memref<1x256x1xf32, #tpu.memory_space<vmem>>, vector<1x16x1xf32>,
    %roll3A_312 = arith.constant 31 : i32
    %roll3A_313 = tpu.dynamic_rotate %get3A_168 by %roll3A_312 dim 0 : vector<32x768xf32>, i32 -> vector<32x768xf32>
    %add3A_314 = arith.addf %get3A_168, %roll3A_313 : vector<32x768xf32>
    %roll3A_315 = arith.constant 31 : i32
    %roll3A_316 = tpu.dynamic_rotate %get3A_173 by %roll3A_315 dim 0 : vector<32x768xf32>, i32 -> vector<32x768xf32>
    %add3A_317 = arith.addf %get3A_173, %roll3A_316 : vector<32x768xf32>
    %add3A_318 = arith.addf %add3A_314, %add3A_317 : vector<32x768xf32>
    %dot_general3A_319 = arith.constant dense<0.000000e+00> : vector<16x768xf32>
    %dot_general3A_320 = tpu.matmul %convert_element_type3A_9, %add3A_318, %dot_general3A_319 {dimension_numbers = #tpu.dot_dimension_numbers<[1], [0], [0], [1], [0, 0, 1, 1], [], []>, transpose_lhs_hint = false} : vector<16x32xf32>, vector<32x768xf32>, vector<16x768xf32> -> vector<16x768xf32>
    %mul3A_321 = arith.constant 2.500000e-01 : f32
    %mul3A_322 = vector.broadcast %mul3A_321 : f32 to vector<16x768xf32>
    %mul3A_323 = arith.mulf %dot_general3A_320, %mul3A_322 : vector<16x768xf32>
    %swap3A_324 = arith.constant 0 : index
    %swap3A_325 = arith.constant 16 : index
    %swap3A_326 = arith.constant 0 : index
    %swap3A_327 = vector.load %arg3[%swap3A_324, %swap3A_325, %swap3A_326] : memref<1x256x768xf32, #tpu.memory_space<vmem>>, vector<1x16x768xf32>
    %swap3A_328 = vector.shape_cast %swap3A_327 : vector<1x16x768xf32> to vector<16x768xf32>
    %swap3A_329 = vector.shape_cast %mul3A_323 : vector<16x768xf32> to vector<1x16x768xf32>
    tpu.vector_store %arg3[%swap3A_324, %swap3A_325, %swap3A_326], %swap3A_329 {strides = array<i32>} : memref<1x256x768xf32, #tpu.memory_space<vmem>>, vector<1x16x768xf32>,
    %get3A_330 = arith.constant 0 : index
    %get3A_331 = arith.constant 128 : index
    %get3A_332 = arith.constant 0 : index
    %get3A_333 = vector.load %arg1[%get3A_330, %get3A_331, %get3A_332] : memref<1x1024x768xf32, #tpu.memory_space<vmem>>, vector<1x32x768xf32>
    %get3A_334 = vector.shape_cast %get3A_333 : vector<1x32x768xf32> to vector<32x768xf32>
    %get3A_335 = arith.constant 0 : index
    %get3A_336 = arith.constant 160 : index
    %get3A_337 = arith.constant 0 : index
    %get3A_338 = vector.load %arg1[%get3A_335, %get3A_336, %get3A_337] : memref<1x1024x768xf32, #tpu.memory_space<vmem>>, vector<1x32x768xf32>
    %get3A_339 = vector.shape_cast %get3A_338 : vector<1x32x768xf32> to vector<32x768xf32>
    %roll3A_340 = arith.constant 1 : i32
    %roll3A_341 = tpu.dynamic_rotate %get3A_334 by %roll3A_340 dim 0 : vector<32x768xf32>, i32 -> vector<32x768xf32>
    %broadcast_in_dim3A_342 = vector.shape_cast %eq3A_3 : vector<32x1xi1> to vector<32x1xi1>
    %broadcast_in_dim3A_343 = vector.broadcast %broadcast_in_dim3A_342 : vector<32x1xi1> to vector<32x768xi1>
    %select_n3A_344 = arith.select %broadcast_in_dim3A_343, %roll3A_341, %get3A_334 : vector<32x768xi1>, vector<32x768xf32>
    %mul3A_345 = arith.mulf %select_n3A_344, %get3A_334 : vector<32x768xf32>
    %slice3A_346 = vector.extract_strided_slice %mul3A_345 {offsets = [0, 0], sizes = [32, 128], strides = [1, 1]} : vector<32x768xf32> to vector<32x128xf32>
    %slice3A_347 = vector.extract_strided_slice %mul3A_345 {offsets = [0, 128], sizes = [32, 128], strides = [1, 1]} : vector<32x768xf32> to vector<32x128xf32>
    %add3A_348 = arith.addf %slice3A_346, %slice3A_347 : vector<32x128xf32>
    %reduce_sum3A_349 = arith.constant dense<0.000000e+00> : vector<32xf32>
    %reduce_sum3A_350 = vector.multi_reduction <add>, %add3A_348, %reduce_sum3A_349 [1] : vector<32x128xf32> to vector<32xf32>
    %broadcast_in_dim3A_351 = vector.shape_cast %reduce_sum3A_350 : vector<32xf32> to vector<32x1xf32>
    %slice3A_352 = vector.extract_strided_slice %mul3A_345 {offsets = [0, 256], sizes = [32, 128], strides = [1, 1]} : vector<32x768xf32> to vector<32x128xf32>
    %slice3A_353 = vector.extract_strided_slice %mul3A_345 {offsets = [0, 384], sizes = [32, 128], strides = [1, 1]} : vector<32x768xf32> to vector<32x128xf32>
    %add3A_354 = arith.addf %slice3A_352, %slice3A_353 : vector<32x128xf32>
    %reduce_sum3A_355 = arith.constant dense<0.000000e+00> : vector<32xf32>
    %reduce_sum3A_356 = vector.multi_reduction <add>, %add3A_354, %reduce_sum3A_355 [1] : vector<32x128xf32> to vector<32xf32>
    %broadcast_in_dim3A_357 = vector.shape_cast %reduce_sum3A_356 : vector<32xf32> to vector<32x1xf32>
    %slice3A_358 = vector.extract_strided_slice %mul3A_345 {offsets = [0, 512], sizes = [32, 128], strides = [1, 1]} : vector<32x768xf32> to vector<32x128xf32>
    %slice3A_359 = vector.extract_strided_slice %mul3A_345 {offsets = [0, 640], sizes = [32, 128], strides = [1, 1]} : vector<32x768xf32> to vector<32x128xf32>
    %add3A_360 = arith.addf %slice3A_358, %slice3A_359 : vector<32x128xf32>
    %reduce_sum3A_361 = arith.constant dense<0.000000e+00> : vector<32xf32>
    %reduce_sum3A_362 = vector.multi_reduction <add>, %add3A_360, %reduce_sum3A_361 [1] : vector<32x128xf32> to vector<32xf32>
    %broadcast_in_dim3A_363 = vector.shape_cast %reduce_sum3A_362 : vector<32xf32> to vector<32x1xf32>
    %add3A_364 = arith.addf %broadcast_in_dim3A_351, %broadcast_in_dim3A_357 : vector<32x1xf32>
    %add3A_365 = arith.addf %add3A_364, %broadcast_in_dim3A_363 : vector<32x1xf32>
    %mul3A_366 = arith.mulf %select_n3A_344, %get3A_339 : vector<32x768xf32>
    %slice3A_367 = vector.extract_strided_slice %mul3A_366 {offsets = [0, 0], sizes = [32, 128], strides = [1, 1]} : vector<32x768xf32> to vector<32x128xf32>
    %slice3A_368 = vector.extract_strided_slice %mul3A_366 {offsets = [0, 128], sizes = [32, 128], strides = [1, 1]} : vector<32x768xf32> to vector<32x128xf32>
    %add3A_369 = arith.addf %slice3A_367, %slice3A_368 : vector<32x128xf32>
    %reduce_sum3A_370 = arith.constant dense<0.000000e+00> : vector<32xf32>
    %reduce_sum3A_371 = vector.multi_reduction <add>, %add3A_369, %reduce_sum3A_370 [1] : vector<32x128xf32> to vector<32xf32>
    %broadcast_in_dim3A_372 = vector.shape_cast %reduce_sum3A_371 : vector<32xf32> to vector<32x1xf32>
    %slice3A_373 = vector.extract_strided_slice %mul3A_366 {offsets = [0, 256], sizes = [32, 128], strides = [1, 1]} : vector<32x768xf32> to vector<32x128xf32>
    %slice3A_374 = vector.extract_strided_slice %mul3A_366 {offsets = [0, 384], sizes = [32, 128], strides = [1, 1]} : vector<32x768xf32> to vector<32x128xf32>
    %add3A_375 = arith.addf %slice3A_373, %slice3A_374 : vector<32x128xf32>
    %reduce_sum3A_376 = arith.constant dense<0.000000e+00> : vector<32xf32>
    %reduce_sum3A_377 = vector.multi_reduction <add>, %add3A_375, %reduce_sum3A_376 [1] : vector<32x128xf32> to vector<32xf32>
    %broadcast_in_dim3A_378 = vector.shape_cast %reduce_sum3A_377 : vector<32xf32> to vector<32x1xf32>
    %slice3A_379 = vector.extract_strided_slice %mul3A_366 {offsets = [0, 512], sizes = [32, 128], strides = [1, 1]} : vector<32x768xf32> to vector<32x128xf32>
    %slice3A_380 = vector.extract_strided_slice %mul3A_366 {offsets = [0, 640], sizes = [32, 128], strides = [1, 1]} : vector<32x768xf32> to vector<32x128xf32>
    %add3A_381 = arith.addf %slice3A_379, %slice3A_380 : vector<32x128xf32>
    %reduce_sum3A_382 = arith.constant dense<0.000000e+00> : vector<32xf32>
    %reduce_sum3A_383 = vector.multi_reduction <add>, %add3A_381, %reduce_sum3A_382 [1] : vector<32x128xf32> to vector<32xf32>
    %broadcast_in_dim3A_384 = vector.shape_cast %reduce_sum3A_383 : vector<32xf32> to vector<32x1xf32>
    %add3A_385 = arith.addf %broadcast_in_dim3A_372, %broadcast_in_dim3A_378 : vector<32x1xf32>
    %add3A_386 = arith.addf %add3A_385, %broadcast_in_dim3A_384 : vector<32x1xf32>
    %mul3A_387 = arith.mulf %get3A_334, %get3A_334 : vector<32x768xf32>
    %slice3A_388 = vector.extract_strided_slice %mul3A_387 {offsets = [0, 0], sizes = [32, 128], strides = [1, 1]} : vector<32x768xf32> to vector<32x128xf32>
    %slice3A_389 = vector.extract_strided_slice %mul3A_387 {offsets = [0, 128], sizes = [32, 128], strides = [1, 1]} : vector<32x768xf32> to vector<32x128xf32>
    %add3A_390 = arith.addf %slice3A_388, %slice3A_389 : vector<32x128xf32>
    %reduce_sum3A_391 = arith.constant dense<0.000000e+00> : vector<32xf32>
    %reduce_sum3A_392 = vector.multi_reduction <add>, %add3A_390, %reduce_sum3A_391 [1] : vector<32x128xf32> to vector<32xf32>
    %broadcast_in_dim3A_393 = vector.shape_cast %reduce_sum3A_392 : vector<32xf32> to vector<32x1xf32>
    %slice3A_394 = vector.extract_strided_slice %mul3A_387 {offsets = [0, 256], sizes = [32, 128], strides = [1, 1]} : vector<32x768xf32> to vector<32x128xf32>
    %slice3A_395 = vector.extract_strided_slice %mul3A_387 {offsets = [0, 384], sizes = [32, 128], strides = [1, 1]} : vector<32x768xf32> to vector<32x128xf32>
    %add3A_396 = arith.addf %slice3A_394, %slice3A_395 : vector<32x128xf32>
    %reduce_sum3A_397 = arith.constant dense<0.000000e+00> : vector<32xf32>
    %reduce_sum3A_398 = vector.multi_reduction <add>, %add3A_396, %reduce_sum3A_397 [1] : vector<32x128xf32> to vector<32xf32>
    %broadcast_in_dim3A_399 = vector.shape_cast %reduce_sum3A_398 : vector<32xf32> to vector<32x1xf32>
    %slice3A_400 = vector.extract_strided_slice %mul3A_387 {offsets = [0, 512], sizes = [32, 128], strides = [1, 1]} : vector<32x768xf32> to vector<32x128xf32>
    %slice3A_401 = vector.extract_strided_slice %mul3A_387 {offsets = [0, 640], sizes = [32, 128], strides = [1, 1]} : vector<32x768xf32> to vector<32x128xf32>
    %add3A_402 = arith.addf %slice3A_400, %slice3A_401 : vector<32x128xf32>
    %reduce_sum3A_403 = arith.constant dense<0.000000e+00> : vector<32xf32>
    %reduce_sum3A_404 = vector.multi_reduction <add>, %add3A_402, %reduce_sum3A_403 [1] : vector<32x128xf32> to vector<32xf32>
    %broadcast_in_dim3A_405 = vector.shape_cast %reduce_sum3A_404 : vector<32xf32> to vector<32x1xf32>
    %add3A_406 = arith.addf %broadcast_in_dim3A_393, %broadcast_in_dim3A_399 : vector<32x1xf32>
    %add3A_407 = arith.addf %add3A_406, %broadcast_in_dim3A_405 : vector<32x1xf32>
    %mul3A_408 = arith.mulf %get3A_339, %get3A_339 : vector<32x768xf32>
    %slice3A_409 = vector.extract_strided_slice %mul3A_408 {offsets = [0, 0], sizes = [32, 128], strides = [1, 1]} : vector<32x768xf32> to vector<32x128xf32>
    %slice3A_410 = vector.extract_strided_slice %mul3A_408 {offsets = [0, 128], sizes = [32, 128], strides = [1, 1]} : vector<32x768xf32> to vector<32x128xf32>
    %add3A_411 = arith.addf %slice3A_409, %slice3A_410 : vector<32x128xf32>
    %reduce_sum3A_412 = arith.constant dense<0.000000e+00> : vector<32xf32>
    %reduce_sum3A_413 = vector.multi_reduction <add>, %add3A_411, %reduce_sum3A_412 [1] : vector<32x128xf32> to vector<32xf32>
    %broadcast_in_dim3A_414 = vector.shape_cast %reduce_sum3A_413 : vector<32xf32> to vector<32x1xf32>
    %slice3A_415 = vector.extract_strided_slice %mul3A_408 {offsets = [0, 256], sizes = [32, 128], strides = [1, 1]} : vector<32x768xf32> to vector<32x128xf32>
    %slice3A_416 = vector.extract_strided_slice %mul3A_408 {offsets = [0, 384], sizes = [32, 128], strides = [1, 1]} : vector<32x768xf32> to vector<32x128xf32>
    %add3A_417 = arith.addf %slice3A_415, %slice3A_416 : vector<32x128xf32>
    %reduce_sum3A_418 = arith.constant dense<0.000000e+00> : vector<32xf32>
    %reduce_sum3A_419 = vector.multi_reduction <add>, %add3A_417, %reduce_sum3A_418 [1] : vector<32x128xf32> to vector<32xf32>
    %broadcast_in_dim3A_420 = vector.shape_cast %reduce_sum3A_419 : vector<32xf32> to vector<32x1xf32>
    %slice3A_421 = vector.extract_strided_slice %mul3A_408 {offsets = [0, 512], sizes = [32, 128], strides = [1, 1]} : vector<32x768xf32> to vector<32x128xf32>
    %slice3A_422 = vector.extract_strided_slice %mul3A_408 {offsets = [0, 640], sizes = [32, 128], strides = [1, 1]} : vector<32x768xf32> to vector<32x128xf32>
    %add3A_423 = arith.addf %slice3A_421, %slice3A_422 : vector<32x128xf32>
    %reduce_sum3A_424 = arith.constant dense<0.000000e+00> : vector<32xf32>
    %reduce_sum3A_425 = vector.multi_reduction <add>, %add3A_423, %reduce_sum3A_424 [1] : vector<32x128xf32> to vector<32xf32>
    %broadcast_in_dim3A_426 = vector.shape_cast %reduce_sum3A_425 : vector<32xf32> to vector<32x1xf32>
    %add3A_427 = arith.addf %broadcast_in_dim3A_414, %broadcast_in_dim3A_420 : vector<32x1xf32>
    %add3A_428 = arith.addf %add3A_427, %broadcast_in_dim3A_426 : vector<32x1xf32>
    %mul3A_429 = arith.mulf %select_n3A_344, %select_n3A_344 : vector<32x768xf32>
    %slice3A_430 = vector.extract_strided_slice %mul3A_429 {offsets = [0, 0], sizes = [32, 128], strides = [1, 1]} : vector<32x768xf32> to vector<32x128xf32>
    %slice3A_431 = vector.extract_strided_slice %mul3A_429 {offsets = [0, 128], sizes = [32, 128], strides = [1, 1]} : vector<32x768xf32> to vector<32x128xf32>
    %add3A_432 = arith.addf %slice3A_430, %slice3A_431 : vector<32x128xf32>
    %reduce_sum3A_433 = arith.constant dense<0.000000e+00> : vector<32xf32>
    %reduce_sum3A_434 = vector.multi_reduction <add>, %add3A_432, %reduce_sum3A_433 [1] : vector<32x128xf32> to vector<32xf32>
    %broadcast_in_dim3A_435 = vector.shape_cast %reduce_sum3A_434 : vector<32xf32> to vector<32x1xf32>
    %slice3A_436 = vector.extract_strided_slice %mul3A_429 {offsets = [0, 256], sizes = [32, 128], strides = [1, 1]} : vector<32x768xf32> to vector<32x128xf32>
    %slice3A_437 = vector.extract_strided_slice %mul3A_429 {offsets = [0, 384], sizes = [32, 128], strides = [1, 1]} : vector<32x768xf32> to vector<32x128xf32>
    %add3A_438 = arith.addf %slice3A_436, %slice3A_437 : vector<32x128xf32>
    %reduce_sum3A_439 = arith.constant dense<0.000000e+00> : vector<32xf32>
    %reduce_sum3A_440 = vector.multi_reduction <add>, %add3A_438, %reduce_sum3A_439 [1] : vector<32x128xf32> to vector<32xf32>
    %broadcast_in_dim3A_441 = vector.shape_cast %reduce_sum3A_440 : vector<32xf32> to vector<32x1xf32>
    %slice3A_442 = vector.extract_strided_slice %mul3A_429 {offsets = [0, 512], sizes = [32, 128], strides = [1, 1]} : vector<32x768xf32> to vector<32x128xf32>
    %slice3A_443 = vector.extract_strided_slice %mul3A_429 {offsets = [0, 640], sizes = [32, 128], strides = [1, 1]} : vector<32x768xf32> to vector<32x128xf32>
    %add3A_444 = arith.addf %slice3A_442, %slice3A_443 : vector<32x128xf32>
    %reduce_sum3A_445 = arith.constant dense<0.000000e+00> : vector<32xf32>
    %reduce_sum3A_446 = vector.multi_reduction <add>, %add3A_444, %reduce_sum3A_445 [1] : vector<32x128xf32> to vector<32xf32>
    %broadcast_in_dim3A_447 = vector.shape_cast %reduce_sum3A_446 : vector<32xf32> to vector<32x1xf32>
    %add3A_448 = arith.addf %broadcast_in_dim3A_435, %broadcast_in_dim3A_441 : vector<32x1xf32>
    %add3A_449 = arith.addf %add3A_448, %broadcast_in_dim3A_447 : vector<32x1xf32>
    %sqrt3A_450 = math.sqrt %add3A_449 : vector<32x1xf32>
    %sqrt3A_451 = math.sqrt %add3A_407 : vector<32x1xf32>
    %mul3A_452 = arith.mulf %sqrt3A_450, %sqrt3A_451 : vector<32x1xf32>
    %max3A_453 = arith.constant 9.99999993E-9 : f32
    %max3A_454 = vector.broadcast %max3A_453 : f32 to vector<32x1xf32>
    %max3A_455 = arith.maximumf %mul3A_452, %max3A_454 : vector<32x1xf32>
    %div3A_456 = arith.divf %add3A_365, %max3A_455 : vector<32x1xf32>
    %sqrt3A_457 = math.sqrt %add3A_428 : vector<32x1xf32>
    %mul3A_458 = arith.mulf %sqrt3A_450, %sqrt3A_457 : vector<32x1xf32>
    %max3A_459 = arith.constant 9.99999993E-9 : f32
    %max3A_460 = vector.broadcast %max3A_459 : f32 to vector<32x1xf32>
    %max3A_461 = arith.maximumf %mul3A_458, %max3A_460 : vector<32x1xf32>
    %div3A_462 = arith.divf %add3A_386, %max3A_461 : vector<32x1xf32>
    %add3A_463 = arith.addf %div3A_456, %div3A_462 : vector<32x1xf32>
    %roll3A_464 = arith.constant 31 : i32
    %roll3A_465 = tpu.dynamic_rotate %add3A_463 by %roll3A_464 dim 0 : vector<32x1xf32>, i32 -> vector<32x1xf32>
    %add3A_466 = arith.addf %add3A_463, %roll3A_465 : vector<32x1xf32>
    %mul3A_467 = arith.constant 2.500000e-01 : f32
    %mul3A_468 = vector.broadcast %mul3A_467 : f32 to vector<32x1xf32>
    %mul3A_469 = arith.mulf %add3A_466, %mul3A_468 : vector<32x1xf32>
    %dot_general3A_470 = arith.constant dense<0.000000e+00> : vector<16x1xf32>
    %dot_general3A_471 = tpu.matmul %convert_element_type3A_9, %mul3A_469, %dot_general3A_470 {dimension_numbers = #tpu.dot_dimension_numbers<[1], [0], [0], [1], [0, 0, 1, 1], [], []>, precision = #tpu.contract_precision<fp32>, transpose_lhs_hint = false} : vector<16x32xf32>, vector<32x1xf32>, vector<16x1xf32> -> vector<16x1xf32>
    %swap3A_472 = arith.constant 0 : index
    %swap3A_473 = arith.constant 32 : index
    %swap3A_474 = arith.constant 0 : index
    %swap3A_475 = vector.load %arg2[%swap3A_472, %swap3A_473, %swap3A_474] : memref<1x256x1xf32, #tpu.memory_space<vmem>>, vector<1x16x1xf32>
    %swap3A_476 = vector.shape_cast %swap3A_475 : vector<1x16x1xf32> to vector<16x1xf32>
    %swap3A_477 = vector.shape_cast %dot_general3A_471 : vector<16x1xf32> to vector<1x16x1xf32>
    tpu.vector_store %arg2[%swap3A_472, %swap3A_473, %swap3A_474], %swap3A_477 {strides = array<i32>} : memref<1x256x1xf32, #tpu.memory_space<vmem>>, vector<1x16x1xf32>,
    %roll3A_478 = arith.constant 31 : i32
    %roll3A_479 = tpu.dynamic_rotate %get3A_334 by %roll3A_478 dim 0 : vector<32x768xf32>, i32 -> vector<32x768xf32>
    %add3A_480 = arith.addf %get3A_334, %roll3A_479 : vector<32x768xf32>
    %roll3A_481 = arith.constant 31 : i32
    %roll3A_482 = tpu.dynamic_rotate %get3A_339 by %roll3A_481 dim 0 : vector<32x768xf32>, i32 -> vector<32x768xf32>
    %add3A_483 = arith.addf %get3A_339, %roll3A_482 : vector<32x768xf32>
    %add3A_484 = arith.addf %add3A_480, %add3A_483 : vector<32x768xf32>
    %dot_general3A_485 = arith.constant dense<0.000000e+00> : vector<16x768xf32>
    %dot_general3A_486 = tpu.matmul %convert_element_type3A_9, %add3A_484, %dot_general3A_485 {dimension_numbers = #tpu.dot_dimension_numbers<[1], [0], [0], [1], [0, 0, 1, 1], [], []>, transpose_lhs_hint = false} : vector<16x32xf32>, vector<32x768xf32>, vector<16x768xf32> -> vector<16x768xf32>
    %mul3A_487 = arith.constant 2.500000e-01 : f32
    %mul3A_488 = vector.broadcast %mul3A_487 : f32 to vector<16x768xf32>
    %mul3A_489 = arith.mulf %dot_general3A_486, %mul3A_488 : vector<16x768xf32>
    %swap3A_490 = arith.constant 0 : index
    %swap3A_491 = arith.constant 32 : index
    %swap3A_492 = arith.constant 0 : index
    %swap3A_493 = vector.load %arg3[%swap3A_490, %swap3A_491, %swap3A_492] : memref<1x256x768xf32, #tpu.memory_space<vmem>>, vector<1x16x768xf32>
    %swap3A_494 = vector.shape_cast %swap3A_493 : vector<1x16x768xf32> to vector<16x768xf32>
    %swap3A_495 = vector.shape_cast %mul3A_489 : vector<16x768xf32> to vector<1x16x768xf32>
    tpu.vector_store %arg3[%swap3A_490, %swap3A_491, %swap3A_492], %swap3A_495 {strides = array<i32>} : memref<1x256x768xf32, #tpu.memory_space<vmem>>, vector<1x16x768xf32>,
    %get3A_496 = arith.constant 0 : index
    %get3A_497 = arith.constant 192 : index
    %get3A_498 = arith.constant 0 : index
    %get3A_499 = vector.load %arg1[%get3A_496, %get3A_497, %get3A_498] : memref<1x1024x768xf32, #tpu.memory_space<vmem>>, vector<1x32x768xf32>
    %get3A_500 = vector.shape_cast %get3A_499 : vector<1x32x768xf32> to vector<32x768xf32>
    %get3A_501 = arith.constant 0 : index
    %get3A_502 = arith.constant 224 : index
    %get3A_503 = arith.constant 0 : index
    %get3A_504 = vector.load %arg1[%get3A_501, %get3A_502, %get3A_503] : memref<1x1024x768xf32, #tpu.memory_space<vmem>>, vector<1x32x768xf32>
    %get3A_505 = vector.shape_cast %get3A_504 : vector<1x32x768xf32> to vector<32x768xf32>
    %roll3A_506 = arith.constant 1 : i32
    %roll3A_507 = tpu.dynamic_rotate %get3A_500 by %roll3A_506 dim 0 : vector<32x768xf32>, i32 -> vector<32x768xf32>
    %broadcast_in_dim3A_508 = vector.shape_cast %eq3A_3 : vector<32x1xi1> to vector<32x1xi1>
    %broadcast_in_dim3A_509 = vector.broadcast %broadcast_in_dim3A_508 : vector<32x1xi1> to vector<32x768xi1>
    %select_n3A_510 = arith.select %broadcast_in_dim3A_509, %roll3A_507, %get3A_500 : vector<32x768xi1>, vector<32x768xf32>
    %mul3A_511 = arith.mulf %select_n3A_510, %get3A_500 : vector<32x768xf32>
    %slice3A_512 = vector.extract_strided_slice %mul3A_511 {offsets = [0, 0], sizes = [32, 128], strides = [1, 1]} : vector<32x768xf32> to vector<32x128xf32>
    %slice3A_513 = vector.extract_strided_slice %mul3A_511 {offsets = [0, 128], sizes = [32, 128], strides = [1, 1]} : vector<32x768xf32> to vector<32x128xf32>
    %add3A_514 = arith.addf %slice3A_512, %slice3A_513 : vector<32x128xf32>
    %reduce_sum3A_515 = arith.constant dense<0.000000e+00> : vector<32xf32>
    %reduce_sum3A_516 = vector.multi_reduction <add>, %add3A_514, %reduce_sum3A_515 [1] : vector<32x128xf32> to vector<32xf32>
    %broadcast_in_dim3A_517 = vector.shape_cast %reduce_sum3A_516 : vector<32xf32> to vector<32x1xf32>
    %slice3A_518 = vector.extract_strided_slice %mul3A_511 {offsets = [0, 256], sizes = [32, 128], strides = [1, 1]} : vector<32x768xf32> to vector<32x128xf32>
    %slice3A_519 = vector.extract_strided_slice %mul3A_511 {offsets = [0, 384], sizes = [32, 128], strides = [1, 1]} : vector<32x768xf32> to vector<32x128xf32>
    %add3A_520 = arith.addf %slice3A_518, %slice3A_519 : vector<32x128xf32>
    %reduce_sum3A_521 = arith.constant dense<0.000000e+00> : vector<32xf32>
    %reduce_sum3A_522 = vector.multi_reduction <add>, %add3A_520, %reduce_sum3A_521 [1] : vector<32x128xf32> to vector<32xf32>
    %broadcast_in_dim3A_523 = vector.shape_cast %reduce_sum3A_522 : vector<32xf32> to vector<32x1xf32>
    %slice3A_524 = vector.extract_strided_slice %mul3A_511 {offsets = [0, 512], sizes = [32, 128], strides = [1, 1]} : vector<32x768xf32> to vector<32x128xf32>
    %slice3A_525 = vector.extract_strided_slice %mul3A_511 {offsets = [0, 640], sizes = [32, 128], strides = [1, 1]} : vector<32x768xf32> to vector<32x128xf32>
    %add3A_526 = arith.addf %slice3A_524, %slice3A_525 : vector<32x128xf32>
    %reduce_sum3A_527 = arith.constant dense<0.000000e+00> : vector<32xf32>
    %reduce_sum3A_528 = vector.multi_reduction <add>, %add3A_526, %reduce_sum3A_527 [1] : vector<32x128xf32> to vector<32xf32>
    %broadcast_in_dim3A_529 = vector.shape_cast %reduce_sum3A_528 : vector<32xf32> to vector<32x1xf32>
    %add3A_530 = arith.addf %broadcast_in_dim3A_517, %broadcast_in_dim3A_523 : vector<32x1xf32>
    %add3A_531 = arith.addf %add3A_530, %broadcast_in_dim3A_529 : vector<32x1xf32>
    %mul3A_532 = arith.mulf %select_n3A_510, %get3A_505 : vector<32x768xf32>
    %slice3A_533 = vector.extract_strided_slice %mul3A_532 {offsets = [0, 0], sizes = [32, 128], strides = [1, 1]} : vector<32x768xf32> to vector<32x128xf32>
    %slice3A_534 = vector.extract_strided_slice %mul3A_532 {offsets = [0, 128], sizes = [32, 128], strides = [1, 1]} : vector<32x768xf32> to vector<32x128xf32>
    %add3A_535 = arith.addf %slice3A_533, %slice3A_534 : vector<32x128xf32>
    %reduce_sum3A_536 = arith.constant dense<0.000000e+00> : vector<32xf32>
    %reduce_sum3A_537 = vector.multi_reduction <add>, %add3A_535, %reduce_sum3A_536 [1] : vector<32x128xf32> to vector<32xf32>
    %broadcast_in_dim3A_538 = vector.shape_cast %reduce_sum3A_537 : vector<32xf32> to vector<32x1xf32>
    %slice3A_539 = vector.extract_strided_slice %mul3A_532 {offsets = [0, 256], sizes = [32, 128], strides = [1, 1]} : vector<32x768xf32> to vector<32x128xf32>
    %slice3A_540 = vector.extract_strided_slice %mul3A_532 {offsets = [0, 384], sizes = [32, 128], strides = [1, 1]} : vector<32x768xf32> to vector<32x128xf32>
    %add3A_541 = arith.addf %slice3A_539, %slice3A_540 : vector<32x128xf32>
    %reduce_sum3A_542 = arith.constant dense<0.000000e+00> : vector<32xf32>
    %reduce_sum3A_543 = vector.multi_reduction <add>, %add3A_541, %reduce_sum3A_542 [1] : vector<32x128xf32> to vector<32xf32>
    %broadcast_in_dim3A_544 = vector.shape_cast %reduce_sum3A_543 : vector<32xf32> to vector<32x1xf32>
    %slice3A_545 = vector.extract_strided_slice %mul3A_532 {offsets = [0, 512], sizes = [32, 128], strides = [1, 1]} : vector<32x768xf32> to vector<32x128xf32>
    %slice3A_546 = vector.extract_strided_slice %mul3A_532 {offsets = [0, 640], sizes = [32, 128], strides = [1, 1]} : vector<32x768xf32> to vector<32x128xf32>
    %add3A_547 = arith.addf %slice3A_545, %slice3A_546 : vector<32x128xf32>
    %reduce_sum3A_548 = arith.constant dense<0.000000e+00> : vector<32xf32>
    %reduce_sum3A_549 = vector.multi_reduction <add>, %add3A_547, %reduce_sum3A_548 [1] : vector<32x128xf32> to vector<32xf32>
    %broadcast_in_dim3A_550 = vector.shape_cast %reduce_sum3A_549 : vector<32xf32> to vector<32x1xf32>
    %add3A_551 = arith.addf %broadcast_in_dim3A_538, %broadcast_in_dim3A_544 : vector<32x1xf32>
    %add3A_552 = arith.addf %add3A_551, %broadcast_in_dim3A_550 : vector<32x1xf32>
    %mul3A_553 = arith.mulf %get3A_500, %get3A_500 : vector<32x768xf32>
    %slice3A_554 = vector.extract_strided_slice %mul3A_553 {offsets = [0, 0], sizes = [32, 128], strides = [1, 1]} : vector<32x768xf32> to vector<32x128xf32>
    %slice3A_555 = vector.extract_strided_slice %mul3A_553 {offsets = [0, 128], sizes = [32, 128], strides = [1, 1]} : vector<32x768xf32> to vector<32x128xf32>
    %add3A_556 = arith.addf %slice3A_554, %slice3A_555 : vector<32x128xf32>
    %reduce_sum3A_557 = arith.constant dense<0.000000e+00> : vector<32xf32>
    %reduce_sum3A_558 = vector.multi_reduction <add>, %add3A_556, %reduce_sum3A_557 [1] : vector<32x128xf32> to vector<32xf32>
    %broadcast_in_dim3A_559 = vector.shape_cast %reduce_sum3A_558 : vector<32xf32> to vector<32x1xf32>
    %slice3A_560 = vector.extract_strided_slice %mul3A_553 {offsets = [0, 256], sizes = [32, 128], strides = [1, 1]} : vector<32x768xf32> to vector<32x128xf32>
    %slice3A_561 = vector.extract_strided_slice %mul3A_553 {offsets = [0, 384], sizes = [32, 128], strides = [1, 1]} : vector<32x768xf32> to vector<32x128xf32>
    %add3A_562 = arith.addf %slice3A_560, %slice3A_561 : vector<32x128xf32>
    %reduce_sum3A_563 = arith.constant dense<0.000000e+00> : vector<32xf32>
    %reduce_sum3A_564 = vector.multi_reduction <add>, %add3A_562, %reduce_sum3A_563 [1] : vector<32x128xf32> to vector<32xf32>
    %broadcast_in_dim3A_565 = vector.shape_cast %reduce_sum3A_564 : vector<32xf32> to vector<32x1xf32>
    %slice3A_566 = vector.extract_strided_slice %mul3A_553 {offsets = [0, 512], sizes = [32, 128], strides = [1, 1]} : vector<32x768xf32> to vector<32x128xf32>
    %slice3A_567 = vector.extract_strided_slice %mul3A_553 {offsets = [0, 640], sizes = [32, 128], strides = [1, 1]} : vector<32x768xf32> to vector<32x128xf32>
    %add3A_568 = arith.addf %slice3A_566, %slice3A_567 : vector<32x128xf32>
    %reduce_sum3A_569 = arith.constant dense<0.000000e+00> : vector<32xf32>
    %reduce_sum3A_570 = vector.multi_reduction <add>, %add3A_568, %reduce_sum3A_569 [1] : vector<32x128xf32> to vector<32xf32>
    %broadcast_in_dim3A_571 = vector.shape_cast %reduce_sum3A_570 : vector<32xf32> to vector<32x1xf32>
    %add3A_572 = arith.addf %broadcast_in_dim3A_559, %broadcast_in_dim3A_565 : vector<32x1xf32>
    %add3A_573 = arith.addf %add3A_572, %broadcast_in_dim3A_571 : vector<32x1xf32>
    %mul3A_574 = arith.mulf %get3A_505, %get3A_505 : vector<32x768xf32>
    %slice3A_575 = vector.extract_strided_slice %mul3A_574 {offsets = [0, 0], sizes = [32, 128], strides = [1, 1]} : vector<32x768xf32> to vector<32x128xf32>
    %slice3A_576 = vector.extract_strided_slice %mul3A_574 {offsets = [0, 128], sizes = [32, 128], strides = [1, 1]} : vector<32x768xf32> to vector<32x128xf32>
    %add3A_577 = arith.addf %slice3A_575, %slice3A_576 : vector<32x128xf32>
    %reduce_sum3A_578 = arith.constant dense<0.000000e+00> : vector<32xf32>
    %reduce_sum3A_579 = vector.multi_reduction <add>, %add3A_577, %reduce_sum3A_578 [1] : vector<32x128xf32> to vector<32xf32>
    %broadcast_in_dim3A_580 = vector.shape_cast %reduce_sum3A_579 : vector<32xf32> to vector<32x1xf32>
    %slice3A_581 = vector.extract_strided_slice %mul3A_574 {offsets = [0, 256], sizes = [32, 128], strides = [1, 1]} : vector<32x768xf32> to vector<32x128xf32>
    %slice3A_582 = vector.extract_strided_slice %mul3A_574 {offsets = [0, 384], sizes = [32, 128], strides = [1, 1]} : vector<32x768xf32> to vector<32x128xf32>
    %add3A_583 = arith.addf %slice3A_581, %slice3A_582 : vector<32x128xf32>
    %reduce_sum3A_584 = arith.constant dense<0.000000e+00> : vector<32xf32>
    %reduce_sum3A_585 = vector.multi_reduction <add>, %add3A_583, %reduce_sum3A_584 [1] : vector<32x128xf32> to vector<32xf32>
    %broadcast_in_dim3A_586 = vector.shape_cast %reduce_sum3A_585 : vector<32xf32> to vector<32x1xf32>
    %slice3A_587 = vector.extract_strided_slice %mul3A_574 {offsets = [0, 512], sizes = [32, 128], strides = [1, 1]} : vector<32x768xf32> to vector<32x128xf32>
    %slice3A_588 = vector.extract_strided_slice %mul3A_574 {offsets = [0, 640], sizes = [32, 128], strides = [1, 1]} : vector<32x768xf32> to vector<32x128xf32>
    %add3A_589 = arith.addf %slice3A_587, %slice3A_588 : vector<32x128xf32>
    %reduce_sum3A_590 = arith.constant dense<0.000000e+00> : vector<32xf32>
    %reduce_sum3A_591 = vector.multi_reduction <add>, %add3A_589, %reduce_sum3A_590 [1] : vector<32x128xf32> to vector<32xf32>
    %broadcast_in_dim3A_592 = vector.shape_cast %reduce_sum3A_591 : vector<32xf32> to vector<32x1xf32>
    %add3A_593 = arith.addf %broadcast_in_dim3A_580, %broadcast_in_dim3A_586 : vector<32x1xf32>
    %add3A_594 = arith.addf %add3A_593, %broadcast_in_dim3A_592 : vector<32x1xf32>
    %mul3A_595 = arith.mulf %select_n3A_510, %select_n3A_510 : vector<32x768xf32>
    %slice3A_596 = vector.extract_strided_slice %mul3A_595 {offsets = [0, 0], sizes = [32, 128], strides = [1, 1]} : vector<32x768xf32> to vector<32x128xf32>
    %slice3A_597 = vector.extract_strided_slice %mul3A_595 {offsets = [0, 128], sizes = [32, 128], strides = [1, 1]} : vector<32x768xf32> to vector<32x128xf32>
    %add3A_598 = arith.addf %slice3A_596, %slice3A_597 : vector<32x128xf32>
    %reduce_sum3A_599 = arith.constant dense<0.000000e+00> : vector<32xf32>
    %reduce_sum3A_600 = vector.multi_reduction <add>, %add3A_598, %reduce_sum3A_599 [1] : vector<32x128xf32> to vector<32xf32>
    %broadcast_in_dim3A_601 = vector.shape_cast %reduce_sum3A_600 : vector<32xf32> to vector<32x1xf32>
    %slice3A_602 = vector.extract_strided_slice %mul3A_595 {offsets = [0, 256], sizes = [32, 128], strides = [1, 1]} : vector<32x768xf32> to vector<32x128xf32>
    %slice3A_603 = vector.extract_strided_slice %mul3A_595 {offsets = [0, 384], sizes = [32, 128], strides = [1, 1]} : vector<32x768xf32> to vector<32x128xf32>
    %add3A_604 = arith.addf %slice3A_602, %slice3A_603 : vector<32x128xf32>
    %reduce_sum3A_605 = arith.constant dense<0.000000e+00> : vector<32xf32>
    %reduce_sum3A_606 = vector.multi_reduction <add>, %add3A_604, %reduce_sum3A_605 [1] : vector<32x128xf32> to vector<32xf32>
    %broadcast_in_dim3A_607 = vector.shape_cast %reduce_sum3A_606 : vector<32xf32> to vector<32x1xf32>
    %slice3A_608 = vector.extract_strided_slice %mul3A_595 {offsets = [0, 512], sizes = [32, 128], strides = [1, 1]} : vector<32x768xf32> to vector<32x128xf32>
    %slice3A_609 = vector.extract_strided_slice %mul3A_595 {offsets = [0, 640], sizes = [32, 128], strides = [1, 1]} : vector<32x768xf32> to vector<32x128xf32>
    %add3A_610 = arith.addf %slice3A_608, %slice3A_609 : vector<32x128xf32>
    %reduce_sum3A_611 = arith.constant dense<0.000000e+00> : vector<32xf32>
    %reduce_sum3A_612 = vector.multi_reduction <add>, %add3A_610, %reduce_sum3A_611 [1] : vector<32x128xf32> to vector<32xf32>
    %broadcast_in_dim3A_613 = vector.shape_cast %reduce_sum3A_612 : vector<32xf32> to vector<32x1xf32>
    %add3A_614 = arith.addf %broadcast_in_dim3A_601, %broadcast_in_dim3A_607 : vector<32x1xf32>
    %add3A_615 = arith.addf %add3A_614, %broadcast_in_dim3A_613 : vector<32x1xf32>
    %sqrt3A_616 = math.sqrt %add3A_615 : vector<32x1xf32>
    %sqrt3A_617 = math.sqrt %add3A_573 : vector<32x1xf32>
    %mul3A_618 = arith.mulf %sqrt3A_616, %sqrt3A_617 : vector<32x1xf32>
    %max3A_619 = arith.constant 9.99999993E-9 : f32
    %max3A_620 = vector.broadcast %max3A_619 : f32 to vector<32x1xf32>
    %max3A_621 = arith.maximumf %mul3A_618, %max3A_620 : vector<32x1xf32>
    %div3A_622 = arith.divf %add3A_531, %max3A_621 : vector<32x1xf32>
    %sqrt3A_623 = math.sqrt %add3A_594 : vector<32x1xf32>
    %mul3A_624 = arith.mulf %sqrt3A_616, %sqrt3A_623 : vector<32x1xf32>
    %max3A_625 = arith.constant 9.99999993E-9 : f32
    %max3A_626 = vector.broadcast %max3A_625 : f32 to vector<32x1xf32>
    %max3A_627 = arith.maximumf %mul3A_624, %max3A_626 : vector<32x1xf32>
    %div3A_628 = arith.divf %add3A_552, %max3A_627 : vector<32x1xf32>
    %add3A_629 = arith.addf %div3A_622, %div3A_628 : vector<32x1xf32>
    %roll3A_630 = arith.constant 31 : i32
    %roll3A_631 = tpu.dynamic_rotate %add3A_629 by %roll3A_630 dim 0 : vector<32x1xf32>, i32 -> vector<32x1xf32>
    %add3A_632 = arith.addf %add3A_629, %roll3A_631 : vector<32x1xf32>
    %mul3A_633 = arith.constant 2.500000e-01 : f32
    %mul3A_634 = vector.broadcast %mul3A_633 : f32 to vector<32x1xf32>
    %mul3A_635 = arith.mulf %add3A_632, %mul3A_634 : vector<32x1xf32>
    %dot_general3A_636 = arith.constant dense<0.000000e+00> : vector<16x1xf32>
    %dot_general3A_637 = tpu.matmul %convert_element_type3A_9, %mul3A_635, %dot_general3A_636 {dimension_numbers = #tpu.dot_dimension_numbers<[1], [0], [0], [1], [0, 0, 1, 1], [], []>, precision = #tpu.contract_precision<fp32>, transpose_lhs_hint = false} : vector<16x32xf32>, vector<32x1xf32>, vector<16x1xf32> -> vector<16x1xf32>
    %swap3A_638 = arith.constant 0 : index
    %swap3A_639 = arith.constant 48 : index
    %swap3A_640 = arith.constant 0 : index
    %swap3A_641 = vector.load %arg2[%swap3A_638, %swap3A_639, %swap3A_640] : memref<1x256x1xf32, #tpu.memory_space<vmem>>, vector<1x16x1xf32>
    %swap3A_642 = vector.shape_cast %swap3A_641 : vector<1x16x1xf32> to vector<16x1xf32>
    %swap3A_643 = vector.shape_cast %dot_general3A_637 : vector<16x1xf32> to vector<1x16x1xf32>
    tpu.vector_store %arg2[%swap3A_638, %swap3A_639, %swap3A_640], %swap3A_643 {strides = array<i32>} : memref<1x256x1xf32, #tpu.memory_space<vmem>>, vector<1x16x1xf32>,
    %roll3A_644 = arith.constant 31 : i32
    %roll3A_645 = tpu.dynamic_rotate %get3A_500 by %roll3A_644 dim 0 : vector<32x768xf32>, i32 -> vector<32x768xf32>
    %add3A_646 = arith.addf %get3A_500, %roll3A_645 : vector<32x768xf32>
    %roll3A_647 = arith.constant 31 : i32
    %roll3A_648 = tpu.dynamic_rotate %get3A_505 by %roll3A_647 dim 0 : vector<32x768xf32>, i32 -> vector<32x768xf32>
    %add3A_649 = arith.addf %get3A_505, %roll3A_648 : vector<32x768xf32>
    %add3A_650 = arith.addf %add3A_646, %add3A_649 : vector<32x768xf32>
    %dot_general3A_651 = arith.constant dense<0.000000e+00> : vector<16x768xf32>
    %dot_general3A_652 = tpu.matmul %convert_element_type3A_9, %add3A_650, %dot_general3A_651 {dimension_numbers = #tpu.dot_dimension_numbers<[1], [0], [0], [1], [0, 0, 1, 1], [], []>, transpose_lhs_hint = false} : vector<16x32xf32>, vector<32x768xf32>, vector<16x768xf32> -> vector<16x768xf32>
    %mul3A_653 = arith.constant 2.500000e-01 : f32
    %mul3A_654 = vector.broadcast %mul3A_653 : f32 to vector<16x768xf32>
    %mul3A_655 = arith.mulf %dot_general3A_652, %mul3A_654 : vector<16x768xf32>
    %swap3A_656 = arith.constant 0 : index
    %swap3A_657 = arith.constant 48 : index
    %swap3A_658 = arith.constant 0 : index
    %swap3A_659 = vector.load %arg3[%swap3A_656, %swap3A_657, %swap3A_658] : memref<1x256x768xf32, #tpu.memory_space<vmem>>, vector<1x16x768xf32>
    %swap3A_660 = vector.shape_cast %swap3A_659 : vector<1x16x768xf32> to vector<16x768xf32>
    %swap3A_661 = vector.shape_cast %mul3A_655 : vector<16x768xf32> to vector<1x16x768xf32>
    tpu.vector_store %arg3[%swap3A_656, %swap3A_657, %swap3A_658], %swap3A_661 {strides = array<i32>} : memref<1x256x768xf32, #tpu.memory_space<vmem>>, vector<1x16x768xf32>,
    %get3A_662 = arith.constant 0 : index
    %get3A_663 = arith.constant 256 : index
    %get3A_664 = arith.constant 0 : index
    %get3A_665 = vector.load %arg1[%get3A_662, %get3A_663, %get3A_664] : memref<1x1024x768xf32, #tpu.memory_space<vmem>>, vector<1x32x768xf32>
    %get3A_666 = vector.shape_cast %get3A_665 : vector<1x32x768xf32> to vector<32x768xf32>
    %get3A_667 = arith.constant 0 : index
    %get3A_668 = arith.constant 288 : index
    %get3A_669 = arith.constant 0 : index
    %get3A_670 = vector.load %arg1[%get3A_667, %get3A_668, %get3A_669] : memref<1x1024x768xf32, #tpu.memory_space<vmem>>, vector<1x32x768xf32>
    %get3A_671 = vector.shape_cast %get3A_670 : vector<1x32x768xf32> to vector<32x768xf32>
    %roll3A_672 = arith.constant 1 : i32
    %roll3A_673 = tpu.dynamic_rotate %get3A_666 by %roll3A_672 dim 0 : vector<32x768xf32>, i32 -> vector<32x768xf32>
    %broadcast_in_dim3A_674 = vector.shape_cast %eq3A_3 : vector<32x1xi1> to vector<32x1xi1>
    %broadcast_in_dim3A_675 = vector.broadcast %broadcast_in_dim3A_674 : vector<32x1xi1> to vector<32x768xi1>
    %select_n3A_676 = arith.select %broadcast_in_dim3A_675, %roll3A_673, %get3A_666 : vector<32x768xi1>, vector<32x768xf32>
    %mul3A_677 = arith.mulf %select_n3A_676, %get3A_666 : vector<32x768xf32>
    %slice3A_678 = vector.extract_strided_slice %mul3A_677 {offsets = [0, 0], sizes = [32, 128], strides = [1, 1]} : vector<32x768xf32> to vector<32x128xf32>
    %slice3A_679 = vector.extract_strided_slice %mul3A_677 {offsets = [0, 128], sizes = [32, 128], strides = [1, 1]} : vector<32x768xf32> to vector<32x128xf32>
    %add3A_680 = arith.addf %slice3A_678, %slice3A_679 : vector<32x128xf32>
    %reduce_sum3A_681 = arith.constant dense<0.000000e+00> : vector<32xf32>
    %reduce_sum3A_682 = vector.multi_reduction <add>, %add3A_680, %reduce_sum3A_681 [1] : vector<32x128xf32> to vector<32xf32>
    %broadcast_in_dim3A_683 = vector.shape_cast %reduce_sum3A_682 : vector<32xf32> to vector<32x1xf32>
    %slice3A_684 = vector.extract_strided_slice %mul3A_677 {offsets = [0, 256], sizes = [32, 128], strides = [1, 1]} : vector<32x768xf32> to vector<32x128xf32>
    %slice3A_685 = vector.extract_strided_slice %mul3A_677 {offsets = [0, 384], sizes = [32, 128], strides = [1, 1]} : vector<32x768xf32> to vector<32x128xf32>
    %add3A_686 = arith.addf %slice3A_684, %slice3A_685 : vector<32x128xf32>
    %reduce_sum3A_687 = arith.constant dense<0.000000e+00> : vector<32xf32>
    %reduce_sum3A_688 = vector.multi_reduction <add>, %add3A_686, %reduce_sum3A_687 [1] : vector<32x128xf32> to vector<32xf32>
    %broadcast_in_dim3A_689 = vector.shape_cast %reduce_sum3A_688 : vector<32xf32> to vector<32x1xf32>
    %slice3A_690 = vector.extract_strided_slice %mul3A_677 {offsets = [0, 512], sizes = [32, 128], strides = [1, 1]} : vector<32x768xf32> to vector<32x128xf32>
    %slice3A_691 = vector.extract_strided_slice %mul3A_677 {offsets = [0, 640], sizes = [32, 128], strides = [1, 1]} : vector<32x768xf32> to vector<32x128xf32>
    %add3A_692 = arith.addf %slice3A_690, %slice3A_691 : vector<32x128xf32>
    %reduce_sum3A_693 = arith.constant dense<0.000000e+00> : vector<32xf32>
    %reduce_sum3A_694 = vector.multi_reduction <add>, %add3A_692, %reduce_sum3A_693 [1] : vector<32x128xf32> to vector<32xf32>
    %broadcast_in_dim3A_695 = vector.shape_cast %reduce_sum3A_694 : vector<32xf32> to vector<32x1xf32>
    %add3A_696 = arith.addf %broadcast_in_dim3A_683, %broadcast_in_dim3A_689 : vector<32x1xf32>
    %add3A_697 = arith.addf %add3A_696, %broadcast_in_dim3A_695 : vector<32x1xf32>
    %mul3A_698 = arith.mulf %select_n3A_676, %get3A_671 : vector<32x768xf32>
    %slice3A_699 = vector.extract_strided_slice %mul3A_698 {offsets = [0, 0], sizes = [32, 128], strides = [1, 1]} : vector<32x768xf32> to vector<32x128xf32>
    %slice3A_700 = vector.extract_strided_slice %mul3A_698 {offsets = [0, 128], sizes = [32, 128], strides = [1, 1]} : vector<32x768xf32> to vector<32x128xf32>
    %add3A_701 = arith.addf %slice3A_699, %slice3A_700 : vector<32x128xf32>
    %reduce_sum3A_702 = arith.constant dense<0.000000e+00> : vector<32xf32>
    %reduce_sum3A_703 = vector.multi_reduction <add>, %add3A_701, %reduce_sum3A_702 [1] : vector<32x128xf32> to vector<32xf32>
    %broadcast_in_dim3A_704 = vector.shape_cast %reduce_sum3A_703 : vector<32xf32> to vector<32x1xf32>
    %slice3A_705 = vector.extract_strided_slice %mul3A_698 {offsets = [0, 256], sizes = [32, 128], strides = [1, 1]} : vector<32x768xf32> to vector<32x128xf32>
    %slice3A_706 = vector.extract_strided_slice %mul3A_698 {offsets = [0, 384], sizes = [32, 128], strides = [1, 1]} : vector<32x768xf32> to vector<32x128xf32>
    %add3A_707 = arith.addf %slice3A_705, %slice3A_706 : vector<32x128xf32>
    %reduce_sum3A_708 = arith.constant dense<0.000000e+00> : vector<32xf32>
    %reduce_sum3A_709 = vector.multi_reduction <add>, %add3A_707, %reduce_sum3A_708 [1] : vector<32x128xf32> to vector<32xf32>
    %broadcast_in_dim3A_710 = vector.shape_cast %reduce_sum3A_709 : vector<32xf32> to vector<32x1xf32>
    %slice3A_711 = vector.extract_strided_slice %mul3A_698 {offsets = [0, 512], sizes = [32, 128], strides = [1, 1]} : vector<32x768xf32> to vector<32x128xf32>
    %slice3A_712 = vector.extract_strided_slice %mul3A_698 {offsets = [0, 640], sizes = [32, 128], strides = [1, 1]} : vector<32x768xf32> to vector<32x128xf32>
    %add3A_713 = arith.addf %slice3A_711, %slice3A_712 : vector<32x128xf32>
    %reduce_sum3A_714 = arith.constant dense<0.000000e+00> : vector<32xf32>
    %reduce_sum3A_715 = vector.multi_reduction <add>, %add3A_713, %reduce_sum3A_714 [1] : vector<32x128xf32> to vector<32xf32>
    %broadcast_in_dim3A_716 = vector.shape_cast %reduce_sum3A_715 : vector<32xf32> to vector<32x1xf32>
    %add3A_717 = arith.addf %broadcast_in_dim3A_704, %broadcast_in_dim3A_710 : vector<32x1xf32>
    %add3A_718 = arith.addf %add3A_717, %broadcast_in_dim3A_716 : vector<32x1xf32>
    %mul3A_719 = arith.mulf %get3A_666, %get3A_666 : vector<32x768xf32>
    %slice3A_720 = vector.extract_strided_slice %mul3A_719 {offsets = [0, 0], sizes = [32, 128], strides = [1, 1]} : vector<32x768xf32> to vector<32x128xf32>
    %slice3A_721 = vector.extract_strided_slice %mul3A_719 {offsets = [0, 128], sizes = [32, 128], strides = [1, 1]} : vector<32x768xf32> to vector<32x128xf32>
    %add3A_722 = arith.addf %slice3A_720, %slice3A_721 : vector<32x128xf32>
    %reduce_sum3A_723 = arith.constant dense<0.000000e+00> : vector<32xf32>
    %reduce_sum3A_724 = vector.multi_reduction <add>, %add3A_722, %reduce_sum3A_723 [1] : vector<32x128xf32> to vector<32xf32>
    %broadcast_in_dim3A_725 = vector.shape_cast %reduce_sum3A_724 : vector<32xf32> to vector<32x1xf32>
    %slice3A_726 = vector.extract_strided_slice %mul3A_719 {offsets = [0, 256], sizes = [32, 128], strides = [1, 1]} : vector<32x768xf32> to vector<32x128xf32>
    %slice3A_727 = vector.extract_strided_slice %mul3A_719 {offsets = [0, 384], sizes = [32, 128], strides = [1, 1]} : vector<32x768xf32> to vector<32x128xf32>
    %add3A_728 = arith.addf %slice3A_726, %slice3A_727 : vector<32x128xf32>
    %reduce_sum3A_729 = arith.constant dense<0.000000e+00> : vector<32xf32>
    %reduce_sum3A_730 = vector.multi_reduction <add>, %add3A_728, %reduce_sum3A_729 [1] : vector<32x128xf32> to vector<32xf32>
    %broadcast_in_dim3A_731 = vector.shape_cast %reduce_sum3A_730 : vector<32xf32> to vector<32x1xf32>
    %slice3A_732 = vector.extract_strided_slice %mul3A_719 {offsets = [0, 512], sizes = [32, 128], strides = [1, 1]} : vector<32x768xf32> to vector<32x128xf32>
    %slice3A_733 = vector.extract_strided_slice %mul3A_719 {offsets = [0, 640], sizes = [32, 128], strides = [1, 1]} : vector<32x768xf32> to vector<32x128xf32>
    %add3A_734 = arith.addf %slice3A_732, %slice3A_733 : vector<32x128xf32>
    %reduce_sum3A_735 = arith.constant dense<0.000000e+00> : vector<32xf32>
    %reduce_sum3A_736 = vector.multi_reduction <add>, %add3A_734, %reduce_sum3A_735 [1] : vector<32x128xf32> to vector<32xf32>
    %broadcast_in_dim3A_737 = vector.shape_cast %reduce_sum3A_736 : vector<32xf32> to vector<32x1xf32>
    %add3A_738 = arith.addf %broadcast_in_dim3A_725, %broadcast_in_dim3A_731 : vector<32x1xf32>
    %add3A_739 = arith.addf %add3A_738, %broadcast_in_dim3A_737 : vector<32x1xf32>
    %mul3A_740 = arith.mulf %get3A_671, %get3A_671 : vector<32x768xf32>
    %slice3A_741 = vector.extract_strided_slice %mul3A_740 {offsets = [0, 0], sizes = [32, 128], strides = [1, 1]} : vector<32x768xf32> to vector<32x128xf32>
    %slice3A_742 = vector.extract_strided_slice %mul3A_740 {offsets = [0, 128], sizes = [32, 128], strides = [1, 1]} : vector<32x768xf32> to vector<32x128xf32>
    %add3A_743 = arith.addf %slice3A_741, %slice3A_742 : vector<32x128xf32>
    %reduce_sum3A_744 = arith.constant dense<0.000000e+00> : vector<32xf32>
    %reduce_sum3A_745 = vector.multi_reduction <add>, %add3A_743, %reduce_sum3A_744 [1] : vector<32x128xf32> to vector<32xf32>
    %broadcast_in_dim3A_746 = vector.shape_cast %reduce_sum3A_745 : vector<32xf32> to vector<32x1xf32>
    %slice3A_747 = vector.extract_strided_slice %mul3A_740 {offsets = [0, 256], sizes = [32, 128], strides = [1, 1]} : vector<32x768xf32> to vector<32x128xf32>
    %slice3A_748 = vector.extract_strided_slice %mul3A_740 {offsets = [0, 384], sizes = [32, 128], strides = [1, 1]} : vector<32x768xf32> to vector<32x128xf32>
    %add3A_749 = arith.addf %slice3A_747, %slice3A_748 : vector<32x128xf32>
    %reduce_sum3A_750 = arith.constant dense<0.000000e+00> : vector<32xf32>
    %reduce_sum3A_751 = vector.multi_reduction <add>, %add3A_749, %reduce_sum3A_750 [1] : vector<32x128xf32> to vector<32xf32>
    %broadcast_in_dim3A_752 = vector.shape_cast %reduce_sum3A_751 : vector<32xf32> to vector<32x1xf32>
    %slice3A_753 = vector.extract_strided_slice %mul3A_740 {offsets = [0, 512], sizes = [32, 128], strides = [1, 1]} : vector<32x768xf32> to vector<32x128xf32>
    %slice3A_754 = vector.extract_strided_slice %mul3A_740 {offsets = [0, 640], sizes = [32, 128], strides = [1, 1]} : vector<32x768xf32> to vector<32x128xf32>
    %add3A_755 = arith.addf %slice3A_753, %slice3A_754 : vector<32x128xf32>
    %reduce_sum3A_756 = arith.constant dense<0.000000e+00> : vector<32xf32>
    %reduce_sum3A_757 = vector.multi_reduction <add>, %add3A_755, %reduce_sum3A_756 [1] : vector<32x128xf32> to vector<32xf32>
    %broadcast_in_dim3A_758 = vector.shape_cast %reduce_sum3A_757 : vector<32xf32> to vector<32x1xf32>
    %add3A_759 = arith.addf %broadcast_in_dim3A_746, %broadcast_in_dim3A_752 : vector<32x1xf32>
    %add3A_760 = arith.addf %add3A_759, %broadcast_in_dim3A_758 : vector<32x1xf32>
    %mul3A_761 = arith.mulf %select_n3A_676, %select_n3A_676 : vector<32x768xf32>
    %slice3A_762 = vector.extract_strided_slice %mul3A_761 {offsets = [0, 0], sizes = [32, 128], strides = [1, 1]} : vector<32x768xf32> to vector<32x128xf32>
    %slice3A_763 = vector.extract_strided_slice %mul3A_761 {offsets = [0, 128], sizes = [32, 128], strides = [1, 1]} : vector<32x768xf32> to vector<32x128xf32>
    %add3A_764 = arith.addf %slice3A_762, %slice3A_763 : vector<32x128xf32>
    %reduce_sum3A_765 = arith.constant dense<0.000000e+00> : vector<32xf32>
    %reduce_sum3A_766 = vector.multi_reduction <add>, %add3A_764, %reduce_sum3A_765 [1] : vector<32x128xf32> to vector<32xf32>
    %broadcast_in_dim3A_767 = vector.shape_cast %reduce_sum3A_766 : vector<32xf32> to vector<32x1xf32>
    %slice3A_768 = vector.extract_strided_slice %mul3A_761 {offsets = [0, 256], sizes = [32, 128], strides = [1, 1]} : vector<32x768xf32> to vector<32x128xf32>
    %slice3A_769 = vector.extract_strided_slice %mul3A_761 {offsets = [0, 384], sizes = [32, 128], strides = [1, 1]} : vector<32x768xf32> to vector<32x128xf32>
    %add3A_770 = arith.addf %slice3A_768, %slice3A_769 : vector<32x128xf32>
    %reduce_sum3A_771 = arith.constant dense<0.000000e+00> : vector<32xf32>
    %reduce_sum3A_772 = vector.multi_reduction <add>, %add3A_770, %reduce_sum3A_771 [1] : vector<32x128xf32> to vector<32xf32>
    %broadcast_in_dim3A_773 = vector.shape_cast %reduce_sum3A_772 : vector<32xf32> to vector<32x1xf32>
    %slice3A_774 = vector.extract_strided_slice %mul3A_761 {offsets = [0, 512], sizes = [32, 128], strides = [1, 1]} : vector<32x768xf32> to vector<32x128xf32>
    %slice3A_775 = vector.extract_strided_slice %mul3A_761 {offsets = [0, 640], sizes = [32, 128], strides = [1, 1]} : vector<32x768xf32> to vector<32x128xf32>
    %add3A_776 = arith.addf %slice3A_774, %slice3A_775 : vector<32x128xf32>
    %reduce_sum3A_777 = arith.constant dense<0.000000e+00> : vector<32xf32>
    %reduce_sum3A_778 = vector.multi_reduction <add>, %add3A_776, %reduce_sum3A_777 [1] : vector<32x128xf32> to vector<32xf32>
    %broadcast_in_dim3A_779 = vector.shape_cast %reduce_sum3A_778 : vector<32xf32> to vector<32x1xf32>
    %add3A_780 = arith.addf %broadcast_in_dim3A_767, %broadcast_in_dim3A_773 : vector<32x1xf32>
    %add3A_781 = arith.addf %add3A_780, %broadcast_in_dim3A_779 : vector<32x1xf32>
    %sqrt3A_782 = math.sqrt %add3A_781 : vector<32x1xf32>
    %sqrt3A_783 = math.sqrt %add3A_739 : vector<32x1xf32>
    %mul3A_784 = arith.mulf %sqrt3A_782, %sqrt3A_783 : vector<32x1xf32>
    %max3A_785 = arith.constant 9.99999993E-9 : f32
    %max3A_786 = vector.broadcast %max3A_785 : f32 to vector<32x1xf32>
    %max3A_787 = arith.maximumf %mul3A_784, %max3A_786 : vector<32x1xf32>
    %div3A_788 = arith.divf %add3A_697, %max3A_787 : vector<32x1xf32>
    %sqrt3A_789 = math.sqrt %add3A_760 : vector<32x1xf32>
    %mul3A_790 = arith.mulf %sqrt3A_782, %sqrt3A_789 : vector<32x1xf32>
    %max3A_791 = arith.constant 9.99999993E-9 : f32
    %max3A_792 = vector.broadcast %max3A_791 : f32 to vector<32x1xf32>
    %max3A_793 = arith.maximumf %mul3A_790, %max3A_792 : vector<32x1xf32>
    %div3A_794 = arith.divf %add3A_718, %max3A_793 : vector<32x1xf32>
    %add3A_795 = arith.addf %div3A_788, %div3A_794 : vector<32x1xf32>
    %roll3A_796 = arith.constant 31 : i32
    %roll3A_797 = tpu.dynamic_rotate %add3A_795 by %roll3A_796 dim 0 : vector<32x1xf32>, i32 -> vector<32x1xf32>
    %add3A_798 = arith.addf %add3A_795, %roll3A_797 : vector<32x1xf32>
    %mul3A_799 = arith.constant 2.500000e-01 : f32
    %mul3A_800 = vector.broadcast %mul3A_799 : f32 to vector<32x1xf32>
    %mul3A_801 = arith.mulf %add3A_798, %mul3A_800 : vector<32x1xf32>
    %dot_general3A_802 = arith.constant dense<0.000000e+00> : vector<16x1xf32>
    %dot_general3A_803 = tpu.matmul %convert_element_type3A_9, %mul3A_801, %dot_general3A_802 {dimension_numbers = #tpu.dot_dimension_numbers<[1], [0], [0], [1], [0, 0, 1, 1], [], []>, precision = #tpu.contract_precision<fp32>, transpose_lhs_hint = false} : vector<16x32xf32>, vector<32x1xf32>, vector<16x1xf32> -> vector<16x1xf32>
    %swap3A_804 = arith.constant 0 : index
    %swap3A_805 = arith.constant 64 : index
    %swap3A_806 = arith.constant 0 : index
    %swap3A_807 = vector.load %arg2[%swap3A_804, %swap3A_805, %swap3A_806] : memref<1x256x1xf32, #tpu.memory_space<vmem>>, vector<1x16x1xf32>
    %swap3A_808 = vector.shape_cast %swap3A_807 : vector<1x16x1xf32> to vector<16x1xf32>
    %swap3A_809 = vector.shape_cast %dot_general3A_803 : vector<16x1xf32> to vector<1x16x1xf32>
    tpu.vector_store %arg2[%swap3A_804, %swap3A_805, %swap3A_806], %swap3A_809 {strides = array<i32>} : memref<1x256x1xf32, #tpu.memory_space<vmem>>, vector<1x16x1xf32>,
    %roll3A_810 = arith.constant 31 : i32
    %roll3A_811 = tpu.dynamic_rotate %get3A_666 by %roll3A_810 dim 0 : vector<32x768xf32>, i32 -> vector<32x768xf32>
    %add3A_812 = arith.addf %get3A_666, %roll3A_811 : vector<32x768xf32>
    %roll3A_813 = arith.constant 31 : i32
    %roll3A_814 = tpu.dynamic_rotate %get3A_671 by %roll3A_813 dim 0 : vector<32x768xf32>, i32 -> vector<32x768xf32>
    %add3A_815 = arith.addf %get3A_671, %roll3A_814 : vector<32x768xf32>
    %add3A_816 = arith.addf %add3A_812, %add3A_815 : vector<32x768xf32>
    %dot_general3A_817 = arith.constant dense<0.000000e+00> : vector<16x768xf32>
    %dot_general3A_818 = tpu.matmul %convert_element_type3A_9, %add3A_816, %dot_general3A_817 {dimension_numbers = #tpu.dot_dimension_numbers<[1], [0], [0], [1], [0, 0, 1, 1], [], []>, transpose_lhs_hint = false} : vector<16x32xf32>, vector<32x768xf32>, vector<16x768xf32> -> vector<16x768xf32>
    %mul3A_819 = arith.constant 2.500000e-01 : f32
    %mul3A_820 = vector.broadcast %mul3A_819 : f32 to vector<16x768xf32>
    %mul3A_821 = arith.mulf %dot_general3A_818, %mul3A_820 : vector<16x768xf32>
    %swap3A_822 = arith.constant 0 : index
    %swap3A_823 = arith.constant 64 : index
    %swap3A_824 = arith.constant 0 : index
    %swap3A_825 = vector.load %arg3[%swap3A_822, %swap3A_823, %swap3A_824] : memref<1x256x768xf32, #tpu.memory_space<vmem>>, vector<1x16x768xf32>
    %swap3A_826 = vector.shape_cast %swap3A_825 : vector<1x16x768xf32> to vector<16x768xf32>
    %swap3A_827 = vector.shape_cast %mul3A_821 : vector<16x768xf32> to vector<1x16x768xf32>
    tpu.vector_store %arg3[%swap3A_822, %swap3A_823, %swap3A_824], %swap3A_827 {strides = array<i32>} : memref<1x256x768xf32, #tpu.memory_space<vmem>>, vector<1x16x768xf32>,
    %get3A_828 = arith.constant 0 : index
    %get3A_829 = arith.constant 320 : index
    %get3A_830 = arith.constant 0 : index
    %get3A_831 = vector.load %arg1[%get3A_828, %get3A_829, %get3A_830] : memref<1x1024x768xf32, #tpu.memory_space<vmem>>, vector<1x32x768xf32>
    %get3A_832 = vector.shape_cast %get3A_831 : vector<1x32x768xf32> to vector<32x768xf32>
    %get3A_833 = arith.constant 0 : index
    %get3A_834 = arith.constant 352 : index
    %get3A_835 = arith.constant 0 : index
    %get3A_836 = vector.load %arg1[%get3A_833, %get3A_834, %get3A_835] : memref<1x1024x768xf32, #tpu.memory_space<vmem>>, vector<1x32x768xf32>
    %get3A_837 = vector.shape_cast %get3A_836 : vector<1x32x768xf32> to vector<32x768xf32>
    %roll3A_838 = arith.constant 1 : i32
    %roll3A_839 = tpu.dynamic_rotate %get3A_832 by %roll3A_838 dim 0 : vector<32x768xf32>, i32 -> vector<32x768xf32>
    %broadcast_in_dim3A_840 = vector.shape_cast %eq3A_3 : vector<32x1xi1> to vector<32x1xi1>
    %broadcast_in_dim3A_841 = vector.broadcast %broadcast_in_dim3A_840 : vector<32x1xi1> to vector<32x768xi1>
    %select_n3A_842 = arith.select %broadcast_in_dim3A_841, %roll3A_839, %get3A_832 : vector<32x768xi1>, vector<32x768xf32>
    %mul3A_843 = arith.mulf %select_n3A_842, %get3A_832 : vector<32x768xf32>
    %slice3A_844 = vector.extract_strided_slice %mul3A_843 {offsets = [0, 0], sizes = [32, 128], strides = [1, 1]} : vector<32x768xf32> to vector<32x128xf32>
    %slice3A_845 = vector.extract_strided_slice %mul3A_843 {offsets = [0, 128], sizes = [32, 128], strides = [1, 1]} : vector<32x768xf32> to vector<32x128xf32>
    %add3A_846 = arith.addf %slice3A_844, %slice3A_845 : vector<32x128xf32>
    %reduce_sum3A_847 = arith.constant dense<0.000000e+00> : vector<32xf32>
    %reduce_sum3A_848 = vector.multi_reduction <add>, %add3A_846, %reduce_sum3A_847 [1] : vector<32x128xf32> to vector<32xf32>
    %broadcast_in_dim3A_849 = vector.shape_cast %reduce_sum3A_848 : vector<32xf32> to vector<32x1xf32>
    %slice3A_850 = vector.extract_strided_slice %mul3A_843 {offsets = [0, 256], sizes = [32, 128], strides = [1, 1]} : vector<32x768xf32> to vector<32x128xf32>
    %slice3A_851 = vector.extract_strided_slice %mul3A_843 {offsets = [0, 384], sizes = [32, 128], strides = [1, 1]} : vector<32x768xf32> to vector<32x128xf32>
    %add3A_852 = arith.addf %slice3A_850, %slice3A_851 : vector<32x128xf32>
    %reduce_sum3A_853 = arith.constant dense<0.000000e+00> : vector<32xf32>
    %reduce_sum3A_854 = vector.multi_reduction <add>, %add3A_852, %reduce_sum3A_853 [1] : vector<32x128xf32> to vector<32xf32>
    %broadcast_in_dim3A_855 = vector.shape_cast %reduce_sum3A_854 : vector<32xf32> to vector<32x1xf32>
    %slice3A_856 = vector.extract_strided_slice %mul3A_843 {offsets = [0, 512], sizes = [32, 128], strides = [1, 1]} : vector<32x768xf32> to vector<32x128xf32>
    %slice3A_857 = vector.extract_strided_slice %mul3A_843 {offsets = [0, 640], sizes = [32, 128], strides = [1, 1]} : vector<32x768xf32> to vector<32x128xf32>
    %add3A_858 = arith.addf %slice3A_856, %slice3A_857 : vector<32x128xf32>
    %reduce_sum3A_859 = arith.constant dense<0.000000e+00> : vector<32xf32>
    %reduce_sum3A_860 = vector.multi_reduction <add>, %add3A_858, %reduce_sum3A_859 [1] : vector<32x128xf32> to vector<32xf32>
    %broadcast_in_dim3A_861 = vector.shape_cast %reduce_sum3A_860 : vector<32xf32> to vector<32x1xf32>
    %add3A_862 = arith.addf %broadcast_in_dim3A_849, %broadcast_in_dim3A_855 : vector<32x1xf32>
    %add3A_863 = arith.addf %add3A_862, %broadcast_in_dim3A_861 : vector<32x1xf32>
    %mul3A_864 = arith.mulf %select_n3A_842, %get3A_837 : vector<32x768xf32>
    %slice3A_865 = vector.extract_strided_slice %mul3A_864 {offsets = [0, 0], sizes = [32, 128], strides = [1, 1]} : vector<32x768xf32> to vector<32x128xf32>
    %slice3A_866 = vector.extract_strided_slice %mul3A_864 {offsets = [0, 128], sizes = [32, 128], strides = [1, 1]} : vector<32x768xf32> to vector<32x128xf32>
    %add3A_867 = arith.addf %slice3A_865, %slice3A_866 : vector<32x128xf32>
    %reduce_sum3A_868 = arith.constant dense<0.000000e+00> : vector<32xf32>
    %reduce_sum3A_869 = vector.multi_reduction <add>, %add3A_867, %reduce_sum3A_868 [1] : vector<32x128xf32> to vector<32xf32>
    %broadcast_in_dim3A_870 = vector.shape_cast %reduce_sum3A_869 : vector<32xf32> to vector<32x1xf32>
    %slice3A_871 = vector.extract_strided_slice %mul3A_864 {offsets = [0, 256], sizes = [32, 128], strides = [1, 1]} : vector<32x768xf32> to vector<32x128xf32>
    %slice3A_872 = vector.extract_strided_slice %mul3A_864 {offsets = [0, 384], sizes = [32, 128], strides = [1, 1]} : vector<32x768xf32> to vector<32x128xf32>
    %add3A_873 = arith.addf %slice3A_871, %slice3A_872 : vector<32x128xf32>
    %reduce_sum3A_874 = arith.constant dense<0.000000e+00> : vector<32xf32>
    %reduce_sum3A_875 = vector.multi_reduction <add>, %add3A_873, %reduce_sum3A_874 [1] : vector<32x128xf32> to vector<32xf32>
    %broadcast_in_dim3A_876 = vector.shape_cast %reduce_sum3A_875 : vector<32xf32> to vector<32x1xf32>
    %slice3A_877 = vector.extract_strided_slice %mul3A_864 {offsets = [0, 512], sizes = [32, 128], strides = [1, 1]} : vector<32x768xf32> to vector<32x128xf32>
    %slice3A_878 = vector.extract_strided_slice %mul3A_864 {offsets = [0, 640], sizes = [32, 128], strides = [1, 1]} : vector<32x768xf32> to vector<32x128xf32>
    %add3A_879 = arith.addf %slice3A_877, %slice3A_878 : vector<32x128xf32>
    %reduce_sum3A_880 = arith.constant dense<0.000000e+00> : vector<32xf32>
    %reduce_sum3A_881 = vector.multi_reduction <add>, %add3A_879, %reduce_sum3A_880 [1] : vector<32x128xf32> to vector<32xf32>
    %broadcast_in_dim3A_882 = vector.shape_cast %reduce_sum3A_881 : vector<32xf32> to vector<32x1xf32>
    %add3A_883 = arith.addf %broadcast_in_dim3A_870, %broadcast_in_dim3A_876 : vector<32x1xf32>
    %add3A_884 = arith.addf %add3A_883, %broadcast_in_dim3A_882 : vector<32x1xf32>
    %mul3A_885 = arith.mulf %get3A_832, %get3A_832 : vector<32x768xf32>
    %slice3A_886 = vector.extract_strided_slice %mul3A_885 {offsets = [0, 0], sizes = [32, 128], strides = [1, 1]} : vector<32x768xf32> to vector<32x128xf32>
    %slice3A_887 = vector.extract_strided_slice %mul3A_885 {offsets = [0, 128], sizes = [32, 128], strides = [1, 1]} : vector<32x768xf32> to vector<32x128xf32>
    %add3A_888 = arith.addf %slice3A_886, %slice3A_887 : vector<32x128xf32>
    %reduce_sum3A_889 = arith.constant dense<0.000000e+00> : vector<32xf32>
    %reduce_sum3A_890 = vector.multi_reduction <add>, %add3A_888, %reduce_sum3A_889 [1] : vector<32x128xf32> to vector<32xf32>
    %broadcast_in_dim3A_891 = vector.shape_cast %reduce_sum3A_890 : vector<32xf32> to vector<32x1xf32>
    %slice3A_892 = vector.extract_strided_slice %mul3A_885 {offsets = [0, 256], sizes = [32, 128], strides = [1, 1]} : vector<32x768xf32> to vector<32x128xf32>
    %slice3A_893 = vector.extract_strided_slice %mul3A_885 {offsets = [0, 384], sizes = [32, 128], strides = [1, 1]} : vector<32x768xf32> to vector<32x128xf32>
    %add3A_894 = arith.addf %slice3A_892, %slice3A_893 : vector<32x128xf32>
    %reduce_sum3A_895 = arith.constant dense<0.000000e+00> : vector<32xf32>
    %reduce_sum3A_896 = vector.multi_reduction <add>, %add3A_894, %reduce_sum3A_895 [1] : vector<32x128xf32> to vector<32xf32>
    %broadcast_in_dim3A_897 = vector.shape_cast %reduce_sum3A_896 : vector<32xf32> to vector<32x1xf32>
    %slice3A_898 = vector.extract_strided_slice %mul3A_885 {offsets = [0, 512], sizes = [32, 128], strides = [1, 1]} : vector<32x768xf32> to vector<32x128xf32>
    %slice3A_899 = vector.extract_strided_slice %mul3A_885 {offsets = [0, 640], sizes = [32, 128], strides = [1, 1]} : vector<32x768xf32> to vector<32x128xf32>
    %add3A_900 = arith.addf %slice3A_898, %slice3A_899 : vector<32x128xf32>
    %reduce_sum3A_901 = arith.constant dense<0.000000e+00> : vector<32xf32>
    %reduce_sum3A_902 = vector.multi_reduction <add>, %add3A_900, %reduce_sum3A_901 [1] : vector<32x128xf32> to vector<32xf32>
    %broadcast_in_dim3A_903 = vector.shape_cast %reduce_sum3A_902 : vector<32xf32> to vector<32x1xf32>
    %add3A_904 = arith.addf %broadcast_in_dim3A_891, %broadcast_in_dim3A_897 : vector<32x1xf32>
    %add3A_905 = arith.addf %add3A_904, %broadcast_in_dim3A_903 : vector<32x1xf32>
    %mul3A_906 = arith.mulf %get3A_837, %get3A_837 : vector<32x768xf32>
    %slice3A_907 = vector.extract_strided_slice %mul3A_906 {offsets = [0, 0], sizes = [32, 128], strides = [1, 1]} : vector<32x768xf32> to vector<32x128xf32>
    %slice3A_908 = vector.extract_strided_slice %mul3A_906 {offsets = [0, 128], sizes = [32, 128], strides = [1, 1]} : vector<32x768xf32> to vector<32x128xf32>
    %add3A_909 = arith.addf %slice3A_907, %slice3A_908 : vector<32x128xf32>
    %reduce_sum3A_910 = arith.constant dense<0.000000e+00> : vector<32xf32>
    %reduce_sum3A_911 = vector.multi_reduction <add>, %add3A_909, %reduce_sum3A_910 [1] : vector<32x128xf32> to vector<32xf32>
    %broadcast_in_dim3A_912 = vector.shape_cast %reduce_sum3A_911 : vector<32xf32> to vector<32x1xf32>
    %slice3A_913 = vector.extract_strided_slice %mul3A_906 {offsets = [0, 256], sizes = [32, 128], strides = [1, 1]} : vector<32x768xf32> to vector<32x128xf32>
    %slice3A_914 = vector.extract_strided_slice %mul3A_906 {offsets = [0, 384], sizes = [32, 128], strides = [1, 1]} : vector<32x768xf32> to vector<32x128xf32>
    %add3A_915 = arith.addf %slice3A_913, %slice3A_914 : vector<32x128xf32>
    %reduce_sum3A_916 = arith.constant dense<0.000000e+00> : vector<32xf32>
    %reduce_sum3A_917 = vector.multi_reduction <add>, %add3A_915, %reduce_sum3A_916 [1] : vector<32x128xf32> to vector<32xf32>
    %broadcast_in_dim3A_918 = vector.shape_cast %reduce_sum3A_917 : vector<32xf32> to vector<32x1xf32>
    %slice3A_919 = vector.extract_strided_slice %mul3A_906 {offsets = [0, 512], sizes = [32, 128], strides = [1, 1]} : vector<32x768xf32> to vector<32x128xf32>
    %slice3A_920 = vector.extract_strided_slice %mul3A_906 {offsets = [0, 640], sizes = [32, 128], strides = [1, 1]} : vector<32x768xf32> to vector<32x128xf32>
    %add3A_921 = arith.addf %slice3A_919, %slice3A_920 : vector<32x128xf32>
    %reduce_sum3A_922 = arith.constant dense<0.000000e+00> : vector<32xf32>
    %reduce_sum3A_923 = vector.multi_reduction <add>, %add3A_921, %reduce_sum3A_922 [1] : vector<32x128xf32> to vector<32xf32>
    %broadcast_in_dim3A_924 = vector.shape_cast %reduce_sum3A_923 : vector<32xf32> to vector<32x1xf32>
    %add3A_925 = arith.addf %broadcast_in_dim3A_912, %broadcast_in_dim3A_918 : vector<32x1xf32>
    %add3A_926 = arith.addf %add3A_925, %broadcast_in_dim3A_924 : vector<32x1xf32>
    %mul3A_927 = arith.mulf %select_n3A_842, %select_n3A_842 : vector<32x768xf32>
    %slice3A_928 = vector.extract_strided_slice %mul3A_927 {offsets = [0, 0], sizes = [32, 128], strides = [1, 1]} : vector<32x768xf32> to vector<32x128xf32>
    %slice3A_929 = vector.extract_strided_slice %mul3A_927 {offsets = [0, 128], sizes = [32, 128], strides = [1, 1]} : vector<32x768xf32> to vector<32x128xf32>
    %add3A_930 = arith.addf %slice3A_928, %slice3A_929 : vector<32x128xf32>
    %reduce_sum3A_931 = arith.constant dense<0.000000e+00> : vector<32xf32>
    %reduce_sum3A_932 = vector.multi_reduction <add>, %add3A_930, %reduce_sum3A_931 [1] : vector<32x128xf32> to vector<32xf32>
    %broadcast_in_dim3A_933 = vector.shape_cast %reduce_sum3A_932 : vector<32xf32> to vector<32x1xf32>
    %slice3A_934 = vector.extract_strided_slice %mul3A_927 {offsets = [0, 256], sizes = [32, 128], strides = [1, 1]} : vector<32x768xf32> to vector<32x128xf32>
    %slice3A_935 = vector.extract_strided_slice %mul3A_927 {offsets = [0, 384], sizes = [32, 128], strides = [1, 1]} : vector<32x768xf32> to vector<32x128xf32>
    %add3A_936 = arith.addf %slice3A_934, %slice3A_935 : vector<32x128xf32>
    %reduce_sum3A_937 = arith.constant dense<0.000000e+00> : vector<32xf32>
    %reduce_sum3A_938 = vector.multi_reduction <add>, %add3A_936, %reduce_sum3A_937 [1] : vector<32x128xf32> to vector<32xf32>
    %broadcast_in_dim3A_939 = vector.shape_cast %reduce_sum3A_938 : vector<32xf32> to vector<32x1xf32>
    %slice3A_940 = vector.extract_strided_slice %mul3A_927 {offsets = [0, 512], sizes = [32, 128], strides = [1, 1]} : vector<32x768xf32> to vector<32x128xf32>
    %slice3A_941 = vector.extract_strided_slice %mul3A_927 {offsets = [0, 640], sizes = [32, 128], strides = [1, 1]} : vector<32x768xf32> to vector<32x128xf32>
    %add3A_942 = arith.addf %slice3A_940, %slice3A_941 : vector<32x128xf32>
    %reduce_sum3A_943 = arith.constant dense<0.000000e+00> : vector<32xf32>
    %reduce_sum3A_944 = vector.multi_reduction <add>, %add3A_942, %reduce_sum3A_943 [1] : vector<32x128xf32> to vector<32xf32>
    %broadcast_in_dim3A_945 = vector.shape_cast %reduce_sum3A_944 : vector<32xf32> to vector<32x1xf32>
    %add3A_946 = arith.addf %broadcast_in_dim3A_933, %broadcast_in_dim3A_939 : vector<32x1xf32>
    %add3A_947 = arith.addf %add3A_946, %broadcast_in_dim3A_945 : vector<32x1xf32>
    %sqrt3A_948 = math.sqrt %add3A_947 : vector<32x1xf32>
    %sqrt3A_949 = math.sqrt %add3A_905 : vector<32x1xf32>
    %mul3A_950 = arith.mulf %sqrt3A_948, %sqrt3A_949 : vector<32x1xf32>
    %max3A_951 = arith.constant 9.99999993E-9 : f32
    %max3A_952 = vector.broadcast %max3A_951 : f32 to vector<32x1xf32>
    %max3A_953 = arith.maximumf %mul3A_950, %max3A_952 : vector<32x1xf32>
    %div3A_954 = arith.divf %add3A_863, %max3A_953 : vector<32x1xf32>
    %sqrt3A_955 = math.sqrt %add3A_926 : vector<32x1xf32>
    %mul3A_956 = arith.mulf %sqrt3A_948, %sqrt3A_955 : vector<32x1xf32>
    %max3A_957 = arith.constant 9.99999993E-9 : f32
    %max3A_958 = vector.broadcast %max3A_957 : f32 to vector<32x1xf32>
    %max3A_959 = arith.maximumf %mul3A_956, %max3A_958 : vector<32x1xf32>
    %div3A_960 = arith.divf %add3A_884, %max3A_959 : vector<32x1xf32>
    %add3A_961 = arith.addf %div3A_954, %div3A_960 : vector<32x1xf32>
    %roll3A_962 = arith.constant 31 : i32
    %roll3A_963 = tpu.dynamic_rotate %add3A_961 by %roll3A_962 dim 0 : vector<32x1xf32>, i32 -> vector<32x1xf32>
    %add3A_964 = arith.addf %add3A_961, %roll3A_963 : vector<32x1xf32>
    %mul3A_965 = arith.constant 2.500000e-01 : f32
    %mul3A_966 = vector.broadcast %mul3A_965 : f32 to vector<32x1xf32>
    %mul3A_967 = arith.mulf %add3A_964, %mul3A_966 : vector<32x1xf32>
    %dot_general3A_968 = arith.constant dense<0.000000e+00> : vector<16x1xf32>
    %dot_general3A_969 = tpu.matmul %convert_element_type3A_9, %mul3A_967, %dot_general3A_968 {dimension_numbers = #tpu.dot_dimension_numbers<[1], [0], [0], [1], [0, 0, 1, 1], [], []>, precision = #tpu.contract_precision<fp32>, transpose_lhs_hint = false} : vector<16x32xf32>, vector<32x1xf32>, vector<16x1xf32> -> vector<16x1xf32>
    %swap3A_970 = arith.constant 0 : index
    %swap3A_971 = arith.constant 80 : index
    %swap3A_972 = arith.constant 0 : index
    %swap3A_973 = vector.load %arg2[%swap3A_970, %swap3A_971, %swap3A_972] : memref<1x256x1xf32, #tpu.memory_space<vmem>>, vector<1x16x1xf32>
    %swap3A_974 = vector.shape_cast %swap3A_973 : vector<1x16x1xf32> to vector<16x1xf32>
    %swap3A_975 = vector.shape_cast %dot_general3A_969 : vector<16x1xf32> to vector<1x16x1xf32>
    tpu.vector_store %arg2[%swap3A_970, %swap3A_971, %swap3A_972], %swap3A_975 {strides = array<i32>} : memref<1x256x1xf32, #tpu.memory_space<vmem>>, vector<1x16x1xf32>,
    %roll3A_976 = arith.constant 31 : i32
    %roll3A_977 = tpu.dynamic_rotate %get3A_832 by %roll3A_976 dim 0 : vector<32x768xf32>, i32 -> vector<32x768xf32>
    %add3A_978 = arith.addf %get3A_832, %roll3A_977 : vector<32x768xf32>
    %roll3A_979 = arith.constant 31 : i32
    %roll3A_980 = tpu.dynamic_rotate %get3A_837 by %roll3A_979 dim 0 : vector<32x768xf32>, i32 -> vector<32x768xf32>
    %add3A_981 = arith.addf %get3A_837, %roll3A_980 : vector<32x768xf32>
    %add3A_982 = arith.addf %add3A_978, %add3A_981 : vector<32x768xf32>
    %dot_general3A_983 = arith.constant dense<0.000000e+00> : vector<16x768xf32>
    %dot_general3A_984 = tpu.matmul %convert_element_type3A_9, %add3A_982, %dot_general3A_983 {dimension_numbers = #tpu.dot_dimension_numbers<[1], [0], [0], [1], [0, 0, 1, 1], [], []>, transpose_lhs_hint = false} : vector<16x32xf32>, vector<32x768xf32>, vector<16x768xf32> -> vector<16x768xf32>
    %mul3A_985 = arith.constant 2.500000e-01 : f32
    %mul3A_986 = vector.broadcast %mul3A_985 : f32 to vector<16x768xf32>
    %mul3A_987 = arith.mulf %dot_general3A_984, %mul3A_986 : vector<16x768xf32>
    %swap3A_988 = arith.constant 0 : index
    %swap3A_989 = arith.constant 80 : index
    %swap3A_990 = arith.constant 0 : index
    %swap3A_991 = vector.load %arg3[%swap3A_988, %swap3A_989, %swap3A_990] : memref<1x256x768xf32, #tpu.memory_space<vmem>>, vector<1x16x768xf32>
    %swap3A_992 = vector.shape_cast %swap3A_991 : vector<1x16x768xf32> to vector<16x768xf32>
    %swap3A_993 = vector.shape_cast %mul3A_987 : vector<16x768xf32> to vector<1x16x768xf32>
    tpu.vector_store %arg3[%swap3A_988, %swap3A_989, %swap3A_990], %swap3A_993 {strides = array<i32>} : memref<1x256x768xf32, #tpu.memory_space<vmem>>, vector<1x16x768xf32>,
    %get3A_994 = arith.constant 0 : index
    %get3A_995 = arith.constant 384 : index
    %get3A_996 = arith.constant 0 : index
    %get3A_997 = vector.load %arg1[%get3A_994, %get3A_995, %get3A_996] : memref<1x1024x768xf32, #tpu.memory_space<vmem>>, vector<1x32x768xf32>
    %get3A_998 = vector.shape_cast %get3A_997 : vector<1x32x768xf32> to vector<32x768xf32>
    %get3A_999 = arith.constant 0 : index
    %get3A_1000 = arith.constant 416 : index
    %get3A_1001 = arith.constant 0 : index
    %get3A_1002 = vector.load %arg1[%get3A_999, %get3A_1000, %get3A_1001] : memref<1x1024x768xf32, #tpu.memory_space<vmem>>, vector<1x32x768xf32>
    %get3A_1003 = vector.shape_cast %get3A_1002 : vector<1x32x768xf32> to vector<32x768xf32>
    %roll3A_1004 = arith.constant 1 : i32
    %roll3A_1005 = tpu.dynamic_rotate %get3A_998 by %roll3A_1004 dim 0 : vector<32x768xf32>, i32 -> vector<32x768xf32>
    %broadcast_in_dim3A_1006 = vector.shape_cast %eq3A_3 : vector<32x1xi1> to vector<32x1xi1>
    %broadcast_in_dim3A_1007 = vector.broadcast %broadcast_in_dim3A_1006 : vector<32x1xi1> to vector<32x768xi1>
    %select_n3A_1008 = arith.select %broadcast_in_dim3A_1007, %roll3A_1005, %get3A_998 : vector<32x768xi1>, vector<32x768xf32>
    %mul3A_1009 = arith.mulf %select_n3A_1008, %get3A_998 : vector<32x768xf32>
    %slice3A_1010 = vector.extract_strided_slice %mul3A_1009 {offsets = [0, 0], sizes = [32, 128], strides = [1, 1]} : vector<32x768xf32> to vector<32x128xf32>
    %slice3A_1011 = vector.extract_strided_slice %mul3A_1009 {offsets = [0, 128], sizes = [32, 128], strides = [1, 1]} : vector<32x768xf32> to vector<32x128xf32>
    %add3A_1012 = arith.addf %slice3A_1010, %slice3A_1011 : vector<32x128xf32>
    %reduce_sum3A_1013 = arith.constant dense<0.000000e+00> : vector<32xf32>
    %reduce_sum3A_1014 = vector.multi_reduction <add>, %add3A_1012, %reduce_sum3A_1013 [1] : vector<32x128xf32> to vector<32xf32>
    %broadcast_in_dim3A_1015 = vector.shape_cast %reduce_sum3A_1014 : vector<32xf32> to vector<32x1xf32>
    %slice3A_1016 = vector.extract_strided_slice %mul3A_1009 {offsets = [0, 256], sizes = [32, 128], strides = [1, 1]} : vector<32x768xf32> to vector<32x128xf32>
    %slice3A_1017 = vector.extract_strided_slice %mul3A_1009 {offsets = [0, 384], sizes = [32, 128], strides = [1, 1]} : vector<32x768xf32> to vector<32x128xf32>
    %add3A_1018 = arith.addf %slice3A_1016, %slice3A_1017 : vector<32x128xf32>
    %reduce_sum3A_1019 = arith.constant dense<0.000000e+00> : vector<32xf32>
    %reduce_sum3A_1020 = vector.multi_reduction <add>, %add3A_1018, %reduce_sum3A_1019 [1] : vector<32x128xf32> to vector<32xf32>
    %broadcast_in_dim3A_1021 = vector.shape_cast %reduce_sum3A_1020 : vector<32xf32> to vector<32x1xf32>
    %slice3A_1022 = vector.extract_strided_slice %mul3A_1009 {offsets = [0, 512], sizes = [32, 128], strides = [1, 1]} : vector<32x768xf32> to vector<32x128xf32>
    %slice3A_1023 = vector.extract_strided_slice %mul3A_1009 {offsets = [0, 640], sizes = [32, 128], strides = [1, 1]} : vector<32x768xf32> to vector<32x128xf32>
    %add3A_1024 = arith.addf %slice3A_1022, %slice3A_1023 : vector<32x128xf32>
    %reduce_sum3A_1025 = arith.constant dense<0.000000e+00> : vector<32xf32>
    %reduce_sum3A_1026 = vector.multi_reduction <add>, %add3A_1024, %reduce_sum3A_1025 [1] : vector<32x128xf32> to vector<32xf32>
    %broadcast_in_dim3A_1027 = vector.shape_cast %reduce_sum3A_1026 : vector<32xf32> to vector<32x1xf32>
    %add3A_1028 = arith.addf %broadcast_in_dim3A_1015, %broadcast_in_dim3A_1021 : vector<32x1xf32>
    %add3A_1029 = arith.addf %add3A_1028, %broadcast_in_dim3A_1027 : vector<32x1xf32>
    %mul3A_1030 = arith.mulf %select_n3A_1008, %get3A_1003 : vector<32x768xf32>
    %slice3A_1031 = vector.extract_strided_slice %mul3A_1030 {offsets = [0, 0], sizes = [32, 128], strides = [1, 1]} : vector<32x768xf32> to vector<32x128xf32>
    %slice3A_1032 = vector.extract_strided_slice %mul3A_1030 {offsets = [0, 128], sizes = [32, 128], strides = [1, 1]} : vector<32x768xf32> to vector<32x128xf32>
    %add3A_1033 = arith.addf %slice3A_1031, %slice3A_1032 : vector<32x128xf32>
    %reduce_sum3A_1034 = arith.constant dense<0.000000e+00> : vector<32xf32>
    %reduce_sum3A_1035 = vector.multi_reduction <add>, %add3A_1033, %reduce_sum3A_1034 [1] : vector<32x128xf32> to vector<32xf32>
    %broadcast_in_dim3A_1036 = vector.shape_cast %reduce_sum3A_1035 : vector<32xf32> to vector<32x1xf32>
    %slice3A_1037 = vector.extract_strided_slice %mul3A_1030 {offsets = [0, 256], sizes = [32, 128], strides = [1, 1]} : vector<32x768xf32> to vector<32x128xf32>
    %slice3A_1038 = vector.extract_strided_slice %mul3A_1030 {offsets = [0, 384], sizes = [32, 128], strides = [1, 1]} : vector<32x768xf32> to vector<32x128xf32>
    %add3A_1039 = arith.addf %slice3A_1037, %slice3A_1038 : vector<32x128xf32>
    %reduce_sum3A_1040 = arith.constant dense<0.000000e+00> : vector<32xf32>
    %reduce_sum3A_1041 = vector.multi_reduction <add>, %add3A_1039, %reduce_sum3A_1040 [1] : vector<32x128xf32> to vector<32xf32>
    %broadcast_in_dim3A_1042 = vector.shape_cast %reduce_sum3A_1041 : vector<32xf32> to vector<32x1xf32>
    %slice3A_1043 = vector.extract_strided_slice %mul3A_1030 {offsets = [0, 512], sizes = [32, 128], strides = [1, 1]} : vector<32x768xf32> to vector<32x128xf32>
    %slice3A_1044 = vector.extract_strided_slice %mul3A_1030 {offsets = [0, 640], sizes = [32, 128], strides = [1, 1]} : vector<32x768xf32> to vector<32x128xf32>
    %add3A_1045 = arith.addf %slice3A_1043, %slice3A_1044 : vector<32x128xf32>
    %reduce_sum3A_1046 = arith.constant dense<0.000000e+00> : vector<32xf32>
    %reduce_sum3A_1047 = vector.multi_reduction <add>, %add3A_1045, %reduce_sum3A_1046 [1] : vector<32x128xf32> to vector<32xf32>
    %broadcast_in_dim3A_1048 = vector.shape_cast %reduce_sum3A_1047 : vector<32xf32> to vector<32x1xf32>
    %add3A_1049 = arith.addf %broadcast_in_dim3A_1036, %broadcast_in_dim3A_1042 : vector<32x1xf32>
    %add3A_1050 = arith.addf %add3A_1049, %broadcast_in_dim3A_1048 : vector<32x1xf32>
    %mul3A_1051 = arith.mulf %get3A_998, %get3A_998 : vector<32x768xf32>
    %slice3A_1052 = vector.extract_strided_slice %mul3A_1051 {offsets = [0, 0], sizes = [32, 128], strides = [1, 1]} : vector<32x768xf32> to vector<32x128xf32>
    %slice3A_1053 = vector.extract_strided_slice %mul3A_1051 {offsets = [0, 128], sizes = [32, 128], strides = [1, 1]} : vector<32x768xf32> to vector<32x128xf32>
    %add3A_1054 = arith.addf %slice3A_1052, %slice3A_1053 : vector<32x128xf32>
    %reduce_sum3A_1055 = arith.constant dense<0.000000e+00> : vector<32xf32>
    %reduce_sum3A_1056 = vector.multi_reduction <add>, %add3A_1054, %reduce_sum3A_1055 [1] : vector<32x128xf32> to vector<32xf32>
    %broadcast_in_dim3A_1057 = vector.shape_cast %reduce_sum3A_1056 : vector<32xf32> to vector<32x1xf32>
    %slice3A_1058 = vector.extract_strided_slice %mul3A_1051 {offsets = [0, 256], sizes = [32, 128], strides = [1, 1]} : vector<32x768xf32> to vector<32x128xf32>
    %slice3A_1059 = vector.extract_strided_slice %mul3A_1051 {offsets = [0, 384], sizes = [32, 128], strides = [1, 1]} : vector<32x768xf32> to vector<32x128xf32>
    %add3A_1060 = arith.addf %slice3A_1058, %slice3A_1059 : vector<32x128xf32>
    %reduce_sum3A_1061 = arith.constant dense<0.000000e+00> : vector<32xf32>
    %reduce_sum3A_1062 = vector.multi_reduction <add>, %add3A_1060, %reduce_sum3A_1061 [1] : vector<32x128xf32> to vector<32xf32>
    %broadcast_in_dim3A_1063 = vector.shape_cast %reduce_sum3A_1062 : vector<32xf32> to vector<32x1xf32>
    %slice3A_1064 = vector.extract_strided_slice %mul3A_1051 {offsets = [0, 512], sizes = [32, 128], strides = [1, 1]} : vector<32x768xf32> to vector<32x128xf32>
    %slice3A_1065 = vector.extract_strided_slice %mul3A_1051 {offsets = [0, 640], sizes = [32, 128], strides = [1, 1]} : vector<32x768xf32> to vector<32x128xf32>
    %add3A_1066 = arith.addf %slice3A_1064, %slice3A_1065 : vector<32x128xf32>
    %reduce_sum3A_1067 = arith.constant dense<0.000000e+00> : vector<32xf32>
    %reduce_sum3A_1068 = vector.multi_reduction <add>, %add3A_1066, %reduce_sum3A_1067 [1] : vector<32x128xf32> to vector<32xf32>
    %broadcast_in_dim3A_1069 = vector.shape_cast %reduce_sum3A_1068 : vector<32xf32> to vector<32x1xf32>
    %add3A_1070 = arith.addf %broadcast_in_dim3A_1057, %broadcast_in_dim3A_1063 : vector<32x1xf32>
    %add3A_1071 = arith.addf %add3A_1070, %broadcast_in_dim3A_1069 : vector<32x1xf32>
    %mul3A_1072 = arith.mulf %get3A_1003, %get3A_1003 : vector<32x768xf32>
    %slice3A_1073 = vector.extract_strided_slice %mul3A_1072 {offsets = [0, 0], sizes = [32, 128], strides = [1, 1]} : vector<32x768xf32> to vector<32x128xf32>
    %slice3A_1074 = vector.extract_strided_slice %mul3A_1072 {offsets = [0, 128], sizes = [32, 128], strides = [1, 1]} : vector<32x768xf32> to vector<32x128xf32>
    %add3A_1075 = arith.addf %slice3A_1073, %slice3A_1074 : vector<32x128xf32>
    %reduce_sum3A_1076 = arith.constant dense<0.000000e+00> : vector<32xf32>
    %reduce_sum3A_1077 = vector.multi_reduction <add>, %add3A_1075, %reduce_sum3A_1076 [1] : vector<32x128xf32> to vector<32xf32>
    %broadcast_in_dim3A_1078 = vector.shape_cast %reduce_sum3A_1077 : vector<32xf32> to vector<32x1xf32>
    %slice3A_1079 = vector.extract_strided_slice %mul3A_1072 {offsets = [0, 256], sizes = [32, 128], strides = [1, 1]} : vector<32x768xf32> to vector<32x128xf32>
    %slice3A_1080 = vector.extract_strided_slice %mul3A_1072 {offsets = [0, 384], sizes = [32, 128], strides = [1, 1]} : vector<32x768xf32> to vector<32x128xf32>
    %add3A_1081 = arith.addf %slice3A_1079, %slice3A_1080 : vector<32x128xf32>
    %reduce_sum3A_1082 = arith.constant dense<0.000000e+00> : vector<32xf32>
    %reduce_sum3A_1083 = vector.multi_reduction <add>, %add3A_1081, %reduce_sum3A_1082 [1] : vector<32x128xf32> to vector<32xf32>
    %broadcast_in_dim3A_1084 = vector.shape_cast %reduce_sum3A_1083 : vector<32xf32> to vector<32x1xf32>
    %slice3A_1085 = vector.extract_strided_slice %mul3A_1072 {offsets = [0, 512], sizes = [32, 128], strides = [1, 1]} : vector<32x768xf32> to vector<32x128xf32>
    %slice3A_1086 = vector.extract_strided_slice %mul3A_1072 {offsets = [0, 640], sizes = [32, 128], strides = [1, 1]} : vector<32x768xf32> to vector<32x128xf32>
    %add3A_1087 = arith.addf %slice3A_1085, %slice3A_1086 : vector<32x128xf32>
    %reduce_sum3A_1088 = arith.constant dense<0.000000e+00> : vector<32xf32>
    %reduce_sum3A_1089 = vector.multi_reduction <add>, %add3A_1087, %reduce_sum3A_1088 [1] : vector<32x128xf32> to vector<32xf32>
    %broadcast_in_dim3A_1090 = vector.shape_cast %reduce_sum3A_1089 : vector<32xf32> to vector<32x1xf32>
    %add3A_1091 = arith.addf %broadcast_in_dim3A_1078, %broadcast_in_dim3A_1084 : vector<32x1xf32>
    %add3A_1092 = arith.addf %add3A_1091, %broadcast_in_dim3A_1090 : vector<32x1xf32>
    %mul3A_1093 = arith.mulf %select_n3A_1008, %select_n3A_1008 : vector<32x768xf32>
    %slice3A_1094 = vector.extract_strided_slice %mul3A_1093 {offsets = [0, 0], sizes = [32, 128], strides = [1, 1]} : vector<32x768xf32> to vector<32x128xf32>
    %slice3A_1095 = vector.extract_strided_slice %mul3A_1093 {offsets = [0, 128], sizes = [32, 128], strides = [1, 1]} : vector<32x768xf32> to vector<32x128xf32>
    %add3A_1096 = arith.addf %slice3A_1094, %slice3A_1095 : vector<32x128xf32>
    %reduce_sum3A_1097 = arith.constant dense<0.000000e+00> : vector<32xf32>
    %reduce_sum3A_1098 = vector.multi_reduction <add>, %add3A_1096, %reduce_sum3A_1097 [1] : vector<32x128xf32> to vector<32xf32>
    %broadcast_in_dim3A_1099 = vector.shape_cast %reduce_sum3A_1098 : vector<32xf32> to vector<32x1xf32>
    %slice3A_1100 = vector.extract_strided_slice %mul3A_1093 {offsets = [0, 256], sizes = [32, 128], strides = [1, 1]} : vector<32x768xf32> to vector<32x128xf32>
    %slice3A_1101 = vector.extract_strided_slice %mul3A_1093 {offsets = [0, 384], sizes = [32, 128], strides = [1, 1]} : vector<32x768xf32> to vector<32x128xf32>
    %add3A_1102 = arith.addf %slice3A_1100, %slice3A_1101 : vector<32x128xf32>
    %reduce_sum3A_1103 = arith.constant dense<0.000000e+00> : vector<32xf32>
    %reduce_sum3A_1104 = vector.multi_reduction <add>, %add3A_1102, %reduce_sum3A_1103 [1] : vector<32x128xf32> to vector<32xf32>
    %broadcast_in_dim3A_1105 = vector.shape_cast %reduce_sum3A_1104 : vector<32xf32> to vector<32x1xf32>
    %slice3A_1106 = vector.extract_strided_slice %mul3A_1093 {offsets = [0, 512], sizes = [32, 128], strides = [1, 1]} : vector<32x768xf32> to vector<32x128xf32>
    %slice3A_1107 = vector.extract_strided_slice %mul3A_1093 {offsets = [0, 640], sizes = [32, 128], strides = [1, 1]} : vector<32x768xf32> to vector<32x128xf32>
    %add3A_1108 = arith.addf %slice3A_1106, %slice3A_1107 : vector<32x128xf32>
    %reduce_sum3A_1109 = arith.constant dense<0.000000e+00> : vector<32xf32>
    %reduce_sum3A_1110 = vector.multi_reduction <add>, %add3A_1108, %reduce_sum3A_1109 [1] : vector<32x128xf32> to vector<32xf32>
    %broadcast_in_dim3A_1111 = vector.shape_cast %reduce_sum3A_1110 : vector<32xf32> to vector<32x1xf32>
    %add3A_1112 = arith.addf %broadcast_in_dim3A_1099, %broadcast_in_dim3A_1105 : vector<32x1xf32>
    %add3A_1113 = arith.addf %add3A_1112, %broadcast_in_dim3A_1111 : vector<32x1xf32>
    %sqrt3A_1114 = math.sqrt %add3A_1113 : vector<32x1xf32>
    %sqrt3A_1115 = math.sqrt %add3A_1071 : vector<32x1xf32>
    %mul3A_1116 = arith.mulf %sqrt3A_1114, %sqrt3A_1115 : vector<32x1xf32>
    %max3A_1117 = arith.constant 9.99999993E-9 : f32
    %max3A_1118 = vector.broadcast %max3A_1117 : f32 to vector<32x1xf32>
    %max3A_1119 = arith.maximumf %mul3A_1116, %max3A_1118 : vector<32x1xf32>
    %div3A_1120 = arith.divf %add3A_1029, %max3A_1119 : vector<32x1xf32>
    %sqrt3A_1121 = math.sqrt %add3A_1092 : vector<32x1xf32>
    %mul3A_1122 = arith.mulf %sqrt3A_1114, %sqrt3A_1121 : vector<32x1xf32>
    %max3A_1123 = arith.constant 9.99999993E-9 : f32
    %max3A_1124 = vector.broadcast %max3A_1123 : f32 to vector<32x1xf32>
    %max3A_1125 = arith.maximumf %mul3A_1122, %max3A_1124 : vector<32x1xf32>
    %div3A_1126 = arith.divf %add3A_1050, %max3A_1125 : vector<32x1xf32>
    %add3A_1127 = arith.addf %div3A_1120, %div3A_1126 : vector<32x1xf32>
    %roll3A_1128 = arith.constant 31 : i32
    %roll3A_1129 = tpu.dynamic_rotate %add3A_1127 by %roll3A_1128 dim 0 : vector<32x1xf32>, i32 -> vector<32x1xf32>
    %add3A_1130 = arith.addf %add3A_1127, %roll3A_1129 : vector<32x1xf32>
    %mul3A_1131 = arith.constant 2.500000e-01 : f32
    %mul3A_1132 = vector.broadcast %mul3A_1131 : f32 to vector<32x1xf32>
    %mul3A_1133 = arith.mulf %add3A_1130, %mul3A_1132 : vector<32x1xf32>
    %dot_general3A_1134 = arith.constant dense<0.000000e+00> : vector<16x1xf32>
    %dot_general3A_1135 = tpu.matmul %convert_element_type3A_9, %mul3A_1133, %dot_general3A_1134 {dimension_numbers = #tpu.dot_dimension_numbers<[1], [0], [0], [1], [0, 0, 1, 1], [], []>, precision = #tpu.contract_precision<fp32>, transpose_lhs_hint = false} : vector<16x32xf32>, vector<32x1xf32>, vector<16x1xf32> -> vector<16x1xf32>
    %swap3A_1136 = arith.constant 0 : index
    %swap3A_1137 = arith.constant 96 : index
    %swap3A_1138 = arith.constant 0 : index
    %swap3A_1139 = vector.load %arg2[%swap3A_1136, %swap3A_1137, %swap3A_1138] : memref<1x256x1xf32, #tpu.memory_space<vmem>>, vector<1x16x1xf32>
    %swap3A_1140 = vector.shape_cast %swap3A_1139 : vector<1x16x1xf32> to vector<16x1xf32>
    %swap3A_1141 = vector.shape_cast %dot_general3A_1135 : vector<16x1xf32> to vector<1x16x1xf32>
    tpu.vector_store %arg2[%swap3A_1136, %swap3A_1137, %swap3A_1138], %swap3A_1141 {strides = array<i32>} : memref<1x256x1xf32, #tpu.memory_space<vmem>>, vector<1x16x1xf32>,
    %roll3A_1142 = arith.constant 31 : i32
    %roll3A_1143 = tpu.dynamic_rotate %get3A_998 by %roll3A_1142 dim 0 : vector<32x768xf32>, i32 -> vector<32x768xf32>
    %add3A_1144 = arith.addf %get3A_998, %roll3A_1143 : vector<32x768xf32>
    %roll3A_1145 = arith.constant 31 : i32
    %roll3A_1146 = tpu.dynamic_rotate %get3A_1003 by %roll3A_1145 dim 0 : vector<32x768xf32>, i32 -> vector<32x768xf32>
    %add3A_1147 = arith.addf %get3A_1003, %roll3A_1146 : vector<32x768xf32>
    %add3A_1148 = arith.addf %add3A_1144, %add3A_1147 : vector<32x768xf32>
    %dot_general3A_1149 = arith.constant dense<0.000000e+00> : vector<16x768xf32>
    %dot_general3A_1150 = tpu.matmul %convert_element_type3A_9, %add3A_1148, %dot_general3A_1149 {dimension_numbers = #tpu.dot_dimension_numbers<[1], [0], [0], [1], [0, 0, 1, 1], [], []>, transpose_lhs_hint = false} : vector<16x32xf32>, vector<32x768xf32>, vector<16x768xf32> -> vector<16x768xf32>
    %mul3A_1151 = arith.constant 2.500000e-01 : f32
    %mul3A_1152 = vector.broadcast %mul3A_1151 : f32 to vector<16x768xf32>
    %mul3A_1153 = arith.mulf %dot_general3A_1150, %mul3A_1152 : vector<16x768xf32>
    %swap3A_1154 = arith.constant 0 : index
    %swap3A_1155 = arith.constant 96 : index
    %swap3A_1156 = arith.constant 0 : index
    %swap3A_1157 = vector.load %arg3[%swap3A_1154, %swap3A_1155, %swap3A_1156] : memref<1x256x768xf32, #tpu.memory_space<vmem>>, vector<1x16x768xf32>
    %swap3A_1158 = vector.shape_cast %swap3A_1157 : vector<1x16x768xf32> to vector<16x768xf32>
    %swap3A_1159 = vector.shape_cast %mul3A_1153 : vector<16x768xf32> to vector<1x16x768xf32>
    tpu.vector_store %arg3[%swap3A_1154, %swap3A_1155, %swap3A_1156], %swap3A_1159 {strides = array<i32>} : memref<1x256x768xf32, #tpu.memory_space<vmem>>, vector<1x16x768xf32>,
    %get3A_1160 = arith.constant 0 : index
    %get3A_1161 = arith.constant 448 : index
    %get3A_1162 = arith.constant 0 : index
    %get3A_1163 = vector.load %arg1[%get3A_1160, %get3A_1161, %get3A_1162] : memref<1x1024x768xf32, #tpu.memory_space<vmem>>, vector<1x32x768xf32>
    %get3A_1164 = vector.shape_cast %get3A_1163 : vector<1x32x768xf32> to vector<32x768xf32>
    %get3A_1165 = arith.constant 0 : index
    %get3A_1166 = arith.constant 480 : index
    %get3A_1167 = arith.constant 0 : index
    %get3A_1168 = vector.load %arg1[%get3A_1165, %get3A_1166, %get3A_1167] : memref<1x1024x768xf32, #tpu.memory_space<vmem>>, vector<1x32x768xf32>
    %get3A_1169 = vector.shape_cast %get3A_1168 : vector<1x32x768xf32> to vector<32x768xf32>
    %roll3A_1170 = arith.constant 1 : i32
    %roll3A_1171 = tpu.dynamic_rotate %get3A_1164 by %roll3A_1170 dim 0 : vector<32x768xf32>, i32 -> vector<32x768xf32>
    %broadcast_in_dim3A_1172 = vector.shape_cast %eq3A_3 : vector<32x1xi1> to vector<32x1xi1>
    %broadcast_in_dim3A_1173 = vector.broadcast %broadcast_in_dim3A_1172 : vector<32x1xi1> to vector<32x768xi1>
    %select_n3A_1174 = arith.select %broadcast_in_dim3A_1173, %roll3A_1171, %get3A_1164 : vector<32x768xi1>, vector<32x768xf32>
    %mul3A_1175 = arith.mulf %select_n3A_1174, %get3A_1164 : vector<32x768xf32>
    %slice3A_1176 = vector.extract_strided_slice %mul3A_1175 {offsets = [0, 0], sizes = [32, 128], strides = [1, 1]} : vector<32x768xf32> to vector<32x128xf32>
    %slice3A_1177 = vector.extract_strided_slice %mul3A_1175 {offsets = [0, 128], sizes = [32, 128], strides = [1, 1]} : vector<32x768xf32> to vector<32x128xf32>
    %add3A_1178 = arith.addf %slice3A_1176, %slice3A_1177 : vector<32x128xf32>
    %reduce_sum3A_1179 = arith.constant dense<0.000000e+00> : vector<32xf32>
    %reduce_sum3A_1180 = vector.multi_reduction <add>, %add3A_1178, %reduce_sum3A_1179 [1] : vector<32x128xf32> to vector<32xf32>
    %broadcast_in_dim3A_1181 = vector.shape_cast %reduce_sum3A_1180 : vector<32xf32> to vector<32x1xf32>
    %slice3A_1182 = vector.extract_strided_slice %mul3A_1175 {offsets = [0, 256], sizes = [32, 128], strides = [1, 1]} : vector<32x768xf32> to vector<32x128xf32>
    %slice3A_1183 = vector.extract_strided_slice %mul3A_1175 {offsets = [0, 384], sizes = [32, 128], strides = [1, 1]} : vector<32x768xf32> to vector<32x128xf32>
    %add3A_1184 = arith.addf %slice3A_1182, %slice3A_1183 : vector<32x128xf32>
    %reduce_sum3A_1185 = arith.constant dense<0.000000e+00> : vector<32xf32>
    %reduce_sum3A_1186 = vector.multi_reduction <add>, %add3A_1184, %reduce_sum3A_1185 [1] : vector<32x128xf32> to vector<32xf32>
    %broadcast_in_dim3A_1187 = vector.shape_cast %reduce_sum3A_1186 : vector<32xf32> to vector<32x1xf32>
    %slice3A_1188 = vector.extract_strided_slice %mul3A_1175 {offsets = [0, 512], sizes = [32, 128], strides = [1, 1]} : vector<32x768xf32> to vector<32x128xf32>
    %slice3A_1189 = vector.extract_strided_slice %mul3A_1175 {offsets = [0, 640], sizes = [32, 128], strides = [1, 1]} : vector<32x768xf32> to vector<32x128xf32>
    %add3A_1190 = arith.addf %slice3A_1188, %slice3A_1189 : vector<32x128xf32>
    %reduce_sum3A_1191 = arith.constant dense<0.000000e+00> : vector<32xf32>
    %reduce_sum3A_1192 = vector.multi_reduction <add>, %add3A_1190, %reduce_sum3A_1191 [1] : vector<32x128xf32> to vector<32xf32>
    %broadcast_in_dim3A_1193 = vector.shape_cast %reduce_sum3A_1192 : vector<32xf32> to vector<32x1xf32>
    %add3A_1194 = arith.addf %broadcast_in_dim3A_1181, %broadcast_in_dim3A_1187 : vector<32x1xf32>
    %add3A_1195 = arith.addf %add3A_1194, %broadcast_in_dim3A_1193 : vector<32x1xf32>
    %mul3A_1196 = arith.mulf %select_n3A_1174, %get3A_1169 : vector<32x768xf32>
    %slice3A_1197 = vector.extract_strided_slice %mul3A_1196 {offsets = [0, 0], sizes = [32, 128], strides = [1, 1]} : vector<32x768xf32> to vector<32x128xf32>
    %slice3A_1198 = vector.extract_strided_slice %mul3A_1196 {offsets = [0, 128], sizes = [32, 128], strides = [1, 1]} : vector<32x768xf32> to vector<32x128xf32>
    %add3A_1199 = arith.addf %slice3A_1197, %slice3A_1198 : vector<32x128xf32>
    %reduce_sum3A_1200 = arith.constant dense<0.000000e+00> : vector<32xf32>
    %reduce_sum3A_1201 = vector.multi_reduction <add>, %add3A_1199, %reduce_sum3A_1200 [1] : vector<32x128xf32> to vector<32xf32>
    %broadcast_in_dim3A_1202 = vector.shape_cast %reduce_sum3A_1201 : vector<32xf32> to vector<32x1xf32>
    %slice3A_1203 = vector.extract_strided_slice %mul3A_1196 {offsets = [0, 256], sizes = [32, 128], strides = [1, 1]} : vector<32x768xf32> to vector<32x128xf32>
    %slice3A_1204 = vector.extract_strided_slice %mul3A_1196 {offsets = [0, 384], sizes = [32, 128], strides = [1, 1]} : vector<32x768xf32> to vector<32x128xf32>
    %add3A_1205 = arith.addf %slice3A_1203, %slice3A_1204 : vector<32x128xf32>
    %reduce_sum3A_1206 = arith.constant dense<0.000000e+00> : vector<32xf32>
    %reduce_sum3A_1207 = vector.multi_reduction <add>, %add3A_1205, %reduce_sum3A_1206 [1] : vector<32x128xf32> to vector<32xf32>
    %broadcast_in_dim3A_1208 = vector.shape_cast %reduce_sum3A_1207 : vector<32xf32> to vector<32x1xf32>
    %slice3A_1209 = vector.extract_strided_slice %mul3A_1196 {offsets = [0, 512], sizes = [32, 128], strides = [1, 1]} : vector<32x768xf32> to vector<32x128xf32>
    %slice3A_1210 = vector.extract_strided_slice %mul3A_1196 {offsets = [0, 640], sizes = [32, 128], strides = [1, 1]} : vector<32x768xf32> to vector<32x128xf32>
    %add3A_1211 = arith.addf %slice3A_1209, %slice3A_1210 : vector<32x128xf32>
    %reduce_sum3A_1212 = arith.constant dense<0.000000e+00> : vector<32xf32>
    %reduce_sum3A_1213 = vector.multi_reduction <add>, %add3A_1211, %reduce_sum3A_1212 [1] : vector<32x128xf32> to vector<32xf32>
    %broadcast_in_dim3A_1214 = vector.shape_cast %reduce_sum3A_1213 : vector<32xf32> to vector<32x1xf32>
    %add3A_1215 = arith.addf %broadcast_in_dim3A_1202, %broadcast_in_dim3A_1208 : vector<32x1xf32>
    %add3A_1216 = arith.addf %add3A_1215, %broadcast_in_dim3A_1214 : vector<32x1xf32>
    %mul3A_1217 = arith.mulf %get3A_1164, %get3A_1164 : vector<32x768xf32>
    %slice3A_1218 = vector.extract_strided_slice %mul3A_1217 {offsets = [0, 0], sizes = [32, 128], strides = [1, 1]} : vector<32x768xf32> to vector<32x128xf32>
    %slice3A_1219 = vector.extract_strided_slice %mul3A_1217 {offsets = [0, 128], sizes = [32, 128], strides = [1, 1]} : vector<32x768xf32> to vector<32x128xf32>
    %add3A_1220 = arith.addf %slice3A_1218, %slice3A_1219 : vector<32x128xf32>
    %reduce_sum3A_1221 = arith.constant dense<0.000000e+00> : vector<32xf32>
    %reduce_sum3A_1222 = vector.multi_reduction <add>, %add3A_1220, %reduce_sum3A_1221 [1] : vector<32x128xf32> to vector<32xf32>
    %broadcast_in_dim3A_1223 = vector.shape_cast %reduce_sum3A_1222 : vector<32xf32> to vector<32x1xf32>
    %slice3A_1224 = vector.extract_strided_slice %mul3A_1217 {offsets = [0, 256], sizes = [32, 128], strides = [1, 1]} : vector<32x768xf32> to vector<32x128xf32>
    %slice3A_1225 = vector.extract_strided_slice %mul3A_1217 {offsets = [0, 384], sizes = [32, 128], strides = [1, 1]} : vector<32x768xf32> to vector<32x128xf32>
    %add3A_1226 = arith.addf %slice3A_1224, %slice3A_1225 : vector<32x128xf32>
    %reduce_sum3A_1227 = arith.constant dense<0.000000e+00> : vector<32xf32>
    %reduce_sum3A_1228 = vector.multi_reduction <add>, %add3A_1226, %reduce_sum3A_1227 [1] : vector<32x128xf32> to vector<32xf32>
    %broadcast_in_dim3A_1229 = vector.shape_cast %reduce_sum3A_1228 : vector<32xf32> to vector<32x1xf32>
    %slice3A_1230 = vector.extract_strided_slice %mul3A_1217 {offsets = [0, 512], sizes = [32, 128], strides = [1, 1]} : vector<32x768xf32> to vector<32x128xf32>
    %slice3A_1231 = vector.extract_strided_slice %mul3A_1217 {offsets = [0, 640], sizes = [32, 128], strides = [1, 1]} : vector<32x768xf32> to vector<32x128xf32>
    %add3A_1232 = arith.addf %slice3A_1230, %slice3A_1231 : vector<32x128xf32>
    %reduce_sum3A_1233 = arith.constant dense<0.000000e+00> : vector<32xf32>
    %reduce_sum3A_1234 = vector.multi_reduction <add>, %add3A_1232, %reduce_sum3A_1233 [1] : vector<32x128xf32> to vector<32xf32>
    %broadcast_in_dim3A_1235 = vector.shape_cast %reduce_sum3A_1234 : vector<32xf32> to vector<32x1xf32>
    %add3A_1236 = arith.addf %broadcast_in_dim3A_1223, %broadcast_in_dim3A_1229 : vector<32x1xf32>
    %add3A_1237 = arith.addf %add3A_1236, %broadcast_in_dim3A_1235 : vector<32x1xf32>
    %mul3A_1238 = arith.mulf %get3A_1169, %get3A_1169 : vector<32x768xf32>
    %slice3A_1239 = vector.extract_strided_slice %mul3A_1238 {offsets = [0, 0], sizes = [32, 128], strides = [1, 1]} : vector<32x768xf32> to vector<32x128xf32>
    %slice3A_1240 = vector.extract_strided_slice %mul3A_1238 {offsets = [0, 128], sizes = [32, 128], strides = [1, 1]} : vector<32x768xf32> to vector<32x128xf32>
    %add3A_1241 = arith.addf %slice3A_1239, %slice3A_1240 : vector<32x128xf32>
    %reduce_sum3A_1242 = arith.constant dense<0.000000e+00> : vector<32xf32>
    %reduce_sum3A_1243 = vector.multi_reduction <add>, %add3A_1241, %reduce_sum3A_1242 [1] : vector<32x128xf32> to vector<32xf32>
    %broadcast_in_dim3A_1244 = vector.shape_cast %reduce_sum3A_1243 : vector<32xf32> to vector<32x1xf32>
    %slice3A_1245 = vector.extract_strided_slice %mul3A_1238 {offsets = [0, 256], sizes = [32, 128], strides = [1, 1]} : vector<32x768xf32> to vector<32x128xf32>
    %slice3A_1246 = vector.extract_strided_slice %mul3A_1238 {offsets = [0, 384], sizes = [32, 128], strides = [1, 1]} : vector<32x768xf32> to vector<32x128xf32>
    %add3A_1247 = arith.addf %slice3A_1245, %slice3A_1246 : vector<32x128xf32>
    %reduce_sum3A_1248 = arith.constant dense<0.000000e+00> : vector<32xf32>
    %reduce_sum3A_1249 = vector.multi_reduction <add>, %add3A_1247, %reduce_sum3A_1248 [1] : vector<32x128xf32> to vector<32xf32>
    %broadcast_in_dim3A_1250 = vector.shape_cast %reduce_sum3A_1249 : vector<32xf32> to vector<32x1xf32>
    %slice3A_1251 = vector.extract_strided_slice %mul3A_1238 {offsets = [0, 512], sizes = [32, 128], strides = [1, 1]} : vector<32x768xf32> to vector<32x128xf32>
    %slice3A_1252 = vector.extract_strided_slice %mul3A_1238 {offsets = [0, 640], sizes = [32, 128], strides = [1, 1]} : vector<32x768xf32> to vector<32x128xf32>
    %add3A_1253 = arith.addf %slice3A_1251, %slice3A_1252 : vector<32x128xf32>
    %reduce_sum3A_1254 = arith.constant dense<0.000000e+00> : vector<32xf32>
    %reduce_sum3A_1255 = vector.multi_reduction <add>, %add3A_1253, %reduce_sum3A_1254 [1] : vector<32x128xf32> to vector<32xf32>
    %broadcast_in_dim3A_1256 = vector.shape_cast %reduce_sum3A_1255 : vector<32xf32> to vector<32x1xf32>
    %add3A_1257 = arith.addf %broadcast_in_dim3A_1244, %broadcast_in_dim3A_1250 : vector<32x1xf32>
    %add3A_1258 = arith.addf %add3A_1257, %broadcast_in_dim3A_1256 : vector<32x1xf32>
    %mul3A_1259 = arith.mulf %select_n3A_1174, %select_n3A_1174 : vector<32x768xf32>
    %slice3A_1260 = vector.extract_strided_slice %mul3A_1259 {offsets = [0, 0], sizes = [32, 128], strides = [1, 1]} : vector<32x768xf32> to vector<32x128xf32>
    %slice3A_1261 = vector.extract_strided_slice %mul3A_1259 {offsets = [0, 128], sizes = [32, 128], strides = [1, 1]} : vector<32x768xf32> to vector<32x128xf32>
    %add3A_1262 = arith.addf %slice3A_1260, %slice3A_1261 : vector<32x128xf32>
    %reduce_sum3A_1263 = arith.constant dense<0.000000e+00> : vector<32xf32>
    %reduce_sum3A_1264 = vector.multi_reduction <add>, %add3A_1262, %reduce_sum3A_1263 [1] : vector<32x128xf32> to vector<32xf32>
    %broadcast_in_dim3A_1265 = vector.shape_cast %reduce_sum3A_1264 : vector<32xf32> to vector<32x1xf32>
    %slice3A_1266 = vector.extract_strided_slice %mul3A_1259 {offsets = [0, 256], sizes = [32, 128], strides = [1, 1]} : vector<32x768xf32> to vector<32x128xf32>
    %slice3A_1267 = vector.extract_strided_slice %mul3A_1259 {offsets = [0, 384], sizes = [32, 128], strides = [1, 1]} : vector<32x768xf32> to vector<32x128xf32>
    %add3A_1268 = arith.addf %slice3A_1266, %slice3A_1267 : vector<32x128xf32>
    %reduce_sum3A_1269 = arith.constant dense<0.000000e+00> : vector<32xf32>
    %reduce_sum3A_1270 = vector.multi_reduction <add>, %add3A_1268, %reduce_sum3A_1269 [1] : vector<32x128xf32> to vector<32xf32>
    %broadcast_in_dim3A_1271 = vector.shape_cast %reduce_sum3A_1270 : vector<32xf32> to vector<32x1xf32>
    %slice3A_1272 = vector.extract_strided_slice %mul3A_1259 {offsets = [0, 512], sizes = [32, 128], strides = [1, 1]} : vector<32x768xf32> to vector<32x128xf32>
    %slice3A_1273 = vector.extract_strided_slice %mul3A_1259 {offsets = [0, 640], sizes = [32, 128], strides = [1, 1]} : vector<32x768xf32> to vector<32x128xf32>
    %add3A_1274 = arith.addf %slice3A_1272, %slice3A_1273 : vector<32x128xf32>
    %reduce_sum3A_1275 = arith.constant dense<0.000000e+00> : vector<32xf32>
    %reduce_sum3A_1276 = vector.multi_reduction <add>, %add3A_1274, %reduce_sum3A_1275 [1] : vector<32x128xf32> to vector<32xf32>
    %broadcast_in_dim3A_1277 = vector.shape_cast %reduce_sum3A_1276 : vector<32xf32> to vector<32x1xf32>
    %add3A_1278 = arith.addf %broadcast_in_dim3A_1265, %broadcast_in_dim3A_1271 : vector<32x1xf32>
    %add3A_1279 = arith.addf %add3A_1278, %broadcast_in_dim3A_1277 : vector<32x1xf32>
    %sqrt3A_1280 = math.sqrt %add3A_1279 : vector<32x1xf32>
    %sqrt3A_1281 = math.sqrt %add3A_1237 : vector<32x1xf32>
    %mul3A_1282 = arith.mulf %sqrt3A_1280, %sqrt3A_1281 : vector<32x1xf32>
    %max3A_1283 = arith.constant 9.99999993E-9 : f32
    %max3A_1284 = vector.broadcast %max3A_1283 : f32 to vector<32x1xf32>
    %max3A_1285 = arith.maximumf %mul3A_1282, %max3A_1284 : vector<32x1xf32>
    %div3A_1286 = arith.divf %add3A_1195, %max3A_1285 : vector<32x1xf32>
    %sqrt3A_1287 = math.sqrt %add3A_1258 : vector<32x1xf32>
    %mul3A_1288 = arith.mulf %sqrt3A_1280, %sqrt3A_1287 : vector<32x1xf32>
    %max3A_1289 = arith.constant 9.99999993E-9 : f32
    %max3A_1290 = vector.broadcast %max3A_1289 : f32 to vector<32x1xf32>
    %max3A_1291 = arith.maximumf %mul3A_1288, %max3A_1290 : vector<32x1xf32>
    %div3A_1292 = arith.divf %add3A_1216, %max3A_1291 : vector<32x1xf32>
    %add3A_1293 = arith.addf %div3A_1286, %div3A_1292 : vector<32x1xf32>
    %roll3A_1294 = arith.constant 31 : i32
    %roll3A_1295 = tpu.dynamic_rotate %add3A_1293 by %roll3A_1294 dim 0 : vector<32x1xf32>, i32 -> vector<32x1xf32>
    %add3A_1296 = arith.addf %add3A_1293, %roll3A_1295 : vector<32x1xf32>
    %mul3A_1297 = arith.constant 2.500000e-01 : f32
    %mul3A_1298 = vector.broadcast %mul3A_1297 : f32 to vector<32x1xf32>
    %mul3A_1299 = arith.mulf %add3A_1296, %mul3A_1298 : vector<32x1xf32>
    %dot_general3A_1300 = arith.constant dense<0.000000e+00> : vector<16x1xf32>
    %dot_general3A_1301 = tpu.matmul %convert_element_type3A_9, %mul3A_1299, %dot_general3A_1300 {dimension_numbers = #tpu.dot_dimension_numbers<[1], [0], [0], [1], [0, 0, 1, 1], [], []>, precision = #tpu.contract_precision<fp32>, transpose_lhs_hint = false} : vector<16x32xf32>, vector<32x1xf32>, vector<16x1xf32> -> vector<16x1xf32>
    %swap3A_1302 = arith.constant 0 : index
    %swap3A_1303 = arith.constant 112 : index
    %swap3A_1304 = arith.constant 0 : index
    %swap3A_1305 = vector.load %arg2[%swap3A_1302, %swap3A_1303, %swap3A_1304] : memref<1x256x1xf32, #tpu.memory_space<vmem>>, vector<1x16x1xf32>
    %swap3A_1306 = vector.shape_cast %swap3A_1305 : vector<1x16x1xf32> to vector<16x1xf32>
    %swap3A_1307 = vector.shape_cast %dot_general3A_1301 : vector<16x1xf32> to vector<1x16x1xf32>
    tpu.vector_store %arg2[%swap3A_1302, %swap3A_1303, %swap3A_1304], %swap3A_1307 {strides = array<i32>} : memref<1x256x1xf32, #tpu.memory_space<vmem>>, vector<1x16x1xf32>,
    %roll3A_1308 = arith.constant 31 : i32
    %roll3A_1309 = tpu.dynamic_rotate %get3A_1164 by %roll3A_1308 dim 0 : vector<32x768xf32>, i32 -> vector<32x768xf32>
    %add3A_1310 = arith.addf %get3A_1164, %roll3A_1309 : vector<32x768xf32>
    %roll3A_1311 = arith.constant 31 : i32
    %roll3A_1312 = tpu.dynamic_rotate %get3A_1169 by %roll3A_1311 dim 0 : vector<32x768xf32>, i32 -> vector<32x768xf32>
    %add3A_1313 = arith.addf %get3A_1169, %roll3A_1312 : vector<32x768xf32>
    %add3A_1314 = arith.addf %add3A_1310, %add3A_1313 : vector<32x768xf32>
    %dot_general3A_1315 = arith.constant dense<0.000000e+00> : vector<16x768xf32>
    %dot_general3A_1316 = tpu.matmul %convert_element_type3A_9, %add3A_1314, %dot_general3A_1315 {dimension_numbers = #tpu.dot_dimension_numbers<[1], [0], [0], [1], [0, 0, 1, 1], [], []>, transpose_lhs_hint = false} : vector<16x32xf32>, vector<32x768xf32>, vector<16x768xf32> -> vector<16x768xf32>
    %mul3A_1317 = arith.constant 2.500000e-01 : f32
    %mul3A_1318 = vector.broadcast %mul3A_1317 : f32 to vector<16x768xf32>
    %mul3A_1319 = arith.mulf %dot_general3A_1316, %mul3A_1318 : vector<16x768xf32>
    %swap3A_1320 = arith.constant 0 : index
    %swap3A_1321 = arith.constant 112 : index
    %swap3A_1322 = arith.constant 0 : index
    %swap3A_1323 = vector.load %arg3[%swap3A_1320, %swap3A_1321, %swap3A_1322] : memref<1x256x768xf32, #tpu.memory_space<vmem>>, vector<1x16x768xf32>
    %swap3A_1324 = vector.shape_cast %swap3A_1323 : vector<1x16x768xf32> to vector<16x768xf32>
    %swap3A_1325 = vector.shape_cast %mul3A_1319 : vector<16x768xf32> to vector<1x16x768xf32>
    tpu.vector_store %arg3[%swap3A_1320, %swap3A_1321, %swap3A_1322], %swap3A_1325 {strides = array<i32>} : memref<1x256x768xf32, #tpu.memory_space<vmem>>, vector<1x16x768xf32>,
    %get3A_1326 = arith.constant 0 : index
    %get3A_1327 = arith.constant 512 : index
    %get3A_1328 = arith.constant 0 : index
    %get3A_1329 = vector.load %arg1[%get3A_1326, %get3A_1327, %get3A_1328] : memref<1x1024x768xf32, #tpu.memory_space<vmem>>, vector<1x32x768xf32>
    %get3A_1330 = vector.shape_cast %get3A_1329 : vector<1x32x768xf32> to vector<32x768xf32>
    %get3A_1331 = arith.constant 0 : index
    %get3A_1332 = arith.constant 544 : index
    %get3A_1333 = arith.constant 0 : index
    %get3A_1334 = vector.load %arg1[%get3A_1331, %get3A_1332, %get3A_1333] : memref<1x1024x768xf32, #tpu.memory_space<vmem>>, vector<1x32x768xf32>
    %get3A_1335 = vector.shape_cast %get3A_1334 : vector<1x32x768xf32> to vector<32x768xf32>
    %roll3A_1336 = arith.constant 1 : i32
    %roll3A_1337 = tpu.dynamic_rotate %get3A_1330 by %roll3A_1336 dim 0 : vector<32x768xf32>, i32 -> vector<32x768xf32>
    %broadcast_in_dim3A_1338 = vector.shape_cast %eq3A_3 : vector<32x1xi1> to vector<32x1xi1>
    %broadcast_in_dim3A_1339 = vector.broadcast %broadcast_in_dim3A_1338 : vector<32x1xi1> to vector<32x768xi1>
    %select_n3A_1340 = arith.select %broadcast_in_dim3A_1339, %roll3A_1337, %get3A_1330 : vector<32x768xi1>, vector<32x768xf32>
    %mul3A_1341 = arith.mulf %select_n3A_1340, %get3A_1330 : vector<32x768xf32>
    %slice3A_1342 = vector.extract_strided_slice %mul3A_1341 {offsets = [0, 0], sizes = [32, 128], strides = [1, 1]} : vector<32x768xf32> to vector<32x128xf32>
    %slice3A_1343 = vector.extract_strided_slice %mul3A_1341 {offsets = [0, 128], sizes = [32, 128], strides = [1, 1]} : vector<32x768xf32> to vector<32x128xf32>
    %add3A_1344 = arith.addf %slice3A_1342, %slice3A_1343 : vector<32x128xf32>
    %reduce_sum3A_1345 = arith.constant dense<0.000000e+00> : vector<32xf32>
    %reduce_sum3A_1346 = vector.multi_reduction <add>, %add3A_1344, %reduce_sum3A_1345 [1] : vector<32x128xf32> to vector<32xf32>
    %broadcast_in_dim3A_1347 = vector.shape_cast %reduce_sum3A_1346 : vector<32xf32> to vector<32x1xf32>
    %slice3A_1348 = vector.extract_strided_slice %mul3A_1341 {offsets = [0, 256], sizes = [32, 128], strides = [1, 1]} : vector<32x768xf32> to vector<32x128xf32>
    %slice3A_1349 = vector.extract_strided_slice %mul3A_1341 {offsets = [0, 384], sizes = [32, 128], strides = [1, 1]} : vector<32x768xf32> to vector<32x128xf32>
    %add3A_1350 = arith.addf %slice3A_1348, %slice3A_1349 : vector<32x128xf32>
    %reduce_sum3A_1351 = arith.constant dense<0.000000e+00> : vector<32xf32>
    %reduce_sum3A_1352 = vector.multi_reduction <add>, %add3A_1350, %reduce_sum3A_1351 [1] : vector<32x128xf32> to vector<32xf32>
    %broadcast_in_dim3A_1353 = vector.shape_cast %reduce_sum3A_1352 : vector<32xf32> to vector<32x1xf32>
    %slice3A_1354 = vector.extract_strided_slice %mul3A_1341 {offsets = [0, 512], sizes = [32, 128], strides = [1, 1]} : vector<32x768xf32> to vector<32x128xf32>
    %slice3A_1355 = vector.extract_strided_slice %mul3A_1341 {offsets = [0, 640], sizes = [32, 128], strides = [1, 1]} : vector<32x768xf32> to vector<32x128xf32>
    %add3A_1356 = arith.addf %slice3A_1354, %slice3A_1355 : vector<32x128xf32>
    %reduce_sum3A_1357 = arith.constant dense<0.000000e+00> : vector<32xf32>
    %reduce_sum3A_1358 = vector.multi_reduction <add>, %add3A_1356, %reduce_sum3A_1357 [1] : vector<32x128xf32> to vector<32xf32>
    %broadcast_in_dim3A_1359 = vector.shape_cast %reduce_sum3A_1358 : vector<32xf32> to vector<32x1xf32>
    %add3A_1360 = arith.addf %broadcast_in_dim3A_1347, %broadcast_in_dim3A_1353 : vector<32x1xf32>
    %add3A_1361 = arith.addf %add3A_1360, %broadcast_in_dim3A_1359 : vector<32x1xf32>
    %mul3A_1362 = arith.mulf %select_n3A_1340, %get3A_1335 : vector<32x768xf32>
    %slice3A_1363 = vector.extract_strided_slice %mul3A_1362 {offsets = [0, 0], sizes = [32, 128], strides = [1, 1]} : vector<32x768xf32> to vector<32x128xf32>
    %slice3A_1364 = vector.extract_strided_slice %mul3A_1362 {offsets = [0, 128], sizes = [32, 128], strides = [1, 1]} : vector<32x768xf32> to vector<32x128xf32>
    %add3A_1365 = arith.addf %slice3A_1363, %slice3A_1364 : vector<32x128xf32>
    %reduce_sum3A_1366 = arith.constant dense<0.000000e+00> : vector<32xf32>
    %reduce_sum3A_1367 = vector.multi_reduction <add>, %add3A_1365, %reduce_sum3A_1366 [1] : vector<32x128xf32> to vector<32xf32>
    %broadcast_in_dim3A_1368 = vector.shape_cast %reduce_sum3A_1367 : vector<32xf32> to vector<32x1xf32>
    %slice3A_1369 = vector.extract_strided_slice %mul3A_1362 {offsets = [0, 256], sizes = [32, 128], strides = [1, 1]} : vector<32x768xf32> to vector<32x128xf32>
    %slice3A_1370 = vector.extract_strided_slice %mul3A_1362 {offsets = [0, 384], sizes = [32, 128], strides = [1, 1]} : vector<32x768xf32> to vector<32x128xf32>
    %add3A_1371 = arith.addf %slice3A_1369, %slice3A_1370 : vector<32x128xf32>
    %reduce_sum3A_1372 = arith.constant dense<0.000000e+00> : vector<32xf32>
    %reduce_sum3A_1373 = vector.multi_reduction <add>, %add3A_1371, %reduce_sum3A_1372 [1] : vector<32x128xf32> to vector<32xf32>
    %broadcast_in_dim3A_1374 = vector.shape_cast %reduce_sum3A_1373 : vector<32xf32> to vector<32x1xf32>
    %slice3A_1375 = vector.extract_strided_slice %mul3A_1362 {offsets = [0, 512], sizes = [32, 128], strides = [1, 1]} : vector<32x768xf32> to vector<32x128xf32>
    %slice3A_1376 = vector.extract_strided_slice %mul3A_1362 {offsets = [0, 640], sizes = [32, 128], strides = [1, 1]} : vector<32x768xf32> to vector<32x128xf32>
    %add3A_1377 = arith.addf %slice3A_1375, %slice3A_1376 : vector<32x128xf32>
    %reduce_sum3A_1378 = arith.constant dense<0.000000e+00> : vector<32xf32>
    %reduce_sum3A_1379 = vector.multi_reduction <add>, %add3A_1377, %reduce_sum3A_1378 [1] : vector<32x128xf32> to vector<32xf32>
    %broadcast_in_dim3A_1380 = vector.shape_cast %reduce_sum3A_1379 : vector<32xf32> to vector<32x1xf32>
    %add3A_1381 = arith.addf %broadcast_in_dim3A_1368, %broadcast_in_dim3A_1374 : vector<32x1xf32>
    %add3A_1382 = arith.addf %add3A_1381, %broadcast_in_dim3A_1380 : vector<32x1xf32>
    %mul3A_1383 = arith.mulf %get3A_1330, %get3A_1330 : vector<32x768xf32>
    %slice3A_1384 = vector.extract_strided_slice %mul3A_1383 {offsets = [0, 0], sizes = [32, 128], strides = [1, 1]} : vector<32x768xf32> to vector<32x128xf32>
    %slice3A_1385 = vector.extract_strided_slice %mul3A_1383 {offsets = [0, 128], sizes = [32, 128], strides = [1, 1]} : vector<32x768xf32> to vector<32x128xf32>
    %add3A_1386 = arith.addf %slice3A_1384, %slice3A_1385 : vector<32x128xf32>
    %reduce_sum3A_1387 = arith.constant dense<0.000000e+00> : vector<32xf32>
    %reduce_sum3A_1388 = vector.multi_reduction <add>, %add3A_1386, %reduce_sum3A_1387 [1] : vector<32x128xf32> to vector<32xf32>
    %broadcast_in_dim3A_1389 = vector.shape_cast %reduce_sum3A_1388 : vector<32xf32> to vector<32x1xf32>
    %slice3A_1390 = vector.extract_strided_slice %mul3A_1383 {offsets = [0, 256], sizes = [32, 128], strides = [1, 1]} : vector<32x768xf32> to vector<32x128xf32>
    %slice3A_1391 = vector.extract_strided_slice %mul3A_1383 {offsets = [0, 384], sizes = [32, 128], strides = [1, 1]} : vector<32x768xf32> to vector<32x128xf32>
    %add3A_1392 = arith.addf %slice3A_1390, %slice3A_1391 : vector<32x128xf32>
    %reduce_sum3A_1393 = arith.constant dense<0.000000e+00> : vector<32xf32>
    %reduce_sum3A_1394 = vector.multi_reduction <add>, %add3A_1392, %reduce_sum3A_1393 [1] : vector<32x128xf32> to vector<32xf32>
    %broadcast_in_dim3A_1395 = vector.shape_cast %reduce_sum3A_1394 : vector<32xf32> to vector<32x1xf32>
    %slice3A_1396 = vector.extract_strided_slice %mul3A_1383 {offsets = [0, 512], sizes = [32, 128], strides = [1, 1]} : vector<32x768xf32> to vector<32x128xf32>
    %slice3A_1397 = vector.extract_strided_slice %mul3A_1383 {offsets = [0, 640], sizes = [32, 128], strides = [1, 1]} : vector<32x768xf32> to vector<32x128xf32>
    %add3A_1398 = arith.addf %slice3A_1396, %slice3A_1397 : vector<32x128xf32>
    %reduce_sum3A_1399 = arith.constant dense<0.000000e+00> : vector<32xf32>
    %reduce_sum3A_1400 = vector.multi_reduction <add>, %add3A_1398, %reduce_sum3A_1399 [1] : vector<32x128xf32> to vector<32xf32>
    %broadcast_in_dim3A_1401 = vector.shape_cast %reduce_sum3A_1400 : vector<32xf32> to vector<32x1xf32>
    %add3A_1402 = arith.addf %broadcast_in_dim3A_1389, %broadcast_in_dim3A_1395 : vector<32x1xf32>
    %add3A_1403 = arith.addf %add3A_1402, %broadcast_in_dim3A_1401 : vector<32x1xf32>
    %mul3A_1404 = arith.mulf %get3A_1335, %get3A_1335 : vector<32x768xf32>
    %slice3A_1405 = vector.extract_strided_slice %mul3A_1404 {offsets = [0, 0], sizes = [32, 128], strides = [1, 1]} : vector<32x768xf32> to vector<32x128xf32>
    %slice3A_1406 = vector.extract_strided_slice %mul3A_1404 {offsets = [0, 128], sizes = [32, 128], strides = [1, 1]} : vector<32x768xf32> to vector<32x128xf32>
    %add3A_1407 = arith.addf %slice3A_1405, %slice3A_1406 : vector<32x128xf32>
    %reduce_sum3A_1408 = arith.constant dense<0.000000e+00> : vector<32xf32>
    %reduce_sum3A_1409 = vector.multi_reduction <add>, %add3A_1407, %reduce_sum3A_1408 [1] : vector<32x128xf32> to vector<32xf32>
    %broadcast_in_dim3A_1410 = vector.shape_cast %reduce_sum3A_1409 : vector<32xf32> to vector<32x1xf32>
    %slice3A_1411 = vector.extract_strided_slice %mul3A_1404 {offsets = [0, 256], sizes = [32, 128], strides = [1, 1]} : vector<32x768xf32> to vector<32x128xf32>
    %slice3A_1412 = vector.extract_strided_slice %mul3A_1404 {offsets = [0, 384], sizes = [32, 128], strides = [1, 1]} : vector<32x768xf32> to vector<32x128xf32>
    %add3A_1413 = arith.addf %slice3A_1411, %slice3A_1412 : vector<32x128xf32>
    %reduce_sum3A_1414 = arith.constant dense<0.000000e+00> : vector<32xf32>
    %reduce_sum3A_1415 = vector.multi_reduction <add>, %add3A_1413, %reduce_sum3A_1414 [1] : vector<32x128xf32> to vector<32xf32>
    %broadcast_in_dim3A_1416 = vector.shape_cast %reduce_sum3A_1415 : vector<32xf32> to vector<32x1xf32>
    %slice3A_1417 = vector.extract_strided_slice %mul3A_1404 {offsets = [0, 512], sizes = [32, 128], strides = [1, 1]} : vector<32x768xf32> to vector<32x128xf32>
    %slice3A_1418 = vector.extract_strided_slice %mul3A_1404 {offsets = [0, 640], sizes = [32, 128], strides = [1, 1]} : vector<32x768xf32> to vector<32x128xf32>
    %add3A_1419 = arith.addf %slice3A_1417, %slice3A_1418 : vector<32x128xf32>
    %reduce_sum3A_1420 = arith.constant dense<0.000000e+00> : vector<32xf32>
    %reduce_sum3A_1421 = vector.multi_reduction <add>, %add3A_1419, %reduce_sum3A_1420 [1] : vector<32x128xf32> to vector<32xf32>
    %broadcast_in_dim3A_1422 = vector.shape_cast %reduce_sum3A_1421 : vector<32xf32> to vector<32x1xf32>
    %add3A_1423 = arith.addf %broadcast_in_dim3A_1410, %broadcast_in_dim3A_1416 : vector<32x1xf32>
    %add3A_1424 = arith.addf %add3A_1423, %broadcast_in_dim3A_1422 : vector<32x1xf32>
    %mul3A_1425 = arith.mulf %select_n3A_1340, %select_n3A_1340 : vector<32x768xf32>
    %slice3A_1426 = vector.extract_strided_slice %mul3A_1425 {offsets = [0, 0], sizes = [32, 128], strides = [1, 1]} : vector<32x768xf32> to vector<32x128xf32>
    %slice3A_1427 = vector.extract_strided_slice %mul3A_1425 {offsets = [0, 128], sizes = [32, 128], strides = [1, 1]} : vector<32x768xf32> to vector<32x128xf32>
    %add3A_1428 = arith.addf %slice3A_1426, %slice3A_1427 : vector<32x128xf32>
    %reduce_sum3A_1429 = arith.constant dense<0.000000e+00> : vector<32xf32>
    %reduce_sum3A_1430 = vector.multi_reduction <add>, %add3A_1428, %reduce_sum3A_1429 [1] : vector<32x128xf32> to vector<32xf32>
    %broadcast_in_dim3A_1431 = vector.shape_cast %reduce_sum3A_1430 : vector<32xf32> to vector<32x1xf32>
    %slice3A_1432 = vector.extract_strided_slice %mul3A_1425 {offsets = [0, 256], sizes = [32, 128], strides = [1, 1]} : vector<32x768xf32> to vector<32x128xf32>
    %slice3A_1433 = vector.extract_strided_slice %mul3A_1425 {offsets = [0, 384], sizes = [32, 128], strides = [1, 1]} : vector<32x768xf32> to vector<32x128xf32>
    %add3A_1434 = arith.addf %slice3A_1432, %slice3A_1433 : vector<32x128xf32>
    %reduce_sum3A_1435 = arith.constant dense<0.000000e+00> : vector<32xf32>
    %reduce_sum3A_1436 = vector.multi_reduction <add>, %add3A_1434, %reduce_sum3A_1435 [1] : vector<32x128xf32> to vector<32xf32>
    %broadcast_in_dim3A_1437 = vector.shape_cast %reduce_sum3A_1436 : vector<32xf32> to vector<32x1xf32>
    %slice3A_1438 = vector.extract_strided_slice %mul3A_1425 {offsets = [0, 512], sizes = [32, 128], strides = [1, 1]} : vector<32x768xf32> to vector<32x128xf32>
    %slice3A_1439 = vector.extract_strided_slice %mul3A_1425 {offsets = [0, 640], sizes = [32, 128], strides = [1, 1]} : vector<32x768xf32> to vector<32x128xf32>
    %add3A_1440 = arith.addf %slice3A_1438, %slice3A_1439 : vector<32x128xf32>
    %reduce_sum3A_1441 = arith.constant dense<0.000000e+00> : vector<32xf32>
    %reduce_sum3A_1442 = vector.multi_reduction <add>, %add3A_1440, %reduce_sum3A_1441 [1] : vector<32x128xf32> to vector<32xf32>
    %broadcast_in_dim3A_1443 = vector.shape_cast %reduce_sum3A_1442 : vector<32xf32> to vector<32x1xf32>
    %add3A_1444 = arith.addf %broadcast_in_dim3A_1431, %broadcast_in_dim3A_1437 : vector<32x1xf32>
    %add3A_1445 = arith.addf %add3A_1444, %broadcast_in_dim3A_1443 : vector<32x1xf32>
    %sqrt3A_1446 = math.sqrt %add3A_1445 : vector<32x1xf32>
    %sqrt3A_1447 = math.sqrt %add3A_1403 : vector<32x1xf32>
    %mul3A_1448 = arith.mulf %sqrt3A_1446, %sqrt3A_1447 : vector<32x1xf32>
    %max3A_1449 = arith.constant 9.99999993E-9 : f32
    %max3A_1450 = vector.broadcast %max3A_1449 : f32 to vector<32x1xf32>
    %max3A_1451 = arith.maximumf %mul3A_1448, %max3A_1450 : vector<32x1xf32>
    %div3A_1452 = arith.divf %add3A_1361, %max3A_1451 : vector<32x1xf32>
    %sqrt3A_1453 = math.sqrt %add3A_1424 : vector<32x1xf32>
    %mul3A_1454 = arith.mulf %sqrt3A_1446, %sqrt3A_1453 : vector<32x1xf32>
    %max3A_1455 = arith.constant 9.99999993E-9 : f32
    %max3A_1456 = vector.broadcast %max3A_1455 : f32 to vector<32x1xf32>
    %max3A_1457 = arith.maximumf %mul3A_1454, %max3A_1456 : vector<32x1xf32>
    %div3A_1458 = arith.divf %add3A_1382, %max3A_1457 : vector<32x1xf32>
    %add3A_1459 = arith.addf %div3A_1452, %div3A_1458 : vector<32x1xf32>
    %roll3A_1460 = arith.constant 31 : i32
    %roll3A_1461 = tpu.dynamic_rotate %add3A_1459 by %roll3A_1460 dim 0 : vector<32x1xf32>, i32 -> vector<32x1xf32>
    %add3A_1462 = arith.addf %add3A_1459, %roll3A_1461 : vector<32x1xf32>
    %mul3A_1463 = arith.constant 2.500000e-01 : f32
    %mul3A_1464 = vector.broadcast %mul3A_1463 : f32 to vector<32x1xf32>
    %mul3A_1465 = arith.mulf %add3A_1462, %mul3A_1464 : vector<32x1xf32>
    %dot_general3A_1466 = arith.constant dense<0.000000e+00> : vector<16x1xf32>
    %dot_general3A_1467 = tpu.matmul %convert_element_type3A_9, %mul3A_1465, %dot_general3A_1466 {dimension_numbers = #tpu.dot_dimension_numbers<[1], [0], [0], [1], [0, 0, 1, 1], [], []>, precision = #tpu.contract_precision<fp32>, transpose_lhs_hint = false} : vector<16x32xf32>, vector<32x1xf32>, vector<16x1xf32> -> vector<16x1xf32>
    %swap3A_1468 = arith.constant 0 : index
    %swap3A_1469 = arith.constant 128 : index
    %swap3A_1470 = arith.constant 0 : index
    %swap3A_1471 = vector.load %arg2[%swap3A_1468, %swap3A_1469, %swap3A_1470] : memref<1x256x1xf32, #tpu.memory_space<vmem>>, vector<1x16x1xf32>
    %swap3A_1472 = vector.shape_cast %swap3A_1471 : vector<1x16x1xf32> to vector<16x1xf32>
    %swap3A_1473 = vector.shape_cast %dot_general3A_1467 : vector<16x1xf32> to vector<1x16x1xf32>
    tpu.vector_store %arg2[%swap3A_1468, %swap3A_1469, %swap3A_1470], %swap3A_1473 {strides = array<i32>} : memref<1x256x1xf32, #tpu.memory_space<vmem>>, vector<1x16x1xf32>,
    %roll3A_1474 = arith.constant 31 : i32
    %roll3A_1475 = tpu.dynamic_rotate %get3A_1330 by %roll3A_1474 dim 0 : vector<32x768xf32>, i32 -> vector<32x768xf32>
    %add3A_1476 = arith.addf %get3A_1330, %roll3A_1475 : vector<32x768xf32>
    %roll3A_1477 = arith.constant 31 : i32
    %roll3A_1478 = tpu.dynamic_rotate %get3A_1335 by %roll3A_1477 dim 0 : vector<32x768xf32>, i32 -> vector<32x768xf32>
    %add3A_1479 = arith.addf %get3A_1335, %roll3A_1478 : vector<32x768xf32>
    %add3A_1480 = arith.addf %add3A_1476, %add3A_1479 : vector<32x768xf32>
    %dot_general3A_1481 = arith.constant dense<0.000000e+00> : vector<16x768xf32>
    %dot_general3A_1482 = tpu.matmul %convert_element_type3A_9, %add3A_1480, %dot_general3A_1481 {dimension_numbers = #tpu.dot_dimension_numbers<[1], [0], [0], [1], [0, 0, 1, 1], [], []>, transpose_lhs_hint = false} : vector<16x32xf32>, vector<32x768xf32>, vector<16x768xf32> -> vector<16x768xf32>
    %mul3A_1483 = arith.constant 2.500000e-01 : f32
    %mul3A_1484 = vector.broadcast %mul3A_1483 : f32 to vector<16x768xf32>
    %mul3A_1485 = arith.mulf %dot_general3A_1482, %mul3A_1484 : vector<16x768xf32>
    %swap3A_1486 = arith.constant 0 : index
    %swap3A_1487 = arith.constant 128 : index
    %swap3A_1488 = arith.constant 0 : index
    %swap3A_1489 = vector.load %arg3[%swap3A_1486, %swap3A_1487, %swap3A_1488] : memref<1x256x768xf32, #tpu.memory_space<vmem>>, vector<1x16x768xf32>
    %swap3A_1490 = vector.shape_cast %swap3A_1489 : vector<1x16x768xf32> to vector<16x768xf32>
    %swap3A_1491 = vector.shape_cast %mul3A_1485 : vector<16x768xf32> to vector<1x16x768xf32>
    tpu.vector_store %arg3[%swap3A_1486, %swap3A_1487, %swap3A_1488], %swap3A_1491 {strides = array<i32>} : memref<1x256x768xf32, #tpu.memory_space<vmem>>, vector<1x16x768xf32>,
    %get3A_1492 = arith.constant 0 : index
    %get3A_1493 = arith.constant 576 : index
    %get3A_1494 = arith.constant 0 : index
    %get3A_1495 = vector.load %arg1[%get3A_1492, %get3A_1493, %get3A_1494] : memref<1x1024x768xf32, #tpu.memory_space<vmem>>, vector<1x32x768xf32>
    %get3A_1496 = vector.shape_cast %get3A_1495 : vector<1x32x768xf32> to vector<32x768xf32>
    %get3A_1497 = arith.constant 0 : index
    %get3A_1498 = arith.constant 608 : index
    %get3A_1499 = arith.constant 0 : index
    %get3A_1500 = vector.load %arg1[%get3A_1497, %get3A_1498, %get3A_1499] : memref<1x1024x768xf32, #tpu.memory_space<vmem>>, vector<1x32x768xf32>
    %get3A_1501 = vector.shape_cast %get3A_1500 : vector<1x32x768xf32> to vector<32x768xf32>
    %roll3A_1502 = arith.constant 1 : i32
    %roll3A_1503 = tpu.dynamic_rotate %get3A_1496 by %roll3A_1502 dim 0 : vector<32x768xf32>, i32 -> vector<32x768xf32>
    %broadcast_in_dim3A_1504 = vector.shape_cast %eq3A_3 : vector<32x1xi1> to vector<32x1xi1>
    %broadcast_in_dim3A_1505 = vector.broadcast %broadcast_in_dim3A_1504 : vector<32x1xi1> to vector<32x768xi1>
    %select_n3A_1506 = arith.select %broadcast_in_dim3A_1505, %roll3A_1503, %get3A_1496 : vector<32x768xi1>, vector<32x768xf32>
    %mul3A_1507 = arith.mulf %select_n3A_1506, %get3A_1496 : vector<32x768xf32>
    %slice3A_1508 = vector.extract_strided_slice %mul3A_1507 {offsets = [0, 0], sizes = [32, 128], strides = [1, 1]} : vector<32x768xf32> to vector<32x128xf32>
    %slice3A_1509 = vector.extract_strided_slice %mul3A_1507 {offsets = [0, 128], sizes = [32, 128], strides = [1, 1]} : vector<32x768xf32> to vector<32x128xf32>
    %add3A_1510 = arith.addf %slice3A_1508, %slice3A_1509 : vector<32x128xf32>
    %reduce_sum3A_1511 = arith.constant dense<0.000000e+00> : vector<32xf32>
    %reduce_sum3A_1512 = vector.multi_reduction <add>, %add3A_1510, %reduce_sum3A_1511 [1] : vector<32x128xf32> to vector<32xf32>
    %broadcast_in_dim3A_1513 = vector.shape_cast %reduce_sum3A_1512 : vector<32xf32> to vector<32x1xf32>
    %slice3A_1514 = vector.extract_strided_slice %mul3A_1507 {offsets = [0, 256], sizes = [32, 128], strides = [1, 1]} : vector<32x768xf32> to vector<32x128xf32>
    %slice3A_1515 = vector.extract_strided_slice %mul3A_1507 {offsets = [0, 384], sizes = [32, 128], strides = [1, 1]} : vector<32x768xf32> to vector<32x128xf32>
    %add3A_1516 = arith.addf %slice3A_1514, %slice3A_1515 : vector<32x128xf32>
    %reduce_sum3A_1517 = arith.constant dense<0.000000e+00> : vector<32xf32>
    %reduce_sum3A_1518 = vector.multi_reduction <add>, %add3A_1516, %reduce_sum3A_1517 [1] : vector<32x128xf32> to vector<32xf32>
    %broadcast_in_dim3A_1519 = vector.shape_cast %reduce_sum3A_1518 : vector<32xf32> to vector<32x1xf32>
    %slice3A_1520 = vector.extract_strided_slice %mul3A_1507 {offsets = [0, 512], sizes = [32, 128], strides = [1, 1]} : vector<32x768xf32> to vector<32x128xf32>
    %slice3A_1521 = vector.extract_strided_slice %mul3A_1507 {offsets = [0, 640], sizes = [32, 128], strides = [1, 1]} : vector<32x768xf32> to vector<32x128xf32>
    %add3A_1522 = arith.addf %slice3A_1520, %slice3A_1521 : vector<32x128xf32>
    %reduce_sum3A_1523 = arith.constant dense<0.000000e+00> : vector<32xf32>
    %reduce_sum3A_1524 = vector.multi_reduction <add>, %add3A_1522, %reduce_sum3A_1523 [1] : vector<32x128xf32> to vector<32xf32>
    %broadcast_in_dim3A_1525 = vector.shape_cast %reduce_sum3A_1524 : vector<32xf32> to vector<32x1xf32>
    %add3A_1526 = arith.addf %broadcast_in_dim3A_1513, %broadcast_in_dim3A_1519 : vector<32x1xf32>
    %add3A_1527 = arith.addf %add3A_1526, %broadcast_in_dim3A_1525 : vector<32x1xf32>
    %mul3A_1528 = arith.mulf %select_n3A_1506, %get3A_1501 : vector<32x768xf32>
    %slice3A_1529 = vector.extract_strided_slice %mul3A_1528 {offsets = [0, 0], sizes = [32, 128], strides = [1, 1]} : vector<32x768xf32> to vector<32x128xf32>
    %slice3A_1530 = vector.extract_strided_slice %mul3A_1528 {offsets = [0, 128], sizes = [32, 128], strides = [1, 1]} : vector<32x768xf32> to vector<32x128xf32>
    %add3A_1531 = arith.addf %slice3A_1529, %slice3A_1530 : vector<32x128xf32>
    %reduce_sum3A_1532 = arith.constant dense<0.000000e+00> : vector<32xf32>
    %reduce_sum3A_1533 = vector.multi_reduction <add>, %add3A_1531, %reduce_sum3A_1532 [1] : vector<32x128xf32> to vector<32xf32>
    %broadcast_in_dim3A_1534 = vector.shape_cast %reduce_sum3A_1533 : vector<32xf32> to vector<32x1xf32>
    %slice3A_1535 = vector.extract_strided_slice %mul3A_1528 {offsets = [0, 256], sizes = [32, 128], strides = [1, 1]} : vector<32x768xf32> to vector<32x128xf32>
    %slice3A_1536 = vector.extract_strided_slice %mul3A_1528 {offsets = [0, 384], sizes = [32, 128], strides = [1, 1]} : vector<32x768xf32> to vector<32x128xf32>
    %add3A_1537 = arith.addf %slice3A_1535, %slice3A_1536 : vector<32x128xf32>
    %reduce_sum3A_1538 = arith.constant dense<0.000000e+00> : vector<32xf32>
    %reduce_sum3A_1539 = vector.multi_reduction <add>, %add3A_1537, %reduce_sum3A_1538 [1] : vector<32x128xf32> to vector<32xf32>
    %broadcast_in_dim3A_1540 = vector.shape_cast %reduce_sum3A_1539 : vector<32xf32> to vector<32x1xf32>
    %slice3A_1541 = vector.extract_strided_slice %mul3A_1528 {offsets = [0, 512], sizes = [32, 128], strides = [1, 1]} : vector<32x768xf32> to vector<32x128xf32>
    %slice3A_1542 = vector.extract_strided_slice %mul3A_1528 {offsets = [0, 640], sizes = [32, 128], strides = [1, 1]} : vector<32x768xf32> to vector<32x128xf32>
    %add3A_1543 = arith.addf %slice3A_1541, %slice3A_1542 : vector<32x128xf32>
    %reduce_sum3A_1544 = arith.constant dense<0.000000e+00> : vector<32xf32>
    %reduce_sum3A_1545 = vector.multi_reduction <add>, %add3A_1543, %reduce_sum3A_1544 [1] : vector<32x128xf32> to vector<32xf32>
    %broadcast_in_dim3A_1546 = vector.shape_cast %reduce_sum3A_1545 : vector<32xf32> to vector<32x1xf32>
    %add3A_1547 = arith.addf %broadcast_in_dim3A_1534, %broadcast_in_dim3A_1540 : vector<32x1xf32>
    %add3A_1548 = arith.addf %add3A_1547, %broadcast_in_dim3A_1546 : vector<32x1xf32>
    %mul3A_1549 = arith.mulf %get3A_1496, %get3A_1496 : vector<32x768xf32>
    %slice3A_1550 = vector.extract_strided_slice %mul3A_1549 {offsets = [0, 0], sizes = [32, 128], strides = [1, 1]} : vector<32x768xf32> to vector<32x128xf32>
    %slice3A_1551 = vector.extract_strided_slice %mul3A_1549 {offsets = [0, 128], sizes = [32, 128], strides = [1, 1]} : vector<32x768xf32> to vector<32x128xf32>
    %add3A_1552 = arith.addf %slice3A_1550, %slice3A_1551 : vector<32x128xf32>
    %reduce_sum3A_1553 = arith.constant dense<0.000000e+00> : vector<32xf32>
    %reduce_sum3A_1554 = vector.multi_reduction <add>, %add3A_1552, %reduce_sum3A_1553 [1] : vector<32x128xf32> to vector<32xf32>
    %broadcast_in_dim3A_1555 = vector.shape_cast %reduce_sum3A_1554 : vector<32xf32> to vector<32x1xf32>
    %slice3A_1556 = vector.extract_strided_slice %mul3A_1549 {offsets = [0, 256], sizes = [32, 128], strides = [1, 1]} : vector<32x768xf32> to vector<32x128xf32>
    %slice3A_1557 = vector.extract_strided_slice %mul3A_1549 {offsets = [0, 384], sizes = [32, 128], strides = [1, 1]} : vector<32x768xf32> to vector<32x128xf32>
    %add3A_1558 = arith.addf %slice3A_1556, %slice3A_1557 : vector<32x128xf32>
    %reduce_sum3A_1559 = arith.constant dense<0.000000e+00> : vector<32xf32>
    %reduce_sum3A_1560 = vector.multi_reduction <add>, %add3A_1558, %reduce_sum3A_1559 [1] : vector<32x128xf32> to vector<32xf32>
    %broadcast_in_dim3A_1561 = vector.shape_cast %reduce_sum3A_1560 : vector<32xf32> to vector<32x1xf32>
    %slice3A_1562 = vector.extract_strided_slice %mul3A_1549 {offsets = [0, 512], sizes = [32, 128], strides = [1, 1]} : vector<32x768xf32> to vector<32x128xf32>
    %slice3A_1563 = vector.extract_strided_slice %mul3A_1549 {offsets = [0, 640], sizes = [32, 128], strides = [1, 1]} : vector<32x768xf32> to vector<32x128xf32>
    %add3A_1564 = arith.addf %slice3A_1562, %slice3A_1563 : vector<32x128xf32>
    %reduce_sum3A_1565 = arith.constant dense<0.000000e+00> : vector<32xf32>
    %reduce_sum3A_1566 = vector.multi_reduction <add>, %add3A_1564, %reduce_sum3A_1565 [1] : vector<32x128xf32> to vector<32xf32>
    %broadcast_in_dim3A_1567 = vector.shape_cast %reduce_sum3A_1566 : vector<32xf32> to vector<32x1xf32>
    %add3A_1568 = arith.addf %broadcast_in_dim3A_1555, %broadcast_in_dim3A_1561 : vector<32x1xf32>
    %add3A_1569 = arith.addf %add3A_1568, %broadcast_in_dim3A_1567 : vector<32x1xf32>
    %mul3A_1570 = arith.mulf %get3A_1501, %get3A_1501 : vector<32x768xf32>
    %slice3A_1571 = vector.extract_strided_slice %mul3A_1570 {offsets = [0, 0], sizes = [32, 128], strides = [1, 1]} : vector<32x768xf32> to vector<32x128xf32>
    %slice3A_1572 = vector.extract_strided_slice %mul3A_1570 {offsets = [0, 128], sizes = [32, 128], strides = [1, 1]} : vector<32x768xf32> to vector<32x128xf32>
    %add3A_1573 = arith.addf %slice3A_1571, %slice3A_1572 : vector<32x128xf32>
    %reduce_sum3A_1574 = arith.constant dense<0.000000e+00> : vector<32xf32>
    %reduce_sum3A_1575 = vector.multi_reduction <add>, %add3A_1573, %reduce_sum3A_1574 [1] : vector<32x128xf32> to vector<32xf32>
    %broadcast_in_dim3A_1576 = vector.shape_cast %reduce_sum3A_1575 : vector<32xf32> to vector<32x1xf32>
    %slice3A_1577 = vector.extract_strided_slice %mul3A_1570 {offsets = [0, 256], sizes = [32, 128], strides = [1, 1]} : vector<32x768xf32> to vector<32x128xf32>
    %slice3A_1578 = vector.extract_strided_slice %mul3A_1570 {offsets = [0, 384], sizes = [32, 128], strides = [1, 1]} : vector<32x768xf32> to vector<32x128xf32>
    %add3A_1579 = arith.addf %slice3A_1577, %slice3A_1578 : vector<32x128xf32>
    %reduce_sum3A_1580 = arith.constant dense<0.000000e+00> : vector<32xf32>
    %reduce_sum3A_1581 = vector.multi_reduction <add>, %add3A_1579, %reduce_sum3A_1580 [1] : vector<32x128xf32> to vector<32xf32>
    %broadcast_in_dim3A_1582 = vector.shape_cast %reduce_sum3A_1581 : vector<32xf32> to vector<32x1xf32>
    %slice3A_1583 = vector.extract_strided_slice %mul3A_1570 {offsets = [0, 512], sizes = [32, 128], strides = [1, 1]} : vector<32x768xf32> to vector<32x128xf32>
    %slice3A_1584 = vector.extract_strided_slice %mul3A_1570 {offsets = [0, 640], sizes = [32, 128], strides = [1, 1]} : vector<32x768xf32> to vector<32x128xf32>
    %add3A_1585 = arith.addf %slice3A_1583, %slice3A_1584 : vector<32x128xf32>
    %reduce_sum3A_1586 = arith.constant dense<0.000000e+00> : vector<32xf32>
    %reduce_sum3A_1587 = vector.multi_reduction <add>, %add3A_1585, %reduce_sum3A_1586 [1] : vector<32x128xf32> to vector<32xf32>
    %broadcast_in_dim3A_1588 = vector.shape_cast %reduce_sum3A_1587 : vector<32xf32> to vector<32x1xf32>
    %add3A_1589 = arith.addf %broadcast_in_dim3A_1576, %broadcast_in_dim3A_1582 : vector<32x1xf32>
    %add3A_1590 = arith.addf %add3A_1589, %broadcast_in_dim3A_1588 : vector<32x1xf32>
    %mul3A_1591 = arith.mulf %select_n3A_1506, %select_n3A_1506 : vector<32x768xf32>
    %slice3A_1592 = vector.extract_strided_slice %mul3A_1591 {offsets = [0, 0], sizes = [32, 128], strides = [1, 1]} : vector<32x768xf32> to vector<32x128xf32>
    %slice3A_1593 = vector.extract_strided_slice %mul3A_1591 {offsets = [0, 128], sizes = [32, 128], strides = [1, 1]} : vector<32x768xf32> to vector<32x128xf32>
    %add3A_1594 = arith.addf %slice3A_1592, %slice3A_1593 : vector<32x128xf32>
    %reduce_sum3A_1595 = arith.constant dense<0.000000e+00> : vector<32xf32>
    %reduce_sum3A_1596 = vector.multi_reduction <add>, %add3A_1594, %reduce_sum3A_1595 [1] : vector<32x128xf32> to vector<32xf32>
    %broadcast_in_dim3A_1597 = vector.shape_cast %reduce_sum3A_1596 : vector<32xf32> to vector<32x1xf32>
    %slice3A_1598 = vector.extract_strided_slice %mul3A_1591 {offsets = [0, 256], sizes = [32, 128], strides = [1, 1]} : vector<32x768xf32> to vector<32x128xf32>
    %slice3A_1599 = vector.extract_strided_slice %mul3A_1591 {offsets = [0, 384], sizes = [32, 128], strides = [1, 1]} : vector<32x768xf32> to vector<32x128xf32>
    %add3A_1600 = arith.addf %slice3A_1598, %slice3A_1599 : vector<32x128xf32>
    %reduce_sum3A_1601 = arith.constant dense<0.000000e+00> : vector<32xf32>
    %reduce_sum3A_1602 = vector.multi_reduction <add>, %add3A_1600, %reduce_sum3A_1601 [1] : vector<32x128xf32> to vector<32xf32>
    %broadcast_in_dim3A_1603 = vector.shape_cast %reduce_sum3A_1602 : vector<32xf32> to vector<32x1xf32>
    %slice3A_1604 = vector.extract_strided_slice %mul3A_1591 {offsets = [0, 512], sizes = [32, 128], strides = [1, 1]} : vector<32x768xf32> to vector<32x128xf32>
    %slice3A_1605 = vector.extract_strided_slice %mul3A_1591 {offsets = [0, 640], sizes = [32, 128], strides = [1, 1]} : vector<32x768xf32> to vector<32x128xf32>
    %add3A_1606 = arith.addf %slice3A_1604, %slice3A_1605 : vector<32x128xf32>
    %reduce_sum3A_1607 = arith.constant dense<0.000000e+00> : vector<32xf32>
    %reduce_sum3A_1608 = vector.multi_reduction <add>, %add3A_1606, %reduce_sum3A_1607 [1] : vector<32x128xf32> to vector<32xf32>
    %broadcast_in_dim3A_1609 = vector.shape_cast %reduce_sum3A_1608 : vector<32xf32> to vector<32x1xf32>
    %add3A_1610 = arith.addf %broadcast_in_dim3A_1597, %broadcast_in_dim3A_1603 : vector<32x1xf32>
    %add3A_1611 = arith.addf %add3A_1610, %broadcast_in_dim3A_1609 : vector<32x1xf32>
    %sqrt3A_1612 = math.sqrt %add3A_1611 : vector<32x1xf32>
    %sqrt3A_1613 = math.sqrt %add3A_1569 : vector<32x1xf32>
    %mul3A_1614 = arith.mulf %sqrt3A_1612, %sqrt3A_1613 : vector<32x1xf32>
    %max3A_1615 = arith.constant 9.99999993E-9 : f32
    %max3A_1616 = vector.broadcast %max3A_1615 : f32 to vector<32x1xf32>
    %max3A_1617 = arith.maximumf %mul3A_1614, %max3A_1616 : vector<32x1xf32>
    %div3A_1618 = arith.divf %add3A_1527, %max3A_1617 : vector<32x1xf32>
    %sqrt3A_1619 = math.sqrt %add3A_1590 : vector<32x1xf32>
    %mul3A_1620 = arith.mulf %sqrt3A_1612, %sqrt3A_1619 : vector<32x1xf32>
    %max3A_1621 = arith.constant 9.99999993E-9 : f32
    %max3A_1622 = vector.broadcast %max3A_1621 : f32 to vector<32x1xf32>
    %max3A_1623 = arith.maximumf %mul3A_1620, %max3A_1622 : vector<32x1xf32>
    %div3A_1624 = arith.divf %add3A_1548, %max3A_1623 : vector<32x1xf32>
    %add3A_1625 = arith.addf %div3A_1618, %div3A_1624 : vector<32x1xf32>
    %roll3A_1626 = arith.constant 31 : i32
    %roll3A_1627 = tpu.dynamic_rotate %add3A_1625 by %roll3A_1626 dim 0 : vector<32x1xf32>, i32 -> vector<32x1xf32>
    %add3A_1628 = arith.addf %add3A_1625, %roll3A_1627 : vector<32x1xf32>
    %mul3A_1629 = arith.constant 2.500000e-01 : f32
    %mul3A_1630 = vector.broadcast %mul3A_1629 : f32 to vector<32x1xf32>
    %mul3A_1631 = arith.mulf %add3A_1628, %mul3A_1630 : vector<32x1xf32>
    %dot_general3A_1632 = arith.constant dense<0.000000e+00> : vector<16x1xf32>
    %dot_general3A_1633 = tpu.matmul %convert_element_type3A_9, %mul3A_1631, %dot_general3A_1632 {dimension_numbers = #tpu.dot_dimension_numbers<[1], [0], [0], [1], [0, 0, 1, 1], [], []>, precision = #tpu.contract_precision<fp32>, transpose_lhs_hint = false} : vector<16x32xf32>, vector<32x1xf32>, vector<16x1xf32> -> vector<16x1xf32>
    %swap3A_1634 = arith.constant 0 : index
    %swap3A_1635 = arith.constant 144 : index
    %swap3A_1636 = arith.constant 0 : index
    %swap3A_1637 = vector.load %arg2[%swap3A_1634, %swap3A_1635, %swap3A_1636] : memref<1x256x1xf32, #tpu.memory_space<vmem>>, vector<1x16x1xf32>
    %swap3A_1638 = vector.shape_cast %swap3A_1637 : vector<1x16x1xf32> to vector<16x1xf32>
    %swap3A_1639 = vector.shape_cast %dot_general3A_1633 : vector<16x1xf32> to vector<1x16x1xf32>
    tpu.vector_store %arg2[%swap3A_1634, %swap3A_1635, %swap3A_1636], %swap3A_1639 {strides = array<i32>} : memref<1x256x1xf32, #tpu.memory_space<vmem>>, vector<1x16x1xf32>,
    %roll3A_1640 = arith.constant 31 : i32
    %roll3A_1641 = tpu.dynamic_rotate %get3A_1496 by %roll3A_1640 dim 0 : vector<32x768xf32>, i32 -> vector<32x768xf32>
    %add3A_1642 = arith.addf %get3A_1496, %roll3A_1641 : vector<32x768xf32>
    %roll3A_1643 = arith.constant 31 : i32
    %roll3A_1644 = tpu.dynamic_rotate %get3A_1501 by %roll3A_1643 dim 0 : vector<32x768xf32>, i32 -> vector<32x768xf32>
    %add3A_1645 = arith.addf %get3A_1501, %roll3A_1644 : vector<32x768xf32>
    %add3A_1646 = arith.addf %add3A_1642, %add3A_1645 : vector<32x768xf32>
    %dot_general3A_1647 = arith.constant dense<0.000000e+00> : vector<16x768xf32>
    %dot_general3A_1648 = tpu.matmul %convert_element_type3A_9, %add3A_1646, %dot_general3A_1647 {dimension_numbers = #tpu.dot_dimension_numbers<[1], [0], [0], [1], [0, 0, 1, 1], [], []>, transpose_lhs_hint = false} : vector<16x32xf32>, vector<32x768xf32>, vector<16x768xf32> -> vector<16x768xf32>
    %mul3A_1649 = arith.constant 2.500000e-01 : f32
    %mul3A_1650 = vector.broadcast %mul3A_1649 : f32 to vector<16x768xf32>
    %mul3A_1651 = arith.mulf %dot_general3A_1648, %mul3A_1650 : vector<16x768xf32>
    %swap3A_1652 = arith.constant 0 : index
    %swap3A_1653 = arith.constant 144 : index
    %swap3A_1654 = arith.constant 0 : index
    %swap3A_1655 = vector.load %arg3[%swap3A_1652, %swap3A_1653, %swap3A_1654] : memref<1x256x768xf32, #tpu.memory_space<vmem>>, vector<1x16x768xf32>
    %swap3A_1656 = vector.shape_cast %swap3A_1655 : vector<1x16x768xf32> to vector<16x768xf32>
    %swap3A_1657 = vector.shape_cast %mul3A_1651 : vector<16x768xf32> to vector<1x16x768xf32>
    tpu.vector_store %arg3[%swap3A_1652, %swap3A_1653, %swap3A_1654], %swap3A_1657 {strides = array<i32>} : memref<1x256x768xf32, #tpu.memory_space<vmem>>, vector<1x16x768xf32>,
    %get3A_1658 = arith.constant 0 : index
    %get3A_1659 = arith.constant 640 : index
    %get3A_1660 = arith.constant 0 : index
    %get3A_1661 = vector.load %arg1[%get3A_1658, %get3A_1659, %get3A_1660] : memref<1x1024x768xf32, #tpu.memory_space<vmem>>, vector<1x32x768xf32>
    %get3A_1662 = vector.shape_cast %get3A_1661 : vector<1x32x768xf32> to vector<32x768xf32>
    %get3A_1663 = arith.constant 0 : index
    %get3A_1664 = arith.constant 672 : index
    %get3A_1665 = arith.constant 0 : index
    %get3A_1666 = vector.load %arg1[%get3A_1663, %get3A_1664, %get3A_1665] : memref<1x1024x768xf32, #tpu.memory_space<vmem>>, vector<1x32x768xf32>
    %get3A_1667 = vector.shape_cast %get3A_1666 : vector<1x32x768xf32> to vector<32x768xf32>
    %roll3A_1668 = arith.constant 1 : i32
    %roll3A_1669 = tpu.dynamic_rotate %get3A_1662 by %roll3A_1668 dim 0 : vector<32x768xf32>, i32 -> vector<32x768xf32>
    %broadcast_in_dim3A_1670 = vector.shape_cast %eq3A_3 : vector<32x1xi1> to vector<32x1xi1>
    %broadcast_in_dim3A_1671 = vector.broadcast %broadcast_in_dim3A_1670 : vector<32x1xi1> to vector<32x768xi1>
    %select_n3A_1672 = arith.select %broadcast_in_dim3A_1671, %roll3A_1669, %get3A_1662 : vector<32x768xi1>, vector<32x768xf32>
    %mul3A_1673 = arith.mulf %select_n3A_1672, %get3A_1662 : vector<32x768xf32>
    %slice3A_1674 = vector.extract_strided_slice %mul3A_1673 {offsets = [0, 0], sizes = [32, 128], strides = [1, 1]} : vector<32x768xf32> to vector<32x128xf32>
    %slice3A_1675 = vector.extract_strided_slice %mul3A_1673 {offsets = [0, 128], sizes = [32, 128], strides = [1, 1]} : vector<32x768xf32> to vector<32x128xf32>
    %add3A_1676 = arith.addf %slice3A_1674, %slice3A_1675 : vector<32x128xf32>
    %reduce_sum3A_1677 = arith.constant dense<0.000000e+00> : vector<32xf32>
    %reduce_sum3A_1678 = vector.multi_reduction <add>, %add3A_1676, %reduce_sum3A_1677 [1] : vector<32x128xf32> to vector<32xf32>
    %broadcast_in_dim3A_1679 = vector.shape_cast %reduce_sum3A_1678 : vector<32xf32> to vector<32x1xf32>
    %slice3A_1680 = vector.extract_strided_slice %mul3A_1673 {offsets = [0, 256], sizes = [32, 128], strides = [1, 1]} : vector<32x768xf32> to vector<32x128xf32>
    %slice3A_1681 = vector.extract_strided_slice %mul3A_1673 {offsets = [0, 384], sizes = [32, 128], strides = [1, 1]} : vector<32x768xf32> to vector<32x128xf32>
    %add3A_1682 = arith.addf %slice3A_1680, %slice3A_1681 : vector<32x128xf32>
    %reduce_sum3A_1683 = arith.constant dense<0.000000e+00> : vector<32xf32>
    %reduce_sum3A_1684 = vector.multi_reduction <add>, %add3A_1682, %reduce_sum3A_1683 [1] : vector<32x128xf32> to vector<32xf32>
    %broadcast_in_dim3A_1685 = vector.shape_cast %reduce_sum3A_1684 : vector<32xf32> to vector<32x1xf32>
    %slice3A_1686 = vector.extract_strided_slice %mul3A_1673 {offsets = [0, 512], sizes = [32, 128], strides = [1, 1]} : vector<32x768xf32> to vector<32x128xf32>
    %slice3A_1687 = vector.extract_strided_slice %mul3A_1673 {offsets = [0, 640], sizes = [32, 128], strides = [1, 1]} : vector<32x768xf32> to vector<32x128xf32>
    %add3A_1688 = arith.addf %slice3A_1686, %slice3A_1687 : vector<32x128xf32>
    %reduce_sum3A_1689 = arith.constant dense<0.000000e+00> : vector<32xf32>
    %reduce_sum3A_1690 = vector.multi_reduction <add>, %add3A_1688, %reduce_sum3A_1689 [1] : vector<32x128xf32> to vector<32xf32>
    %broadcast_in_dim3A_1691 = vector.shape_cast %reduce_sum3A_1690 : vector<32xf32> to vector<32x1xf32>
    %add3A_1692 = arith.addf %broadcast_in_dim3A_1679, %broadcast_in_dim3A_1685 : vector<32x1xf32>
    %add3A_1693 = arith.addf %add3A_1692, %broadcast_in_dim3A_1691 : vector<32x1xf32>
    %mul3A_1694 = arith.mulf %select_n3A_1672, %get3A_1667 : vector<32x768xf32>
    %slice3A_1695 = vector.extract_strided_slice %mul3A_1694 {offsets = [0, 0], sizes = [32, 128], strides = [1, 1]} : vector<32x768xf32> to vector<32x128xf32>
    %slice3A_1696 = vector.extract_strided_slice %mul3A_1694 {offsets = [0, 128], sizes = [32, 128], strides = [1, 1]} : vector<32x768xf32> to vector<32x128xf32>
    %add3A_1697 = arith.addf %slice3A_1695, %slice3A_1696 : vector<32x128xf32>
    %reduce_sum3A_1698 = arith.constant dense<0.000000e+00> : vector<32xf32>
    %reduce_sum3A_1699 = vector.multi_reduction <add>, %add3A_1697, %reduce_sum3A_1698 [1] : vector<32x128xf32> to vector<32xf32>
    %broadcast_in_dim3A_1700 = vector.shape_cast %reduce_sum3A_1699 : vector<32xf32> to vector<32x1xf32>
    %slice3A_1701 = vector.extract_strided_slice %mul3A_1694 {offsets = [0, 256], sizes = [32, 128], strides = [1, 1]} : vector<32x768xf32> to vector<32x128xf32>
    %slice3A_1702 = vector.extract_strided_slice %mul3A_1694 {offsets = [0, 384], sizes = [32, 128], strides = [1, 1]} : vector<32x768xf32> to vector<32x128xf32>
    %add3A_1703 = arith.addf %slice3A_1701, %slice3A_1702 : vector<32x128xf32>
    %reduce_sum3A_1704 = arith.constant dense<0.000000e+00> : vector<32xf32>
    %reduce_sum3A_1705 = vector.multi_reduction <add>, %add3A_1703, %reduce_sum3A_1704 [1] : vector<32x128xf32> to vector<32xf32>
    %broadcast_in_dim3A_1706 = vector.shape_cast %reduce_sum3A_1705 : vector<32xf32> to vector<32x1xf32>
    %slice3A_1707 = vector.extract_strided_slice %mul3A_1694 {offsets = [0, 512], sizes = [32, 128], strides = [1, 1]} : vector<32x768xf32> to vector<32x128xf32>
    %slice3A_1708 = vector.extract_strided_slice %mul3A_1694 {offsets = [0, 640], sizes = [32, 128], strides = [1, 1]} : vector<32x768xf32> to vector<32x128xf32>
    %add3A_1709 = arith.addf %slice3A_1707, %slice3A_1708 : vector<32x128xf32>
    %reduce_sum3A_1710 = arith.constant dense<0.000000e+00> : vector<32xf32>
    %reduce_sum3A_1711 = vector.multi_reduction <add>, %add3A_1709, %reduce_sum3A_1710 [1] : vector<32x128xf32> to vector<32xf32>
    %broadcast_in_dim3A_1712 = vector.shape_cast %reduce_sum3A_1711 : vector<32xf32> to vector<32x1xf32>
    %add3A_1713 = arith.addf %broadcast_in_dim3A_1700, %broadcast_in_dim3A_1706 : vector<32x1xf32>
    %add3A_1714 = arith.addf %add3A_1713, %broadcast_in_dim3A_1712 : vector<32x1xf32>
    %mul3A_1715 = arith.mulf %get3A_1662, %get3A_1662 : vector<32x768xf32>
    %slice3A_1716 = vector.extract_strided_slice %mul3A_1715 {offsets = [0, 0], sizes = [32, 128], strides = [1, 1]} : vector<32x768xf32> to vector<32x128xf32>
    %slice3A_1717 = vector.extract_strided_slice %mul3A_1715 {offsets = [0, 128], sizes = [32, 128], strides = [1, 1]} : vector<32x768xf32> to vector<32x128xf32>
    %add3A_1718 = arith.addf %slice3A_1716, %slice3A_1717 : vector<32x128xf32>
    %reduce_sum3A_1719 = arith.constant dense<0.000000e+00> : vector<32xf32>
    %reduce_sum3A_1720 = vector.multi_reduction <add>, %add3A_1718, %reduce_sum3A_1719 [1] : vector<32x128xf32> to vector<32xf32>
    %broadcast_in_dim3A_1721 = vector.shape_cast %reduce_sum3A_1720 : vector<32xf32> to vector<32x1xf32>
    %slice3A_1722 = vector.extract_strided_slice %mul3A_1715 {offsets = [0, 256], sizes = [32, 128], strides = [1, 1]} : vector<32x768xf32> to vector<32x128xf32>
    %slice3A_1723 = vector.extract_strided_slice %mul3A_1715 {offsets = [0, 384], sizes = [32, 128], strides = [1, 1]} : vector<32x768xf32> to vector<32x128xf32>
    %add3A_1724 = arith.addf %slice3A_1722, %slice3A_1723 : vector<32x128xf32>
    %reduce_sum3A_1725 = arith.constant dense<0.000000e+00> : vector<32xf32>
    %reduce_sum3A_1726 = vector.multi_reduction <add>, %add3A_1724, %reduce_sum3A_1725 [1] : vector<32x128xf32> to vector<32xf32>
    %broadcast_in_dim3A_1727 = vector.shape_cast %reduce_sum3A_1726 : vector<32xf32> to vector<32x1xf32>
    %slice3A_1728 = vector.extract_strided_slice %mul3A_1715 {offsets = [0, 512], sizes = [32, 128], strides = [1, 1]} : vector<32x768xf32> to vector<32x128xf32>
    %slice3A_1729 = vector.extract_strided_slice %mul3A_1715 {offsets = [0, 640], sizes = [32, 128], strides = [1, 1]} : vector<32x768xf32> to vector<32x128xf32>
    %add3A_1730 = arith.addf %slice3A_1728, %slice3A_1729 : vector<32x128xf32>
    %reduce_sum3A_1731 = arith.constant dense<0.000000e+00> : vector<32xf32>
    %reduce_sum3A_1732 = vector.multi_reduction <add>, %add3A_1730, %reduce_sum3A_1731 [1] : vector<32x128xf32> to vector<32xf32>
    %broadcast_in_dim3A_1733 = vector.shape_cast %reduce_sum3A_1732 : vector<32xf32> to vector<32x1xf32>
    %add3A_1734 = arith.addf %broadcast_in_dim3A_1721, %broadcast_in_dim3A_1727 : vector<32x1xf32>
    %add3A_1735 = arith.addf %add3A_1734, %broadcast_in_dim3A_1733 : vector<32x1xf32>
    %mul3A_1736 = arith.mulf %get3A_1667, %get3A_1667 : vector<32x768xf32>
    %slice3A_1737 = vector.extract_strided_slice %mul3A_1736 {offsets = [0, 0], sizes = [32, 128], strides = [1, 1]} : vector<32x768xf32> to vector<32x128xf32>
    %slice3A_1738 = vector.extract_strided_slice %mul3A_1736 {offsets = [0, 128], sizes = [32, 128], strides = [1, 1]} : vector<32x768xf32> to vector<32x128xf32>
    %add3A_1739 = arith.addf %slice3A_1737, %slice3A_1738 : vector<32x128xf32>
    %reduce_sum3A_1740 = arith.constant dense<0.000000e+00> : vector<32xf32>
    %reduce_sum3A_1741 = vector.multi_reduction <add>, %add3A_1739, %reduce_sum3A_1740 [1] : vector<32x128xf32> to vector<32xf32>
    %broadcast_in_dim3A_1742 = vector.shape_cast %reduce_sum3A_1741 : vector<32xf32> to vector<32x1xf32>
    %slice3A_1743 = vector.extract_strided_slice %mul3A_1736 {offsets = [0, 256], sizes = [32, 128], strides = [1, 1]} : vector<32x768xf32> to vector<32x128xf32>
    %slice3A_1744 = vector.extract_strided_slice %mul3A_1736 {offsets = [0, 384], sizes = [32, 128], strides = [1, 1]} : vector<32x768xf32> to vector<32x128xf32>
    %add3A_1745 = arith.addf %slice3A_1743, %slice3A_1744 : vector<32x128xf32>
    %reduce_sum3A_1746 = arith.constant dense<0.000000e+00> : vector<32xf32>
    %reduce_sum3A_1747 = vector.multi_reduction <add>, %add3A_1745, %reduce_sum3A_1746 [1] : vector<32x128xf32> to vector<32xf32>
    %broadcast_in_dim3A_1748 = vector.shape_cast %reduce_sum3A_1747 : vector<32xf32> to vector<32x1xf32>
    %slice3A_1749 = vector.extract_strided_slice %mul3A_1736 {offsets = [0, 512], sizes = [32, 128], strides = [1, 1]} : vector<32x768xf32> to vector<32x128xf32>
    %slice3A_1750 = vector.extract_strided_slice %mul3A_1736 {offsets = [0, 640], sizes = [32, 128], strides = [1, 1]} : vector<32x768xf32> to vector<32x128xf32>
    %add3A_1751 = arith.addf %slice3A_1749, %slice3A_1750 : vector<32x128xf32>
    %reduce_sum3A_1752 = arith.constant dense<0.000000e+00> : vector<32xf32>
    %reduce_sum3A_1753 = vector.multi_reduction <add>, %add3A_1751, %reduce_sum3A_1752 [1] : vector<32x128xf32> to vector<32xf32>
    %broadcast_in_dim3A_1754 = vector.shape_cast %reduce_sum3A_1753 : vector<32xf32> to vector<32x1xf32>
    %add3A_1755 = arith.addf %broadcast_in_dim3A_1742, %broadcast_in_dim3A_1748 : vector<32x1xf32>
    %add3A_1756 = arith.addf %add3A_1755, %broadcast_in_dim3A_1754 : vector<32x1xf32>
    %mul3A_1757 = arith.mulf %select_n3A_1672, %select_n3A_1672 : vector<32x768xf32>
    %slice3A_1758 = vector.extract_strided_slice %mul3A_1757 {offsets = [0, 0], sizes = [32, 128], strides = [1, 1]} : vector<32x768xf32> to vector<32x128xf32>
    %slice3A_1759 = vector.extract_strided_slice %mul3A_1757 {offsets = [0, 128], sizes = [32, 128], strides = [1, 1]} : vector<32x768xf32> to vector<32x128xf32>
    %add3A_1760 = arith.addf %slice3A_1758, %slice3A_1759 : vector<32x128xf32>
    %reduce_sum3A_1761 = arith.constant dense<0.000000e+00> : vector<32xf32>
    %reduce_sum3A_1762 = vector.multi_reduction <add>, %add3A_1760, %reduce_sum3A_1761 [1] : vector<32x128xf32> to vector<32xf32>
    %broadcast_in_dim3A_1763 = vector.shape_cast %reduce_sum3A_1762 : vector<32xf32> to vector<32x1xf32>
    %slice3A_1764 = vector.extract_strided_slice %mul3A_1757 {offsets = [0, 256], sizes = [32, 128], strides = [1, 1]} : vector<32x768xf32> to vector<32x128xf32>
    %slice3A_1765 = vector.extract_strided_slice %mul3A_1757 {offsets = [0, 384], sizes = [32, 128], strides = [1, 1]} : vector<32x768xf32> to vector<32x128xf32>
    %add3A_1766 = arith.addf %slice3A_1764, %slice3A_1765 : vector<32x128xf32>
    %reduce_sum3A_1767 = arith.constant dense<0.000000e+00> : vector<32xf32>
    %reduce_sum3A_1768 = vector.multi_reduction <add>, %add3A_1766, %reduce_sum3A_1767 [1] : vector<32x128xf32> to vector<32xf32>
    %broadcast_in_dim3A_1769 = vector.shape_cast %reduce_sum3A_1768 : vector<32xf32> to vector<32x1xf32>
    %slice3A_1770 = vector.extract_strided_slice %mul3A_1757 {offsets = [0, 512], sizes = [32, 128], strides = [1, 1]} : vector<32x768xf32> to vector<32x128xf32>
    %slice3A_1771 = vector.extract_strided_slice %mul3A_1757 {offsets = [0, 640], sizes = [32, 128], strides = [1, 1]} : vector<32x768xf32> to vector<32x128xf32>
    %add3A_1772 = arith.addf %slice3A_1770, %slice3A_1771 : vector<32x128xf32>
    %reduce_sum3A_1773 = arith.constant dense<0.000000e+00> : vector<32xf32>
    %reduce_sum3A_1774 = vector.multi_reduction <add>, %add3A_1772, %reduce_sum3A_1773 [1] : vector<32x128xf32> to vector<32xf32>
    %broadcast_in_dim3A_1775 = vector.shape_cast %reduce_sum3A_1774 : vector<32xf32> to vector<32x1xf32>
    %add3A_1776 = arith.addf %broadcast_in_dim3A_1763, %broadcast_in_dim3A_1769 : vector<32x1xf32>
    %add3A_1777 = arith.addf %add3A_1776, %broadcast_in_dim3A_1775 : vector<32x1xf32>
    %sqrt3A_1778 = math.sqrt %add3A_1777 : vector<32x1xf32>
    %sqrt3A_1779 = math.sqrt %add3A_1735 : vector<32x1xf32>
    %mul3A_1780 = arith.mulf %sqrt3A_1778, %sqrt3A_1779 : vector<32x1xf32>
    %max3A_1781 = arith.constant 9.99999993E-9 : f32
    %max3A_1782 = vector.broadcast %max3A_1781 : f32 to vector<32x1xf32>
    %max3A_1783 = arith.maximumf %mul3A_1780, %max3A_1782 : vector<32x1xf32>
    %div3A_1784 = arith.divf %add3A_1693, %max3A_1783 : vector<32x1xf32>
    %sqrt3A_1785 = math.sqrt %add3A_1756 : vector<32x1xf32>
    %mul3A_1786 = arith.mulf %sqrt3A_1778, %sqrt3A_1785 : vector<32x1xf32>
    %max3A_1787 = arith.constant 9.99999993E-9 : f32
    %max3A_1788 = vector.broadcast %max3A_1787 : f32 to vector<32x1xf32>
    %max3A_1789 = arith.maximumf %mul3A_1786, %max3A_1788 : vector<32x1xf32>
    %div3A_1790 = arith.divf %add3A_1714, %max3A_1789 : vector<32x1xf32>
    %add3A_1791 = arith.addf %div3A_1784, %div3A_1790 : vector<32x1xf32>
    %roll3A_1792 = arith.constant 31 : i32
    %roll3A_1793 = tpu.dynamic_rotate %add3A_1791 by %roll3A_1792 dim 0 : vector<32x1xf32>, i32 -> vector<32x1xf32>
    %add3A_1794 = arith.addf %add3A_1791, %roll3A_1793 : vector<32x1xf32>
    %mul3A_1795 = arith.constant 2.500000e-01 : f32
    %mul3A_1796 = vector.broadcast %mul3A_1795 : f32 to vector<32x1xf32>
    %mul3A_1797 = arith.mulf %add3A_1794, %mul3A_1796 : vector<32x1xf32>
    %dot_general3A_1798 = arith.constant dense<0.000000e+00> : vector<16x1xf32>
    %dot_general3A_1799 = tpu.matmul %convert_element_type3A_9, %mul3A_1797, %dot_general3A_1798 {dimension_numbers = #tpu.dot_dimension_numbers<[1], [0], [0], [1], [0, 0, 1, 1], [], []>, precision = #tpu.contract_precision<fp32>, transpose_lhs_hint = false} : vector<16x32xf32>, vector<32x1xf32>, vector<16x1xf32> -> vector<16x1xf32>
    %swap3A_1800 = arith.constant 0 : index
    %swap3A_1801 = arith.constant 160 : index
    %swap3A_1802 = arith.constant 0 : index
    %swap3A_1803 = vector.load %arg2[%swap3A_1800, %swap3A_1801, %swap3A_1802] : memref<1x256x1xf32, #tpu.memory_space<vmem>>, vector<1x16x1xf32>
    %swap3A_1804 = vector.shape_cast %swap3A_1803 : vector<1x16x1xf32> to vector<16x1xf32>
    %swap3A_1805 = vector.shape_cast %dot_general3A_1799 : vector<16x1xf32> to vector<1x16x1xf32>
    tpu.vector_store %arg2[%swap3A_1800, %swap3A_1801, %swap3A_1802], %swap3A_1805 {strides = array<i32>} : memref<1x256x1xf32, #tpu.memory_space<vmem>>, vector<1x16x1xf32>,
    %roll3A_1806 = arith.constant 31 : i32
    %roll3A_1807 = tpu.dynamic_rotate %get3A_1662 by %roll3A_1806 dim 0 : vector<32x768xf32>, i32 -> vector<32x768xf32>
    %add3A_1808 = arith.addf %get3A_1662, %roll3A_1807 : vector<32x768xf32>
    %roll3A_1809 = arith.constant 31 : i32
    %roll3A_1810 = tpu.dynamic_rotate %get3A_1667 by %roll3A_1809 dim 0 : vector<32x768xf32>, i32 -> vector<32x768xf32>
    %add3A_1811 = arith.addf %get3A_1667, %roll3A_1810 : vector<32x768xf32>
    %add3A_1812 = arith.addf %add3A_1808, %add3A_1811 : vector<32x768xf32>
    %dot_general3A_1813 = arith.constant dense<0.000000e+00> : vector<16x768xf32>
    %dot_general3A_1814 = tpu.matmul %convert_element_type3A_9, %add3A_1812, %dot_general3A_1813 {dimension_numbers = #tpu.dot_dimension_numbers<[1], [0], [0], [1], [0, 0, 1, 1], [], []>, transpose_lhs_hint = false} : vector<16x32xf32>, vector<32x768xf32>, vector<16x768xf32> -> vector<16x768xf32>
    %mul3A_1815 = arith.constant 2.500000e-01 : f32
    %mul3A_1816 = vector.broadcast %mul3A_1815 : f32 to vector<16x768xf32>
    %mul3A_1817 = arith.mulf %dot_general3A_1814, %mul3A_1816 : vector<16x768xf32>
    %swap3A_1818 = arith.constant 0 : index
    %swap3A_1819 = arith.constant 160 : index
    %swap3A_1820 = arith.constant 0 : index
    %swap3A_1821 = vector.load %arg3[%swap3A_1818, %swap3A_1819, %swap3A_1820] : memref<1x256x768xf32, #tpu.memory_space<vmem>>, vector<1x16x768xf32>
    %swap3A_1822 = vector.shape_cast %swap3A_1821 : vector<1x16x768xf32> to vector<16x768xf32>
    %swap3A_1823 = vector.shape_cast %mul3A_1817 : vector<16x768xf32> to vector<1x16x768xf32>
    tpu.vector_store %arg3[%swap3A_1818, %swap3A_1819, %swap3A_1820], %swap3A_1823 {strides = array<i32>} : memref<1x256x768xf32, #tpu.memory_space<vmem>>, vector<1x16x768xf32>,
    %get3A_1824 = arith.constant 0 : index
    %get3A_1825 = arith.constant 704 : index
    %get3A_1826 = arith.constant 0 : index
    %get3A_1827 = vector.load %arg1[%get3A_1824, %get3A_1825, %get3A_1826] : memref<1x1024x768xf32, #tpu.memory_space<vmem>>, vector<1x32x768xf32>
    %get3A_1828 = vector.shape_cast %get3A_1827 : vector<1x32x768xf32> to vector<32x768xf32>
    %get3A_1829 = arith.constant 0 : index
    %get3A_1830 = arith.constant 736 : index
    %get3A_1831 = arith.constant 0 : index
    %get3A_1832 = vector.load %arg1[%get3A_1829, %get3A_1830, %get3A_1831] : memref<1x1024x768xf32, #tpu.memory_space<vmem>>, vector<1x32x768xf32>
    %get3A_1833 = vector.shape_cast %get3A_1832 : vector<1x32x768xf32> to vector<32x768xf32>
    %roll3A_1834 = arith.constant 1 : i32
    %roll3A_1835 = tpu.dynamic_rotate %get3A_1828 by %roll3A_1834 dim 0 : vector<32x768xf32>, i32 -> vector<32x768xf32>
    %broadcast_in_dim3A_1836 = vector.shape_cast %eq3A_3 : vector<32x1xi1> to vector<32x1xi1>
    %broadcast_in_dim3A_1837 = vector.broadcast %broadcast_in_dim3A_1836 : vector<32x1xi1> to vector<32x768xi1>
    %select_n3A_1838 = arith.select %broadcast_in_dim3A_1837, %roll3A_1835, %get3A_1828 : vector<32x768xi1>, vector<32x768xf32>
    %mul3A_1839 = arith.mulf %select_n3A_1838, %get3A_1828 : vector<32x768xf32>
    %slice3A_1840 = vector.extract_strided_slice %mul3A_1839 {offsets = [0, 0], sizes = [32, 128], strides = [1, 1]} : vector<32x768xf32> to vector<32x128xf32>
    %slice3A_1841 = vector.extract_strided_slice %mul3A_1839 {offsets = [0, 128], sizes = [32, 128], strides = [1, 1]} : vector<32x768xf32> to vector<32x128xf32>
    %add3A_1842 = arith.addf %slice3A_1840, %slice3A_1841 : vector<32x128xf32>
    %reduce_sum3A_1843 = arith.constant dense<0.000000e+00> : vector<32xf32>
    %reduce_sum3A_1844 = vector.multi_reduction <add>, %add3A_1842, %reduce_sum3A_1843 [1] : vector<32x128xf32> to vector<32xf32>
    %broadcast_in_dim3A_1845 = vector.shape_cast %reduce_sum3A_1844 : vector<32xf32> to vector<32x1xf32>
    %slice3A_1846 = vector.extract_strided_slice %mul3A_1839 {offsets = [0, 256], sizes = [32, 128], strides = [1, 1]} : vector<32x768xf32> to vector<32x128xf32>
    %slice3A_1847 = vector.extract_strided_slice %mul3A_1839 {offsets = [0, 384], sizes = [32, 128], strides = [1, 1]} : vector<32x768xf32> to vector<32x128xf32>
    %add3A_1848 = arith.addf %slice3A_1846, %slice3A_1847 : vector<32x128xf32>
    %reduce_sum3A_1849 = arith.constant dense<0.000000e+00> : vector<32xf32>
    %reduce_sum3A_1850 = vector.multi_reduction <add>, %add3A_1848, %reduce_sum3A_1849 [1] : vector<32x128xf32> to vector<32xf32>
    %broadcast_in_dim3A_1851 = vector.shape_cast %reduce_sum3A_1850 : vector<32xf32> to vector<32x1xf32>
    %slice3A_1852 = vector.extract_strided_slice %mul3A_1839 {offsets = [0, 512], sizes = [32, 128], strides = [1, 1]} : vector<32x768xf32> to vector<32x128xf32>
    %slice3A_1853 = vector.extract_strided_slice %mul3A_1839 {offsets = [0, 640], sizes = [32, 128], strides = [1, 1]} : vector<32x768xf32> to vector<32x128xf32>
    %add3A_1854 = arith.addf %slice3A_1852, %slice3A_1853 : vector<32x128xf32>
    %reduce_sum3A_1855 = arith.constant dense<0.000000e+00> : vector<32xf32>
    %reduce_sum3A_1856 = vector.multi_reduction <add>, %add3A_1854, %reduce_sum3A_1855 [1] : vector<32x128xf32> to vector<32xf32>
    %broadcast_in_dim3A_1857 = vector.shape_cast %reduce_sum3A_1856 : vector<32xf32> to vector<32x1xf32>
    %add3A_1858 = arith.addf %broadcast_in_dim3A_1845, %broadcast_in_dim3A_1851 : vector<32x1xf32>
    %add3A_1859 = arith.addf %add3A_1858, %broadcast_in_dim3A_1857 : vector<32x1xf32>
    %mul3A_1860 = arith.mulf %select_n3A_1838, %get3A_1833 : vector<32x768xf32>
    %slice3A_1861 = vector.extract_strided_slice %mul3A_1860 {offsets = [0, 0], sizes = [32, 128], strides = [1, 1]} : vector<32x768xf32> to vector<32x128xf32>
    %slice3A_1862 = vector.extract_strided_slice %mul3A_1860 {offsets = [0, 128], sizes = [32, 128], strides = [1, 1]} : vector<32x768xf32> to vector<32x128xf32>
    %add3A_1863 = arith.addf %slice3A_1861, %slice3A_1862 : vector<32x128xf32>
    %reduce_sum3A_1864 = arith.constant dense<0.000000e+00> : vector<32xf32>
    %reduce_sum3A_1865 = vector.multi_reduction <add>, %add3A_1863, %reduce_sum3A_1864 [1] : vector<32x128xf32> to vector<32xf32>
    %broadcast_in_dim3A_1866 = vector.shape_cast %reduce_sum3A_1865 : vector<32xf32> to vector<32x1xf32>
    %slice3A_1867 = vector.extract_strided_slice %mul3A_1860 {offsets = [0, 256], sizes = [32, 128], strides = [1, 1]} : vector<32x768xf32> to vector<32x128xf32>
    %slice3A_1868 = vector.extract_strided_slice %mul3A_1860 {offsets = [0, 384], sizes = [32, 128], strides = [1, 1]} : vector<32x768xf32> to vector<32x128xf32>
    %add3A_1869 = arith.addf %slice3A_1867, %slice3A_1868 : vector<32x128xf32>
    %reduce_sum3A_1870 = arith.constant dense<0.000000e+00> : vector<32xf32>
    %reduce_sum3A_1871 = vector.multi_reduction <add>, %add3A_1869, %reduce_sum3A_1870 [1] : vector<32x128xf32> to vector<32xf32>
    %broadcast_in_dim3A_1872 = vector.shape_cast %reduce_sum3A_1871 : vector<32xf32> to vector<32x1xf32>
    %slice3A_1873 = vector.extract_strided_slice %mul3A_1860 {offsets = [0, 512], sizes = [32, 128], strides = [1, 1]} : vector<32x768xf32> to vector<32x128xf32>
    %slice3A_1874 = vector.extract_strided_slice %mul3A_1860 {offsets = [0, 640], sizes = [32, 128], strides = [1, 1]} : vector<32x768xf32> to vector<32x128xf32>
    %add3A_1875 = arith.addf %slice3A_1873, %slice3A_1874 : vector<32x128xf32>
    %reduce_sum3A_1876 = arith.constant dense<0.000000e+00> : vector<32xf32>
    %reduce_sum3A_1877 = vector.multi_reduction <add>, %add3A_1875, %reduce_sum3A_1876 [1] : vector<32x128xf32> to vector<32xf32>
    %broadcast_in_dim3A_1878 = vector.shape_cast %reduce_sum3A_1877 : vector<32xf32> to vector<32x1xf32>
    %add3A_1879 = arith.addf %broadcast_in_dim3A_1866, %broadcast_in_dim3A_1872 : vector<32x1xf32>
    %add3A_1880 = arith.addf %add3A_1879, %broadcast_in_dim3A_1878 : vector<32x1xf32>
    %mul3A_1881 = arith.mulf %get3A_1828, %get3A_1828 : vector<32x768xf32>
    %slice3A_1882 = vector.extract_strided_slice %mul3A_1881 {offsets = [0, 0], sizes = [32, 128], strides = [1, 1]} : vector<32x768xf32> to vector<32x128xf32>
    %slice3A_1883 = vector.extract_strided_slice %mul3A_1881 {offsets = [0, 128], sizes = [32, 128], strides = [1, 1]} : vector<32x768xf32> to vector<32x128xf32>
    %add3A_1884 = arith.addf %slice3A_1882, %slice3A_1883 : vector<32x128xf32>
    %reduce_sum3A_1885 = arith.constant dense<0.000000e+00> : vector<32xf32>
    %reduce_sum3A_1886 = vector.multi_reduction <add>, %add3A_1884, %reduce_sum3A_1885 [1] : vector<32x128xf32> to vector<32xf32>
    %broadcast_in_dim3A_1887 = vector.shape_cast %reduce_sum3A_1886 : vector<32xf32> to vector<32x1xf32>
    %slice3A_1888 = vector.extract_strided_slice %mul3A_1881 {offsets = [0, 256], sizes = [32, 128], strides = [1, 1]} : vector<32x768xf32> to vector<32x128xf32>
    %slice3A_1889 = vector.extract_strided_slice %mul3A_1881 {offsets = [0, 384], sizes = [32, 128], strides = [1, 1]} : vector<32x768xf32> to vector<32x128xf32>
    %add3A_1890 = arith.addf %slice3A_1888, %slice3A_1889 : vector<32x128xf32>
    %reduce_sum3A_1891 = arith.constant dense<0.000000e+00> : vector<32xf32>
    %reduce_sum3A_1892 = vector.multi_reduction <add>, %add3A_1890, %reduce_sum3A_1891 [1] : vector<32x128xf32> to vector<32xf32>
    %broadcast_in_dim3A_1893 = vector.shape_cast %reduce_sum3A_1892 : vector<32xf32> to vector<32x1xf32>
    %slice3A_1894 = vector.extract_strided_slice %mul3A_1881 {offsets = [0, 512], sizes = [32, 128], strides = [1, 1]} : vector<32x768xf32> to vector<32x128xf32>
    %slice3A_1895 = vector.extract_strided_slice %mul3A_1881 {offsets = [0, 640], sizes = [32, 128], strides = [1, 1]} : vector<32x768xf32> to vector<32x128xf32>
    %add3A_1896 = arith.addf %slice3A_1894, %slice3A_1895 : vector<32x128xf32>
    %reduce_sum3A_1897 = arith.constant dense<0.000000e+00> : vector<32xf32>
    %reduce_sum3A_1898 = vector.multi_reduction <add>, %add3A_1896, %reduce_sum3A_1897 [1] : vector<32x128xf32> to vector<32xf32>
    %broadcast_in_dim3A_1899 = vector.shape_cast %reduce_sum3A_1898 : vector<32xf32> to vector<32x1xf32>
    %add3A_1900 = arith.addf %broadcast_in_dim3A_1887, %broadcast_in_dim3A_1893 : vector<32x1xf32>
    %add3A_1901 = arith.addf %add3A_1900, %broadcast_in_dim3A_1899 : vector<32x1xf32>
    %mul3A_1902 = arith.mulf %get3A_1833, %get3A_1833 : vector<32x768xf32>
    %slice3A_1903 = vector.extract_strided_slice %mul3A_1902 {offsets = [0, 0], sizes = [32, 128], strides = [1, 1]} : vector<32x768xf32> to vector<32x128xf32>
    %slice3A_1904 = vector.extract_strided_slice %mul3A_1902 {offsets = [0, 128], sizes = [32, 128], strides = [1, 1]} : vector<32x768xf32> to vector<32x128xf32>
    %add3A_1905 = arith.addf %slice3A_1903, %slice3A_1904 : vector<32x128xf32>
    %reduce_sum3A_1906 = arith.constant dense<0.000000e+00> : vector<32xf32>
    %reduce_sum3A_1907 = vector.multi_reduction <add>, %add3A_1905, %reduce_sum3A_1906 [1] : vector<32x128xf32> to vector<32xf32>
    %broadcast_in_dim3A_1908 = vector.shape_cast %reduce_sum3A_1907 : vector<32xf32> to vector<32x1xf32>
    %slice3A_1909 = vector.extract_strided_slice %mul3A_1902 {offsets = [0, 256], sizes = [32, 128], strides = [1, 1]} : vector<32x768xf32> to vector<32x128xf32>
    %slice3A_1910 = vector.extract_strided_slice %mul3A_1902 {offsets = [0, 384], sizes = [32, 128], strides = [1, 1]} : vector<32x768xf32> to vector<32x128xf32>
    %add3A_1911 = arith.addf %slice3A_1909, %slice3A_1910 : vector<32x128xf32>
    %reduce_sum3A_1912 = arith.constant dense<0.000000e+00> : vector<32xf32>
    %reduce_sum3A_1913 = vector.multi_reduction <add>, %add3A_1911, %reduce_sum3A_1912 [1] : vector<32x128xf32> to vector<32xf32>
    %broadcast_in_dim3A_1914 = vector.shape_cast %reduce_sum3A_1913 : vector<32xf32> to vector<32x1xf32>
    %slice3A_1915 = vector.extract_strided_slice %mul3A_1902 {offsets = [0, 512], sizes = [32, 128], strides = [1, 1]} : vector<32x768xf32> to vector<32x128xf32>
    %slice3A_1916 = vector.extract_strided_slice %mul3A_1902 {offsets = [0, 640], sizes = [32, 128], strides = [1, 1]} : vector<32x768xf32> to vector<32x128xf32>
    %add3A_1917 = arith.addf %slice3A_1915, %slice3A_1916 : vector<32x128xf32>
    %reduce_sum3A_1918 = arith.constant dense<0.000000e+00> : vector<32xf32>
    %reduce_sum3A_1919 = vector.multi_reduction <add>, %add3A_1917, %reduce_sum3A_1918 [1] : vector<32x128xf32> to vector<32xf32>
    %broadcast_in_dim3A_1920 = vector.shape_cast %reduce_sum3A_1919 : vector<32xf32> to vector<32x1xf32>
    %add3A_1921 = arith.addf %broadcast_in_dim3A_1908, %broadcast_in_dim3A_1914 : vector<32x1xf32>
    %add3A_1922 = arith.addf %add3A_1921, %broadcast_in_dim3A_1920 : vector<32x1xf32>
    %mul3A_1923 = arith.mulf %select_n3A_1838, %select_n3A_1838 : vector<32x768xf32>
    %slice3A_1924 = vector.extract_strided_slice %mul3A_1923 {offsets = [0, 0], sizes = [32, 128], strides = [1, 1]} : vector<32x768xf32> to vector<32x128xf32>
    %slice3A_1925 = vector.extract_strided_slice %mul3A_1923 {offsets = [0, 128], sizes = [32, 128], strides = [1, 1]} : vector<32x768xf32> to vector<32x128xf32>
    %add3A_1926 = arith.addf %slice3A_1924, %slice3A_1925 : vector<32x128xf32>
    %reduce_sum3A_1927 = arith.constant dense<0.000000e+00> : vector<32xf32>
    %reduce_sum3A_1928 = vector.multi_reduction <add>, %add3A_1926, %reduce_sum3A_1927 [1] : vector<32x128xf32> to vector<32xf32>
    %broadcast_in_dim3A_1929 = vector.shape_cast %reduce_sum3A_1928 : vector<32xf32> to vector<32x1xf32>
    %slice3A_1930 = vector.extract_strided_slice %mul3A_1923 {offsets = [0, 256], sizes = [32, 128], strides = [1, 1]} : vector<32x768xf32> to vector<32x128xf32>
    %slice3A_1931 = vector.extract_strided_slice %mul3A_1923 {offsets = [0, 384], sizes = [32, 128], strides = [1, 1]} : vector<32x768xf32> to vector<32x128xf32>
    %add3A_1932 = arith.addf %slice3A_1930, %slice3A_1931 : vector<32x128xf32>
    %reduce_sum3A_1933 = arith.constant dense<0.000000e+00> : vector<32xf32>
    %reduce_sum3A_1934 = vector.multi_reduction <add>, %add3A_1932, %reduce_sum3A_1933 [1] : vector<32x128xf32> to vector<32xf32>
    %broadcast_in_dim3A_1935 = vector.shape_cast %reduce_sum3A_1934 : vector<32xf32> to vector<32x1xf32>
    %slice3A_1936 = vector.extract_strided_slice %mul3A_1923 {offsets = [0, 512], sizes = [32, 128], strides = [1, 1]} : vector<32x768xf32> to vector<32x128xf32>
    %slice3A_1937 = vector.extract_strided_slice %mul3A_1923 {offsets = [0, 640], sizes = [32, 128], strides = [1, 1]} : vector<32x768xf32> to vector<32x128xf32>
    %add3A_1938 = arith.addf %slice3A_1936, %slice3A_1937 : vector<32x128xf32>
    %reduce_sum3A_1939 = arith.constant dense<0.000000e+00> : vector<32xf32>
    %reduce_sum3A_1940 = vector.multi_reduction <add>, %add3A_1938, %reduce_sum3A_1939 [1] : vector<32x128xf32> to vector<32xf32>
    %broadcast_in_dim3A_1941 = vector.shape_cast %reduce_sum3A_1940 : vector<32xf32> to vector<32x1xf32>
    %add3A_1942 = arith.addf %broadcast_in_dim3A_1929, %broadcast_in_dim3A_1935 : vector<32x1xf32>
    %add3A_1943 = arith.addf %add3A_1942, %broadcast_in_dim3A_1941 : vector<32x1xf32>
    %sqrt3A_1944 = math.sqrt %add3A_1943 : vector<32x1xf32>
    %sqrt3A_1945 = math.sqrt %add3A_1901 : vector<32x1xf32>
    %mul3A_1946 = arith.mulf %sqrt3A_1944, %sqrt3A_1945 : vector<32x1xf32>
    %max3A_1947 = arith.constant 9.99999993E-9 : f32
    %max3A_1948 = vector.broadcast %max3A_1947 : f32 to vector<32x1xf32>
    %max3A_1949 = arith.maximumf %mul3A_1946, %max3A_1948 : vector<32x1xf32>
    %div3A_1950 = arith.divf %add3A_1859, %max3A_1949 : vector<32x1xf32>
    %sqrt3A_1951 = math.sqrt %add3A_1922 : vector<32x1xf32>
    %mul3A_1952 = arith.mulf %sqrt3A_1944, %sqrt3A_1951 : vector<32x1xf32>
    %max3A_1953 = arith.constant 9.99999993E-9 : f32
    %max3A_1954 = vector.broadcast %max3A_1953 : f32 to vector<32x1xf32>
    %max3A_1955 = arith.maximumf %mul3A_1952, %max3A_1954 : vector<32x1xf32>
    %div3A_1956 = arith.divf %add3A_1880, %max3A_1955 : vector<32x1xf32>
    %add3A_1957 = arith.addf %div3A_1950, %div3A_1956 : vector<32x1xf32>
    %roll3A_1958 = arith.constant 31 : i32
    %roll3A_1959 = tpu.dynamic_rotate %add3A_1957 by %roll3A_1958 dim 0 : vector<32x1xf32>, i32 -> vector<32x1xf32>
    %add3A_1960 = arith.addf %add3A_1957, %roll3A_1959 : vector<32x1xf32>
    %mul3A_1961 = arith.constant 2.500000e-01 : f32
    %mul3A_1962 = vector.broadcast %mul3A_1961 : f32 to vector<32x1xf32>
    %mul3A_1963 = arith.mulf %add3A_1960, %mul3A_1962 : vector<32x1xf32>
    %dot_general3A_1964 = arith.constant dense<0.000000e+00> : vector<16x1xf32>
    %dot_general3A_1965 = tpu.matmul %convert_element_type3A_9, %mul3A_1963, %dot_general3A_1964 {dimension_numbers = #tpu.dot_dimension_numbers<[1], [0], [0], [1], [0, 0, 1, 1], [], []>, precision = #tpu.contract_precision<fp32>, transpose_lhs_hint = false} : vector<16x32xf32>, vector<32x1xf32>, vector<16x1xf32> -> vector<16x1xf32>
    %swap3A_1966 = arith.constant 0 : index
    %swap3A_1967 = arith.constant 176 : index
    %swap3A_1968 = arith.constant 0 : index
    %swap3A_1969 = vector.load %arg2[%swap3A_1966, %swap3A_1967, %swap3A_1968] : memref<1x256x1xf32, #tpu.memory_space<vmem>>, vector<1x16x1xf32>
    %swap3A_1970 = vector.shape_cast %swap3A_1969 : vector<1x16x1xf32> to vector<16x1xf32>
    %swap3A_1971 = vector.shape_cast %dot_general3A_1965 : vector<16x1xf32> to vector<1x16x1xf32>
    tpu.vector_store %arg2[%swap3A_1966, %swap3A_1967, %swap3A_1968], %swap3A_1971 {strides = array<i32>} : memref<1x256x1xf32, #tpu.memory_space<vmem>>, vector<1x16x1xf32>,
    %roll3A_1972 = arith.constant 31 : i32
    %roll3A_1973 = tpu.dynamic_rotate %get3A_1828 by %roll3A_1972 dim 0 : vector<32x768xf32>, i32 -> vector<32x768xf32>
    %add3A_1974 = arith.addf %get3A_1828, %roll3A_1973 : vector<32x768xf32>
    %roll3A_1975 = arith.constant 31 : i32
    %roll3A_1976 = tpu.dynamic_rotate %get3A_1833 by %roll3A_1975 dim 0 : vector<32x768xf32>, i32 -> vector<32x768xf32>
    %add3A_1977 = arith.addf %get3A_1833, %roll3A_1976 : vector<32x768xf32>
    %add3A_1978 = arith.addf %add3A_1974, %add3A_1977 : vector<32x768xf32>
    %dot_general3A_1979 = arith.constant dense<0.000000e+00> : vector<16x768xf32>
    %dot_general3A_1980 = tpu.matmul %convert_element_type3A_9, %add3A_1978, %dot_general3A_1979 {dimension_numbers = #tpu.dot_dimension_numbers<[1], [0], [0], [1], [0, 0, 1, 1], [], []>, transpose_lhs_hint = false} : vector<16x32xf32>, vector<32x768xf32>, vector<16x768xf32> -> vector<16x768xf32>
    %mul3A_1981 = arith.constant 2.500000e-01 : f32
    %mul3A_1982 = vector.broadcast %mul3A_1981 : f32 to vector<16x768xf32>
    %mul3A_1983 = arith.mulf %dot_general3A_1980, %mul3A_1982 : vector<16x768xf32>
    %swap3A_1984 = arith.constant 0 : index
    %swap3A_1985 = arith.constant 176 : index
    %swap3A_1986 = arith.constant 0 : index
    %swap3A_1987 = vector.load %arg3[%swap3A_1984, %swap3A_1985, %swap3A_1986] : memref<1x256x768xf32, #tpu.memory_space<vmem>>, vector<1x16x768xf32>
    %swap3A_1988 = vector.shape_cast %swap3A_1987 : vector<1x16x768xf32> to vector<16x768xf32>
    %swap3A_1989 = vector.shape_cast %mul3A_1983 : vector<16x768xf32> to vector<1x16x768xf32>
    tpu.vector_store %arg3[%swap3A_1984, %swap3A_1985, %swap3A_1986], %swap3A_1989 {strides = array<i32>} : memref<1x256x768xf32, #tpu.memory_space<vmem>>, vector<1x16x768xf32>,
    %get3A_1990 = arith.constant 0 : index
    %get3A_1991 = arith.constant 768 : index
    %get3A_1992 = arith.constant 0 : index
    %get3A_1993 = vector.load %arg1[%get3A_1990, %get3A_1991, %get3A_1992] : memref<1x1024x768xf32, #tpu.memory_space<vmem>>, vector<1x32x768xf32>
    %get3A_1994 = vector.shape_cast %get3A_1993 : vector<1x32x768xf32> to vector<32x768xf32>
    %get3A_1995 = arith.constant 0 : index
    %get3A_1996 = arith.constant 800 : index
    %get3A_1997 = arith.constant 0 : index
    %get3A_1998 = vector.load %arg1[%get3A_1995, %get3A_1996, %get3A_1997] : memref<1x1024x768xf32, #tpu.memory_space<vmem>>, vector<1x32x768xf32>
    %get3A_1999 = vector.shape_cast %get3A_1998 : vector<1x32x768xf32> to vector<32x768xf32>
    %roll3A_2000 = arith.constant 1 : i32
    %roll3A_2001 = tpu.dynamic_rotate %get3A_1994 by %roll3A_2000 dim 0 : vector<32x768xf32>, i32 -> vector<32x768xf32>
    %broadcast_in_dim3A_2002 = vector.shape_cast %eq3A_3 : vector<32x1xi1> to vector<32x1xi1>
    %broadcast_in_dim3A_2003 = vector.broadcast %broadcast_in_dim3A_2002 : vector<32x1xi1> to vector<32x768xi1>
    %select_n3A_2004 = arith.select %broadcast_in_dim3A_2003, %roll3A_2001, %get3A_1994 : vector<32x768xi1>, vector<32x768xf32>
    %mul3A_2005 = arith.mulf %select_n3A_2004, %get3A_1994 : vector<32x768xf32>
    %slice3A_2006 = vector.extract_strided_slice %mul3A_2005 {offsets = [0, 0], sizes = [32, 128], strides = [1, 1]} : vector<32x768xf32> to vector<32x128xf32>
    %slice3A_2007 = vector.extract_strided_slice %mul3A_2005 {offsets = [0, 128], sizes = [32, 128], strides = [1, 1]} : vector<32x768xf32> to vector<32x128xf32>
    %add3A_2008 = arith.addf %slice3A_2006, %slice3A_2007 : vector<32x128xf32>
    %reduce_sum3A_2009 = arith.constant dense<0.000000e+00> : vector<32xf32>
    %reduce_sum3A_2010 = vector.multi_reduction <add>, %add3A_2008, %reduce_sum3A_2009 [1] : vector<32x128xf32> to vector<32xf32>
    %broadcast_in_dim3A_2011 = vector.shape_cast %reduce_sum3A_2010 : vector<32xf32> to vector<32x1xf32>
    %slice3A_2012 = vector.extract_strided_slice %mul3A_2005 {offsets = [0, 256], sizes = [32, 128], strides = [1, 1]} : vector<32x768xf32> to vector<32x128xf32>
    %slice3A_2013 = vector.extract_strided_slice %mul3A_2005 {offsets = [0, 384], sizes = [32, 128], strides = [1, 1]} : vector<32x768xf32> to vector<32x128xf32>
    %add3A_2014 = arith.addf %slice3A_2012, %slice3A_2013 : vector<32x128xf32>
    %reduce_sum3A_2015 = arith.constant dense<0.000000e+00> : vector<32xf32>
    %reduce_sum3A_2016 = vector.multi_reduction <add>, %add3A_2014, %reduce_sum3A_2015 [1] : vector<32x128xf32> to vector<32xf32>
    %broadcast_in_dim3A_2017 = vector.shape_cast %reduce_sum3A_2016 : vector<32xf32> to vector<32x1xf32>
    %slice3A_2018 = vector.extract_strided_slice %mul3A_2005 {offsets = [0, 512], sizes = [32, 128], strides = [1, 1]} : vector<32x768xf32> to vector<32x128xf32>
    %slice3A_2019 = vector.extract_strided_slice %mul3A_2005 {offsets = [0, 640], sizes = [32, 128], strides = [1, 1]} : vector<32x768xf32> to vector<32x128xf32>
    %add3A_2020 = arith.addf %slice3A_2018, %slice3A_2019 : vector<32x128xf32>
    %reduce_sum3A_2021 = arith.constant dense<0.000000e+00> : vector<32xf32>
    %reduce_sum3A_2022 = vector.multi_reduction <add>, %add3A_2020, %reduce_sum3A_2021 [1] : vector<32x128xf32> to vector<32xf32>
    %broadcast_in_dim3A_2023 = vector.shape_cast %reduce_sum3A_2022 : vector<32xf32> to vector<32x1xf32>
    %add3A_2024 = arith.addf %broadcast_in_dim3A_2011, %broadcast_in_dim3A_2017 : vector<32x1xf32>
    %add3A_2025 = arith.addf %add3A_2024, %broadcast_in_dim3A_2023 : vector<32x1xf32>
    %mul3A_2026 = arith.mulf %select_n3A_2004, %get3A_1999 : vector<32x768xf32>
    %slice3A_2027 = vector.extract_strided_slice %mul3A_2026 {offsets = [0, 0], sizes = [32, 128], strides = [1, 1]} : vector<32x768xf32> to vector<32x128xf32>
    %slice3A_2028 = vector.extract_strided_slice %mul3A_2026 {offsets = [0, 128], sizes = [32, 128], strides = [1, 1]} : vector<32x768xf32> to vector<32x128xf32>
    %add3A_2029 = arith.addf %slice3A_2027, %slice3A_2028 : vector<32x128xf32>
    %reduce_sum3A_2030 = arith.constant dense<0.000000e+00> : vector<32xf32>
    %reduce_sum3A_2031 = vector.multi_reduction <add>, %add3A_2029, %reduce_sum3A_2030 [1] : vector<32x128xf32> to vector<32xf32>
    %broadcast_in_dim3A_2032 = vector.shape_cast %reduce_sum3A_2031 : vector<32xf32> to vector<32x1xf32>
    %slice3A_2033 = vector.extract_strided_slice %mul3A_2026 {offsets = [0, 256], sizes = [32, 128], strides = [1, 1]} : vector<32x768xf32> to vector<32x128xf32>
    %slice3A_2034 = vector.extract_strided_slice %mul3A_2026 {offsets = [0, 384], sizes = [32, 128], strides = [1, 1]} : vector<32x768xf32> to vector<32x128xf32>
    %add3A_2035 = arith.addf %slice3A_2033, %slice3A_2034 : vector<32x128xf32>
    %reduce_sum3A_2036 = arith.constant dense<0.000000e+00> : vector<32xf32>
    %reduce_sum3A_2037 = vector.multi_reduction <add>, %add3A_2035, %reduce_sum3A_2036 [1] : vector<32x128xf32> to vector<32xf32>
    %broadcast_in_dim3A_2038 = vector.shape_cast %reduce_sum3A_2037 : vector<32xf32> to vector<32x1xf32>
    %slice3A_2039 = vector.extract_strided_slice %mul3A_2026 {offsets = [0, 512], sizes = [32, 128], strides = [1, 1]} : vector<32x768xf32> to vector<32x128xf32>
    %slice3A_2040 = vector.extract_strided_slice %mul3A_2026 {offsets = [0, 640], sizes = [32, 128], strides = [1, 1]} : vector<32x768xf32> to vector<32x128xf32>
    %add3A_2041 = arith.addf %slice3A_2039, %slice3A_2040 : vector<32x128xf32>
    %reduce_sum3A_2042 = arith.constant dense<0.000000e+00> : vector<32xf32>
    %reduce_sum3A_2043 = vector.multi_reduction <add>, %add3A_2041, %reduce_sum3A_2042 [1] : vector<32x128xf32> to vector<32xf32>
    %broadcast_in_dim3A_2044 = vector.shape_cast %reduce_sum3A_2043 : vector<32xf32> to vector<32x1xf32>
    %add3A_2045 = arith.addf %broadcast_in_dim3A_2032, %broadcast_in_dim3A_2038 : vector<32x1xf32>
    %add3A_2046 = arith.addf %add3A_2045, %broadcast_in_dim3A_2044 : vector<32x1xf32>
    %mul3A_2047 = arith.mulf %get3A_1994, %get3A_1994 : vector<32x768xf32>
    %slice3A_2048 = vector.extract_strided_slice %mul3A_2047 {offsets = [0, 0], sizes = [32, 128], strides = [1, 1]} : vector<32x768xf32> to vector<32x128xf32>
    %slice3A_2049 = vector.extract_strided_slice %mul3A_2047 {offsets = [0, 128], sizes = [32, 128], strides = [1, 1]} : vector<32x768xf32> to vector<32x128xf32>
    %add3A_2050 = arith.addf %slice3A_2048, %slice3A_2049 : vector<32x128xf32>
    %reduce_sum3A_2051 = arith.constant dense<0.000000e+00> : vector<32xf32>
    %reduce_sum3A_2052 = vector.multi_reduction <add>, %add3A_2050, %reduce_sum3A_2051 [1] : vector<32x128xf32> to vector<32xf32>
    %broadcast_in_dim3A_2053 = vector.shape_cast %reduce_sum3A_2052 : vector<32xf32> to vector<32x1xf32>
    %slice3A_2054 = vector.extract_strided_slice %mul3A_2047 {offsets = [0, 256], sizes = [32, 128], strides = [1, 1]} : vector<32x768xf32> to vector<32x128xf32>
    %slice3A_2055 = vector.extract_strided_slice %mul3A_2047 {offsets = [0, 384], sizes = [32, 128], strides = [1, 1]} : vector<32x768xf32> to vector<32x128xf32>
    %add3A_2056 = arith.addf %slice3A_2054, %slice3A_2055 : vector<32x128xf32>
    %reduce_sum3A_2057 = arith.constant dense<0.000000e+00> : vector<32xf32>
    %reduce_sum3A_2058 = vector.multi_reduction <add>, %add3A_2056, %reduce_sum3A_2057 [1] : vector<32x128xf32> to vector<32xf32>
    %broadcast_in_dim3A_2059 = vector.shape_cast %reduce_sum3A_2058 : vector<32xf32> to vector<32x1xf32>
    %slice3A_2060 = vector.extract_strided_slice %mul3A_2047 {offsets = [0, 512], sizes = [32, 128], strides = [1, 1]} : vector<32x768xf32> to vector<32x128xf32>
    %slice3A_2061 = vector.extract_strided_slice %mul3A_2047 {offsets = [0, 640], sizes = [32, 128], strides = [1, 1]} : vector<32x768xf32> to vector<32x128xf32>
    %add3A_2062 = arith.addf %slice3A_2060, %slice3A_2061 : vector<32x128xf32>
    %reduce_sum3A_2063 = arith.constant dense<0.000000e+00> : vector<32xf32>
    %reduce_sum3A_2064 = vector.multi_reduction <add>, %add3A_2062, %reduce_sum3A_2063 [1] : vector<32x128xf32> to vector<32xf32>
    %broadcast_in_dim3A_2065 = vector.shape_cast %reduce_sum3A_2064 : vector<32xf32> to vector<32x1xf32>
    %add3A_2066 = arith.addf %broadcast_in_dim3A_2053, %broadcast_in_dim3A_2059 : vector<32x1xf32>
    %add3A_2067 = arith.addf %add3A_2066, %broadcast_in_dim3A_2065 : vector<32x1xf32>
    %mul3A_2068 = arith.mulf %get3A_1999, %get3A_1999 : vector<32x768xf32>
    %slice3A_2069 = vector.extract_strided_slice %mul3A_2068 {offsets = [0, 0], sizes = [32, 128], strides = [1, 1]} : vector<32x768xf32> to vector<32x128xf32>
    %slice3A_2070 = vector.extract_strided_slice %mul3A_2068 {offsets = [0, 128], sizes = [32, 128], strides = [1, 1]} : vector<32x768xf32> to vector<32x128xf32>
    %add3A_2071 = arith.addf %slice3A_2069, %slice3A_2070 : vector<32x128xf32>
    %reduce_sum3A_2072 = arith.constant dense<0.000000e+00> : vector<32xf32>
    %reduce_sum3A_2073 = vector.multi_reduction <add>, %add3A_2071, %reduce_sum3A_2072 [1] : vector<32x128xf32> to vector<32xf32>
    %broadcast_in_dim3A_2074 = vector.shape_cast %reduce_sum3A_2073 : vector<32xf32> to vector<32x1xf32>
    %slice3A_2075 = vector.extract_strided_slice %mul3A_2068 {offsets = [0, 256], sizes = [32, 128], strides = [1, 1]} : vector<32x768xf32> to vector<32x128xf32>
    %slice3A_2076 = vector.extract_strided_slice %mul3A_2068 {offsets = [0, 384], sizes = [32, 128], strides = [1, 1]} : vector<32x768xf32> to vector<32x128xf32>
    %add3A_2077 = arith.addf %slice3A_2075, %slice3A_2076 : vector<32x128xf32>
    %reduce_sum3A_2078 = arith.constant dense<0.000000e+00> : vector<32xf32>
    %reduce_sum3A_2079 = vector.multi_reduction <add>, %add3A_2077, %reduce_sum3A_2078 [1] : vector<32x128xf32> to vector<32xf32>
    %broadcast_in_dim3A_2080 = vector.shape_cast %reduce_sum3A_2079 : vector<32xf32> to vector<32x1xf32>
    %slice3A_2081 = vector.extract_strided_slice %mul3A_2068 {offsets = [0, 512], sizes = [32, 128], strides = [1, 1]} : vector<32x768xf32> to vector<32x128xf32>
    %slice3A_2082 = vector.extract_strided_slice %mul3A_2068 {offsets = [0, 640], sizes = [32, 128], strides = [1, 1]} : vector<32x768xf32> to vector<32x128xf32>
    %add3A_2083 = arith.addf %slice3A_2081, %slice3A_2082 : vector<32x128xf32>
    %reduce_sum3A_2084 = arith.constant dense<0.000000e+00> : vector<32xf32>
    %reduce_sum3A_2085 = vector.multi_reduction <add>, %add3A_2083, %reduce_sum3A_2084 [1] : vector<32x128xf32> to vector<32xf32>
    %broadcast_in_dim3A_2086 = vector.shape_cast %reduce_sum3A_2085 : vector<32xf32> to vector<32x1xf32>
    %add3A_2087 = arith.addf %broadcast_in_dim3A_2074, %broadcast_in_dim3A_2080 : vector<32x1xf32>
    %add3A_2088 = arith.addf %add3A_2087, %broadcast_in_dim3A_2086 : vector<32x1xf32>
    %mul3A_2089 = arith.mulf %select_n3A_2004, %select_n3A_2004 : vector<32x768xf32>
    %slice3A_2090 = vector.extract_strided_slice %mul3A_2089 {offsets = [0, 0], sizes = [32, 128], strides = [1, 1]} : vector<32x768xf32> to vector<32x128xf32>
    %slice3A_2091 = vector.extract_strided_slice %mul3A_2089 {offsets = [0, 128], sizes = [32, 128], strides = [1, 1]} : vector<32x768xf32> to vector<32x128xf32>
    %add3A_2092 = arith.addf %slice3A_2090, %slice3A_2091 : vector<32x128xf32>
    %reduce_sum3A_2093 = arith.constant dense<0.000000e+00> : vector<32xf32>
    %reduce_sum3A_2094 = vector.multi_reduction <add>, %add3A_2092, %reduce_sum3A_2093 [1] : vector<32x128xf32> to vector<32xf32>
    %broadcast_in_dim3A_2095 = vector.shape_cast %reduce_sum3A_2094 : vector<32xf32> to vector<32x1xf32>
    %slice3A_2096 = vector.extract_strided_slice %mul3A_2089 {offsets = [0, 256], sizes = [32, 128], strides = [1, 1]} : vector<32x768xf32> to vector<32x128xf32>
    %slice3A_2097 = vector.extract_strided_slice %mul3A_2089 {offsets = [0, 384], sizes = [32, 128], strides = [1, 1]} : vector<32x768xf32> to vector<32x128xf32>
    %add3A_2098 = arith.addf %slice3A_2096, %slice3A_2097 : vector<32x128xf32>
    %reduce_sum3A_2099 = arith.constant dense<0.000000e+00> : vector<32xf32>
    %reduce_sum3A_2100 = vector.multi_reduction <add>, %add3A_2098, %reduce_sum3A_2099 [1] : vector<32x128xf32> to vector<32xf32>
    %broadcast_in_dim3A_2101 = vector.shape_cast %reduce_sum3A_2100 : vector<32xf32> to vector<32x1xf32>
    %slice3A_2102 = vector.extract_strided_slice %mul3A_2089 {offsets = [0, 512], sizes = [32, 128], strides = [1, 1]} : vector<32x768xf32> to vector<32x128xf32>
    %slice3A_2103 = vector.extract_strided_slice %mul3A_2089 {offsets = [0, 640], sizes = [32, 128], strides = [1, 1]} : vector<32x768xf32> to vector<32x128xf32>
    %add3A_2104 = arith.addf %slice3A_2102, %slice3A_2103 : vector<32x128xf32>
    %reduce_sum3A_2105 = arith.constant dense<0.000000e+00> : vector<32xf32>
    %reduce_sum3A_2106 = vector.multi_reduction <add>, %add3A_2104, %reduce_sum3A_2105 [1] : vector<32x128xf32> to vector<32xf32>
    %broadcast_in_dim3A_2107 = vector.shape_cast %reduce_sum3A_2106 : vector<32xf32> to vector<32x1xf32>
    %add3A_2108 = arith.addf %broadcast_in_dim3A_2095, %broadcast_in_dim3A_2101 : vector<32x1xf32>
    %add3A_2109 = arith.addf %add3A_2108, %broadcast_in_dim3A_2107 : vector<32x1xf32>
    %sqrt3A_2110 = math.sqrt %add3A_2109 : vector<32x1xf32>
    %sqrt3A_2111 = math.sqrt %add3A_2067 : vector<32x1xf32>
    %mul3A_2112 = arith.mulf %sqrt3A_2110, %sqrt3A_2111 : vector<32x1xf32>
    %max3A_2113 = arith.constant 9.99999993E-9 : f32
    %max3A_2114 = vector.broadcast %max3A_2113 : f32 to vector<32x1xf32>
    %max3A_2115 = arith.maximumf %mul3A_2112, %max3A_2114 : vector<32x1xf32>
    %div3A_2116 = arith.divf %add3A_2025, %max3A_2115 : vector<32x1xf32>
    %sqrt3A_2117 = math.sqrt %add3A_2088 : vector<32x1xf32>
    %mul3A_2118 = arith.mulf %sqrt3A_2110, %sqrt3A_2117 : vector<32x1xf32>
    %max3A_2119 = arith.constant 9.99999993E-9 : f32
    %max3A_2120 = vector.broadcast %max3A_2119 : f32 to vector<32x1xf32>
    %max3A_2121 = arith.maximumf %mul3A_2118, %max3A_2120 : vector<32x1xf32>
    %div3A_2122 = arith.divf %add3A_2046, %max3A_2121 : vector<32x1xf32>
    %add3A_2123 = arith.addf %div3A_2116, %div3A_2122 : vector<32x1xf32>
    %roll3A_2124 = arith.constant 31 : i32
    %roll3A_2125 = tpu.dynamic_rotate %add3A_2123 by %roll3A_2124 dim 0 : vector<32x1xf32>, i32 -> vector<32x1xf32>
    %add3A_2126 = arith.addf %add3A_2123, %roll3A_2125 : vector<32x1xf32>
    %mul3A_2127 = arith.constant 2.500000e-01 : f32
    %mul3A_2128 = vector.broadcast %mul3A_2127 : f32 to vector<32x1xf32>
    %mul3A_2129 = arith.mulf %add3A_2126, %mul3A_2128 : vector<32x1xf32>
    %dot_general3A_2130 = arith.constant dense<0.000000e+00> : vector<16x1xf32>
    %dot_general3A_2131 = tpu.matmul %convert_element_type3A_9, %mul3A_2129, %dot_general3A_2130 {dimension_numbers = #tpu.dot_dimension_numbers<[1], [0], [0], [1], [0, 0, 1, 1], [], []>, precision = #tpu.contract_precision<fp32>, transpose_lhs_hint = false} : vector<16x32xf32>, vector<32x1xf32>, vector<16x1xf32> -> vector<16x1xf32>
    %swap3A_2132 = arith.constant 0 : index
    %swap3A_2133 = arith.constant 192 : index
    %swap3A_2134 = arith.constant 0 : index
    %swap3A_2135 = vector.load %arg2[%swap3A_2132, %swap3A_2133, %swap3A_2134] : memref<1x256x1xf32, #tpu.memory_space<vmem>>, vector<1x16x1xf32>
    %swap3A_2136 = vector.shape_cast %swap3A_2135 : vector<1x16x1xf32> to vector<16x1xf32>
    %swap3A_2137 = vector.shape_cast %dot_general3A_2131 : vector<16x1xf32> to vector<1x16x1xf32>
    tpu.vector_store %arg2[%swap3A_2132, %swap3A_2133, %swap3A_2134], %swap3A_2137 {strides = array<i32>} : memref<1x256x1xf32, #tpu.memory_space<vmem>>, vector<1x16x1xf32>,
    %roll3A_2138 = arith.constant 31 : i32
    %roll3A_2139 = tpu.dynamic_rotate %get3A_1994 by %roll3A_2138 dim 0 : vector<32x768xf32>, i32 -> vector<32x768xf32>
    %add3A_2140 = arith.addf %get3A_1994, %roll3A_2139 : vector<32x768xf32>
    %roll3A_2141 = arith.constant 31 : i32
    %roll3A_2142 = tpu.dynamic_rotate %get3A_1999 by %roll3A_2141 dim 0 : vector<32x768xf32>, i32 -> vector<32x768xf32>
    %add3A_2143 = arith.addf %get3A_1999, %roll3A_2142 : vector<32x768xf32>
    %add3A_2144 = arith.addf %add3A_2140, %add3A_2143 : vector<32x768xf32>
    %dot_general3A_2145 = arith.constant dense<0.000000e+00> : vector<16x768xf32>
    %dot_general3A_2146 = tpu.matmul %convert_element_type3A_9, %add3A_2144, %dot_general3A_2145 {dimension_numbers = #tpu.dot_dimension_numbers<[1], [0], [0], [1], [0, 0, 1, 1], [], []>, transpose_lhs_hint = false} : vector<16x32xf32>, vector<32x768xf32>, vector<16x768xf32> -> vector<16x768xf32>
    %mul3A_2147 = arith.constant 2.500000e-01 : f32
    %mul3A_2148 = vector.broadcast %mul3A_2147 : f32 to vector<16x768xf32>
    %mul3A_2149 = arith.mulf %dot_general3A_2146, %mul3A_2148 : vector<16x768xf32>
    %swap3A_2150 = arith.constant 0 : index
    %swap3A_2151 = arith.constant 192 : index
    %swap3A_2152 = arith.constant 0 : index
    %swap3A_2153 = vector.load %arg3[%swap3A_2150, %swap3A_2151, %swap3A_2152] : memref<1x256x768xf32, #tpu.memory_space<vmem>>, vector<1x16x768xf32>
    %swap3A_2154 = vector.shape_cast %swap3A_2153 : vector<1x16x768xf32> to vector<16x768xf32>
    %swap3A_2155 = vector.shape_cast %mul3A_2149 : vector<16x768xf32> to vector<1x16x768xf32>
    tpu.vector_store %arg3[%swap3A_2150, %swap3A_2151, %swap3A_2152], %swap3A_2155 {strides = array<i32>} : memref<1x256x768xf32, #tpu.memory_space<vmem>>, vector<1x16x768xf32>,
    %get3A_2156 = arith.constant 0 : index
    %get3A_2157 = arith.constant 832 : index
    %get3A_2158 = arith.constant 0 : index
    %get3A_2159 = vector.load %arg1[%get3A_2156, %get3A_2157, %get3A_2158] : memref<1x1024x768xf32, #tpu.memory_space<vmem>>, vector<1x32x768xf32>
    %get3A_2160 = vector.shape_cast %get3A_2159 : vector<1x32x768xf32> to vector<32x768xf32>
    %get3A_2161 = arith.constant 0 : index
    %get3A_2162 = arith.constant 864 : index
    %get3A_2163 = arith.constant 0 : index
    %get3A_2164 = vector.load %arg1[%get3A_2161, %get3A_2162, %get3A_2163] : memref<1x1024x768xf32, #tpu.memory_space<vmem>>, vector<1x32x768xf32>
    %get3A_2165 = vector.shape_cast %get3A_2164 : vector<1x32x768xf32> to vector<32x768xf32>
    %roll3A_2166 = arith.constant 1 : i32
    %roll3A_2167 = tpu.dynamic_rotate %get3A_2160 by %roll3A_2166 dim 0 : vector<32x768xf32>, i32 -> vector<32x768xf32>
    %broadcast_in_dim3A_2168 = vector.shape_cast %eq3A_3 : vector<32x1xi1> to vector<32x1xi1>
    %broadcast_in_dim3A_2169 = vector.broadcast %broadcast_in_dim3A_2168 : vector<32x1xi1> to vector<32x768xi1>
    %select_n3A_2170 = arith.select %broadcast_in_dim3A_2169, %roll3A_2167, %get3A_2160 : vector<32x768xi1>, vector<32x768xf32>
    %mul3A_2171 = arith.mulf %select_n3A_2170, %get3A_2160 : vector<32x768xf32>
    %slice3A_2172 = vector.extract_strided_slice %mul3A_2171 {offsets = [0, 0], sizes = [32, 128], strides = [1, 1]} : vector<32x768xf32> to vector<32x128xf32>
    %slice3A_2173 = vector.extract_strided_slice %mul3A_2171 {offsets = [0, 128], sizes = [32, 128], strides = [1, 1]} : vector<32x768xf32> to vector<32x128xf32>
    %add3A_2174 = arith.addf %slice3A_2172, %slice3A_2173 : vector<32x128xf32>
    %reduce_sum3A_2175 = arith.constant dense<0.000000e+00> : vector<32xf32>
    %reduce_sum3A_2176 = vector.multi_reduction <add>, %add3A_2174, %reduce_sum3A_2175 [1] : vector<32x128xf32> to vector<32xf32>
    %broadcast_in_dim3A_2177 = vector.shape_cast %reduce_sum3A_2176 : vector<32xf32> to vector<32x1xf32>
    %slice3A_2178 = vector.extract_strided_slice %mul3A_2171 {offsets = [0, 256], sizes = [32, 128], strides = [1, 1]} : vector<32x768xf32> to vector<32x128xf32>
    %slice3A_2179 = vector.extract_strided_slice %mul3A_2171 {offsets = [0, 384], sizes = [32, 128], strides = [1, 1]} : vector<32x768xf32> to vector<32x128xf32>
    %add3A_2180 = arith.addf %slice3A_2178, %slice3A_2179 : vector<32x128xf32>
    %reduce_sum3A_2181 = arith.constant dense<0.000000e+00> : vector<32xf32>
    %reduce_sum3A_2182 = vector.multi_reduction <add>, %add3A_2180, %reduce_sum3A_2181 [1] : vector<32x128xf32> to vector<32xf32>
    %broadcast_in_dim3A_2183 = vector.shape_cast %reduce_sum3A_2182 : vector<32xf32> to vector<32x1xf32>
    %slice3A_2184 = vector.extract_strided_slice %mul3A_2171 {offsets = [0, 512], sizes = [32, 128], strides = [1, 1]} : vector<32x768xf32> to vector<32x128xf32>
    %slice3A_2185 = vector.extract_strided_slice %mul3A_2171 {offsets = [0, 640], sizes = [32, 128], strides = [1, 1]} : vector<32x768xf32> to vector<32x128xf32>
    %add3A_2186 = arith.addf %slice3A_2184, %slice3A_2185 : vector<32x128xf32>
    %reduce_sum3A_2187 = arith.constant dense<0.000000e+00> : vector<32xf32>
    %reduce_sum3A_2188 = vector.multi_reduction <add>, %add3A_2186, %reduce_sum3A_2187 [1] : vector<32x128xf32> to vector<32xf32>
    %broadcast_in_dim3A_2189 = vector.shape_cast %reduce_sum3A_2188 : vector<32xf32> to vector<32x1xf32>
    %add3A_2190 = arith.addf %broadcast_in_dim3A_2177, %broadcast_in_dim3A_2183 : vector<32x1xf32>
    %add3A_2191 = arith.addf %add3A_2190, %broadcast_in_dim3A_2189 : vector<32x1xf32>
    %mul3A_2192 = arith.mulf %select_n3A_2170, %get3A_2165 : vector<32x768xf32>
    %slice3A_2193 = vector.extract_strided_slice %mul3A_2192 {offsets = [0, 0], sizes = [32, 128], strides = [1, 1]} : vector<32x768xf32> to vector<32x128xf32>
    %slice3A_2194 = vector.extract_strided_slice %mul3A_2192 {offsets = [0, 128], sizes = [32, 128], strides = [1, 1]} : vector<32x768xf32> to vector<32x128xf32>
    %add3A_2195 = arith.addf %slice3A_2193, %slice3A_2194 : vector<32x128xf32>
    %reduce_sum3A_2196 = arith.constant dense<0.000000e+00> : vector<32xf32>
    %reduce_sum3A_2197 = vector.multi_reduction <add>, %add3A_2195, %reduce_sum3A_2196 [1] : vector<32x128xf32> to vector<32xf32>
    %broadcast_in_dim3A_2198 = vector.shape_cast %reduce_sum3A_2197 : vector<32xf32> to vector<32x1xf32>
    %slice3A_2199 = vector.extract_strided_slice %mul3A_2192 {offsets = [0, 256], sizes = [32, 128], strides = [1, 1]} : vector<32x768xf32> to vector<32x128xf32>
    %slice3A_2200 = vector.extract_strided_slice %mul3A_2192 {offsets = [0, 384], sizes = [32, 128], strides = [1, 1]} : vector<32x768xf32> to vector<32x128xf32>
    %add3A_2201 = arith.addf %slice3A_2199, %slice3A_2200 : vector<32x128xf32>
    %reduce_sum3A_2202 = arith.constant dense<0.000000e+00> : vector<32xf32>
    %reduce_sum3A_2203 = vector.multi_reduction <add>, %add3A_2201, %reduce_sum3A_2202 [1] : vector<32x128xf32> to vector<32xf32>
    %broadcast_in_dim3A_2204 = vector.shape_cast %reduce_sum3A_2203 : vector<32xf32> to vector<32x1xf32>
    %slice3A_2205 = vector.extract_strided_slice %mul3A_2192 {offsets = [0, 512], sizes = [32, 128], strides = [1, 1]} : vector<32x768xf32> to vector<32x128xf32>
    %slice3A_2206 = vector.extract_strided_slice %mul3A_2192 {offsets = [0, 640], sizes = [32, 128], strides = [1, 1]} : vector<32x768xf32> to vector<32x128xf32>
    %add3A_2207 = arith.addf %slice3A_2205, %slice3A_2206 : vector<32x128xf32>
    %reduce_sum3A_2208 = arith.constant dense<0.000000e+00> : vector<32xf32>
    %reduce_sum3A_2209 = vector.multi_reduction <add>, %add3A_2207, %reduce_sum3A_2208 [1] : vector<32x128xf32> to vector<32xf32>
    %broadcast_in_dim3A_2210 = vector.shape_cast %reduce_sum3A_2209 : vector<32xf32> to vector<32x1xf32>
    %add3A_2211 = arith.addf %broadcast_in_dim3A_2198, %broadcast_in_dim3A_2204 : vector<32x1xf32>
    %add3A_2212 = arith.addf %add3A_2211, %broadcast_in_dim3A_2210 : vector<32x1xf32>
    %mul3A_2213 = arith.mulf %get3A_2160, %get3A_2160 : vector<32x768xf32>
    %slice3A_2214 = vector.extract_strided_slice %mul3A_2213 {offsets = [0, 0], sizes = [32, 128], strides = [1, 1]} : vector<32x768xf32> to vector<32x128xf32>
    %slice3A_2215 = vector.extract_strided_slice %mul3A_2213 {offsets = [0, 128], sizes = [32, 128], strides = [1, 1]} : vector<32x768xf32> to vector<32x128xf32>
    %add3A_2216 = arith.addf %slice3A_2214, %slice3A_2215 : vector<32x128xf32>
    %reduce_sum3A_2217 = arith.constant dense<0.000000e+00> : vector<32xf32>
    %reduce_sum3A_2218 = vector.multi_reduction <add>, %add3A_2216, %reduce_sum3A_2217 [1] : vector<32x128xf32> to vector<32xf32>
    %broadcast_in_dim3A_2219 = vector.shape_cast %reduce_sum3A_2218 : vector<32xf32> to vector<32x1xf32>
    %slice3A_2220 = vector.extract_strided_slice %mul3A_2213 {offsets = [0, 256], sizes = [32, 128], strides = [1, 1]} : vector<32x768xf32> to vector<32x128xf32>
    %slice3A_2221 = vector.extract_strided_slice %mul3A_2213 {offsets = [0, 384], sizes = [32, 128], strides = [1, 1]} : vector<32x768xf32> to vector<32x128xf32>
    %add3A_2222 = arith.addf %slice3A_2220, %slice3A_2221 : vector<32x128xf32>
    %reduce_sum3A_2223 = arith.constant dense<0.000000e+00> : vector<32xf32>
    %reduce_sum3A_2224 = vector.multi_reduction <add>, %add3A_2222, %reduce_sum3A_2223 [1] : vector<32x128xf32> to vector<32xf32>
    %broadcast_in_dim3A_2225 = vector.shape_cast %reduce_sum3A_2224 : vector<32xf32> to vector<32x1xf32>
    %slice3A_2226 = vector.extract_strided_slice %mul3A_2213 {offsets = [0, 512], sizes = [32, 128], strides = [1, 1]} : vector<32x768xf32> to vector<32x128xf32>
    %slice3A_2227 = vector.extract_strided_slice %mul3A_2213 {offsets = [0, 640], sizes = [32, 128], strides = [1, 1]} : vector<32x768xf32> to vector<32x128xf32>
    %add3A_2228 = arith.addf %slice3A_2226, %slice3A_2227 : vector<32x128xf32>
    %reduce_sum3A_2229 = arith.constant dense<0.000000e+00> : vector<32xf32>
    %reduce_sum3A_2230 = vector.multi_reduction <add>, %add3A_2228, %reduce_sum3A_2229 [1] : vector<32x128xf32> to vector<32xf32>
    %broadcast_in_dim3A_2231 = vector.shape_cast %reduce_sum3A_2230 : vector<32xf32> to vector<32x1xf32>
    %add3A_2232 = arith.addf %broadcast_in_dim3A_2219, %broadcast_in_dim3A_2225 : vector<32x1xf32>
    %add3A_2233 = arith.addf %add3A_2232, %broadcast_in_dim3A_2231 : vector<32x1xf32>
    %mul3A_2234 = arith.mulf %get3A_2165, %get3A_2165 : vector<32x768xf32>
    %slice3A_2235 = vector.extract_strided_slice %mul3A_2234 {offsets = [0, 0], sizes = [32, 128], strides = [1, 1]} : vector<32x768xf32> to vector<32x128xf32>
    %slice3A_2236 = vector.extract_strided_slice %mul3A_2234 {offsets = [0, 128], sizes = [32, 128], strides = [1, 1]} : vector<32x768xf32> to vector<32x128xf32>
    %add3A_2237 = arith.addf %slice3A_2235, %slice3A_2236 : vector<32x128xf32>
    %reduce_sum3A_2238 = arith.constant dense<0.000000e+00> : vector<32xf32>
    %reduce_sum3A_2239 = vector.multi_reduction <add>, %add3A_2237, %reduce_sum3A_2238 [1] : vector<32x128xf32> to vector<32xf32>
    %broadcast_in_dim3A_2240 = vector.shape_cast %reduce_sum3A_2239 : vector<32xf32> to vector<32x1xf32>
    %slice3A_2241 = vector.extract_strided_slice %mul3A_2234 {offsets = [0, 256], sizes = [32, 128], strides = [1, 1]} : vector<32x768xf32> to vector<32x128xf32>
    %slice3A_2242 = vector.extract_strided_slice %mul3A_2234 {offsets = [0, 384], sizes = [32, 128], strides = [1, 1]} : vector<32x768xf32> to vector<32x128xf32>
    %add3A_2243 = arith.addf %slice3A_2241, %slice3A_2242 : vector<32x128xf32>
    %reduce_sum3A_2244 = arith.constant dense<0.000000e+00> : vector<32xf32>
    %reduce_sum3A_2245 = vector.multi_reduction <add>, %add3A_2243, %reduce_sum3A_2244 [1] : vector<32x128xf32> to vector<32xf32>
    %broadcast_in_dim3A_2246 = vector.shape_cast %reduce_sum3A_2245 : vector<32xf32> to vector<32x1xf32>
    %slice3A_2247 = vector.extract_strided_slice %mul3A_2234 {offsets = [0, 512], sizes = [32, 128], strides = [1, 1]} : vector<32x768xf32> to vector<32x128xf32>
    %slice3A_2248 = vector.extract_strided_slice %mul3A_2234 {offsets = [0, 640], sizes = [32, 128], strides = [1, 1]} : vector<32x768xf32> to vector<32x128xf32>
    %add3A_2249 = arith.addf %slice3A_2247, %slice3A_2248 : vector<32x128xf32>
    %reduce_sum3A_2250 = arith.constant dense<0.000000e+00> : vector<32xf32>
    %reduce_sum3A_2251 = vector.multi_reduction <add>, %add3A_2249, %reduce_sum3A_2250 [1] : vector<32x128xf32> to vector<32xf32>
    %broadcast_in_dim3A_2252 = vector.shape_cast %reduce_sum3A_2251 : vector<32xf32> to vector<32x1xf32>
    %add3A_2253 = arith.addf %broadcast_in_dim3A_2240, %broadcast_in_dim3A_2246 : vector<32x1xf32>
    %add3A_2254 = arith.addf %add3A_2253, %broadcast_in_dim3A_2252 : vector<32x1xf32>
    %mul3A_2255 = arith.mulf %select_n3A_2170, %select_n3A_2170 : vector<32x768xf32>
    %slice3A_2256 = vector.extract_strided_slice %mul3A_2255 {offsets = [0, 0], sizes = [32, 128], strides = [1, 1]} : vector<32x768xf32> to vector<32x128xf32>
    %slice3A_2257 = vector.extract_strided_slice %mul3A_2255 {offsets = [0, 128], sizes = [32, 128], strides = [1, 1]} : vector<32x768xf32> to vector<32x128xf32>
    %add3A_2258 = arith.addf %slice3A_2256, %slice3A_2257 : vector<32x128xf32>
    %reduce_sum3A_2259 = arith.constant dense<0.000000e+00> : vector<32xf32>
    %reduce_sum3A_2260 = vector.multi_reduction <add>, %add3A_2258, %reduce_sum3A_2259 [1] : vector<32x128xf32> to vector<32xf32>
    %broadcast_in_dim3A_2261 = vector.shape_cast %reduce_sum3A_2260 : vector<32xf32> to vector<32x1xf32>
    %slice3A_2262 = vector.extract_strided_slice %mul3A_2255 {offsets = [0, 256], sizes = [32, 128], strides = [1, 1]} : vector<32x768xf32> to vector<32x128xf32>
    %slice3A_2263 = vector.extract_strided_slice %mul3A_2255 {offsets = [0, 384], sizes = [32, 128], strides = [1, 1]} : vector<32x768xf32> to vector<32x128xf32>
    %add3A_2264 = arith.addf %slice3A_2262, %slice3A_2263 : vector<32x128xf32>
    %reduce_sum3A_2265 = arith.constant dense<0.000000e+00> : vector<32xf32>
    %reduce_sum3A_2266 = vector.multi_reduction <add>, %add3A_2264, %reduce_sum3A_2265 [1] : vector<32x128xf32> to vector<32xf32>
    %broadcast_in_dim3A_2267 = vector.shape_cast %reduce_sum3A_2266 : vector<32xf32> to vector<32x1xf32>
    %slice3A_2268 = vector.extract_strided_slice %mul3A_2255 {offsets = [0, 512], sizes = [32, 128], strides = [1, 1]} : vector<32x768xf32> to vector<32x128xf32>
    %slice3A_2269 = vector.extract_strided_slice %mul3A_2255 {offsets = [0, 640], sizes = [32, 128], strides = [1, 1]} : vector<32x768xf32> to vector<32x128xf32>
    %add3A_2270 = arith.addf %slice3A_2268, %slice3A_2269 : vector<32x128xf32>
    %reduce_sum3A_2271 = arith.constant dense<0.000000e+00> : vector<32xf32>
    %reduce_sum3A_2272 = vector.multi_reduction <add>, %add3A_2270, %reduce_sum3A_2271 [1] : vector<32x128xf32> to vector<32xf32>
    %broadcast_in_dim3A_2273 = vector.shape_cast %reduce_sum3A_2272 : vector<32xf32> to vector<32x1xf32>
    %add3A_2274 = arith.addf %broadcast_in_dim3A_2261, %broadcast_in_dim3A_2267 : vector<32x1xf32>
    %add3A_2275 = arith.addf %add3A_2274, %broadcast_in_dim3A_2273 : vector<32x1xf32>
    %sqrt3A_2276 = math.sqrt %add3A_2275 : vector<32x1xf32>
    %sqrt3A_2277 = math.sqrt %add3A_2233 : vector<32x1xf32>
    %mul3A_2278 = arith.mulf %sqrt3A_2276, %sqrt3A_2277 : vector<32x1xf32>
    %max3A_2279 = arith.constant 9.99999993E-9 : f32
    %max3A_2280 = vector.broadcast %max3A_2279 : f32 to vector<32x1xf32>
    %max3A_2281 = arith.maximumf %mul3A_2278, %max3A_2280 : vector<32x1xf32>
    %div3A_2282 = arith.divf %add3A_2191, %max3A_2281 : vector<32x1xf32>
    %sqrt3A_2283 = math.sqrt %add3A_2254 : vector<32x1xf32>
    %mul3A_2284 = arith.mulf %sqrt3A_2276, %sqrt3A_2283 : vector<32x1xf32>
    %max3A_2285 = arith.constant 9.99999993E-9 : f32
    %max3A_2286 = vector.broadcast %max3A_2285 : f32 to vector<32x1xf32>
    %max3A_2287 = arith.maximumf %mul3A_2284, %max3A_2286 : vector<32x1xf32>
    %div3A_2288 = arith.divf %add3A_2212, %max3A_2287 : vector<32x1xf32>
    %add3A_2289 = arith.addf %div3A_2282, %div3A_2288 : vector<32x1xf32>
    %roll3A_2290 = arith.constant 31 : i32
    %roll3A_2291 = tpu.dynamic_rotate %add3A_2289 by %roll3A_2290 dim 0 : vector<32x1xf32>, i32 -> vector<32x1xf32>
    %add3A_2292 = arith.addf %add3A_2289, %roll3A_2291 : vector<32x1xf32>
    %mul3A_2293 = arith.constant 2.500000e-01 : f32
    %mul3A_2294 = vector.broadcast %mul3A_2293 : f32 to vector<32x1xf32>
    %mul3A_2295 = arith.mulf %add3A_2292, %mul3A_2294 : vector<32x1xf32>
    %dot_general3A_2296 = arith.constant dense<0.000000e+00> : vector<16x1xf32>
    %dot_general3A_2297 = tpu.matmul %convert_element_type3A_9, %mul3A_2295, %dot_general3A_2296 {dimension_numbers = #tpu.dot_dimension_numbers<[1], [0], [0], [1], [0, 0, 1, 1], [], []>, precision = #tpu.contract_precision<fp32>, transpose_lhs_hint = false} : vector<16x32xf32>, vector<32x1xf32>, vector<16x1xf32> -> vector<16x1xf32>
    %swap3A_2298 = arith.constant 0 : index
    %swap3A_2299 = arith.constant 208 : index
    %swap3A_2300 = arith.constant 0 : index
    %swap3A_2301 = vector.load %arg2[%swap3A_2298, %swap3A_2299, %swap3A_2300] : memref<1x256x1xf32, #tpu.memory_space<vmem>>, vector<1x16x1xf32>
    %swap3A_2302 = vector.shape_cast %swap3A_2301 : vector<1x16x1xf32> to vector<16x1xf32>
    %swap3A_2303 = vector.shape_cast %dot_general3A_2297 : vector<16x1xf32> to vector<1x16x1xf32>
    tpu.vector_store %arg2[%swap3A_2298, %swap3A_2299, %swap3A_2300], %swap3A_2303 {strides = array<i32>} : memref<1x256x1xf32, #tpu.memory_space<vmem>>, vector<1x16x1xf32>,
    %roll3A_2304 = arith.constant 31 : i32
    %roll3A_2305 = tpu.dynamic_rotate %get3A_2160 by %roll3A_2304 dim 0 : vector<32x768xf32>, i32 -> vector<32x768xf32>
    %add3A_2306 = arith.addf %get3A_2160, %roll3A_2305 : vector<32x768xf32>
    %roll3A_2307 = arith.constant 31 : i32
    %roll3A_2308 = tpu.dynamic_rotate %get3A_2165 by %roll3A_2307 dim 0 : vector<32x768xf32>, i32 -> vector<32x768xf32>
    %add3A_2309 = arith.addf %get3A_2165, %roll3A_2308 : vector<32x768xf32>
    %add3A_2310 = arith.addf %add3A_2306, %add3A_2309 : vector<32x768xf32>
    %dot_general3A_2311 = arith.constant dense<0.000000e+00> : vector<16x768xf32>
    %dot_general3A_2312 = tpu.matmul %convert_element_type3A_9, %add3A_2310, %dot_general3A_2311 {dimension_numbers = #tpu.dot_dimension_numbers<[1], [0], [0], [1], [0, 0, 1, 1], [], []>, transpose_lhs_hint = false} : vector<16x32xf32>, vector<32x768xf32>, vector<16x768xf32> -> vector<16x768xf32>
    %mul3A_2313 = arith.constant 2.500000e-01 : f32
    %mul3A_2314 = vector.broadcast %mul3A_2313 : f32 to vector<16x768xf32>
    %mul3A_2315 = arith.mulf %dot_general3A_2312, %mul3A_2314 : vector<16x768xf32>
    %swap3A_2316 = arith.constant 0 : index
    %swap3A_2317 = arith.constant 208 : index
    %swap3A_2318 = arith.constant 0 : index
    %swap3A_2319 = vector.load %arg3[%swap3A_2316, %swap3A_2317, %swap3A_2318] : memref<1x256x768xf32, #tpu.memory_space<vmem>>, vector<1x16x768xf32>
    %swap3A_2320 = vector.shape_cast %swap3A_2319 : vector<1x16x768xf32> to vector<16x768xf32>
    %swap3A_2321 = vector.shape_cast %mul3A_2315 : vector<16x768xf32> to vector<1x16x768xf32>
    tpu.vector_store %arg3[%swap3A_2316, %swap3A_2317, %swap3A_2318], %swap3A_2321 {strides = array<i32>} : memref<1x256x768xf32, #tpu.memory_space<vmem>>, vector<1x16x768xf32>,
    %get3A_2322 = arith.constant 0 : index
    %get3A_2323 = arith.constant 896 : index
    %get3A_2324 = arith.constant 0 : index
    %get3A_2325 = vector.load %arg1[%get3A_2322, %get3A_2323, %get3A_2324] : memref<1x1024x768xf32, #tpu.memory_space<vmem>>, vector<1x32x768xf32>
    %get3A_2326 = vector.shape_cast %get3A_2325 : vector<1x32x768xf32> to vector<32x768xf32>
    %get3A_2327 = arith.constant 0 : index
    %get3A_2328 = arith.constant 928 : index
    %get3A_2329 = arith.constant 0 : index
    %get3A_2330 = vector.load %arg1[%get3A_2327, %get3A_2328, %get3A_2329] : memref<1x1024x768xf32, #tpu.memory_space<vmem>>, vector<1x32x768xf32>
    %get3A_2331 = vector.shape_cast %get3A_2330 : vector<1x32x768xf32> to vector<32x768xf32>
    %roll3A_2332 = arith.constant 1 : i32
    %roll3A_2333 = tpu.dynamic_rotate %get3A_2326 by %roll3A_2332 dim 0 : vector<32x768xf32>, i32 -> vector<32x768xf32>
    %broadcast_in_dim3A_2334 = vector.shape_cast %eq3A_3 : vector<32x1xi1> to vector<32x1xi1>
    %broadcast_in_dim3A_2335 = vector.broadcast %broadcast_in_dim3A_2334 : vector<32x1xi1> to vector<32x768xi1>
    %select_n3A_2336 = arith.select %broadcast_in_dim3A_2335, %roll3A_2333, %get3A_2326 : vector<32x768xi1>, vector<32x768xf32>
    %mul3A_2337 = arith.mulf %select_n3A_2336, %get3A_2326 : vector<32x768xf32>
    %slice3A_2338 = vector.extract_strided_slice %mul3A_2337 {offsets = [0, 0], sizes = [32, 128], strides = [1, 1]} : vector<32x768xf32> to vector<32x128xf32>
    %slice3A_2339 = vector.extract_strided_slice %mul3A_2337 {offsets = [0, 128], sizes = [32, 128], strides = [1, 1]} : vector<32x768xf32> to vector<32x128xf32>
    %add3A_2340 = arith.addf %slice3A_2338, %slice3A_2339 : vector<32x128xf32>
    %reduce_sum3A_2341 = arith.constant dense<0.000000e+00> : vector<32xf32>
    %reduce_sum3A_2342 = vector.multi_reduction <add>, %add3A_2340, %reduce_sum3A_2341 [1] : vector<32x128xf32> to vector<32xf32>
    %broadcast_in_dim3A_2343 = vector.shape_cast %reduce_sum3A_2342 : vector<32xf32> to vector<32x1xf32>
    %slice3A_2344 = vector.extract_strided_slice %mul3A_2337 {offsets = [0, 256], sizes = [32, 128], strides = [1, 1]} : vector<32x768xf32> to vector<32x128xf32>
    %slice3A_2345 = vector.extract_strided_slice %mul3A_2337 {offsets = [0, 384], sizes = [32, 128], strides = [1, 1]} : vector<32x768xf32> to vector<32x128xf32>
    %add3A_2346 = arith.addf %slice3A_2344, %slice3A_2345 : vector<32x128xf32>
    %reduce_sum3A_2347 = arith.constant dense<0.000000e+00> : vector<32xf32>
    %reduce_sum3A_2348 = vector.multi_reduction <add>, %add3A_2346, %reduce_sum3A_2347 [1] : vector<32x128xf32> to vector<32xf32>
    %broadcast_in_dim3A_2349 = vector.shape_cast %reduce_sum3A_2348 : vector<32xf32> to vector<32x1xf32>
    %slice3A_2350 = vector.extract_strided_slice %mul3A_2337 {offsets = [0, 512], sizes = [32, 128], strides = [1, 1]} : vector<32x768xf32> to vector<32x128xf32>
    %slice3A_2351 = vector.extract_strided_slice %mul3A_2337 {offsets = [0, 640], sizes = [32, 128], strides = [1, 1]} : vector<32x768xf32> to vector<32x128xf32>
    %add3A_2352 = arith.addf %slice3A_2350, %slice3A_2351 : vector<32x128xf32>
    %reduce_sum3A_2353 = arith.constant dense<0.000000e+00> : vector<32xf32>
    %reduce_sum3A_2354 = vector.multi_reduction <add>, %add3A_2352, %reduce_sum3A_2353 [1] : vector<32x128xf32> to vector<32xf32>
    %broadcast_in_dim3A_2355 = vector.shape_cast %reduce_sum3A_2354 : vector<32xf32> to vector<32x1xf32>
    %add3A_2356 = arith.addf %broadcast_in_dim3A_2343, %broadcast_in_dim3A_2349 : vector<32x1xf32>
    %add3A_2357 = arith.addf %add3A_2356, %broadcast_in_dim3A_2355 : vector<32x1xf32>
    %mul3A_2358 = arith.mulf %select_n3A_2336, %get3A_2331 : vector<32x768xf32>
    %slice3A_2359 = vector.extract_strided_slice %mul3A_2358 {offsets = [0, 0], sizes = [32, 128], strides = [1, 1]} : vector<32x768xf32> to vector<32x128xf32>
    %slice3A_2360 = vector.extract_strided_slice %mul3A_2358 {offsets = [0, 128], sizes = [32, 128], strides = [1, 1]} : vector<32x768xf32> to vector<32x128xf32>
    %add3A_2361 = arith.addf %slice3A_2359, %slice3A_2360 : vector<32x128xf32>
    %reduce_sum3A_2362 = arith.constant dense<0.000000e+00> : vector<32xf32>
    %reduce_sum3A_2363 = vector.multi_reduction <add>, %add3A_2361, %reduce_sum3A_2362 [1] : vector<32x128xf32> to vector<32xf32>
    %broadcast_in_dim3A_2364 = vector.shape_cast %reduce_sum3A_2363 : vector<32xf32> to vector<32x1xf32>
    %slice3A_2365 = vector.extract_strided_slice %mul3A_2358 {offsets = [0, 256], sizes = [32, 128], strides = [1, 1]} : vector<32x768xf32> to vector<32x128xf32>
    %slice3A_2366 = vector.extract_strided_slice %mul3A_2358 {offsets = [0, 384], sizes = [32, 128], strides = [1, 1]} : vector<32x768xf32> to vector<32x128xf32>
    %add3A_2367 = arith.addf %slice3A_2365, %slice3A_2366 : vector<32x128xf32>
    %reduce_sum3A_2368 = arith.constant dense<0.000000e+00> : vector<32xf32>
    %reduce_sum3A_2369 = vector.multi_reduction <add>, %add3A_2367, %reduce_sum3A_2368 [1] : vector<32x128xf32> to vector<32xf32>
    %broadcast_in_dim3A_2370 = vector.shape_cast %reduce_sum3A_2369 : vector<32xf32> to vector<32x1xf32>
    %slice3A_2371 = vector.extract_strided_slice %mul3A_2358 {offsets = [0, 512], sizes = [32, 128], strides = [1, 1]} : vector<32x768xf32> to vector<32x128xf32>
    %slice3A_2372 = vector.extract_strided_slice %mul3A_2358 {offsets = [0, 640], sizes = [32, 128], strides = [1, 1]} : vector<32x768xf32> to vector<32x128xf32>
    %add3A_2373 = arith.addf %slice3A_2371, %slice3A_2372 : vector<32x128xf32>
    %reduce_sum3A_2374 = arith.constant dense<0.000000e+00> : vector<32xf32>
    %reduce_sum3A_2375 = vector.multi_reduction <add>, %add3A_2373, %reduce_sum3A_2374 [1] : vector<32x128xf32> to vector<32xf32>
    %broadcast_in_dim3A_2376 = vector.shape_cast %reduce_sum3A_2375 : vector<32xf32> to vector<32x1xf32>
    %add3A_2377 = arith.addf %broadcast_in_dim3A_2364, %broadcast_in_dim3A_2370 : vector<32x1xf32>
    %add3A_2378 = arith.addf %add3A_2377, %broadcast_in_dim3A_2376 : vector<32x1xf32>
    %mul3A_2379 = arith.mulf %get3A_2326, %get3A_2326 : vector<32x768xf32>
    %slice3A_2380 = vector.extract_strided_slice %mul3A_2379 {offsets = [0, 0], sizes = [32, 128], strides = [1, 1]} : vector<32x768xf32> to vector<32x128xf32>
    %slice3A_2381 = vector.extract_strided_slice %mul3A_2379 {offsets = [0, 128], sizes = [32, 128], strides = [1, 1]} : vector<32x768xf32> to vector<32x128xf32>
    %add3A_2382 = arith.addf %slice3A_2380, %slice3A_2381 : vector<32x128xf32>
    %reduce_sum3A_2383 = arith.constant dense<0.000000e+00> : vector<32xf32>
    %reduce_sum3A_2384 = vector.multi_reduction <add>, %add3A_2382, %reduce_sum3A_2383 [1] : vector<32x128xf32> to vector<32xf32>
    %broadcast_in_dim3A_2385 = vector.shape_cast %reduce_sum3A_2384 : vector<32xf32> to vector<32x1xf32>
    %slice3A_2386 = vector.extract_strided_slice %mul3A_2379 {offsets = [0, 256], sizes = [32, 128], strides = [1, 1]} : vector<32x768xf32> to vector<32x128xf32>
    %slice3A_2387 = vector.extract_strided_slice %mul3A_2379 {offsets = [0, 384], sizes = [32, 128], strides = [1, 1]} : vector<32x768xf32> to vector<32x128xf32>
    %add3A_2388 = arith.addf %slice3A_2386, %slice3A_2387 : vector<32x128xf32>
    %reduce_sum3A_2389 = arith.constant dense<0.000000e+00> : vector<32xf32>
    %reduce_sum3A_2390 = vector.multi_reduction <add>, %add3A_2388, %reduce_sum3A_2389 [1] : vector<32x128xf32> to vector<32xf32>
    %broadcast_in_dim3A_2391 = vector.shape_cast %reduce_sum3A_2390 : vector<32xf32> to vector<32x1xf32>
    %slice3A_2392 = vector.extract_strided_slice %mul3A_2379 {offsets = [0, 512], sizes = [32, 128], strides = [1, 1]} : vector<32x768xf32> to vector<32x128xf32>
    %slice3A_2393 = vector.extract_strided_slice %mul3A_2379 {offsets = [0, 640], sizes = [32, 128], strides = [1, 1]} : vector<32x768xf32> to vector<32x128xf32>
    %add3A_2394 = arith.addf %slice3A_2392, %slice3A_2393 : vector<32x128xf32>
    %reduce_sum3A_2395 = arith.constant dense<0.000000e+00> : vector<32xf32>
    %reduce_sum3A_2396 = vector.multi_reduction <add>, %add3A_2394, %reduce_sum3A_2395 [1] : vector<32x128xf32> to vector<32xf32>
    %broadcast_in_dim3A_2397 = vector.shape_cast %reduce_sum3A_2396 : vector<32xf32> to vector<32x1xf32>
    %add3A_2398 = arith.addf %broadcast_in_dim3A_2385, %broadcast_in_dim3A_2391 : vector<32x1xf32>
    %add3A_2399 = arith.addf %add3A_2398, %broadcast_in_dim3A_2397 : vector<32x1xf32>
    %mul3A_2400 = arith.mulf %get3A_2331, %get3A_2331 : vector<32x768xf32>
    %slice3A_2401 = vector.extract_strided_slice %mul3A_2400 {offsets = [0, 0], sizes = [32, 128], strides = [1, 1]} : vector<32x768xf32> to vector<32x128xf32>
    %slice3A_2402 = vector.extract_strided_slice %mul3A_2400 {offsets = [0, 128], sizes = [32, 128], strides = [1, 1]} : vector<32x768xf32> to vector<32x128xf32>
    %add3A_2403 = arith.addf %slice3A_2401, %slice3A_2402 : vector<32x128xf32>
    %reduce_sum3A_2404 = arith.constant dense<0.000000e+00> : vector<32xf32>
    %reduce_sum3A_2405 = vector.multi_reduction <add>, %add3A_2403, %reduce_sum3A_2404 [1] : vector<32x128xf32> to vector<32xf32>
    %broadcast_in_dim3A_2406 = vector.shape_cast %reduce_sum3A_2405 : vector<32xf32> to vector<32x1xf32>
    %slice3A_2407 = vector.extract_strided_slice %mul3A_2400 {offsets = [0, 256], sizes = [32, 128], strides = [1, 1]} : vector<32x768xf32> to vector<32x128xf32>
    %slice3A_2408 = vector.extract_strided_slice %mul3A_2400 {offsets = [0, 384], sizes = [32, 128], strides = [1, 1]} : vector<32x768xf32> to vector<32x128xf32>
    %add3A_2409 = arith.addf %slice3A_2407, %slice3A_2408 : vector<32x128xf32>
    %reduce_sum3A_2410 = arith.constant dense<0.000000e+00> : vector<32xf32>
    %reduce_sum3A_2411 = vector.multi_reduction <add>, %add3A_2409, %reduce_sum3A_2410 [1] : vector<32x128xf32> to vector<32xf32>
    %broadcast_in_dim3A_2412 = vector.shape_cast %reduce_sum3A_2411 : vector<32xf32> to vector<32x1xf32>
    %slice3A_2413 = vector.extract_strided_slice %mul3A_2400 {offsets = [0, 512], sizes = [32, 128], strides = [1, 1]} : vector<32x768xf32> to vector<32x128xf32>
    %slice3A_2414 = vector.extract_strided_slice %mul3A_2400 {offsets = [0, 640], sizes = [32, 128], strides = [1, 1]} : vector<32x768xf32> to vector<32x128xf32>
    %add3A_2415 = arith.addf %slice3A_2413, %slice3A_2414 : vector<32x128xf32>
    %reduce_sum3A_2416 = arith.constant dense<0.000000e+00> : vector<32xf32>
    %reduce_sum3A_2417 = vector.multi_reduction <add>, %add3A_2415, %reduce_sum3A_2416 [1] : vector<32x128xf32> to vector<32xf32>
    %broadcast_in_dim3A_2418 = vector.shape_cast %reduce_sum3A_2417 : vector<32xf32> to vector<32x1xf32>
    %add3A_2419 = arith.addf %broadcast_in_dim3A_2406, %broadcast_in_dim3A_2412 : vector<32x1xf32>
    %add3A_2420 = arith.addf %add3A_2419, %broadcast_in_dim3A_2418 : vector<32x1xf32>
    %mul3A_2421 = arith.mulf %select_n3A_2336, %select_n3A_2336 : vector<32x768xf32>
    %slice3A_2422 = vector.extract_strided_slice %mul3A_2421 {offsets = [0, 0], sizes = [32, 128], strides = [1, 1]} : vector<32x768xf32> to vector<32x128xf32>
    %slice3A_2423 = vector.extract_strided_slice %mul3A_2421 {offsets = [0, 128], sizes = [32, 128], strides = [1, 1]} : vector<32x768xf32> to vector<32x128xf32>
    %add3A_2424 = arith.addf %slice3A_2422, %slice3A_2423 : vector<32x128xf32>
    %reduce_sum3A_2425 = arith.constant dense<0.000000e+00> : vector<32xf32>
    %reduce_sum3A_2426 = vector.multi_reduction <add>, %add3A_2424, %reduce_sum3A_2425 [1] : vector<32x128xf32> to vector<32xf32>
    %broadcast_in_dim3A_2427 = vector.shape_cast %reduce_sum3A_2426 : vector<32xf32> to vector<32x1xf32>
    %slice3A_2428 = vector.extract_strided_slice %mul3A_2421 {offsets = [0, 256], sizes = [32, 128], strides = [1, 1]} : vector<32x768xf32> to vector<32x128xf32>
    %slice3A_2429 = vector.extract_strided_slice %mul3A_2421 {offsets = [0, 384], sizes = [32, 128], strides = [1, 1]} : vector<32x768xf32> to vector<32x128xf32>
    %add3A_2430 = arith.addf %slice3A_2428, %slice3A_2429 : vector<32x128xf32>
    %reduce_sum3A_2431 = arith.constant dense<0.000000e+00> : vector<32xf32>
    %reduce_sum3A_2432 = vector.multi_reduction <add>, %add3A_2430, %reduce_sum3A_2431 [1] : vector<32x128xf32> to vector<32xf32>
    %broadcast_in_dim3A_2433 = vector.shape_cast %reduce_sum3A_2432 : vector<32xf32> to vector<32x1xf32>
    %slice3A_2434 = vector.extract_strided_slice %mul3A_2421 {offsets = [0, 512], sizes = [32, 128], strides = [1, 1]} : vector<32x768xf32> to vector<32x128xf32>
    %slice3A_2435 = vector.extract_strided_slice %mul3A_2421 {offsets = [0, 640], sizes = [32, 128], strides = [1, 1]} : vector<32x768xf32> to vector<32x128xf32>
    %add3A_2436 = arith.addf %slice3A_2434, %slice3A_2435 : vector<32x128xf32>
    %reduce_sum3A_2437 = arith.constant dense<0.000000e+00> : vector<32xf32>
    %reduce_sum3A_2438 = vector.multi_reduction <add>, %add3A_2436, %reduce_sum3A_2437 [1] : vector<32x128xf32> to vector<32xf32>
    %broadcast_in_dim3A_2439 = vector.shape_cast %reduce_sum3A_2438 : vector<32xf32> to vector<32x1xf32>
    %add3A_2440 = arith.addf %broadcast_in_dim3A_2427, %broadcast_in_dim3A_2433 : vector<32x1xf32>
    %add3A_2441 = arith.addf %add3A_2440, %broadcast_in_dim3A_2439 : vector<32x1xf32>
    %sqrt3A_2442 = math.sqrt %add3A_2441 : vector<32x1xf32>
    %sqrt3A_2443 = math.sqrt %add3A_2399 : vector<32x1xf32>
    %mul3A_2444 = arith.mulf %sqrt3A_2442, %sqrt3A_2443 : vector<32x1xf32>
    %max3A_2445 = arith.constant 9.99999993E-9 : f32
    %max3A_2446 = vector.broadcast %max3A_2445 : f32 to vector<32x1xf32>
    %max3A_2447 = arith.maximumf %mul3A_2444, %max3A_2446 : vector<32x1xf32>
    %div3A_2448 = arith.divf %add3A_2357, %max3A_2447 : vector<32x1xf32>
    %sqrt3A_2449 = math.sqrt %add3A_2420 : vector<32x1xf32>
    %mul3A_2450 = arith.mulf %sqrt3A_2442, %sqrt3A_2449 : vector<32x1xf32>
    %max3A_2451 = arith.constant 9.99999993E-9 : f32
    %max3A_2452 = vector.broadcast %max3A_2451 : f32 to vector<32x1xf32>
    %max3A_2453 = arith.maximumf %mul3A_2450, %max3A_2452 : vector<32x1xf32>
    %div3A_2454 = arith.divf %add3A_2378, %max3A_2453 : vector<32x1xf32>
    %add3A_2455 = arith.addf %div3A_2448, %div3A_2454 : vector<32x1xf32>
    %roll3A_2456 = arith.constant 31 : i32
    %roll3A_2457 = tpu.dynamic_rotate %add3A_2455 by %roll3A_2456 dim 0 : vector<32x1xf32>, i32 -> vector<32x1xf32>
    %add3A_2458 = arith.addf %add3A_2455, %roll3A_2457 : vector<32x1xf32>
    %mul3A_2459 = arith.constant 2.500000e-01 : f32
    %mul3A_2460 = vector.broadcast %mul3A_2459 : f32 to vector<32x1xf32>
    %mul3A_2461 = arith.mulf %add3A_2458, %mul3A_2460 : vector<32x1xf32>
    %dot_general3A_2462 = arith.constant dense<0.000000e+00> : vector<16x1xf32>
    %dot_general3A_2463 = tpu.matmul %convert_element_type3A_9, %mul3A_2461, %dot_general3A_2462 {dimension_numbers = #tpu.dot_dimension_numbers<[1], [0], [0], [1], [0, 0, 1, 1], [], []>, precision = #tpu.contract_precision<fp32>, transpose_lhs_hint = false} : vector<16x32xf32>, vector<32x1xf32>, vector<16x1xf32> -> vector<16x1xf32>
    %swap3A_2464 = arith.constant 0 : index
    %swap3A_2465 = arith.constant 224 : index
    %swap3A_2466 = arith.constant 0 : index
    %swap3A_2467 = vector.load %arg2[%swap3A_2464, %swap3A_2465, %swap3A_2466] : memref<1x256x1xf32, #tpu.memory_space<vmem>>, vector<1x16x1xf32>
    %swap3A_2468 = vector.shape_cast %swap3A_2467 : vector<1x16x1xf32> to vector<16x1xf32>
    %swap3A_2469 = vector.shape_cast %dot_general3A_2463 : vector<16x1xf32> to vector<1x16x1xf32>
    tpu.vector_store %arg2[%swap3A_2464, %swap3A_2465, %swap3A_2466], %swap3A_2469 {strides = array<i32>} : memref<1x256x1xf32, #tpu.memory_space<vmem>>, vector<1x16x1xf32>,
    %roll3A_2470 = arith.constant 31 : i32
    %roll3A_2471 = tpu.dynamic_rotate %get3A_2326 by %roll3A_2470 dim 0 : vector<32x768xf32>, i32 -> vector<32x768xf32>
    %add3A_2472 = arith.addf %get3A_2326, %roll3A_2471 : vector<32x768xf32>
    %roll3A_2473 = arith.constant 31 : i32
    %roll3A_2474 = tpu.dynamic_rotate %get3A_2331 by %roll3A_2473 dim 0 : vector<32x768xf32>, i32 -> vector<32x768xf32>
    %add3A_2475 = arith.addf %get3A_2331, %roll3A_2474 : vector<32x768xf32>
    %add3A_2476 = arith.addf %add3A_2472, %add3A_2475 : vector<32x768xf32>
    %dot_general3A_2477 = arith.constant dense<0.000000e+00> : vector<16x768xf32>
    %dot_general3A_2478 = tpu.matmul %convert_element_type3A_9, %add3A_2476, %dot_general3A_2477 {dimension_numbers = #tpu.dot_dimension_numbers<[1], [0], [0], [1], [0, 0, 1, 1], [], []>, transpose_lhs_hint = false} : vector<16x32xf32>, vector<32x768xf32>, vector<16x768xf32> -> vector<16x768xf32>
    %mul3A_2479 = arith.constant 2.500000e-01 : f32
    %mul3A_2480 = vector.broadcast %mul3A_2479 : f32 to vector<16x768xf32>
    %mul3A_2481 = arith.mulf %dot_general3A_2478, %mul3A_2480 : vector<16x768xf32>
    %swap3A_2482 = arith.constant 0 : index
    %swap3A_2483 = arith.constant 224 : index
    %swap3A_2484 = arith.constant 0 : index
    %swap3A_2485 = vector.load %arg3[%swap3A_2482, %swap3A_2483, %swap3A_2484] : memref<1x256x768xf32, #tpu.memory_space<vmem>>, vector<1x16x768xf32>
    %swap3A_2486 = vector.shape_cast %swap3A_2485 : vector<1x16x768xf32> to vector<16x768xf32>
    %swap3A_2487 = vector.shape_cast %mul3A_2481 : vector<16x768xf32> to vector<1x16x768xf32>
    tpu.vector_store %arg3[%swap3A_2482, %swap3A_2483, %swap3A_2484], %swap3A_2487 {strides = array<i32>} : memref<1x256x768xf32, #tpu.memory_space<vmem>>, vector<1x16x768xf32>,
    %get3A_2488 = arith.constant 0 : index
    %get3A_2489 = arith.constant 960 : index
    %get3A_2490 = arith.constant 0 : index
    %get3A_2491 = vector.load %arg1[%get3A_2488, %get3A_2489, %get3A_2490] : memref<1x1024x768xf32, #tpu.memory_space<vmem>>, vector<1x32x768xf32>
    %get3A_2492 = vector.shape_cast %get3A_2491 : vector<1x32x768xf32> to vector<32x768xf32>
    %get3A_2493 = arith.constant 0 : index
    %get3A_2494 = arith.constant 992 : index
    %get3A_2495 = arith.constant 0 : index
    %get3A_2496 = vector.load %arg1[%get3A_2493, %get3A_2494, %get3A_2495] : memref<1x1024x768xf32, #tpu.memory_space<vmem>>, vector<1x32x768xf32>
    %get3A_2497 = vector.shape_cast %get3A_2496 : vector<1x32x768xf32> to vector<32x768xf32>
    %roll3A_2498 = arith.constant 1 : i32
    %roll3A_2499 = tpu.dynamic_rotate %get3A_2492 by %roll3A_2498 dim 0 : vector<32x768xf32>, i32 -> vector<32x768xf32>
    %broadcast_in_dim3A_2500 = vector.shape_cast %eq3A_3 : vector<32x1xi1> to vector<32x1xi1>
    %broadcast_in_dim3A_2501 = vector.broadcast %broadcast_in_dim3A_2500 : vector<32x1xi1> to vector<32x768xi1>
    %select_n3A_2502 = arith.select %broadcast_in_dim3A_2501, %roll3A_2499, %get3A_2492 : vector<32x768xi1>, vector<32x768xf32>
    %mul3A_2503 = arith.mulf %select_n3A_2502, %get3A_2492 : vector<32x768xf32>
    %slice3A_2504 = vector.extract_strided_slice %mul3A_2503 {offsets = [0, 0], sizes = [32, 128], strides = [1, 1]} : vector<32x768xf32> to vector<32x128xf32>
    %slice3A_2505 = vector.extract_strided_slice %mul3A_2503 {offsets = [0, 128], sizes = [32, 128], strides = [1, 1]} : vector<32x768xf32> to vector<32x128xf32>
    %add3A_2506 = arith.addf %slice3A_2504, %slice3A_2505 : vector<32x128xf32>
    %reduce_sum3A_2507 = arith.constant dense<0.000000e+00> : vector<32xf32>
    %reduce_sum3A_2508 = vector.multi_reduction <add>, %add3A_2506, %reduce_sum3A_2507 [1] : vector<32x128xf32> to vector<32xf32>
    %broadcast_in_dim3A_2509 = vector.shape_cast %reduce_sum3A_2508 : vector<32xf32> to vector<32x1xf32>
    %slice3A_2510 = vector.extract_strided_slice %mul3A_2503 {offsets = [0, 256], sizes = [32, 128], strides = [1, 1]} : vector<32x768xf32> to vector<32x128xf32>
    %slice3A_2511 = vector.extract_strided_slice %mul3A_2503 {offsets = [0, 384], sizes = [32, 128], strides = [1, 1]} : vector<32x768xf32> to vector<32x128xf32>
    %add3A_2512 = arith.addf %slice3A_2510, %slice3A_2511 : vector<32x128xf32>
    %reduce_sum3A_2513 = arith.constant dense<0.000000e+00> : vector<32xf32>
    %reduce_sum3A_2514 = vector.multi_reduction <add>, %add3A_2512, %reduce_sum3A_2513 [1] : vector<32x128xf32> to vector<32xf32>
    %broadcast_in_dim3A_2515 = vector.shape_cast %reduce_sum3A_2514 : vector<32xf32> to vector<32x1xf32>
    %slice3A_2516 = vector.extract_strided_slice %mul3A_2503 {offsets = [0, 512], sizes = [32, 128], strides = [1, 1]} : vector<32x768xf32> to vector<32x128xf32>
    %slice3A_2517 = vector.extract_strided_slice %mul3A_2503 {offsets = [0, 640], sizes = [32, 128], strides = [1, 1]} : vector<32x768xf32> to vector<32x128xf32>
    %add3A_2518 = arith.addf %slice3A_2516, %slice3A_2517 : vector<32x128xf32>
    %reduce_sum3A_2519 = arith.constant dense<0.000000e+00> : vector<32xf32>
    %reduce_sum3A_2520 = vector.multi_reduction <add>, %add3A_2518, %reduce_sum3A_2519 [1] : vector<32x128xf32> to vector<32xf32>
    %broadcast_in_dim3A_2521 = vector.shape_cast %reduce_sum3A_2520 : vector<32xf32> to vector<32x1xf32>
    %add3A_2522 = arith.addf %broadcast_in_dim3A_2509, %broadcast_in_dim3A_2515 : vector<32x1xf32>
    %add3A_2523 = arith.addf %add3A_2522, %broadcast_in_dim3A_2521 : vector<32x1xf32>
    %mul3A_2524 = arith.mulf %select_n3A_2502, %get3A_2497 : vector<32x768xf32>
    %slice3A_2525 = vector.extract_strided_slice %mul3A_2524 {offsets = [0, 0], sizes = [32, 128], strides = [1, 1]} : vector<32x768xf32> to vector<32x128xf32>
    %slice3A_2526 = vector.extract_strided_slice %mul3A_2524 {offsets = [0, 128], sizes = [32, 128], strides = [1, 1]} : vector<32x768xf32> to vector<32x128xf32>
    %add3A_2527 = arith.addf %slice3A_2525, %slice3A_2526 : vector<32x128xf32>
    %reduce_sum3A_2528 = arith.constant dense<0.000000e+00> : vector<32xf32>
    %reduce_sum3A_2529 = vector.multi_reduction <add>, %add3A_2527, %reduce_sum3A_2528 [1] : vector<32x128xf32> to vector<32xf32>
    %broadcast_in_dim3A_2530 = vector.shape_cast %reduce_sum3A_2529 : vector<32xf32> to vector<32x1xf32>
    %slice3A_2531 = vector.extract_strided_slice %mul3A_2524 {offsets = [0, 256], sizes = [32, 128], strides = [1, 1]} : vector<32x768xf32> to vector<32x128xf32>
    %slice3A_2532 = vector.extract_strided_slice %mul3A_2524 {offsets = [0, 384], sizes = [32, 128], strides = [1, 1]} : vector<32x768xf32> to vector<32x128xf32>
    %add3A_2533 = arith.addf %slice3A_2531, %slice3A_2532 : vector<32x128xf32>
    %reduce_sum3A_2534 = arith.constant dense<0.000000e+00> : vector<32xf32>
    %reduce_sum3A_2535 = vector.multi_reduction <add>, %add3A_2533, %reduce_sum3A_2534 [1] : vector<32x128xf32> to vector<32xf32>
    %broadcast_in_dim3A_2536 = vector.shape_cast %reduce_sum3A_2535 : vector<32xf32> to vector<32x1xf32>
    %slice3A_2537 = vector.extract_strided_slice %mul3A_2524 {offsets = [0, 512], sizes = [32, 128], strides = [1, 1]} : vector<32x768xf32> to vector<32x128xf32>
    %slice3A_2538 = vector.extract_strided_slice %mul3A_2524 {offsets = [0, 640], sizes = [32, 128], strides = [1, 1]} : vector<32x768xf32> to vector<32x128xf32>
    %add3A_2539 = arith.addf %slice3A_2537, %slice3A_2538 : vector<32x128xf32>
    %reduce_sum3A_2540 = arith.constant dense<0.000000e+00> : vector<32xf32>
    %reduce_sum3A_2541 = vector.multi_reduction <add>, %add3A_2539, %reduce_sum3A_2540 [1] : vector<32x128xf32> to vector<32xf32>
    %broadcast_in_dim3A_2542 = vector.shape_cast %reduce_sum3A_2541 : vector<32xf32> to vector<32x1xf32>
    %add3A_2543 = arith.addf %broadcast_in_dim3A_2530, %broadcast_in_dim3A_2536 : vector<32x1xf32>
    %add3A_2544 = arith.addf %add3A_2543, %broadcast_in_dim3A_2542 : vector<32x1xf32>
    %mul3A_2545 = arith.mulf %get3A_2492, %get3A_2492 : vector<32x768xf32>
    %slice3A_2546 = vector.extract_strided_slice %mul3A_2545 {offsets = [0, 0], sizes = [32, 128], strides = [1, 1]} : vector<32x768xf32> to vector<32x128xf32>
    %slice3A_2547 = vector.extract_strided_slice %mul3A_2545 {offsets = [0, 128], sizes = [32, 128], strides = [1, 1]} : vector<32x768xf32> to vector<32x128xf32>
    %add3A_2548 = arith.addf %slice3A_2546, %slice3A_2547 : vector<32x128xf32>
    %reduce_sum3A_2549 = arith.constant dense<0.000000e+00> : vector<32xf32>
    %reduce_sum3A_2550 = vector.multi_reduction <add>, %add3A_2548, %reduce_sum3A_2549 [1] : vector<32x128xf32> to vector<32xf32>
    %broadcast_in_dim3A_2551 = vector.shape_cast %reduce_sum3A_2550 : vector<32xf32> to vector<32x1xf32>
    %slice3A_2552 = vector.extract_strided_slice %mul3A_2545 {offsets = [0, 256], sizes = [32, 128], strides = [1, 1]} : vector<32x768xf32> to vector<32x128xf32>
    %slice3A_2553 = vector.extract_strided_slice %mul3A_2545 {offsets = [0, 384], sizes = [32, 128], strides = [1, 1]} : vector<32x768xf32> to vector<32x128xf32>
    %add3A_2554 = arith.addf %slice3A_2552, %slice3A_2553 : vector<32x128xf32>
    %reduce_sum3A_2555 = arith.constant dense<0.000000e+00> : vector<32xf32>
    %reduce_sum3A_2556 = vector.multi_reduction <add>, %add3A_2554, %reduce_sum3A_2555 [1] : vector<32x128xf32> to vector<32xf32>
    %broadcast_in_dim3A_2557 = vector.shape_cast %reduce_sum3A_2556 : vector<32xf32> to vector<32x1xf32>
    %slice3A_2558 = vector.extract_strided_slice %mul3A_2545 {offsets = [0, 512], sizes = [32, 128], strides = [1, 1]} : vector<32x768xf32> to vector<32x128xf32>
    %slice3A_2559 = vector.extract_strided_slice %mul3A_2545 {offsets = [0, 640], sizes = [32, 128], strides = [1, 1]} : vector<32x768xf32> to vector<32x128xf32>
    %add3A_2560 = arith.addf %slice3A_2558, %slice3A_2559 : vector<32x128xf32>
    %reduce_sum3A_2561 = arith.constant dense<0.000000e+00> : vector<32xf32>
    %reduce_sum3A_2562 = vector.multi_reduction <add>, %add3A_2560, %reduce_sum3A_2561 [1] : vector<32x128xf32> to vector<32xf32>
    %broadcast_in_dim3A_2563 = vector.shape_cast %reduce_sum3A_2562 : vector<32xf32> to vector<32x1xf32>
    %add3A_2564 = arith.addf %broadcast_in_dim3A_2551, %broadcast_in_dim3A_2557 : vector<32x1xf32>
    %add3A_2565 = arith.addf %add3A_2564, %broadcast_in_dim3A_2563 : vector<32x1xf32>
    %mul3A_2566 = arith.mulf %get3A_2497, %get3A_2497 : vector<32x768xf32>
    %slice3A_2567 = vector.extract_strided_slice %mul3A_2566 {offsets = [0, 0], sizes = [32, 128], strides = [1, 1]} : vector<32x768xf32> to vector<32x128xf32>
    %slice3A_2568 = vector.extract_strided_slice %mul3A_2566 {offsets = [0, 128], sizes = [32, 128], strides = [1, 1]} : vector<32x768xf32> to vector<32x128xf32>
    %add3A_2569 = arith.addf %slice3A_2567, %slice3A_2568 : vector<32x128xf32>
    %reduce_sum3A_2570 = arith.constant dense<0.000000e+00> : vector<32xf32>
    %reduce_sum3A_2571 = vector.multi_reduction <add>, %add3A_2569, %reduce_sum3A_2570 [1] : vector<32x128xf32> to vector<32xf32>
    %broadcast_in_dim3A_2572 = vector.shape_cast %reduce_sum3A_2571 : vector<32xf32> to vector<32x1xf32>
    %slice3A_2573 = vector.extract_strided_slice %mul3A_2566 {offsets = [0, 256], sizes = [32, 128], strides = [1, 1]} : vector<32x768xf32> to vector<32x128xf32>
    %slice3A_2574 = vector.extract_strided_slice %mul3A_2566 {offsets = [0, 384], sizes = [32, 128], strides = [1, 1]} : vector<32x768xf32> to vector<32x128xf32>
    %add3A_2575 = arith.addf %slice3A_2573, %slice3A_2574 : vector<32x128xf32>
    %reduce_sum3A_2576 = arith.constant dense<0.000000e+00> : vector<32xf32>
    %reduce_sum3A_2577 = vector.multi_reduction <add>, %add3A_2575, %reduce_sum3A_2576 [1] : vector<32x128xf32> to vector<32xf32>
    %broadcast_in_dim3A_2578 = vector.shape_cast %reduce_sum3A_2577 : vector<32xf32> to vector<32x1xf32>
    %slice3A_2579 = vector.extract_strided_slice %mul3A_2566 {offsets = [0, 512], sizes = [32, 128], strides = [1, 1]} : vector<32x768xf32> to vector<32x128xf32>
    %slice3A_2580 = vector.extract_strided_slice %mul3A_2566 {offsets = [0, 640], sizes = [32, 128], strides = [1, 1]} : vector<32x768xf32> to vector<32x128xf32>
    %add3A_2581 = arith.addf %slice3A_2579, %slice3A_2580 : vector<32x128xf32>
    %reduce_sum3A_2582 = arith.constant dense<0.000000e+00> : vector<32xf32>
    %reduce_sum3A_2583 = vector.multi_reduction <add>, %add3A_2581, %reduce_sum3A_2582 [1] : vector<32x128xf32> to vector<32xf32>
    %broadcast_in_dim3A_2584 = vector.shape_cast %reduce_sum3A_2583 : vector<32xf32> to vector<32x1xf32>
    %add3A_2585 = arith.addf %broadcast_in_dim3A_2572, %broadcast_in_dim3A_2578 : vector<32x1xf32>
    %add3A_2586 = arith.addf %add3A_2585, %broadcast_in_dim3A_2584 : vector<32x1xf32>
    %mul3A_2587 = arith.mulf %select_n3A_2502, %select_n3A_2502 : vector<32x768xf32>
    %slice3A_2588 = vector.extract_strided_slice %mul3A_2587 {offsets = [0, 0], sizes = [32, 128], strides = [1, 1]} : vector<32x768xf32> to vector<32x128xf32>
    %slice3A_2589 = vector.extract_strided_slice %mul3A_2587 {offsets = [0, 128], sizes = [32, 128], strides = [1, 1]} : vector<32x768xf32> to vector<32x128xf32>
    %add3A_2590 = arith.addf %slice3A_2588, %slice3A_2589 : vector<32x128xf32>
    %reduce_sum3A_2591 = arith.constant dense<0.000000e+00> : vector<32xf32>
    %reduce_sum3A_2592 = vector.multi_reduction <add>, %add3A_2590, %reduce_sum3A_2591 [1] : vector<32x128xf32> to vector<32xf32>
    %broadcast_in_dim3A_2593 = vector.shape_cast %reduce_sum3A_2592 : vector<32xf32> to vector<32x1xf32>
    %slice3A_2594 = vector.extract_strided_slice %mul3A_2587 {offsets = [0, 256], sizes = [32, 128], strides = [1, 1]} : vector<32x768xf32> to vector<32x128xf32>
    %slice3A_2595 = vector.extract_strided_slice %mul3A_2587 {offsets = [0, 384], sizes = [32, 128], strides = [1, 1]} : vector<32x768xf32> to vector<32x128xf32>
    %add3A_2596 = arith.addf %slice3A_2594, %slice3A_2595 : vector<32x128xf32>
    %reduce_sum3A_2597 = arith.constant dense<0.000000e+00> : vector<32xf32>
    %reduce_sum3A_2598 = vector.multi_reduction <add>, %add3A_2596, %reduce_sum3A_2597 [1] : vector<32x128xf32> to vector<32xf32>
    %broadcast_in_dim3A_2599 = vector.shape_cast %reduce_sum3A_2598 : vector<32xf32> to vector<32x1xf32>
    %slice3A_2600 = vector.extract_strided_slice %mul3A_2587 {offsets = [0, 512], sizes = [32, 128], strides = [1, 1]} : vector<32x768xf32> to vector<32x128xf32>
    %slice3A_2601 = vector.extract_strided_slice %mul3A_2587 {offsets = [0, 640], sizes = [32, 128], strides = [1, 1]} : vector<32x768xf32> to vector<32x128xf32>
    %add3A_2602 = arith.addf %slice3A_2600, %slice3A_2601 : vector<32x128xf32>
    %reduce_sum3A_2603 = arith.constant dense<0.000000e+00> : vector<32xf32>
    %reduce_sum3A_2604 = vector.multi_reduction <add>, %add3A_2602, %reduce_sum3A_2603 [1] : vector<32x128xf32> to vector<32xf32>
    %broadcast_in_dim3A_2605 = vector.shape_cast %reduce_sum3A_2604 : vector<32xf32> to vector<32x1xf32>
    %add3A_2606 = arith.addf %broadcast_in_dim3A_2593, %broadcast_in_dim3A_2599 : vector<32x1xf32>
    %add3A_2607 = arith.addf %add3A_2606, %broadcast_in_dim3A_2605 : vector<32x1xf32>
    %sqrt3A_2608 = math.sqrt %add3A_2607 : vector<32x1xf32>
    %sqrt3A_2609 = math.sqrt %add3A_2565 : vector<32x1xf32>
    %mul3A_2610 = arith.mulf %sqrt3A_2608, %sqrt3A_2609 : vector<32x1xf32>
    %max3A_2611 = arith.constant 9.99999993E-9 : f32
    %max3A_2612 = vector.broadcast %max3A_2611 : f32 to vector<32x1xf32>
    %max3A_2613 = arith.maximumf %mul3A_2610, %max3A_2612 : vector<32x1xf32>
    %div3A_2614 = arith.divf %add3A_2523, %max3A_2613 : vector<32x1xf32>
    %sqrt3A_2615 = math.sqrt %add3A_2586 : vector<32x1xf32>
    %mul3A_2616 = arith.mulf %sqrt3A_2608, %sqrt3A_2615 : vector<32x1xf32>
    %max3A_2617 = arith.constant 9.99999993E-9 : f32
    %max3A_2618 = vector.broadcast %max3A_2617 : f32 to vector<32x1xf32>
    %max3A_2619 = arith.maximumf %mul3A_2616, %max3A_2618 : vector<32x1xf32>
    %div3A_2620 = arith.divf %add3A_2544, %max3A_2619 : vector<32x1xf32>
    %add3A_2621 = arith.addf %div3A_2614, %div3A_2620 : vector<32x1xf32>
    %roll3A_2622 = arith.constant 31 : i32
    %roll3A_2623 = tpu.dynamic_rotate %add3A_2621 by %roll3A_2622 dim 0 : vector<32x1xf32>, i32 -> vector<32x1xf32>
    %add3A_2624 = arith.addf %add3A_2621, %roll3A_2623 : vector<32x1xf32>
    %mul3A_2625 = arith.constant 2.500000e-01 : f32
    %mul3A_2626 = vector.broadcast %mul3A_2625 : f32 to vector<32x1xf32>
    %mul3A_2627 = arith.mulf %add3A_2624, %mul3A_2626 : vector<32x1xf32>
    %dot_general3A_2628 = arith.constant dense<0.000000e+00> : vector<16x1xf32>
    %dot_general3A_2629 = tpu.matmul %convert_element_type3A_9, %mul3A_2627, %dot_general3A_2628 {dimension_numbers = #tpu.dot_dimension_numbers<[1], [0], [0], [1], [0, 0, 1, 1], [], []>, precision = #tpu.contract_precision<fp32>, transpose_lhs_hint = false} : vector<16x32xf32>, vector<32x1xf32>, vector<16x1xf32> -> vector<16x1xf32>
    %swap3A_2630 = arith.constant 0 : index
    %swap3A_2631 = arith.constant 240 : index
    %swap3A_2632 = arith.constant 0 : index
    %swap3A_2633 = vector.load %arg2[%swap3A_2630, %swap3A_2631, %swap3A_2632] : memref<1x256x1xf32, #tpu.memory_space<vmem>>, vector<1x16x1xf32>
    %swap3A_2634 = vector.shape_cast %swap3A_2633 : vector<1x16x1xf32> to vector<16x1xf32>
    %swap3A_2635 = vector.shape_cast %dot_general3A_2629 : vector<16x1xf32> to vector<1x16x1xf32>
    tpu.vector_store %arg2[%swap3A_2630, %swap3A_2631, %swap3A_2632], %swap3A_2635 {strides = array<i32>} : memref<1x256x1xf32, #tpu.memory_space<vmem>>, vector<1x16x1xf32>,
    %roll3A_2636 = arith.constant 31 : i32
    %roll3A_2637 = tpu.dynamic_rotate %get3A_2492 by %roll3A_2636 dim 0 : vector<32x768xf32>, i32 -> vector<32x768xf32>
    %add3A_2638 = arith.addf %get3A_2492, %roll3A_2637 : vector<32x768xf32>
    %roll3A_2639 = arith.constant 31 : i32
    %roll3A_2640 = tpu.dynamic_rotate %get3A_2497 by %roll3A_2639 dim 0 : vector<32x768xf32>, i32 -> vector<32x768xf32>
    %add3A_2641 = arith.addf %get3A_2497, %roll3A_2640 : vector<32x768xf32>
    %add3A_2642 = arith.addf %add3A_2638, %add3A_2641 : vector<32x768xf32>
    %dot_general3A_2643 = arith.constant dense<0.000000e+00> : vector<16x768xf32>
    %dot_general3A_2644 = tpu.matmul %convert_element_type3A_9, %add3A_2642, %dot_general3A_2643 {dimension_numbers = #tpu.dot_dimension_numbers<[1], [0], [0], [1], [0, 0, 1, 1], [], []>, transpose_lhs_hint = false} : vector<16x32xf32>, vector<32x768xf32>, vector<16x768xf32> -> vector<16x768xf32>
    %mul3A_2645 = arith.constant 2.500000e-01 : f32
    %mul3A_2646 = vector.broadcast %mul3A_2645 : f32 to vector<16x768xf32>
    %mul3A_2647 = arith.mulf %dot_general3A_2644, %mul3A_2646 : vector<16x768xf32>
    %swap3A_2648 = arith.constant 0 : index
    %swap3A_2649 = arith.constant 240 : index
    %swap3A_2650 = arith.constant 0 : index
    %swap3A_2651 = vector.load %arg3[%swap3A_2648, %swap3A_2649, %swap3A_2650] : memref<1x256x768xf32, #tpu.memory_space<vmem>>, vector<1x16x768xf32>
    %swap3A_2652 = vector.shape_cast %swap3A_2651 : vector<1x16x768xf32> to vector<16x768xf32>
    %swap3A_2653 = vector.shape_cast %mul3A_2647 : vector<16x768xf32> to vector<1x16x768xf32>
    tpu.vector_store %arg3[%swap3A_2648, %swap3A_2649, %swap3A_2650], %swap3A_2653 {strides = array<i32>} : memref<1x256x768xf32, #tpu.memory_space<vmem>>, vector<1x16x768xf32>,
    return
  }
  func.func @transform_0(%arg0: i32) -> (i32, i32, i32) {
    %c0_i32 = arith.constant 0 : i32
    %c0_i32_0 = arith.constant 0 : i32
    %c0_i32_1 = arith.constant 0 : i32
    return %arg0, %c0_i32, %c0_i32_0 : i32, i32, i32
  }
  func.func @transform_1(%arg0: i32) -> (i32, i32, i32) {
    %c0_i32 = arith.constant 0 : i32
    %c0_i32_0 = arith.constant 0 : i32
    %c0_i32_1 = arith.constant 0 : i32
    return %arg0, %c0_i32, %c0_i32_0 : i32, i32, i32
  }
  func.func @transform_2(%arg0: i32) -> (i32, i32, i32) {
    %c0_i32 = arith.constant 0 : i32
    %c0_i32_0 = arith.constant 0 : i32
    %c0_i32_1 = arith.constant 0 : i32
    return %arg0, %c0_i32, %c0_i32_0 : i32, i32, i32
  }
}

</mosaic_0001>

<sc_bundles>
// kernel: kernel.5.cloned.1.call-start
scs
__scs_entry_jumppad:
0x0: {  	(pc) =	sbr.rel $0x88, $3  }
0x1: {  	(tag) =	ssettag $0x0;
	lr =	simm.s32 $0x1  }
0x2: {  	[smem:$0x3FA0] =	sst lr;
	_ =	strace $0xD0000000  }
0x3: {  	_ = 	snop  }
0x4: {  	_ = 	snop  }
0x5: {  	_ = 	snop  }
0x6: {  	_ = 	snop  }
0x7: {  	_ = 	snop  }
__scs_overlays_trampoline_lowered:
0x8: {  	[smem:$0x3FAF] =	sst s0  }
0x9: {  	[smem:$0x3FB0] =	sst s1  }
0xa: {  	[smem:$0x3FB1] =	sst s2  }
0xb: {  	[smem:$0x3FB2] =	sst s3  }
0xc: {  	[smem:$0x3FB3] =	sst s4  }
0xd: {  	[smem:$0x3FB4] =	sst s5  }
0xe: {  	[smem:$0x3FB5] =	sst s6  }
0xf: {  	[smem:$0x3FB6] =	sst s7  }
0x10: {  	[smem:$0x3FB7] =	sst s8  }
0x11: {  	[smem:$0x3FB8] =	sst s9;
	s0 =	simm.s32 @!p0 $0x0  }
0x12: {  	s1 =	sld [smem:$0x3F9E];
	s0 =	simm.s32 @p0 $0x1  }
0x13: {  	[smem:$0x3FB9] =	sst s0;
	s0 =	simm.s32 @!p1 $0x0  }
0x14: {  	s2 =	sld [smem:$0x3F9D];
	s0 =	simm.s32 @p1 $0x1  }
0x15: {  	[smem:$0x3FBA] =	sst s0;
	s0 =	simm.s32 @!p2 $0x0  }
0x16: {  	s3 =	sld [smem:$0x3FDB];
	s0 =	simm.s32 @p2 $0x1  }
0x17: {  	s4 =	simm.s32 $0x1BF5;
	[smem:$0x3FBC] =	sst s0  }
0x18: {  	s0 =	sld [smem:$0x3F9F];
	_ =	swait.ge [sflag:s4], $0x0  }
0x19: {  	s7 =	sld [smem:$0x3FA0]  }
0x1a: {  	s8 =	sadd.s32 $0xFFFFE003, lr  }
0x1b: {  	s9 =	sadd.s32 $0xFFFFFEF7, lr;
	s5 =	simm.s32 $0xFFFFFFFF;
	p2 =	slt.u32 s8, $0xFFFFF086  }
0x1c: {  	p1 =	slt.u32 s9, $0xF7A;
	s5 =	simm.s32 @!p2 $0x0  }
0x1d: {  	s5 =	simm.s32 @p1 $0x1;
	p0 =	seq.s32 s7, s2  }
0x1e: {  	s7 =	smul.u32 @!p0 $0xF7A, s2;
	p2 =	seq.s32 @!p0 s5, $0x0  }
0x1f: {  	s9 =	smul.u32 $0xF7A, s1;
	s8 =	simm.s32 @!p0 $0x1BF5;
	p2 =	por !p2, p0  }
0x20: {  	[sflag:s8] =	ssyncset.s32 @!p0 $0xFFFFF086;
	s6 =	sadd.s32 @!p0 s3, s7;
	s7 =	simm.s32 @!p0 $0x108  }
0x21: {  	s3 =	sadd.s32 s3, s9;
	s6 =	sadd.s32 @!p0 $0x88, s6;
	s7 =	simm.s32 @p2 $0x1082  }
0x22: {  	[simem:s7], [sflag:s8] =	dma.local @!p0 [hbm:s6], $0xF7A  }
0x23: {  	s9 =	sor.u32 $0xD0000000, s2;
	s6 =	simm.s32 $0x108;
	_ =	swait.ge @!p0 [sflag:s8], $0x0  }
0x24: {  	s3 =	sadd.s32 $0x88, s3;
	s6 =	simm.s32 @!p1 $0x1082;
	[sflag:s4] =	ssyncset.s32 $0xFFFFF086  }
0x25: {  	[simem:s6], [sflag:s4] =	dma.local [hbm:s3], $0xF7A  }
0x26: {  	[smem:$0x3FA0] =	sst s1;
	(tag) =	ssettag s2;
	_ =	strace s9  }
0x27: {  	s1 =	sld [smem:$0x3FB0]  }
0x28: {  	s2 =	sld [smem:$0x3FB1]  }
0x29: {  	s4 =	sld [smem:$0x3FB3]  }
0x2a: {  	p0 =	seq.s32 s5, $0x0;
	s5 =	sld [smem:$0x3FB4]  }
0x2b: {  	s6 =	sld [smem:$0x3FB5]  }
0x2c: {  	s7 =	sld [smem:$0x3FB6]  }
0x2d: {  	s3 =	simm.s32 $0x108;
	s8 =	sld [smem:$0x3FB7]  }
0x2e: {  	s3 =	simm.s32 @!p0 $0x1082;
	s9 =	sld [smem:$0x3FB8]  }
0x2f: {  	lr =	sadd.s32 s0, s3;
	s0 =	sld [smem:$0x3FAF]  }
0x30: {  	s3 =	sld [smem:$0x3FB2]  }
0x31: {  	[smem:$0x3FBB] =	sst s10  }
0x32: {  	s10 =	sld [smem:$0x3FB9];
	_ =	sdelay $0x3  }
0x33: {  	p0 =	seq.s32 s10, $0x1;
	s10 =	sld [smem:$0x3FBB];
	_ =	sdelay $0x3  }
0x34: {  	[smem:$0x3FBB] =	sst s10  }
0x35: {  	s10 =	sld [smem:$0x3FBA];
	_ =	sdelay $0x3  }
0x36: {  	p1 =	seq.s32 s10, $0x1;
	s10 =	sld [smem:$0x3FBB];
	_ =	sdelay $0x3  }
0x37: {  	[smem:$0x3FBB] =	sst s10  }
0x38: {  	s10 =	sld [smem:$0x3FBC]  }
0x39: {  	_ = 	snop;
	(pc) =	sbr.ind lr, $3  }
0x3a: {  	_ = 	snop  }
0x3b: {  	_ = 	snop  }
0x3c: {  	p2 =	seq.s32 s10, $0x1;
	s10 =	sld [smem:$0x3FBB]  }
0x3d: {  	_ =	shalt  }
0x3e: {  	_ =	shalt  }
0x3f: {  	_ =	shalt  }
0x40: {  	_ =	shalt  }
0x41: {  	_ =	shalt  }
0x42: {  	_ =	shalt  }
0x43: {  	_ =	shalt  }
0x44: {  	_ =	shalt  }
0x45: {  	_ =	shalt  }
0x46: {  	_ =	shalt  }
0x47: {  	_ =	shalt  }
0x48: {  	_ =	shalt  }
0x49: {  	_ =	shalt  }
0x4a: {  	_ =	shalt  }
0x4b: {  	_ =	shalt  }
0x4c: {  	_ =	shalt  }
0x4d: {  	_ =	shalt  }
0x4e: {  	_ =	shalt  }
0x4f: {  	_ =	shalt  }
0x50: {  	_ =	shalt  }
0x51: {  	_ =	shalt  }
0x52: {  	_ =	shalt  }
0x53: {  	_ =	shalt  }
0x54: {  	_ =	shalt  }
0x55: {  	_ =	shalt  }
0x56: {  	_ =	shalt  }
0x57: {  	_ =	shalt  }
0x58: {  	_ =	shalt  }
0x59: {  	_ =	shalt  }
0x5a: {  	_ =	shalt  }
0x5b: {  	_ =	shalt  }
0x5c: {  	_ =	shalt  }
0x5d: {  	_ =	shalt  }
0x5e: {  	_ =	shalt  }
0x5f: {  	_ =	shalt  }
0x60: {  	_ =	shalt  }
0x61: {  	_ =	shalt  }
0x62: {  	_ =	shalt  }
0x63: {  	_ =	shalt  }
0x64: {  	_ =	shalt  }
0x65: {  	_ =	shalt  }
0x66: {  	_ =	shalt  }
0x67: {  	_ =	shalt  }
0x68: {  	_ =	shalt  }
0x69: {  	_ =	shalt  }
0x6a: {  	_ =	shalt  }
0x6b: {  	_ =	shalt  }
0x6c: {  	_ =	shalt  }
0x6d: {  	_ =	shalt  }
0x6e: {  	_ =	shalt  }
0x6f: {  	_ =	shalt  }
0x70: {  	_ =	shalt  }
0x71: {  	_ =	shalt  }
0x72: {  	_ =	shalt  }
0x73: {  	_ =	shalt  }
0x74: {  	_ =	shalt  }
0x75: {  	_ =	shalt  }
0x76: {  	_ =	shalt  }
0x77: {  	_ =	shalt  }
0x78: {  	_ =	shalt  }
0x79: {  	_ =	shalt  }
0x7a: {  	_ =	shalt  }
0x7b: {  	_ =	shalt  }
0x7c: {  	_ =	shalt  }
0x7d: {  	_ =	shalt  }
0x7e: {  	_ =	shalt  }
0x7f: {  	_ =	shalt  }
0x80: {  	_ =	shalt  }
0x81: {  	_ =	shalt  }
0x82: {  	_ =	shalt  }
0x83: {  	_ =	shalt  }
0x84: {  	_ =	shalt  }
0x85: {  	_ =	shalt  }
0x86: {  	_ =	shalt  }
0x87: {  	_ =	shalt  }
.Lfunc_end0:
.L_simem_size_0:
called_computation_lowered:
.L_overlay_start_0:
0x88: {  	s2 =	sld [smem:$0x3FD9]  }
0x89: {  	s3 =	sld [smem:$0x3FFE];
	_ =	sdelay $0x1  }
0x8a: {  	s1 =	srdreg.scid  }
0x8b: {  	s0 =	sand.u32 $0x1, s1  }
0x8c: {  	s14 =	sshll.u32 s0, $0xA;
	s2 =	sadd.s32 s3, s2  }
0x8d: {  	s2 =	sadd.s32 s2, s14  }
0x8e: {  	[smem:$0x3FC7] =	sst s2  }
0x8f: {  	_ = 	snop  }
0x90: {  	s2 =	sld [smem:$0x3FD0];
	_ =	sdelay $0x2  }
0x91: {  	s4 =	simm.s32 $0xA;
	s5 =	simm.s32 $0x10;
	s15 =	sld [smem:$0x3FC9]  }
0x92: {  	[smem:s5], [sflag:s4] =	dma.local [hbm:s2], $0x1  }
0x93: {  	_ =	swait.eq [sflag:s4], $0x1  }
0x94: {  	[sflag:s4] =	ssyncset.done $0x0  }
0x95: {  	[sflag:s4] =	ssyncadd.s32 $0xFFFFFFFF  }
0x96: {  	s16 =	sld [smem:$0x10];
	(tm) =	ssettm $0x1  }
0x97: {  	s17 =	sld [smem:$0x3FFB];
	_ =	sdelay $0x3  }
0x98: {  	_ =	strace s17  }
0x99: {  	s4 =	sld [smem:$0x3FFC];
	_ =	sdelay $0x3  }
0x9a: {  	_ =	strace s4  }
0x9b: {  	s4 =	sld [smem:$0x3FFD];
	_ =	sdelay $0x3  }
0x9c: {  	_ =	strace s4  }
0x9d: {  	_ =	strace $0x8FFFFFFF  }
0x9e: {  	s18 =	sld [smem:$0x3FDB];
	_ =	sdelay $0x1  }
0x9f: {  	s19 =	simm.s32 $_scs_section_size  }
0xa0: {  	s6 =	simm.s32 $_size__tile_overlayer_lowered;
	s7 =	simm.s32 $_tile_overlayer_lowered  }
0xa1: {  	s22 =	simm.s32 $0x1BFF;
	s21 =	sshll.u32 s7, $0x1;
	s4 =	sadd.s32 s19, s18  }
0xa2: {  	s8 =	simm.s32 $0x0;
	s20 =	sshll.u32 s6, $0x1;
	s6 =	sadd.s32 s21, s4  }
0xa3: {  	[timem:s8], [sflag:s22] =	dma.local [hbm:s6], s20  }
0xa4: {  	_ =	swait.ge [sflag:s22], s20  }
0xa5: {  	s5 =	ssub.s32 $0x0, s20;
	[sflag:s22] =	ssyncset.done $0x0  }
0xa6: {  	[sflag:s22] =	ssyncadd.s32 s5;
	_ =	sdelay $0x1  }
0xa7: {  	s23 =	simm.s32 $0x1B8B  }
0xa8: {  	_ =	swait.ge [sflag:s23], $0x1  }
0xa9: {  	[sflag:s23] =	ssyncset.done $0x0  }
0xaa: {  	s25 =	simm.s32 $0x1B8E;
	s24 =	sld [smem:$0x3FFE];
	[sflag:s23] =	ssyncadd.s32 $0xFFFFFFFF  }
0xab: {  	s26 =	simm.s32 $execute0_lowered;
	[smem:$0x3FD2] =	sst s25  }
0xac: {  	s6 =	sshll.u32 s26, $0x1;
	_ =	strace $0x80000046;
	[dreg:$0x1] =	wrdreg $0xFFFFFFFF  }
0xad: {  	s28 =	simm.s32 $_size_execute0_lowered;
	s4 =	sadd.s32 s4, s6;
	[dreg:$0x0] =	wrdreg $0x0  }
0xae: {  	s6 =	sshll.u32 s28, $0x1;
	[dreg:$0x2] =	wrdreg s4  }
0xaf: {  	[dreg:$0x3] =	wrdreg s6  }
0xb0: {  	[dreg:$0x4] =	wrdreg $0xC0  }
0xb1: {  	_ =	task [dreg:s8], $0x5FFFF  }
0xb2: {  	[dreg:$0x1] =	wrdreg $0xFFFFFFFF  }
0xb3: {  	[dreg:$0x0] =	wrdreg $0x60  }
0xb4: {  	[dreg:$0x2] =	wrdreg s15  }
0xb5: {  	[dreg:$0x3] =	wrdreg s24  }
0xb6: {  	[dreg:$0x4] =	wrdreg s16  }
0xb7: {  	[dreg:$0x5] =	wrdreg $0x9  }
0xb8: {  	_ =	task.clear_ibuf [dreg:s8], $0x6FFFF;
	_ =	strace $0x90000046  }
0xb9: {  	s29 =	simm.s32 $0x9;
	_ =	strace $0x80000048  }
0xba: {  	_ =	swait.ge [sflag:s29], $0x1  }
0xbb: {  	[sflag:s29] =	ssyncadd.s32 $0xFFFFFFFF  }
0xbc: {  	_ =	strace $0x90000048  }
0xbd: {  	_ =	sfence  }
0xbe: {  	s30 =	sld [smem:$0x0];
	_ =	sdelay $0x2  }
0xbf: {  	s31 =	sshll.u32 s1, $0xD;
	s1 =	sshrl.u32 s1, $0x2  }
0xc0: {  	s3 =	sand.u32 $0x4000, s31;
	s1 =	sadd.s32 s1, s30  }
0xc1: {  	s0 =	sor.u32 s3, s0;
	s1 =	sshll.u32 s1, $0x11  }
0xc2: {  	s0 =	sor.u32 s1, s0  }
0xc3: {  	s0 =	sadd.s32 $0x8F2B, s0  }
0xc4: {  	[sflag:s0] =	ssyncadd.remote.s32 $0x1  }
0xc5: {  	_ =	sfence.sel $0xFFFF  }
0xc6: {  	[dreg:$0x0] =	wrdreg $0xFFFFFFFF;
	(pc) =	sbr.abs _section_cstart, $3  }
0xc7: {  	[dreg:$0x1] =	wrdreg $0xFFFFFFFF  }
0xc8: {  	_ =	task.clear_ibuf [dreg:s8], $0x2FFFF;
	_ =	strace $0x9FFFFFFF  }
0xc9: {  	(tm) =	ssettm $0x7FFFFFFF  }
tec
execute0_lowered:
.L_overlay_start_1:
0x0: {  	(tag) =	ssettag $0x1  }
0x1: {  	s1 =	rddreg [dreg:$0x0]  }
0x2: {  	s0 =	srdreg.scid;
	s4 =	rddreg [dreg:$0x1]  }
0x3: {  	s3 =	stileid.u32;
	s6 =	rddreg [dreg:$0x2]  }
0x4: {  	s0 =	sand.u32 $0x1, s0;
	s2 =	sshll.u32 s3, $0x1;
	s3 =	sshrl.u32 s3, $0x2  }
0x5: {  	s30 =	simm.s32 $0x80;
	s2 =	sor.u32 s0, s2;
	s7 =	smul.u32 $0x1400, s3  }
0x6: {  	s31 =	simm.s32 $0x400;
	s5 =	smul.u32 $0x280, s2;
	s2 =	sshll.u32 s2, $0x7  }
0x7: {  	s11 =	simm.s32 $0x3;
	s3 =	simm.s32 $0x0;
	s2 =	sand.u32 $0x380, s2  }
0x8: {  	[smem:$0x7FF] =	sst s3;
	s5 =	sshrl.u32 s5, $0x3;
	s2 =	sor.u32 s7, s2  }
0x9: {  	_ =	strace $0x80000047;
	s18 =	smul.u32 $0x1800, s5;
	s2 =	sshrl.u32 s2, $0x3  }
0xa: {  	[dreg:$0xe] =	wrdreg s30;
	s5 =	smul.u32 $0x300, s5;
	s2 =	sadd.s32 s2, s4  }
0xb: {  	s9 =	sadd.s32 $0x200, s1;
	[dreg:$0xf] =	wrdreg s31;
	s2 =	sadd.s32 $0xC0A00, s2  }
0xc: {  	s0 =	ssub.s32 $0x2, s0;
	s8 =	sadd.s32 s6, s5;
	[dreg:$0x4] =	wrdreg s2  }
0xd: {  	s25 =	sshrl.u32 s0, $0x1;
	s20 =	sadd.s32 $0x3000, s8;
	[dreg:$0x10] =	wrdreg s8  }
0xe: {  	s0 =	ssub.s32 s0, s25;
	s21 =	sadd.s32 $0x4800, s8;
	[dreg:$0x6] =	wrdreg s20  }
0xf: {  	s15 =	smax.u32 s0, $0x1;
	s22 =	sadd.s32 $0x6000, s8;
	[dreg:$0x7] =	wrdreg s21  }
0x10: {  	s7 =	sshrl.u32 s18, $0x3;
	s23 =	sadd.s32 $0x7800, s8;
	[dreg:$0x8] =	wrdreg s22  }
0x11: {  	s5 =	sadd.s32 $0xA00, s4;
	s24 =	sadd.s32 $0x9000, s8;
	[dreg:$0x9] =	wrdreg s23  }
0x12: {  	s7 =	sadd.s32 s6, s7;
	s26 =	sadd.s32 $0xA800, s8;
	[dreg:$0xa] =	wrdreg s24  }
0x13: {  	s28 =	sadd.s32 $0xC000, s8;
	s6 =	sadd.s32 $0xB00, s4;
	[dreg:$0xb] =	wrdreg s26  }
0x14: {  	v2 =	vlaneseq.u32;
	s29 =	sadd.s32 $0xD800, s8;
	s8 =	sadd.s32 $0x100, s1;
	[dreg:$0xc] =	wrdreg s28  }
0x15: {  	vm0 =	vmmov $0xffff;
	v1 =	vshrl.u32 v2, $0x3;
	s19 =	sadd.s32 $0x1800, s7;
	s7 =	sadd.s32 $0xC00, s4;
	[dreg:$0xd] =	wrdreg s29  }
0x16: {  	v0 =	vand.u32 $0x7, v2;
	v2 =	vor.u32 $0x8, v2;
	v1 =	vmul.u32 $0x8, v1;
	s20 =	simm.s32 $0x2;
	[dreg:$0x5] =	wrdreg s19;
	s19 =	simm.s32 $0x1  }
.LBB2_1:
0x17: {  	s21 =	rddreg [dreg:$0x4]  }
0x18: {  	s22 =	rddreg [dreg:$0xe]  }
0x19: {  	s23 =	rddreg [dreg:$0xf]  }
0x1a: {  	[tilespmem:s3], [sflag:$0x3] =	stream.strided.gather [hbm4b:s21+s22], $0x280, s23, s22, $0x38;
	[tilespmem:$0x18280] =	vst v63  }
0x1b: {  	_ =	swait.ge [sflag:s11], $0x280  }
0x1c: {  	[sflag:s11] =	ssyncset.done $0x0  }
0x1d: {  	[sflag:s11] =	ssyncadd.s32 $0xFFFFFD80  }
0x1e: {  	v3 =	vld [tilespmem:$0x0];
	_ =	sdelay $0x4  }
0x1f: {  	v4 =	vshrl.u32 v3, $0x3  }
0x20: {  	v4 =	vmul.u32 $0x30, v4  }
0x21: {  	v3 =	vand.u32 $0x7, v3  }
0x22: {  	v3 =	vor.u32 v3, v4  }
0x23: {  	v4 =	vperm.xlane v3, v0;
	_ =	sdelay $0x1  }
0x24: {  	v4 =	vadd.s32 v1, v4;
	_ =	sdelay $0x3  }
0x25: {  	s23 =	simm.s32 $0x280;
	v3 =	vperm.xlane v3, v2  }
0x26: {  	[tilespmem:s23], [sflag:$0x1] =	stream.indirect_vreg.gather [hbm4b:s5+s3], $0x80, v4, vm0, $0xb8;
	[tilespmem:$0x18280] =	vst v63  }
0x27: {  	s0 =	simm.s32 $0xA80;
	v3 =	vadd.s32 v1, v3  }
0x28: {  	[tilespmem:s0], [sflag:$0x1] =	stream.indirect_vreg.gather [hbm4b:s6+s3], $0x80, v4, vm0, $0xb8;
	[tilespmem:$0x18280] =	vst v63  }
0x29: {  	s10 =	simm.s32 $0x1280  }
0x2a: {  	[tilespmem:s10], [sflag:$0x1] =	stream.indirect_vreg.gather [hbm4b:s7+s3], $0x80, v4, vm0, $0xb8;
	[tilespmem:$0x18280] =	vst v63  }
0x2b: {  	s12 =	simm.s32 $0x1A80  }
0x2c: {  	[tilespmem:s12], [sflag:$0x1] =	stream.indirect_vreg.gather [hbm4b:s5+s3], $0x80, v3, vm0, $0xb8;
	[tilespmem:$0x18280] =	vst v63  }
0x2d: {  	s13 =	simm.s32 $0x2280  }
0x2e: {  	[tilespmem:s13], [sflag:$0x1] =	stream.indirect_vreg.gather [hbm4b:s6+s3], $0x80, v3, vm0, $0xb8;
	[tilespmem:$0x18280] =	vst v63  }
0x2f: {  	s14 =	simm.s32 $0x2A80  }
0x30: {  	[tilespmem:s14], [sflag:$0x1] =	stream.indirect_vreg.gather [hbm4b:s7+s3], $0x80, v3, vm0, $0xb8;
	[tilespmem:$0x18280] =	vst v63  }
0x31: {  	v3 =	vld [tilespmem:$0x10];
	_ =	sdelay $0x4  }
0x32: {  	v25 =	vshrl.u32 v3, $0x3  }
0x33: {  	v4 =	vmul.u32 $0x30, v25  }
0x34: {  	v3 =	vand.u32 $0x7, v3  }
0x35: {  	v3 =	vor.u32 v3, v4  }
0x36: {  	v4 =	vperm.xlane v3, v0;
	_ =	sdelay $0x1  }
0x37: {  	v4 =	vadd.s32 v1, v4;
	_ =	sdelay $0x3  }
0x38: {  	s16 =	simm.s32 $0x3280;
	v3 =	vperm.xlane v3, v2  }
0x39: {  	[tilespmem:s16], [sflag:$0x1] =	stream.indirect_vreg.gather [hbm4b:s5+s3], $0x80, v4, vm0, $0xb8;
	[tilespmem:$0x18280] =	vst v63  }
0x3a: {  	s17 =	simm.s32 $0x3A80;
	v3 =	vadd.s32 v1, v3  }
0x3b: {  	[tilespmem:s17], [sflag:$0x1] =	stream.indirect_vreg.gather [hbm4b:s6+s3], $0x80, v4, vm0, $0xb8;
	[tilespmem:$0x18280] =	vst v63  }
0x3c: {  	s18 =	simm.s32 $0x4280  }
0x3d: {  	[tilespmem:s18], [sflag:$0x1] =	stream.indirect_vreg.gather [hbm4b:s7+s3], $0x80, v4, vm0, $0xb8;
	[tilespmem:$0x18280] =	vst v63  }
0x3e: {  	s21 =	simm.s32 $0x4A80  }
0x3f: {  	[tilespmem:s21], [sflag:$0x1] =	stream.indirect_vreg.gather [hbm4b:s5+s3], $0x80, v3, vm0, $0xb8;
	[tilespmem:$0x18280] =	vst v63  }
0x40: {  	s22 =	simm.s32 $0x5280  }
0x41: {  	[tilespmem:s22], [sflag:$0x1] =	stream.indirect_vreg.gather [hbm4b:s6+s3], $0x80, v3, vm0, $0xb8;
	[tilespmem:$0x18280] =	vst v63  }
0x42: {  	s24 =	simm.s32 $0x5A80  }
0x43: {  	[tilespmem:s24], [sflag:$0x1] =	stream.indirect_vreg.gather [hbm4b:s7+s3], $0x80, v3, vm0, $0xb8;
	[tilespmem:$0x18280] =	vst v63  }
0x44: {  	v3 =	vld [tilespmem:$0x20];
	_ =	sdelay $0x4  }
0x45: {  	v26 =	vshrl.u32 v3, $0x3  }
0x46: {  	v4 =	vmul.u32 $0x30, v26  }
0x47: {  	v3 =	vand.u32 $0x7, v3  }
0x48: {  	v3 =	vor.u32 v3, v4  }
0x49: {  	v4 =	vperm.xlane v3, v0;
	_ =	sdelay $0x1  }
0x4a: {  	v4 =	vadd.s32 v1, v4;
	_ =	sdelay $0x3  }
0x4b: {  	s25 =	simm.s32 $0x6280;
	v3 =	vperm.xlane v3, v2  }
0x4c: {  	[tilespmem:s25], [sflag:$0x1] =	stream.indirect_vreg.gather [hbm4b:s5+s3], $0x80, v4, vm0, $0xb8;
	[tilespmem:$0x18280] =	vst v63  }
0x4d: {  	s26 =	simm.s32 $0x6A80;
	v3 =	vadd.s32 v1, v3  }
0x4e: {  	[tilespmem:s26], [sflag:$0x1] =	stream.indirect_vreg.gather [hbm4b:s6+s3], $0x80, v4, vm0, $0xb8;
	[tilespmem:$0x18280] =	vst v63  }
0x4f: {  	s28 =	simm.s32 $0x7280  }
0x50: {  	[tilespmem:s28], [sflag:$0x1] =	stream.indirect_vreg.gather [hbm4b:s7+s3], $0x80, v4, vm0, $0xb8;
	[tilespmem:$0x18280] =	vst v63  }
0x51: {  	s29 =	simm.s32 $0x7A80  }
0x52: {  	[tilespmem:s29], [sflag:$0x1] =	stream.indirect_vreg.gather [hbm4b:s5+s3], $0x80, v3, vm0, $0xb8;
	[tilespmem:$0x18280] =	vst v63  }
0x53: {  	s30 =	simm.s32 $0x8280  }
0x54: {  	[tilespmem:s30], [sflag:$0x1] =	stream.indirect_vreg.gather [hbm4b:s6+s3], $0x80, v3, vm0, $0xb8;
	[tilespmem:$0x18280] =	vst v63  }
0x55: {  	s31 =	simm.s32 $0x8A80  }
0x56: {  	[tilespmem:s31], [sflag:$0x1] =	stream.indirect_vreg.gather [hbm4b:s7+s3], $0x80, v3, vm0, $0xb8;
	[tilespmem:$0x18280] =	vst v63  }
0x57: {  	v3 =	vld [tilespmem:$0x30];
	_ =	sdelay $0x4  }
0x58: {  	v27 =	vshrl.u32 v3, $0x3  }
0x59: {  	v4 =	vmul.u32 $0x30, v27  }
0x5a: {  	v3 =	vand.u32 $0x7, v3  }
0x5b: {  	v3 =	vor.u32 v3, v4  }
0x5c: {  	v4 =	vperm.xlane v3, v0;
	_ =	sdelay $0x1  }
0x5d: {  	v4 =	vadd.s32 v1, v4;
	_ =	sdelay $0x3  }
0x5e: {  	s2 =	simm.s32 $0x9280;
	v3 =	vperm.xlane v3, v2  }
0x5f: {  	[tilespmem:s2], [sflag:$0x1] =	stream.indirect_vreg.gather [hbm4b:s5+s3], $0x80, v4, vm0, $0xb8;
	[tilespmem:$0x18280] =	vst v63  }
0x60: {  	s4 =	simm.s32 $0x9A80;
	v3 =	vadd.s32 v1, v3  }
0x61: {  	[tilespmem:s4], [sflag:$0x1] =	stream.indirect_vreg.gather [hbm4b:s6+s3], $0x80, v4, vm0, $0xb8;
	[tilespmem:$0x18280] =	vst v63  }
0x62: {  	s10 =	simm.s32 $0xA280  }
0x63: {  	[tilespmem:s10], [sflag:$0x1] =	stream.indirect_vreg.gather [hbm4b:s7+s3], $0x80, v4, vm0, $0xb8;
	[tilespmem:$0x18280] =	vst v63  }
0x64: {  	s12 =	simm.s32 $0xAA80  }
0x65: {  	[tilespmem:s12], [sflag:$0x1] =	stream.indirect_vreg.gather [hbm4b:s5+s3], $0x80, v3, vm0, $0xb8;
	[tilespmem:$0x18280] =	vst v63  }
0x66: {  	s21 =	simm.s32 $0xB280  }
0x67: {  	[tilespmem:s21], [sflag:$0x1] =	stream.indirect_vreg.gather [hbm4b:s6+s3], $0x80, v3, vm0, $0xb8;
	[tilespmem:$0x18280] =	vst v63  }
0x68: {  	s22 =	simm.s32 $0xBA80  }
0x69: {  	[tilespmem:s22], [sflag:$0x1] =	stream.indirect_vreg.gather [hbm4b:s7+s3], $0x80, v3, vm0, $0xb8;
	[tilespmem:$0x18280] =	vst v63  }
0x6a: {  	v3 =	vld [tilespmem:$0x40];
	_ =	sdelay $0x4  }
0x6b: {  	v28 =	vshrl.u32 v3, $0x3  }
0x6c: {  	v4 =	vmul.u32 $0x30, v28  }
0x6d: {  	v3 =	vand.u32 $0x7, v3  }
0x6e: {  	v3 =	vor.u32 v3, v4  }
0x6f: {  	v4 =	vperm.xlane v3, v0;
	_ =	sdelay $0x1  }
0x70: {  	v4 =	vadd.s32 v1, v4;
	_ =	sdelay $0x3  }
0x71: {  	s22 =	simm.s32 $0xC280;
	v3 =	vperm.xlane v3, v2  }
0x72: {  	[tilespmem:s22], [sflag:$0x2] =	stream.indirect_vreg.gather [hbm4b:s5+s3], $0x80, v4, vm0, $0xb8;
	[tilespmem:$0x18280] =	vst v63  }
0x73: {  	s24 =	simm.s32 $0xCA80;
	v3 =	vadd.s32 v1, v3  }
0x74: {  	[tilespmem:s24], [sflag:$0x2] =	stream.indirect_vreg.gather [hbm4b:s6+s3], $0x80, v4, vm0, $0xb8;
	[tilespmem:$0x18280] =	vst v63  }
0x75: {  	s25 =	simm.s32 $0xD280  }
0x76: {  	[tilespmem:s25], [sflag:$0x2] =	stream.indirect_vreg.gather [hbm4b:s7+s3], $0x80, v4, vm0, $0xb8;
	[tilespmem:$0x18280] =	vst v63  }
0x77: {  	s26 =	simm.s32 $0xDA80  }
0x78: {  	[tilespmem:s26], [sflag:$0x2] =	stream.indirect_vreg.gather [hbm4b:s5+s3], $0x80, v3, vm0, $0xb8;
	[tilespmem:$0x18280] =	vst v63  }
0x79: {  	s28 =	simm.s32 $0xE280  }
0x7a: {  	[tilespmem:s28], [sflag:$0x2] =	stream.indirect_vreg.gather [hbm4b:s6+s3], $0x80, v3, vm0, $0xb8;
	[tilespmem:$0x18280] =	vst v63  }
0x7b: {  	s29 =	simm.s32 $0xEA80  }
0x7c: {  	[tilespmem:s29], [sflag:$0x2] =	stream.indirect_vreg.gather [hbm4b:s7+s3], $0x80, v3, vm0, $0xb8;
	[tilespmem:$0x18280] =	vst v63  }
0x7d: {  	v3 =	vld [tilespmem:$0x50];
	_ =	sdelay $0x4  }
0x7e: {  	v29 =	vshrl.u32 v3, $0x3  }
0x7f: {  	v4 =	vmul.u32 $0x30, v29  }
0x80: {  	v3 =	vand.u32 $0x7, v3  }
0x81: {  	v3 =	vor.u32 v3, v4  }
0x82: {  	v4 =	vperm.xlane v3, v0;
	_ =	sdelay $0x1  }
0x83: {  	v4 =	vadd.s32 v1, v4;
	_ =	sdelay $0x3  }
0x84: {  	s30 =	simm.s32 $0xF280;
	v3 =	vperm.xlane v3, v2  }
0x85: {  	[tilespmem:s30], [sflag:$0x2] =	stream.indirect_vreg.gather [hbm4b:s5+s3], $0x80, v4, vm0, $0xb8;
	[tilespmem:$0x18280] =	vst v63  }
0x86: {  	s31 =	simm.s32 $0xFA80;
	v3 =	vadd.s32 v1, v3  }
0x87: {  	[tilespmem:s31], [sflag:$0x2] =	stream.indirect_vreg.gather [hbm4b:s6+s3], $0x80, v4, vm0, $0xb8;
	[tilespmem:$0x18280] =	vst v63  }
0x88: {  	s0 =	simm.s32 $0x10280  }
0x89: {  	[tilespmem:s0], [sflag:$0x2] =	stream.indirect_vreg.gather [hbm4b:s7+s3], $0x80, v4, vm0, $0xb8;
	[tilespmem:$0x18280] =	vst v63  }
0x8a: {  	s2 =	simm.s32 $0x10A80  }
0x8b: {  	[tilespmem:s2], [sflag:$0x2] =	stream.indirect_vreg.gather [hbm4b:s5+s3], $0x80, v3, vm0, $0xb8;
	[tilespmem:$0x18280] =	vst v63  }
0x8c: {  	s4 =	simm.s32 $0x11280  }
0x8d: {  	[tilespmem:s4], [sflag:$0x2] =	stream.indirect_vreg.gather [hbm4b:s6+s3], $0x80, v3, vm0, $0xb8;
	[tilespmem:$0x18280] =	vst v63  }
0x8e: {  	s10 =	simm.s32 $0x11A80  }
0x8f: {  	[tilespmem:s10], [sflag:$0x2] =	stream.indirect_vreg.gather [hbm4b:s7+s3], $0x80, v3, vm0, $0xb8;
	[tilespmem:$0x18280] =	vst v63  }
0x90: {  	v3 =	vld [tilespmem:$0x60];
	_ =	sdelay $0x4  }
0x91: {  	v30 =	vshrl.u32 v3, $0x3  }
0x92: {  	v4 =	vmul.u32 $0x30, v30  }
0x93: {  	v3 =	vand.u32 $0x7, v3  }
0x94: {  	v3 =	vor.u32 v3, v4  }
0x95: {  	v4 =	vperm.xlane v3, v0;
	_ =	sdelay $0x1  }
0x96: {  	v4 =	vadd.s32 v1, v4;
	_ =	sdelay $0x3  }
0x97: {  	s12 =	simm.s32 $0x12280;
	v3 =	vperm.xlane v3, v2  }
0x98: {  	[tilespmem:s12], [sflag:$0x2] =	stream.indirect_vreg.gather [hbm4b:s5+s3], $0x80, v4, vm0, $0xb8;
	[tilespmem:$0x18280] =	vst v63  }
0x99: {  	s24 =	simm.s32 $0x12A80;
	v3 =	vadd.s32 v1, v3  }
0x9a: {  	[tilespmem:s24], [sflag:$0x2] =	stream.indirect_vreg.gather [hbm4b:s6+s3], $0x80, v4, vm0, $0xb8;
	[tilespmem:$0x18280] =	vst v63  }
0x9b: {  	s25 =	simm.s32 $0x13280  }
0x9c: {  	[tilespmem:s25], [sflag:$0x2] =	stream.indirect_vreg.gather [hbm4b:s7+s3], $0x80, v4, vm0, $0xb8;
	[tilespmem:$0x18280] =	vst v63  }
0x9d: {  	s26 =	simm.s32 $0x13A80  }
0x9e: {  	[tilespmem:s26], [sflag:$0x2] =	stream.indirect_vreg.gather [hbm4b:s5+s3], $0x80, v3, vm0, $0xb8;
	[tilespmem:$0x18280] =	vst v63  }
0x9f: {  	s28 =	simm.s32 $0x14280  }
0xa0: {  	[tilespmem:s28], [sflag:$0x2] =	stream.indirect_vreg.gather [hbm4b:s6+s3], $0x80, v3, vm0, $0xb8;
	[tilespmem:$0x18280] =	vst v63  }
0xa1: {  	s29 =	simm.s32 $0x14A80  }
0xa2: {  	[tilespmem:s29], [sflag:$0x2] =	stream.indirect_vreg.gather [hbm4b:s7+s3], $0x80, v3, vm0, $0xb8;
	[tilespmem:$0x18280] =	vst v63  }
0xa3: {  	v3 =	vld [tilespmem:$0x70];
	_ =	sdelay $0x4  }
0xa4: {  	v31 =	vshrl.u32 v3, $0x3  }
0xa5: {  	v4 =	vmul.u32 $0x30, v31  }
0xa6: {  	v3 =	vand.u32 $0x7, v3  }
0xa7: {  	v3 =	vor.u32 v3, v4  }
0xa8: {  	v4 =	vperm.xlane v3, v0;
	_ =	sdelay $0x1  }
0xa9: {  	v4 =	vadd.s32 v1, v4;
	_ =	sdelay $0x3  }
0xaa: {  	s30 =	simm.s32 $0x15280;
	v3 =	vperm.xlane v3, v2  }
0xab: {  	[tilespmem:s30], [sflag:$0x2] =	stream.indirect_vreg.gather [hbm4b:s5+s3], $0x80, v4, vm0, $0xb8;
	[tilespmem:$0x18280] =	vst v63  }
0xac: {  	s31 =	simm.s32 $0x15A80;
	v3 =	vadd.s32 v1, v3  }
0xad: {  	[tilespmem:s31], [sflag:$0x2] =	stream.indirect_vreg.gather [hbm4b:s6+s3], $0x80, v4, vm0, $0xb8;
	[tilespmem:$0x18280] =	vst v63  }
0xae: {  	s0 =	simm.s32 $0x16280  }
0xaf: {  	[tilespmem:s0], [sflag:$0x2] =	stream.indirect_vreg.gather [hbm4b:s7+s3], $0x80, v4, vm0, $0xb8;
	[tilespmem:$0x18280] =	vst v63  }
0xb0: {  	s2 =	simm.s32 $0x16A80  }
0xb1: {  	[tilespmem:s2], [sflag:$0x2] =	stream.indirect_vreg.gather [hbm4b:s5+s3], $0x80, v3, vm0, $0xb8;
	[tilespmem:$0x18280] =	vst v63  }
0xb2: {  	s4 =	simm.s32 $0x17280  }
0xb3: {  	[tilespmem:s4], [sflag:$0x2] =	stream.indirect_vreg.gather [hbm4b:s6+s3], $0x80, v3, vm0, $0xb8;
	[tilespmem:$0x18280] =	vst v63  }
0xb4: {  	s10 =	simm.s32 $0x17A80  }
0xb5: {  	[tilespmem:s10], [sflag:$0x2] =	stream.indirect_vreg.gather [hbm4b:s7+s3], $0x80, v3, vm0, $0xb8;
	[tilespmem:$0x18280] =	vst v63  }
0xb6: {  	_ =	swait.ge [sflag:s19], $0xC000  }
0xb7: {  	[sflag:s19] =	ssyncset.done $0x0  }
0xb8: {  	s12 =	rddreg [dreg:$0x10];
	[sflag:s19] =	ssyncadd.s32 $0xFFFF4000  }
0xb9: {  	[hbm4b:s12+s3] =	stream.linear.scatter [tilespmem:s23], [sflag:$0x3], $0xC000, $0x38;
	[tilespmem:$0x18280] =	vst v63  }
0xba: {  	_ =	swait.ge [sflag:s11], $0xC000  }
0xbb: {  	[sflag:s11] =	ssyncset.done $0x0  }
0xbc: {  	[sflag:s11] =	ssyncadd.s32 $0xFFFF4000  }
0xbd: {  	v3 =	vld [tilespmem:$0x80];
	_ =	sdelay $0x4  }
0xbe: {  	v32 =	vshrl.u32 v3, $0x3  }
0xbf: {  	v4 =	vmul.u32 $0x30, v32  }
0xc0: {  	v3 =	vand.u32 $0x7, v3  }
0xc1: {  	v3 =	vor.u32 v3, v4  }
0xc2: {  	v4 =	vperm.xlane v3, v0;
	_ =	sdelay $0x1  }
0xc3: {  	v4 =	vadd.s32 v1, v4;
	_ =	sdelay $0x3  }
0xc4: {  	v3 =	vperm.xlane v3, v2  }
0xc5: {  	[tilespmem:s23], [sflag:$0x1] =	stream.indirect_vreg.gather [hbm4b:s1+s3], $0x80, v4, vm0, $0xb8;
	[tilespmem:$0x18280] =	vst v63  }
0xc6: {  	s0 =	simm.s32 $0xA80;
	v3 =	vadd.s32 v1, v3  }
0xc7: {  	[tilespmem:s0], [sflag:$0x1] =	stream.indirect_vreg.gather [hbm4b:s8+s3], $0x80, v4, vm0, $0xb8;
	[tilespmem:$0x18280] =	vst v63  }
0xc8: {  	s2 =	simm.s32 $0x1280  }
0xc9: {  	[tilespmem:s2], [sflag:$0x1] =	stream.indirect_vreg.gather [hbm4b:s9+s3], $0x80, v4, vm0, $0xb8;
	[tilespmem:$0x18280] =	vst v63  }
0xca: {  	s4 =	simm.s32 $0x1A80  }
0xcb: {  	[tilespmem:s4], [sflag:$0x1] =	stream.indirect_vreg.gather [hbm4b:s1+s3], $0x80, v3, vm0, $0xb8;
	[tilespmem:$0x18280] =	vst v63  }
0xcc: {  	s12 =	simm.s32 $0x2280  }
0xcd: {  	[tilespmem:s12], [sflag:$0x1] =	stream.indirect_vreg.gather [hbm4b:s8+s3], $0x80, v3, vm0, $0xb8;
	[tilespmem:$0x18280] =	vst v63  }
0xce: {  	s13 =	simm.s32 $0x2A80  }
0xcf: {  	[tilespmem:s13], [sflag:$0x1] =	stream.indirect_vreg.gather [hbm4b:s9+s3], $0x80, v3, vm0, $0xb8;
	[tilespmem:$0x18280] =	vst v63  }
0xd0: {  	v3 =	vld [tilespmem:$0x90];
	_ =	sdelay $0x4  }
0xd1: {  	v33 =	vshrl.u32 v3, $0x3  }
0xd2: {  	v4 =	vmul.u32 $0x30, v33  }
0xd3: {  	v3 =	vand.u32 $0x7, v3  }
0xd4: {  	v3 =	vor.u32 v3, v4  }
0xd5: {  	v4 =	vperm.xlane v3, v0;
	_ =	sdelay $0x1  }
0xd6: {  	v4 =	vadd.s32 v1, v4;
	_ =	sdelay $0x3  }
0xd7: {  	s14 =	simm.s32 $0x3280;
	v3 =	vperm.xlane v3, v2  }
0xd8: {  	[tilespmem:s14], [sflag:$0x1] =	stream.indirect_vreg.gather [hbm4b:s1+s3], $0x80, v4, vm0, $0xb8;
	[tilespmem:$0x18280] =	vst v63  }
0xd9: {  	s24 =	simm.s32 $0x3A80;
	v3 =	vadd.s32 v1, v3  }
0xda: {  	[tilespmem:s24], [sflag:$0x1] =	stream.indirect_vreg.gather [hbm4b:s8+s3], $0x80, v4, vm0, $0xb8;
	[tilespmem:$0x18280] =	vst v63  }
0xdb: {  	s25 =	simm.s32 $0x4280  }
0xdc: {  	[tilespmem:s25], [sflag:$0x1] =	stream.indirect_vreg.gather [hbm4b:s9+s3], $0x80, v4, vm0, $0xb8;
	[tilespmem:$0x18280] =	vst v63  }
0xdd: {  	s26 =	simm.s32 $0x4A80  }
0xde: {  	[tilespmem:s26], [sflag:$0x1] =	stream.indirect_vreg.gather [hbm4b:s1+s3], $0x80, v3, vm0, $0xb8;
	[tilespmem:$0x18280] =	vst v63  }
0xdf: {  	s28 =	simm.s32 $0x5280  }
0xe0: {  	[tilespmem:s28], [sflag:$0x1] =	stream.indirect_vreg.gather [hbm4b:s8+s3], $0x80, v3, vm0, $0xb8;
	[tilespmem:$0x18280] =	vst v63  }
0xe1: {  	s16 =	simm.s32 $0x5A80  }
0xe2: {  	[tilespmem:s16], [sflag:$0x1] =	stream.indirect_vreg.gather [hbm4b:s9+s3], $0x80, v3, vm0, $0xb8;
	[tilespmem:$0x18280] =	vst v63  }
0xe3: {  	v3 =	vld [tilespmem:$0xA0];
	_ =	sdelay $0x4  }
0xe4: {  	v34 =	vshrl.u32 v3, $0x3  }
0xe5: {  	v4 =	vmul.u32 $0x30, v34  }
0xe6: {  	v3 =	vand.u32 $0x7, v3  }
0xe7: {  	v3 =	vor.u32 v3, v4  }
0xe8: {  	v4 =	vperm.xlane v3, v0;
	_ =	sdelay $0x1  }
0xe9: {  	v4 =	vadd.s32 v1, v4;
	_ =	sdelay $0x3  }
0xea: {  	s17 =	simm.s32 $0x6280;
	v3 =	vperm.xlane v3, v2  }
0xeb: {  	[tilespmem:s17], [sflag:$0x1] =	stream.indirect_vreg.gather [hbm4b:s1+s3], $0x80, v4, vm0, $0xb8;
	[tilespmem:$0x18280] =	vst v63  }
0xec: {  	s29 =	simm.s32 $0x6A80;
	v3 =	vadd.s32 v1, v3  }
0xed: {  	[tilespmem:s29], [sflag:$0x1] =	stream.indirect_vreg.gather [hbm4b:s8+s3], $0x80, v4, vm0, $0xb8;
	[tilespmem:$0x18280] =	vst v63  }
0xee: {  	s30 =	simm.s32 $0x7280  }
0xef: {  	[tilespmem:s30], [sflag:$0x1] =	stream.indirect_vreg.gather [hbm4b:s9+s3], $0x80, v4, vm0, $0xb8;
	[tilespmem:$0x18280] =	vst v63  }
0xf0: {  	s31 =	simm.s32 $0x7A80  }
0xf1: {  	[tilespmem:s31], [sflag:$0x1] =	stream.indirect_vreg.gather [hbm4b:s1+s3], $0x80, v3, vm0, $0xb8;
	[tilespmem:$0x18280] =	vst v63  }
0xf2: {  	s13 =	simm.s32 $0x8280  }
0xf3: {  	[tilespmem:s13], [sflag:$0x1] =	stream.indirect_vreg.gather [hbm4b:s8+s3], $0x80, v3, vm0, $0xb8;
	[tilespmem:$0x18280] =	vst v63  }
0xf4: {  	s18 =	simm.s32 $0x8A80  }
0xf5: {  	[tilespmem:s18], [sflag:$0x1] =	stream.indirect_vreg.gather [hbm4b:s9+s3], $0x80, v3, vm0, $0xb8;
	[tilespmem:$0x18280] =	vst v63  }
0xf6: {  	v3 =	vld [tilespmem:$0xB0];
	_ =	sdelay $0x4  }
0xf7: {  	v35 =	vshrl.u32 v3, $0x3  }
0xf8: {  	v4 =	vmul.u32 $0x30, v35  }
0xf9: {  	v3 =	vand.u32 $0x7, v3  }
0xfa: {  	v3 =	vor.u32 v3, v4  }
0xfb: {  	v4 =	vperm.xlane v3, v0;
	_ =	sdelay $0x1  }
0xfc: {  	v4 =	vadd.s32 v1, v4;
	_ =	sdelay $0x3  }
0xfd: {  	s10 =	simm.s32 $0x9280;
	v3 =	vperm.xlane v3, v2  }
0xfe: {  	[tilespmem:s10], [sflag:$0x1] =	stream.indirect_vreg.gather [hbm4b:s1+s3], $0x80, v4, vm0, $0xb8;
	[tilespmem:$0x18280] =	vst v63  }
0xff: {  	s14 =	simm.s32 $0x9A80;
	v3 =	vadd.s32 v1, v3  }
0x100: {  	[tilespmem:s14], [sflag:$0x1] =	stream.indirect_vreg.gather [hbm4b:s8+s3], $0x80, v4, vm0, $0xb8;
	[tilespmem:$0x18280] =	vst v63  }
0x101: {  	s16 =	simm.s32 $0xA280  }
0x102: {  	[tilespmem:s16], [sflag:$0x1] =	stream.indirect_vreg.gather [hbm4b:s9+s3], $0x80, v4, vm0, $0xb8;
	[tilespmem:$0x18280] =	vst v63  }
0x103: {  	s17 =	simm.s32 $0xAA80  }
0x104: {  	[tilespmem:s17], [sflag:$0x1] =	stream.indirect_vreg.gather [hbm4b:s1+s3], $0x80, v3, vm0, $0xb8;
	[tilespmem:$0x18280] =	vst v63  }
0x105: {  	s18 =	simm.s32 $0xB280  }
0x106: {  	[tilespmem:s18], [sflag:$0x1] =	stream.indirect_vreg.gather [hbm4b:s8+s3], $0x80, v3, vm0, $0xb8;
	[tilespmem:$0x18280] =	vst v63  }
0x107: {  	s21 =	simm.s32 $0xBA80  }
0x108: {  	[tilespmem:s21], [sflag:$0x1] =	stream.indirect_vreg.gather [hbm4b:s9+s3], $0x80, v3, vm0, $0xb8;
	[tilespmem:$0x18280] =	vst v63  }
0x109: {  	_ =	swait.ge [sflag:s20], $0xC000  }
0x10a: {  	[sflag:s20] =	ssyncset.done $0x0  }
0x10b: {  	s21 =	rddreg [dreg:$0x5];
	[sflag:s20] =	ssyncadd.s32 $0xFFFF4000  }
0x10c: {  	[hbm4b:s21+s3] =	stream.linear.scatter [tilespmem:s22], [sflag:$0x3], $0xC000, $0x38;
	[tilespmem:$0x18280] =	vst v63  }
0x10d: {  	_ =	swait.ge [sflag:s11], $0xC000  }
0x10e: {  	[sflag:s11] =	ssyncset.done $0x0  }
0x10f: {  	[sflag:s11] =	ssyncadd.s32 $0xFFFF4000  }
0x110: {  	v3 =	vld [tilespmem:$0xC0];
	_ =	sdelay $0x4  }
0x111: {  	v36 =	vshrl.u32 v3, $0x3  }
0x112: {  	v4 =	vmul.u32 $0x30, v36  }
0x113: {  	v3 =	vand.u32 $0x7, v3  }
0x114: {  	v3 =	vor.u32 v3, v4  }
0x115: {  	v4 =	vperm.xlane v3, v0;
	_ =	sdelay $0x1  }
0x116: {  	v4 =	vadd.s32 v1, v4;
	_ =	sdelay $0x3  }
0x117: {  	v3 =	vperm.xlane v3, v2  }
0x118: {  	[tilespmem:s22], [sflag:$0x2] =	stream.indirect_vreg.gather [hbm4b:s1+s3], $0x80, v4, vm0, $0xb8;
	[tilespmem:$0x18280] =	vst v63  }
0x119: {  	s21 =	simm.s32 $0xCA80;
	v3 =	vadd.s32 v1, v3  }
0x11a: {  	[tilespmem:s21], [sflag:$0x2] =	stream.indirect_vreg.gather [hbm4b:s8+s3], $0x80, v4, vm0, $0xb8;
	[tilespmem:$0x18280] =	vst v63  }
0x11b: {  	s21 =	simm.s32 $0xD280  }
0x11c: {  	[tilespmem:s21], [sflag:$0x2] =	stream.indirect_vreg.gather [hbm4b:s9+s3], $0x80, v4, vm0, $0xb8;
	[tilespmem:$0x18280] =	vst v63  }
0x11d: {  	s21 =	simm.s32 $0xDA80  }
0x11e: {  	[tilespmem:s21], [sflag:$0x2] =	stream.indirect_vreg.gather [hbm4b:s1+s3], $0x80, v3, vm0, $0xb8;
	[tilespmem:$0x18280] =	vst v63  }
0x11f: {  	s21 =	simm.s32 $0xE280  }
0x120: {  	[tilespmem:s21], [sflag:$0x2] =	stream.indirect_vreg.gather [hbm4b:s8+s3], $0x80, v3, vm0, $0xb8;
	[tilespmem:$0x18280] =	vst v63  }
0x121: {  	s21 =	simm.s32 $0xEA80  }
0x122: {  	[tilespmem:s21], [sflag:$0x2] =	stream.indirect_vreg.gather [hbm4b:s9+s3], $0x80, v3, vm0, $0xb8;
	[tilespmem:$0x18280] =	vst v63  }
0x123: {  	v3 =	vld [tilespmem:$0xD0];
	_ =	sdelay $0x4  }
0x124: {  	v37 =	vshrl.u32 v3, $0x3  }
0x125: {  	v4 =	vmul.u32 $0x30, v37  }
0x126: {  	v3 =	vand.u32 $0x7, v3  }
0x127: {  	v3 =	vor.u32 v3, v4  }
0x128: {  	v4 =	vperm.xlane v3, v0;
	_ =	sdelay $0x1  }
0x129: {  	v4 =	vadd.s32 v1, v4;
	_ =	sdelay $0x3  }
0x12a: {  	s21 =	simm.s32 $0xF280;
	v3 =	vperm.xlane v3, v2  }
0x12b: {  	[tilespmem:s21], [sflag:$0x2] =	stream.indirect_vreg.gather [hbm4b:s1+s3], $0x80, v4, vm0, $0xb8;
	[tilespmem:$0x18280] =	vst v63  }
0x12c: {  	v3 =	vadd.s32 v1, v3;
	s21 =	simm.s32 $0xFA80  }
0x12d: {  	[tilespmem:s21], [sflag:$0x2] =	stream.indirect_vreg.gather [hbm4b:s8+s3], $0x80, v4, vm0, $0xb8;
	[tilespmem:$0x18280] =	vst v63  }
0x12e: {  	s21 =	simm.s32 $0x10280  }
0x12f: {  	[tilespmem:s21], [sflag:$0x2] =	stream.indirect_vreg.gather [hbm4b:s9+s3], $0x80, v4, vm0, $0xb8;
	[tilespmem:$0x18280] =	vst v63  }
0x130: {  	s21 =	simm.s32 $0x10A80  }
0x131: {  	[tilespmem:s21], [sflag:$0x2] =	stream.indirect_vreg.gather [hbm4b:s1+s3], $0x80, v3, vm0, $0xb8;
	[tilespmem:$0x18280] =	vst v63  }
0x132: {  	s21 =	simm.s32 $0x11280  }
0x133: {  	[tilespmem:s21], [sflag:$0x2] =	stream.indirect_vreg.gather [hbm4b:s8+s3], $0x80, v3, vm0, $0xb8;
	[tilespmem:$0x18280] =	vst v63  }
0x134: {  	s21 =	simm.s32 $0x11A80  }
0x135: {  	[tilespmem:s21], [sflag:$0x2] =	stream.indirect_vreg.gather [hbm4b:s9+s3], $0x80, v3, vm0, $0xb8;
	[tilespmem:$0x18280] =	vst v63  }
0x136: {  	v3 =	vld [tilespmem:$0xE0];
	_ =	sdelay $0x4  }
0x137: {  	v38 =	vshrl.u32 v3, $0x3  }
0x138: {  	v4 =	vmul.u32 $0x30, v38  }
0x139: {  	v3 =	vand.u32 $0x7, v3  }
0x13a: {  	v3 =	vor.u32 v3, v4  }
0x13b: {  	v4 =	vperm.xlane v3, v0;
	_ =	sdelay $0x1  }
0x13c: {  	v4 =	vadd.s32 v1, v4;
	_ =	sdelay $0x3  }
0x13d: {  	s21 =	simm.s32 $0x12280;
	v3 =	vperm.xlane v3, v2  }
0x13e: {  	[tilespmem:s21], [sflag:$0x2] =	stream.indirect_vreg.gather [hbm4b:s1+s3], $0x80, v4, vm0, $0xb8;
	[tilespmem:$0x18280] =	vst v63  }
0x13f: {  	v3 =	vadd.s32 v1, v3;
	s21 =	simm.s32 $0x12A80  }
0x140: {  	[tilespmem:s21], [sflag:$0x2] =	stream.indirect_vreg.gather [hbm4b:s8+s3], $0x80, v4, vm0, $0xb8;
	[tilespmem:$0x18280] =	vst v63  }
0x141: {  	s21 =	simm.s32 $0x13280  }
0x142: {  	[tilespmem:s21], [sflag:$0x2] =	stream.indirect_vreg.gather [hbm4b:s9+s3], $0x80, v4, vm0, $0xb8;
	[tilespmem:$0x18280] =	vst v63  }
0x143: {  	s21 =	simm.s32 $0x13A80  }
0x144: {  	[tilespmem:s21], [sflag:$0x2] =	stream.indirect_vreg.gather [hbm4b:s1+s3], $0x80, v3, vm0, $0xb8;
	[tilespmem:$0x18280] =	vst v63  }
0x145: {  	s21 =	simm.s32 $0x14280  }
0x146: {  	[tilespmem:s21], [sflag:$0x2] =	stream.indirect_vreg.gather [hbm4b:s8+s3], $0x80, v3, vm0, $0xb8;
	[tilespmem:$0x18280] =	vst v63  }
0x147: {  	s21 =	simm.s32 $0x14A80  }
0x148: {  	[tilespmem:s21], [sflag:$0x2] =	stream.indirect_vreg.gather [hbm4b:s9+s3], $0x80, v3, vm0, $0xb8;
	[tilespmem:$0x18280] =	vst v63  }
0x149: {  	v3 =	vld [tilespmem:$0xF0];
	_ =	sdelay $0x4  }
0x14a: {  	v39 =	vshrl.u32 v3, $0x3  }
0x14b: {  	v4 =	vmul.u32 $0x30, v39  }
0x14c: {  	v3 =	vand.u32 $0x7, v3  }
0x14d: {  	v3 =	vor.u32 v3, v4  }
0x14e: {  	v4 =	vperm.xlane v3, v0;
	_ =	sdelay $0x1  }
0x14f: {  	v4 =	vadd.s32 v1, v4;
	_ =	sdelay $0x3  }
0x150: {  	s21 =	simm.s32 $0x15280;
	v3 =	vperm.xlane v3, v2  }
0x151: {  	[tilespmem:s21], [sflag:$0x2] =	stream.indirect_vreg.gather [hbm4b:s1+s3], $0x80, v4, vm0, $0xb8;
	[tilespmem:$0x18280] =	vst v63  }
0x152: {  	v3 =	vadd.s32 v1, v3;
	s21 =	simm.s32 $0x15A80  }
0x153: {  	[tilespmem:s21], [sflag:$0x2] =	stream.indirect_vreg.gather [hbm4b:s8+s3], $0x80, v4, vm0, $0xb8;
	[tilespmem:$0x18280] =	vst v63  }
0x154: {  	s21 =	simm.s32 $0x16280  }
0x155: {  	[tilespmem:s21], [sflag:$0x2] =	stream.indirect_vreg.gather [hbm4b:s9+s3], $0x80, v4, vm0, $0xb8;
	[tilespmem:$0x18280] =	vst v63  }
0x156: {  	s21 =	simm.s32 $0x16A80  }
0x157: {  	[tilespmem:s21], [sflag:$0x2] =	stream.indirect_vreg.gather [hbm4b:s1+s3], $0x80, v3, vm0, $0xb8;
	[tilespmem:$0x18280] =	vst v63  }
0x158: {  	s21 =	simm.s32 $0x17280  }
0x159: {  	[tilespmem:s21], [sflag:$0x2] =	stream.indirect_vreg.gather [hbm4b:s8+s3], $0x80, v3, vm0, $0xb8;
	[tilespmem:$0x18280] =	vst v63  }
0x15a: {  	s21 =	simm.s32 $0x17A80  }
0x15b: {  	[tilespmem:s21], [sflag:$0x2] =	stream.indirect_vreg.gather [hbm4b:s9+s3], $0x80, v3, vm0, $0xb8;
	[tilespmem:$0x18280] =	vst v63  }
0x15c: {  	_ =	swait.ge [sflag:s19], $0xC000  }
0x15d: {  	[sflag:s19] =	ssyncset.done $0x0  }
0x15e: {  	s21 =	rddreg [dreg:$0x6];
	[sflag:s19] =	ssyncadd.s32 $0xFFFF4000  }
0x15f: {  	[hbm4b:s21+s3] =	stream.linear.scatter [tilespmem:s23], [sflag:$0x3], $0xC000, $0x38;
	[tilespmem:$0x18280] =	vst v63  }
0x160: {  	_ =	swait.ge [sflag:s11], $0xC000  }
0x161: {  	[sflag:s11] =	ssyncset.done $0x0  }
0x162: {  	[sflag:s11] =	ssyncadd.s32 $0xFFFF4000  }
0x163: {  	v3 =	vld [tilespmem:$0x100];
	_ =	sdelay $0x4  }
0x164: {  	v40 =	vshrl.u32 v3, $0x3  }
0x165: {  	v4 =	vmul.u32 $0x30, v40  }
0x166: {  	v3 =	vand.u32 $0x7, v3  }
0x167: {  	v3 =	vor.u32 v3, v4  }
0x168: {  	v4 =	vperm.xlane v3, v0;
	_ =	sdelay $0x1  }
0x169: {  	v4 =	vadd.s32 v1, v4;
	_ =	sdelay $0x3  }
0x16a: {  	v3 =	vperm.xlane v3, v2  }
0x16b: {  	[tilespmem:s23], [sflag:$0x1] =	stream.indirect_vreg.gather [hbm4b:s1+s3], $0x80, v4, vm0, $0xb8;
	[tilespmem:$0x18280] =	vst v63  }
0x16c: {  	v3 =	vadd.s32 v1, v3  }
0x16d: {  	[tilespmem:s0], [sflag:$0x1] =	stream.indirect_vreg.gather [hbm4b:s8+s3], $0x80, v4, vm0, $0xb8;
	[tilespmem:$0x18280] =	vst v63  }
0x16e: {  	_ = 	snop  }
0x16f: {  	[tilespmem:s2], [sflag:$0x1] =	stream.indirect_vreg.gather [hbm4b:s9+s3], $0x80, v4, vm0, $0xb8;
	[tilespmem:$0x18280] =	vst v63  }
0x170: {  	_ = 	snop  }
0x171: {  	[tilespmem:s4], [sflag:$0x1] =	stream.indirect_vreg.gather [hbm4b:s1+s3], $0x80, v3, vm0, $0xb8;
	[tilespmem:$0x18280] =	vst v63  }
0x172: {  	_ = 	snop  }
0x173: {  	[tilespmem:s12], [sflag:$0x1] =	stream.indirect_vreg.gather [hbm4b:s8+s3], $0x80, v3, vm0, $0xb8;
	[tilespmem:$0x18280] =	vst v63  }
0x174: {  	s21 =	simm.s32 $0x2A80  }
0x175: {  	[tilespmem:s21], [sflag:$0x1] =	stream.indirect_vreg.gather [hbm4b:s9+s3], $0x80, v3, vm0, $0xb8;
	[tilespmem:$0x18280] =	vst v63  }
0x176: {  	v3 =	vld [tilespmem:$0x110];
	_ =	sdelay $0x4  }
0x177: {  	v41 =	vshrl.u32 v3, $0x3  }
0x178: {  	v4 =	vmul.u32 $0x30, v41  }
0x179: {  	v3 =	vand.u32 $0x7, v3  }
0x17a: {  	v3 =	vor.u32 v3, v4  }
0x17b: {  	v4 =	vperm.xlane v3, v0;
	_ =	sdelay $0x1  }
0x17c: {  	v4 =	vadd.s32 v1, v4;
	_ =	sdelay $0x3  }
0x17d: {  	s21 =	simm.s32 $0x3280;
	v3 =	vperm.xlane v3, v2  }
0x17e: {  	[tilespmem:s21], [sflag:$0x1] =	stream.indirect_vreg.gather [hbm4b:s1+s3], $0x80, v4, vm0, $0xb8;
	[tilespmem:$0x18280] =	vst v63  }
0x17f: {  	v3 =	vadd.s32 v1, v3  }
0x180: {  	[tilespmem:s24], [sflag:$0x1] =	stream.indirect_vreg.gather [hbm4b:s8+s3], $0x80, v4, vm0, $0xb8;
	[tilespmem:$0x18280] =	vst v63  }
0x181: {  	_ = 	snop  }
0x182: {  	[tilespmem:s25], [sflag:$0x1] =	stream.indirect_vreg.gather [hbm4b:s9+s3], $0x80, v4, vm0, $0xb8;
	[tilespmem:$0x18280] =	vst v63  }
0x183: {  	_ = 	snop  }
0x184: {  	[tilespmem:s26], [sflag:$0x1] =	stream.indirect_vreg.gather [hbm4b:s1+s3], $0x80, v3, vm0, $0xb8;
	[tilespmem:$0x18280] =	vst v63  }
0x185: {  	_ = 	snop  }
0x186: {  	[tilespmem:s28], [sflag:$0x1] =	stream.indirect_vreg.gather [hbm4b:s8+s3], $0x80, v3, vm0, $0xb8;
	[tilespmem:$0x18280] =	vst v63  }
0x187: {  	s21 =	simm.s32 $0x5A80  }
0x188: {  	[tilespmem:s21], [sflag:$0x1] =	stream.indirect_vreg.gather [hbm4b:s9+s3], $0x80, v3, vm0, $0xb8;
	[tilespmem:$0x18280] =	vst v63  }
0x189: {  	v3 =	vld [tilespmem:$0x120];
	_ =	sdelay $0x4  }
0x18a: {  	v42 =	vshrl.u32 v3, $0x3  }
0x18b: {  	v4 =	vmul.u32 $0x30, v42  }
0x18c: {  	v3 =	vand.u32 $0x7, v3  }
0x18d: {  	v3 =	vor.u32 v3, v4  }
0x18e: {  	v4 =	vperm.xlane v3, v0;
	_ =	sdelay $0x1  }
0x18f: {  	v4 =	vadd.s32 v1, v4;
	_ =	sdelay $0x3  }
0x190: {  	s21 =	simm.s32 $0x6280;
	v3 =	vperm.xlane v3, v2  }
0x191: {  	[tilespmem:s21], [sflag:$0x1] =	stream.indirect_vreg.gather [hbm4b:s1+s3], $0x80, v4, vm0, $0xb8;
	[tilespmem:$0x18280] =	vst v63  }
0x192: {  	v3 =	vadd.s32 v1, v3  }
0x193: {  	[tilespmem:s29], [sflag:$0x1] =	stream.indirect_vreg.gather [hbm4b:s8+s3], $0x80, v4, vm0, $0xb8;
	[tilespmem:$0x18280] =	vst v63  }
0x194: {  	_ = 	snop  }
0x195: {  	[tilespmem:s30], [sflag:$0x1] =	stream.indirect_vreg.gather [hbm4b:s9+s3], $0x80, v4, vm0, $0xb8;
	[tilespmem:$0x18280] =	vst v63  }
0x196: {  	_ = 	snop  }
0x197: {  	[tilespmem:s31], [sflag:$0x1] =	stream.indirect_vreg.gather [hbm4b:s1+s3], $0x80, v3, vm0, $0xb8;
	[tilespmem:$0x18280] =	vst v63  }
0x198: {  	_ = 	snop  }
0x199: {  	[tilespmem:s13], [sflag:$0x1] =	stream.indirect_vreg.gather [hbm4b:s8+s3], $0x80, v3, vm0, $0xb8;
	[tilespmem:$0x18280] =	vst v63  }
0x19a: {  	s21 =	simm.s32 $0x8A80  }
0x19b: {  	[tilespmem:s21], [sflag:$0x1] =	stream.indirect_vreg.gather [hbm4b:s9+s3], $0x80, v3, vm0, $0xb8;
	[tilespmem:$0x18280] =	vst v63  }
0x19c: {  	v3 =	vld [tilespmem:$0x130];
	_ =	sdelay $0x4  }
0x19d: {  	v43 =	vshrl.u32 v3, $0x3  }
0x19e: {  	v4 =	vmul.u32 $0x30, v43  }
0x19f: {  	v3 =	vand.u32 $0x7, v3  }
0x1a0: {  	v3 =	vor.u32 v3, v4  }
0x1a1: {  	v4 =	vperm.xlane v3, v0;
	_ =	sdelay $0x1  }
0x1a2: {  	v4 =	vadd.s32 v1, v4;
	_ =	sdelay $0x3  }
0x1a3: {  	v3 =	vperm.xlane v3, v2  }
0x1a4: {  	[tilespmem:s10], [sflag:$0x1] =	stream.indirect_vreg.gather [hbm4b:s1+s3], $0x80, v4, vm0, $0xb8;
	[tilespmem:$0x18280] =	vst v63  }
0x1a5: {  	v3 =	vadd.s32 v1, v3  }
0x1a6: {  	[tilespmem:s14], [sflag:$0x1] =	stream.indirect_vreg.gather [hbm4b:s8+s3], $0x80, v4, vm0, $0xb8;
	[tilespmem:$0x18280] =	vst v63  }
0x1a7: {  	_ = 	snop  }
0x1a8: {  	[tilespmem:s16], [sflag:$0x1] =	stream.indirect_vreg.gather [hbm4b:s9+s3], $0x80, v4, vm0, $0xb8;
	[tilespmem:$0x18280] =	vst v63  }
0x1a9: {  	_ = 	snop  }
0x1aa: {  	[tilespmem:s17], [sflag:$0x1] =	stream.indirect_vreg.gather [hbm4b:s1+s3], $0x80, v3, vm0, $0xb8;
	[tilespmem:$0x18280] =	vst v63  }
0x1ab: {  	_ = 	snop  }
0x1ac: {  	[tilespmem:s18], [sflag:$0x1] =	stream.indirect_vreg.gather [hbm4b:s8+s3], $0x80, v3, vm0, $0xb8;
	[tilespmem:$0x18280] =	vst v63  }
0x1ad: {  	s21 =	simm.s32 $0xBA80  }
0x1ae: {  	[tilespmem:s21], [sflag:$0x1] =	stream.indirect_vreg.gather [hbm4b:s9+s3], $0x80, v3, vm0, $0xb8;
	[tilespmem:$0x18280] =	vst v63  }
0x1af: {  	_ =	swait.ge [sflag:s20], $0xC000  }
0x1b0: {  	[sflag:s20] =	ssyncset.done $0x0  }
0x1b1: {  	s10 =	rddreg [dreg:$0x7];
	[sflag:s20] =	ssyncadd.s32 $0xFFFF4000  }
0x1b2: {  	[hbm4b:s10+s3] =	stream.linear.scatter [tilespmem:s22], [sflag:$0x3], $0xC000, $0x38;
	[tilespmem:$0x18280] =	vst v63  }
0x1b3: {  	_ =	swait.ge [sflag:s11], $0xC000  }
0x1b4: {  	[sflag:s11] =	ssyncset.done $0x0  }
0x1b5: {  	[sflag:s11] =	ssyncadd.s32 $0xFFFF4000  }
0x1b6: {  	v3 =	vld [tilespmem:$0x140];
	_ =	sdelay $0x4  }
0x1b7: {  	v44 =	vshrl.u32 v3, $0x3  }
0x1b8: {  	v4 =	vmul.u32 $0x30, v44  }
0x1b9: {  	v3 =	vand.u32 $0x7, v3  }
0x1ba: {  	v3 =	vor.u32 v3, v4  }
0x1bb: {  	v4 =	vperm.xlane v3, v0;
	_ =	sdelay $0x1  }
0x1bc: {  	v4 =	vadd.s32 v1, v4;
	_ =	sdelay $0x3  }
0x1bd: {  	v3 =	vperm.xlane v3, v2  }
0x1be: {  	[tilespmem:s22], [sflag:$0x2] =	stream.indirect_vreg.gather [hbm4b:s1+s3], $0x80, v4, vm0, $0xb8;
	[tilespmem:$0x18280] =	vst v63  }
0x1bf: {  	s21 =	simm.s32 $0xCA80;
	v3 =	vadd.s32 v1, v3  }
0x1c0: {  	[tilespmem:s21], [sflag:$0x2] =	stream.indirect_vreg.gather [hbm4b:s8+s3], $0x80, v4, vm0, $0xb8;
	[tilespmem:$0x18280] =	vst v63  }
0x1c1: {  	s21 =	simm.s32 $0xD280  }
0x1c2: {  	[tilespmem:s21], [sflag:$0x2] =	stream.indirect_vreg.gather [hbm4b:s9+s3], $0x80, v4, vm0, $0xb8;
	[tilespmem:$0x18280] =	vst v63  }
0x1c3: {  	s21 =	simm.s32 $0xDA80  }
0x1c4: {  	[tilespmem:s21], [sflag:$0x2] =	stream.indirect_vreg.gather [hbm4b:s1+s3], $0x80, v3, vm0, $0xb8;
	[tilespmem:$0x18280] =	vst v63  }
0x1c5: {  	s21 =	simm.s32 $0xE280  }
0x1c6: {  	[tilespmem:s21], [sflag:$0x2] =	stream.indirect_vreg.gather [hbm4b:s8+s3], $0x80, v3, vm0, $0xb8;
	[tilespmem:$0x18280] =	vst v63  }
0x1c7: {  	s21 =	simm.s32 $0xEA80  }
0x1c8: {  	[tilespmem:s21], [sflag:$0x2] =	stream.indirect_vreg.gather [hbm4b:s9+s3], $0x80, v3, vm0, $0xb8;
	[tilespmem:$0x18280] =	vst v63  }
0x1c9: {  	v3 =	vld [tilespmem:$0x150];
	_ =	sdelay $0x4  }
0x1ca: {  	v45 =	vshrl.u32 v3, $0x3  }
0x1cb: {  	v4 =	vmul.u32 $0x30, v45  }
0x1cc: {  	v3 =	vand.u32 $0x7, v3  }
0x1cd: {  	v3 =	vor.u32 v3, v4  }
0x1ce: {  	v4 =	vperm.xlane v3, v0;
	_ =	sdelay $0x1  }
0x1cf: {  	v4 =	vadd.s32 v1, v4;
	_ =	sdelay $0x3  }
0x1d0: {  	s21 =	simm.s32 $0xF280;
	v3 =	vperm.xlane v3, v2  }
0x1d1: {  	[tilespmem:s21], [sflag:$0x2] =	stream.indirect_vreg.gather [hbm4b:s1+s3], $0x80, v4, vm0, $0xb8;
	[tilespmem:$0x18280] =	vst v63  }
0x1d2: {  	v3 =	vadd.s32 v1, v3;
	s21 =	simm.s32 $0xFA80  }
0x1d3: {  	[tilespmem:s21], [sflag:$0x2] =	stream.indirect_vreg.gather [hbm4b:s8+s3], $0x80, v4, vm0, $0xb8;
	[tilespmem:$0x18280] =	vst v63  }
0x1d4: {  	s21 =	simm.s32 $0x10280  }
0x1d5: {  	[tilespmem:s21], [sflag:$0x2] =	stream.indirect_vreg.gather [hbm4b:s9+s3], $0x80, v4, vm0, $0xb8;
	[tilespmem:$0x18280] =	vst v63  }
0x1d6: {  	s21 =	simm.s32 $0x10A80  }
0x1d7: {  	[tilespmem:s21], [sflag:$0x2] =	stream.indirect_vreg.gather [hbm4b:s1+s3], $0x80, v3, vm0, $0xb8;
	[tilespmem:$0x18280] =	vst v63  }
0x1d8: {  	s21 =	simm.s32 $0x11280  }
0x1d9: {  	[tilespmem:s21], [sflag:$0x2] =	stream.indirect_vreg.gather [hbm4b:s8+s3], $0x80, v3, vm0, $0xb8;
	[tilespmem:$0x18280] =	vst v63  }
0x1da: {  	s21 =	simm.s32 $0x11A80  }
0x1db: {  	[tilespmem:s21], [sflag:$0x2] =	stream.indirect_vreg.gather [hbm4b:s9+s3], $0x80, v3, vm0, $0xb8;
	[tilespmem:$0x18280] =	vst v63  }
0x1dc: {  	v3 =	vld [tilespmem:$0x160];
	_ =	sdelay $0x4  }
0x1dd: {  	v46 =	vshrl.u32 v3, $0x3  }
0x1de: {  	v4 =	vmul.u32 $0x30, v46  }
0x1df: {  	v3 =	vand.u32 $0x7, v3  }
0x1e0: {  	v3 =	vor.u32 v3, v4  }
0x1e1: {  	v4 =	vperm.xlane v3, v0;
	_ =	sdelay $0x1  }
0x1e2: {  	v4 =	vadd.s32 v1, v4;
	_ =	sdelay $0x3  }
0x1e3: {  	s21 =	simm.s32 $0x12280;
	v3 =	vperm.xlane v3, v2  }
0x1e4: {  	[tilespmem:s21], [sflag:$0x2] =	stream.indirect_vreg.gather [hbm4b:s1+s3], $0x80, v4, vm0, $0xb8;
	[tilespmem:$0x18280] =	vst v63  }
0x1e5: {  	v3 =	vadd.s32 v1, v3;
	s21 =	simm.s32 $0x12A80  }
0x1e6: {  	[tilespmem:s21], [sflag:$0x2] =	stream.indirect_vreg.gather [hbm4b:s8+s3], $0x80, v4, vm0, $0xb8;
	[tilespmem:$0x18280] =	vst v63  }
0x1e7: {  	s21 =	simm.s32 $0x13280  }
0x1e8: {  	[tilespmem:s21], [sflag:$0x2] =	stream.indirect_vreg.gather [hbm4b:s9+s3], $0x80, v4, vm0, $0xb8;
	[tilespmem:$0x18280] =	vst v63  }
0x1e9: {  	s21 =	simm.s32 $0x13A80  }
0x1ea: {  	[tilespmem:s21], [sflag:$0x2] =	stream.indirect_vreg.gather [hbm4b:s1+s3], $0x80, v3, vm0, $0xb8;
	[tilespmem:$0x18280] =	vst v63  }
0x1eb: {  	s21 =	simm.s32 $0x14280  }
0x1ec: {  	[tilespmem:s21], [sflag:$0x2] =	stream.indirect_vreg.gather [hbm4b:s8+s3], $0x80, v3, vm0, $0xb8;
	[tilespmem:$0x18280] =	vst v63  }
0x1ed: {  	s21 =	simm.s32 $0x14A80  }
0x1ee: {  	[tilespmem:s21], [sflag:$0x2] =	stream.indirect_vreg.gather [hbm4b:s9+s3], $0x80, v3, vm0, $0xb8;
	[tilespmem:$0x18280] =	vst v63  }
0x1ef: {  	v3 =	vld [tilespmem:$0x170];
	_ =	sdelay $0x4  }
0x1f0: {  	v47 =	vshrl.u32 v3, $0x3  }
0x1f1: {  	v4 =	vmul.u32 $0x30, v47  }
0x1f2: {  	v3 =	vand.u32 $0x7, v3  }
0x1f3: {  	v3 =	vor.u32 v3, v4  }
0x1f4: {  	v4 =	vperm.xlane v3, v0;
	_ =	sdelay $0x1  }
0x1f5: {  	v4 =	vadd.s32 v1, v4;
	_ =	sdelay $0x3  }
0x1f6: {  	s21 =	simm.s32 $0x15280;
	v3 =	vperm.xlane v3, v2  }
0x1f7: {  	[tilespmem:s21], [sflag:$0x2] =	stream.indirect_vreg.gather [hbm4b:s1+s3], $0x80, v4, vm0, $0xb8;
	[tilespmem:$0x18280] =	vst v63  }
0x1f8: {  	v3 =	vadd.s32 v1, v3;
	s21 =	simm.s32 $0x15A80  }
0x1f9: {  	[tilespmem:s21], [sflag:$0x2] =	stream.indirect_vreg.gather [hbm4b:s8+s3], $0x80, v4, vm0, $0xb8;
	[tilespmem:$0x18280] =	vst v63  }
0x1fa: {  	s21 =	simm.s32 $0x16280  }
0x1fb: {  	[tilespmem:s21], [sflag:$0x2] =	stream.indirect_vreg.gather [hbm4b:s9+s3], $0x80, v4, vm0, $0xb8;
	[tilespmem:$0x18280] =	vst v63  }
0x1fc: {  	s21 =	simm.s32 $0x16A80  }
0x1fd: {  	[tilespmem:s21], [sflag:$0x2] =	stream.indirect_vreg.gather [hbm4b:s1+s3], $0x80, v3, vm0, $0xb8;
	[tilespmem:$0x18280] =	vst v63  }
0x1fe: {  	s21 =	simm.s32 $0x17280  }
0x1ff: {  	[tilespmem:s21], [sflag:$0x2] =	stream.indirect_vreg.gather [hbm4b:s8+s3], $0x80, v3, vm0, $0xb8;
	[tilespmem:$0x18280] =	vst v63  }
0x200: {  	s21 =	simm.s32 $0x17A80  }
0x201: {  	[tilespmem:s21], [sflag:$0x2] =	stream.indirect_vreg.gather [hbm4b:s9+s3], $0x80, v3, vm0, $0xb8;
	[tilespmem:$0x18280] =	vst v63  }
0x202: {  	_ =	swait.ge [sflag:s19], $0xC000  }
0x203: {  	[sflag:s19] =	ssyncset.done $0x0  }
0x204: {  	s10 =	rddreg [dreg:$0x8];
	[sflag:s19] =	ssyncadd.s32 $0xFFFF4000  }
0x205: {  	[hbm4b:s10+s3] =	stream.linear.scatter [tilespmem:s23], [sflag:$0x3], $0xC000, $0x38;
	[tilespmem:$0x18280] =	vst v63  }
0x206: {  	_ =	swait.ge [sflag:s11], $0xC000  }
0x207: {  	[sflag:s11] =	ssyncset.done $0x0  }
0x208: {  	[sflag:s11] =	ssyncadd.s32 $0xFFFF4000  }
0x209: {  	v3 =	vld [tilespmem:$0x180];
	_ =	sdelay $0x4  }
0x20a: {  	v48 =	vshrl.u32 v3, $0x3  }
0x20b: {  	v4 =	vmul.u32 $0x30, v48  }
0x20c: {  	v3 =	vand.u32 $0x7, v3  }
0x20d: {  	v3 =	vor.u32 v3, v4  }
0x20e: {  	v4 =	vperm.xlane v3, v0;
	_ =	sdelay $0x1  }
0x20f: {  	v4 =	vadd.s32 v1, v4;
	_ =	sdelay $0x3  }
0x210: {  	v3 =	vperm.xlane v3, v2  }
0x211: {  	[tilespmem:s23], [sflag:$0x1] =	stream.indirect_vreg.gather [hbm4b:s1+s3], $0x80, v4, vm0, $0xb8;
	[tilespmem:$0x18280] =	vst v63  }
0x212: {  	s0 =	simm.s32 $0xA80;
	v3 =	vadd.s32 v1, v3  }
0x213: {  	[tilespmem:s0], [sflag:$0x1] =	stream.indirect_vreg.gather [hbm4b:s8+s3], $0x80, v4, vm0, $0xb8;
	[tilespmem:$0x18280] =	vst v63  }
0x214: {  	s2 =	simm.s32 $0x1280  }
0x215: {  	[tilespmem:s2], [sflag:$0x1] =	stream.indirect_vreg.gather [hbm4b:s9+s3], $0x80, v4, vm0, $0xb8;
	[tilespmem:$0x18280] =	vst v63  }
0x216: {  	s4 =	simm.s32 $0x1A80  }
0x217: {  	[tilespmem:s4], [sflag:$0x1] =	stream.indirect_vreg.gather [hbm4b:s1+s3], $0x80, v3, vm0, $0xb8;
	[tilespmem:$0x18280] =	vst v63  }
0x218: {  	s12 =	simm.s32 $0x2280  }
0x219: {  	[tilespmem:s12], [sflag:$0x1] =	stream.indirect_vreg.gather [hbm4b:s8+s3], $0x80, v3, vm0, $0xb8;
	[tilespmem:$0x18280] =	vst v63  }
0x21a: {  	s21 =	simm.s32 $0x2A80  }
0x21b: {  	[tilespmem:s21], [sflag:$0x1] =	stream.indirect_vreg.gather [hbm4b:s9+s3], $0x80, v3, vm0, $0xb8;
	[tilespmem:$0x18280] =	vst v63  }
0x21c: {  	v3 =	vld [tilespmem:$0x190];
	_ =	sdelay $0x4  }
0x21d: {  	v49 =	vshrl.u32 v3, $0x3  }
0x21e: {  	v4 =	vmul.u32 $0x30, v49  }
0x21f: {  	v3 =	vand.u32 $0x7, v3  }
0x220: {  	v3 =	vor.u32 v3, v4  }
0x221: {  	v4 =	vperm.xlane v3, v0;
	_ =	sdelay $0x1  }
0x222: {  	v4 =	vadd.s32 v1, v4;
	_ =	sdelay $0x3  }
0x223: {  	s0 =	simm.s32 $0x3280;
	v3 =	vperm.xlane v3, v2  }
0x224: {  	[tilespmem:s0], [sflag:$0x1] =	stream.indirect_vreg.gather [hbm4b:s1+s3], $0x80, v4, vm0, $0xb8;
	[tilespmem:$0x18280] =	vst v63  }
0x225: {  	s24 =	simm.s32 $0x3A80;
	v3 =	vadd.s32 v1, v3  }
0x226: {  	[tilespmem:s24], [sflag:$0x1] =	stream.indirect_vreg.gather [hbm4b:s8+s3], $0x80, v4, vm0, $0xb8;
	[tilespmem:$0x18280] =	vst v63  }
0x227: {  	s25 =	simm.s32 $0x4280  }
0x228: {  	[tilespmem:s25], [sflag:$0x1] =	stream.indirect_vreg.gather [hbm4b:s9+s3], $0x80, v4, vm0, $0xb8;
	[tilespmem:$0x18280] =	vst v63  }
0x229: {  	s26 =	simm.s32 $0x4A80  }
0x22a: {  	[tilespmem:s26], [sflag:$0x1] =	stream.indirect_vreg.gather [hbm4b:s1+s3], $0x80, v3, vm0, $0xb8;
	[tilespmem:$0x18280] =	vst v63  }
0x22b: {  	s28 =	simm.s32 $0x5280  }
0x22c: {  	[tilespmem:s28], [sflag:$0x1] =	stream.indirect_vreg.gather [hbm4b:s8+s3], $0x80, v3, vm0, $0xb8;
	[tilespmem:$0x18280] =	vst v63  }
0x22d: {  	s28 =	simm.s32 $0x5A80  }
0x22e: {  	[tilespmem:s28], [sflag:$0x1] =	stream.indirect_vreg.gather [hbm4b:s9+s3], $0x80, v3, vm0, $0xb8;
	[tilespmem:$0x18280] =	vst v63  }
0x22f: {  	v3 =	vld [tilespmem:$0x1A0];
	_ =	sdelay $0x4  }
0x230: {  	v50 =	vshrl.u32 v3, $0x3  }
0x231: {  	v4 =	vmul.u32 $0x30, v50  }
0x232: {  	v3 =	vand.u32 $0x7, v3  }
0x233: {  	v3 =	vor.u32 v3, v4  }
0x234: {  	v4 =	vperm.xlane v3, v0;
	_ =	sdelay $0x1  }
0x235: {  	v4 =	vadd.s32 v1, v4;
	_ =	sdelay $0x3  }
0x236: {  	s28 =	simm.s32 $0x6280;
	v3 =	vperm.xlane v3, v2  }
0x237: {  	[tilespmem:s28], [sflag:$0x1] =	stream.indirect_vreg.gather [hbm4b:s1+s3], $0x80, v4, vm0, $0xb8;
	[tilespmem:$0x18280] =	vst v63  }
0x238: {  	s29 =	simm.s32 $0x6A80;
	v3 =	vadd.s32 v1, v3  }
0x239: {  	[tilespmem:s29], [sflag:$0x1] =	stream.indirect_vreg.gather [hbm4b:s8+s3], $0x80, v4, vm0, $0xb8;
	[tilespmem:$0x18280] =	vst v63  }
0x23a: {  	s30 =	simm.s32 $0x7280  }
0x23b: {  	[tilespmem:s30], [sflag:$0x1] =	stream.indirect_vreg.gather [hbm4b:s9+s3], $0x80, v4, vm0, $0xb8;
	[tilespmem:$0x18280] =	vst v63  }
0x23c: {  	s31 =	simm.s32 $0x7A80  }
0x23d: {  	[tilespmem:s31], [sflag:$0x1] =	stream.indirect_vreg.gather [hbm4b:s1+s3], $0x80, v3, vm0, $0xb8;
	[tilespmem:$0x18280] =	vst v63  }
0x23e: {  	s13 =	simm.s32 $0x8280  }
0x23f: {  	[tilespmem:s13], [sflag:$0x1] =	stream.indirect_vreg.gather [hbm4b:s8+s3], $0x80, v3, vm0, $0xb8;
	[tilespmem:$0x18280] =	vst v63  }
0x240: {  	s21 =	simm.s32 $0x8A80  }
0x241: {  	[tilespmem:s21], [sflag:$0x1] =	stream.indirect_vreg.gather [hbm4b:s9+s3], $0x80, v3, vm0, $0xb8;
	[tilespmem:$0x18280] =	vst v63  }
0x242: {  	v3 =	vld [tilespmem:$0x1B0];
	_ =	sdelay $0x4  }
0x243: {  	v51 =	vshrl.u32 v3, $0x3  }
0x244: {  	v4 =	vmul.u32 $0x30, v51  }
0x245: {  	v3 =	vand.u32 $0x7, v3  }
0x246: {  	v3 =	vor.u32 v3, v4  }
0x247: {  	v4 =	vperm.xlane v3, v0;
	_ =	sdelay $0x1  }
0x248: {  	v4 =	vadd.s32 v1, v4;
	_ =	sdelay $0x3  }
0x249: {  	s21 =	simm.s32 $0x9280;
	v3 =	vperm.xlane v3, v2  }
0x24a: {  	[tilespmem:s21], [sflag:$0x1] =	stream.indirect_vreg.gather [hbm4b:s1+s3], $0x80, v4, vm0, $0xb8;
	[tilespmem:$0x18280] =	vst v63  }
0x24b: {  	s14 =	simm.s32 $0x9A80;
	v3 =	vadd.s32 v1, v3  }
0x24c: {  	[tilespmem:s14], [sflag:$0x1] =	stream.indirect_vreg.gather [hbm4b:s8+s3], $0x80, v4, vm0, $0xb8;
	[tilespmem:$0x18280] =	vst v63  }
0x24d: {  	s16 =	simm.s32 $0xA280  }
0x24e: {  	[tilespmem:s16], [sflag:$0x1] =	stream.indirect_vreg.gather [hbm4b:s9+s3], $0x80, v4, vm0, $0xb8;
	[tilespmem:$0x18280] =	vst v63  }
0x24f: {  	s17 =	simm.s32 $0xAA80  }
0x250: {  	[tilespmem:s17], [sflag:$0x1] =	stream.indirect_vreg.gather [hbm4b:s1+s3], $0x80, v3, vm0, $0xb8;
	[tilespmem:$0x18280] =	vst v63  }
0x251: {  	s18 =	simm.s32 $0xB280  }
0x252: {  	[tilespmem:s18], [sflag:$0x1] =	stream.indirect_vreg.gather [hbm4b:s8+s3], $0x80, v3, vm0, $0xb8;
	[tilespmem:$0x18280] =	vst v63  }
0x253: {  	s21 =	simm.s32 $0xBA80  }
0x254: {  	[tilespmem:s21], [sflag:$0x1] =	stream.indirect_vreg.gather [hbm4b:s9+s3], $0x80, v3, vm0, $0xb8;
	[tilespmem:$0x18280] =	vst v63  }
0x255: {  	_ =	swait.ge [sflag:s20], $0xC000  }
0x256: {  	[sflag:s20] =	ssyncset.done $0x0  }
0x257: {  	s18 =	rddreg [dreg:$0x9];
	[sflag:s20] =	ssyncadd.s32 $0xFFFF4000  }
0x258: {  	[hbm4b:s18+s3] =	stream.linear.scatter [tilespmem:s22], [sflag:$0x3], $0xC000, $0x38;
	[tilespmem:$0x18280] =	vst v63  }
0x259: {  	_ =	swait.ge [sflag:s11], $0xC000  }
0x25a: {  	[sflag:s11] =	ssyncset.done $0x0  }
0x25b: {  	[sflag:s11] =	ssyncadd.s32 $0xFFFF4000  }
0x25c: {  	v3 =	vld [tilespmem:$0x1C0];
	_ =	sdelay $0x4  }
0x25d: {  	v52 =	vshrl.u32 v3, $0x3  }
0x25e: {  	v4 =	vmul.u32 $0x30, v52  }
0x25f: {  	v3 =	vand.u32 $0x7, v3  }
0x260: {  	v3 =	vor.u32 v3, v4  }
0x261: {  	v4 =	vperm.xlane v3, v0;
	_ =	sdelay $0x1  }
0x262: {  	v4 =	vadd.s32 v1, v4;
	_ =	sdelay $0x3  }
0x263: {  	v3 =	vperm.xlane v3, v2  }
0x264: {  	[tilespmem:s22], [sflag:$0x2] =	stream.indirect_vreg.gather [hbm4b:s1+s3], $0x80, v4, vm0, $0xb8;
	[tilespmem:$0x18280] =	vst v63  }
0x265: {  	s21 =	simm.s32 $0xCA80;
	v3 =	vadd.s32 v1, v3  }
0x266: {  	[tilespmem:s21], [sflag:$0x2] =	stream.indirect_vreg.gather [hbm4b:s8+s3], $0x80, v4, vm0, $0xb8;
	[tilespmem:$0x18280] =	vst v63  }
0x267: {  	s21 =	simm.s32 $0xD280  }
0x268: {  	[tilespmem:s21], [sflag:$0x2] =	stream.indirect_vreg.gather [hbm4b:s9+s3], $0x80, v4, vm0, $0xb8;
	[tilespmem:$0x18280] =	vst v63  }
0x269: {  	s21 =	simm.s32 $0xDA80  }
0x26a: {  	[tilespmem:s21], [sflag:$0x2] =	stream.indirect_vreg.gather [hbm4b:s1+s3], $0x80, v3, vm0, $0xb8;
	[tilespmem:$0x18280] =	vst v63  }
0x26b: {  	s21 =	simm.s32 $0xE280  }
0x26c: {  	[tilespmem:s21], [sflag:$0x2] =	stream.indirect_vreg.gather [hbm4b:s8+s3], $0x80, v3, vm0, $0xb8;
	[tilespmem:$0x18280] =	vst v63  }
0x26d: {  	s21 =	simm.s32 $0xEA80  }
0x26e: {  	[tilespmem:s21], [sflag:$0x2] =	stream.indirect_vreg.gather [hbm4b:s9+s3], $0x80, v3, vm0, $0xb8;
	[tilespmem:$0x18280] =	vst v63  }
0x26f: {  	v3 =	vld [tilespmem:$0x1D0];
	_ =	sdelay $0x4  }
0x270: {  	v53 =	vshrl.u32 v3, $0x3  }
0x271: {  	v4 =	vmul.u32 $0x30, v53  }
0x272: {  	v3 =	vand.u32 $0x7, v3  }
0x273: {  	v3 =	vor.u32 v3, v4  }
0x274: {  	v4 =	vperm.xlane v3, v0;
	_ =	sdelay $0x1  }
0x275: {  	v4 =	vadd.s32 v1, v4;
	_ =	sdelay $0x3  }
0x276: {  	s21 =	simm.s32 $0xF280;
	v3 =	vperm.xlane v3, v2  }
0x277: {  	[tilespmem:s21], [sflag:$0x2] =	stream.indirect_vreg.gather [hbm4b:s1+s3], $0x80, v4, vm0, $0xb8;
	[tilespmem:$0x18280] =	vst v63  }
0x278: {  	v3 =	vadd.s32 v1, v3;
	s21 =	simm.s32 $0xFA80  }
0x279: {  	[tilespmem:s21], [sflag:$0x2] =	stream.indirect_vreg.gather [hbm4b:s8+s3], $0x80, v4, vm0, $0xb8;
	[tilespmem:$0x18280] =	vst v63  }
0x27a: {  	s21 =	simm.s32 $0x10280  }
0x27b: {  	[tilespmem:s21], [sflag:$0x2] =	stream.indirect_vreg.gather [hbm4b:s9+s3], $0x80, v4, vm0, $0xb8;
	[tilespmem:$0x18280] =	vst v63  }
0x27c: {  	s21 =	simm.s32 $0x10A80  }
0x27d: {  	[tilespmem:s21], [sflag:$0x2] =	stream.indirect_vreg.gather [hbm4b:s1+s3], $0x80, v3, vm0, $0xb8;
	[tilespmem:$0x18280] =	vst v63  }
0x27e: {  	s21 =	simm.s32 $0x11280  }
0x27f: {  	[tilespmem:s21], [sflag:$0x2] =	stream.indirect_vreg.gather [hbm4b:s8+s3], $0x80, v3, vm0, $0xb8;
	[tilespmem:$0x18280] =	vst v63  }
0x280: {  	s21 =	simm.s32 $0x11A80  }
0x281: {  	[tilespmem:s21], [sflag:$0x2] =	stream.indirect_vreg.gather [hbm4b:s9+s3], $0x80, v3, vm0, $0xb8;
	[tilespmem:$0x18280] =	vst v63  }
0x282: {  	v3 =	vld [tilespmem:$0x1E0];
	_ =	sdelay $0x4  }
0x283: {  	v54 =	vshrl.u32 v3, $0x3  }
0x284: {  	v4 =	vmul.u32 $0x30, v54  }
0x285: {  	v3 =	vand.u32 $0x7, v3  }
0x286: {  	v3 =	vor.u32 v3, v4  }
0x287: {  	v4 =	vperm.xlane v3, v0;
	_ =	sdelay $0x1  }
0x288: {  	v4 =	vadd.s32 v1, v4;
	_ =	sdelay $0x3  }
0x289: {  	s21 =	simm.s32 $0x12280;
	v3 =	vperm.xlane v3, v2  }
0x28a: {  	[tilespmem:s21], [sflag:$0x2] =	stream.indirect_vreg.gather [hbm4b:s1+s3], $0x80, v4, vm0, $0xb8;
	[tilespmem:$0x18280] =	vst v63  }
0x28b: {  	v3 =	vadd.s32 v1, v3;
	s21 =	simm.s32 $0x12A80  }
0x28c: {  	[tilespmem:s21], [sflag:$0x2] =	stream.indirect_vreg.gather [hbm4b:s8+s3], $0x80, v4, vm0, $0xb8;
	[tilespmem:$0x18280] =	vst v63  }
0x28d: {  	s21 =	simm.s32 $0x13280  }
0x28e: {  	[tilespmem:s21], [sflag:$0x2] =	stream.indirect_vreg.gather [hbm4b:s9+s3], $0x80, v4, vm0, $0xb8;
	[tilespmem:$0x18280] =	vst v63  }
0x28f: {  	s21 =	simm.s32 $0x13A80  }
0x290: {  	[tilespmem:s21], [sflag:$0x2] =	stream.indirect_vreg.gather [hbm4b:s1+s3], $0x80, v3, vm0, $0xb8;
	[tilespmem:$0x18280] =	vst v63  }
0x291: {  	s21 =	simm.s32 $0x14280  }
0x292: {  	[tilespmem:s21], [sflag:$0x2] =	stream.indirect_vreg.gather [hbm4b:s8+s3], $0x80, v3, vm0, $0xb8;
	[tilespmem:$0x18280] =	vst v63  }
0x293: {  	s21 =	simm.s32 $0x14A80  }
0x294: {  	[tilespmem:s21], [sflag:$0x2] =	stream.indirect_vreg.gather [hbm4b:s9+s3], $0x80, v3, vm0, $0xb8;
	[tilespmem:$0x18280] =	vst v63  }
0x295: {  	v3 =	vld [tilespmem:$0x1F0];
	_ =	sdelay $0x4  }
0x296: {  	v55 =	vshrl.u32 v3, $0x3  }
0x297: {  	v4 =	vmul.u32 $0x30, v55  }
0x298: {  	v3 =	vand.u32 $0x7, v3  }
0x299: {  	v3 =	vor.u32 v3, v4  }
0x29a: {  	v4 =	vperm.xlane v3, v0;
	_ =	sdelay $0x1  }
0x29b: {  	v4 =	vadd.s32 v1, v4;
	_ =	sdelay $0x3  }
0x29c: {  	s21 =	simm.s32 $0x15280;
	v3 =	vperm.xlane v3, v2  }
0x29d: {  	[tilespmem:s21], [sflag:$0x2] =	stream.indirect_vreg.gather [hbm4b:s1+s3], $0x80, v4, vm0, $0xb8;
	[tilespmem:$0x18280] =	vst v63  }
0x29e: {  	v3 =	vadd.s32 v1, v3;
	s21 =	simm.s32 $0x15A80  }
0x29f: {  	[tilespmem:s21], [sflag:$0x2] =	stream.indirect_vreg.gather [hbm4b:s8+s3], $0x80, v4, vm0, $0xb8;
	[tilespmem:$0x18280] =	vst v63  }
0x2a0: {  	s21 =	simm.s32 $0x16280  }
0x2a1: {  	[tilespmem:s21], [sflag:$0x2] =	stream.indirect_vreg.gather [hbm4b:s9+s3], $0x80, v4, vm0, $0xb8;
	[tilespmem:$0x18280] =	vst v63  }
0x2a2: {  	s21 =	simm.s32 $0x16A80  }
0x2a3: {  	[tilespmem:s21], [sflag:$0x2] =	stream.indirect_vreg.gather [hbm4b:s1+s3], $0x80, v3, vm0, $0xb8;
	[tilespmem:$0x18280] =	vst v63  }
0x2a4: {  	s21 =	simm.s32 $0x17280  }
0x2a5: {  	[tilespmem:s21], [sflag:$0x2] =	stream.indirect_vreg.gather [hbm4b:s8+s3], $0x80, v3, vm0, $0xb8;
	[tilespmem:$0x18280] =	vst v63  }
0x2a6: {  	s21 =	simm.s32 $0x17A80  }
0x2a7: {  	[tilespmem:s21], [sflag:$0x2] =	stream.indirect_vreg.gather [hbm4b:s9+s3], $0x80, v3, vm0, $0xb8;
	[tilespmem:$0x18280] =	vst v63  }
0x2a8: {  	_ =	swait.ge [sflag:s19], $0xC000  }
0x2a9: {  	[sflag:s19] =	ssyncset.done $0x0  }
0x2aa: {  	s21 =	rddreg [dreg:$0xa];
	[sflag:s19] =	ssyncadd.s32 $0xFFFF4000  }
0x2ab: {  	[hbm4b:s21+s3] =	stream.linear.scatter [tilespmem:s23], [sflag:$0x3], $0xC000, $0x38;
	[tilespmem:$0x18280] =	vst v63  }
0x2ac: {  	_ =	swait.ge [sflag:s11], $0xC000  }
0x2ad: {  	[sflag:s11] =	ssyncset.done $0x0  }
0x2ae: {  	[sflag:s11] =	ssyncadd.s32 $0xFFFF4000  }
0x2af: {  	v3 =	vld [tilespmem:$0x200];
	_ =	sdelay $0x4  }
0x2b0: {  	v56 =	vshrl.u32 v3, $0x3  }
0x2b1: {  	v4 =	vmul.u32 $0x30, v56  }
0x2b2: {  	v3 =	vand.u32 $0x7, v3  }
0x2b3: {  	v3 =	vor.u32 v3, v4  }
0x2b4: {  	v4 =	vperm.xlane v3, v0;
	_ =	sdelay $0x1  }
0x2b5: {  	v4 =	vadd.s32 v1, v4;
	_ =	sdelay $0x3  }
0x2b6: {  	v3 =	vperm.xlane v3, v2  }
0x2b7: {  	[tilespmem:s23], [sflag:$0x1] =	stream.indirect_vreg.gather [hbm4b:s1+s3], $0x80, v4, vm0, $0xb8;
	[tilespmem:$0x18280] =	vst v63  }
0x2b8: {  	s21 =	simm.s32 $0xA80;
	v3 =	vadd.s32 v1, v3  }
0x2b9: {  	[tilespmem:s21], [sflag:$0x1] =	stream.indirect_vreg.gather [hbm4b:s8+s3], $0x80, v4, vm0, $0xb8;
	[tilespmem:$0x18280] =	vst v63  }
0x2ba: {  	s2 =	simm.s32 $0x1280  }
0x2bb: {  	[tilespmem:s2], [sflag:$0x1] =	stream.indirect_vreg.gather [hbm4b:s9+s3], $0x80, v4, vm0, $0xb8;
	[tilespmem:$0x18280] =	vst v63  }
0x2bc: {  	s4 =	simm.s32 $0x1A80  }
0x2bd: {  	[tilespmem:s4], [sflag:$0x1] =	stream.indirect_vreg.gather [hbm4b:s1+s3], $0x80, v3, vm0, $0xb8;
	[tilespmem:$0x18280] =	vst v63  }
0x2be: {  	s10 =	simm.s32 $0x2280  }
0x2bf: {  	[tilespmem:s10], [sflag:$0x1] =	stream.indirect_vreg.gather [hbm4b:s8+s3], $0x80, v3, vm0, $0xb8;
	[tilespmem:$0x18280] =	vst v63  }
0x2c0: {  	s21 =	simm.s32 $0x2A80  }
0x2c1: {  	[tilespmem:s21], [sflag:$0x1] =	stream.indirect_vreg.gather [hbm4b:s9+s3], $0x80, v3, vm0, $0xb8;
	[tilespmem:$0x18280] =	vst v63  }
0x2c2: {  	v3 =	vld [tilespmem:$0x210];
	_ =	sdelay $0x4  }
0x2c3: {  	v57 =	vshrl.u32 v3, $0x3  }
0x2c4: {  	v4 =	vmul.u32 $0x30, v57  }
0x2c5: {  	v3 =	vand.u32 $0x7, v3  }
0x2c6: {  	v3 =	vor.u32 v3, v4  }
0x2c7: {  	v4 =	vperm.xlane v3, v0;
	_ =	sdelay $0x1  }
0x2c8: {  	v4 =	vadd.s32 v1, v4;
	_ =	sdelay $0x3  }
0x2c9: {  	v3 =	vperm.xlane v3, v2  }
0x2ca: {  	[tilespmem:s0], [sflag:$0x1] =	stream.indirect_vreg.gather [hbm4b:s1+s3], $0x80, v4, vm0, $0xb8;
	[tilespmem:$0x18280] =	vst v63  }
0x2cb: {  	s12 =	simm.s32 $0x3A80;
	v3 =	vadd.s32 v1, v3  }
0x2cc: {  	[tilespmem:s12], [sflag:$0x1] =	stream.indirect_vreg.gather [hbm4b:s8+s3], $0x80, v4, vm0, $0xb8;
	[tilespmem:$0x18280] =	vst v63  }
0x2cd: {  	s24 =	simm.s32 $0x4280  }
0x2ce: {  	[tilespmem:s24], [sflag:$0x1] =	stream.indirect_vreg.gather [hbm4b:s9+s3], $0x80, v4, vm0, $0xb8;
	[tilespmem:$0x18280] =	vst v63  }
0x2cf: {  	s25 =	simm.s32 $0x4A80  }
0x2d0: {  	[tilespmem:s25], [sflag:$0x1] =	stream.indirect_vreg.gather [hbm4b:s1+s3], $0x80, v3, vm0, $0xb8;
	[tilespmem:$0x18280] =	vst v63  }
0x2d1: {  	s26 =	simm.s32 $0x5280  }
0x2d2: {  	[tilespmem:s26], [sflag:$0x1] =	stream.indirect_vreg.gather [hbm4b:s8+s3], $0x80, v3, vm0, $0xb8;
	[tilespmem:$0x18280] =	vst v63  }
0x2d3: {  	s2 =	simm.s32 $0x5A80  }
0x2d4: {  	[tilespmem:s2], [sflag:$0x1] =	stream.indirect_vreg.gather [hbm4b:s9+s3], $0x80, v3, vm0, $0xb8;
	[tilespmem:$0x18280] =	vst v63  }
0x2d5: {  	v3 =	vld [tilespmem:$0x220];
	_ =	sdelay $0x4  }
0x2d6: {  	v58 =	vshrl.u32 v3, $0x3  }
0x2d7: {  	v4 =	vmul.u32 $0x30, v58  }
0x2d8: {  	v3 =	vand.u32 $0x7, v3  }
0x2d9: {  	v3 =	vor.u32 v3, v4  }
0x2da: {  	v4 =	vperm.xlane v3, v0;
	_ =	sdelay $0x1  }
0x2db: {  	v4 =	vadd.s32 v1, v4;
	_ =	sdelay $0x3  }
0x2dc: {  	s4 =	simm.s32 $0x6280;
	v3 =	vperm.xlane v3, v2  }
0x2dd: {  	[tilespmem:s4], [sflag:$0x1] =	stream.indirect_vreg.gather [hbm4b:s1+s3], $0x80, v4, vm0, $0xb8;
	[tilespmem:$0x18280] =	vst v63  }
0x2de: {  	s28 =	simm.s32 $0x6A80;
	v3 =	vadd.s32 v1, v3  }
0x2df: {  	[tilespmem:s28], [sflag:$0x1] =	stream.indirect_vreg.gather [hbm4b:s8+s3], $0x80, v4, vm0, $0xb8;
	[tilespmem:$0x18280] =	vst v63  }
0x2e0: {  	s29 =	simm.s32 $0x7280  }
0x2e1: {  	[tilespmem:s29], [sflag:$0x1] =	stream.indirect_vreg.gather [hbm4b:s9+s3], $0x80, v4, vm0, $0xb8;
	[tilespmem:$0x18280] =	vst v63  }
0x2e2: {  	s30 =	simm.s32 $0x7A80  }
0x2e3: {  	[tilespmem:s30], [sflag:$0x1] =	stream.indirect_vreg.gather [hbm4b:s1+s3], $0x80, v3, vm0, $0xb8;
	[tilespmem:$0x18280] =	vst v63  }
0x2e4: {  	s31 =	simm.s32 $0x8280  }
0x2e5: {  	[tilespmem:s31], [sflag:$0x1] =	stream.indirect_vreg.gather [hbm4b:s8+s3], $0x80, v3, vm0, $0xb8;
	[tilespmem:$0x18280] =	vst v63  }
0x2e6: {  	s10 =	simm.s32 $0x8A80  }
0x2e7: {  	[tilespmem:s10], [sflag:$0x1] =	stream.indirect_vreg.gather [hbm4b:s9+s3], $0x80, v3, vm0, $0xb8;
	[tilespmem:$0x18280] =	vst v63  }
0x2e8: {  	v3 =	vld [tilespmem:$0x230];
	_ =	sdelay $0x4  }
0x2e9: {  	v59 =	vshrl.u32 v3, $0x3  }
0x2ea: {  	v4 =	vmul.u32 $0x30, v59  }
0x2eb: {  	v3 =	vand.u32 $0x7, v3  }
0x2ec: {  	v3 =	vor.u32 v3, v4  }
0x2ed: {  	v4 =	vperm.xlane v3, v0;
	_ =	sdelay $0x1  }
0x2ee: {  	v4 =	vadd.s32 v1, v4;
	_ =	sdelay $0x3  }
0x2ef: {  	s12 =	simm.s32 $0x9280;
	v3 =	vperm.xlane v3, v2  }
0x2f0: {  	[tilespmem:s12], [sflag:$0x1] =	stream.indirect_vreg.gather [hbm4b:s1+s3], $0x80, v4, vm0, $0xb8;
	[tilespmem:$0x18280] =	vst v63  }
0x2f1: {  	s13 =	simm.s32 $0x9A80;
	v3 =	vadd.s32 v1, v3  }
0x2f2: {  	[tilespmem:s13], [sflag:$0x1] =	stream.indirect_vreg.gather [hbm4b:s8+s3], $0x80, v4, vm0, $0xb8;
	[tilespmem:$0x18280] =	vst v63  }
0x2f3: {  	s14 =	simm.s32 $0xA280  }
0x2f4: {  	[tilespmem:s14], [sflag:$0x1] =	stream.indirect_vreg.gather [hbm4b:s9+s3], $0x80, v4, vm0, $0xb8;
	[tilespmem:$0x18280] =	vst v63  }
0x2f5: {  	s16 =	simm.s32 $0xAA80  }
0x2f6: {  	[tilespmem:s16], [sflag:$0x1] =	stream.indirect_vreg.gather [hbm4b:s1+s3], $0x80, v3, vm0, $0xb8;
	[tilespmem:$0x18280] =	vst v63  }
0x2f7: {  	s17 =	simm.s32 $0xB280  }
0x2f8: {  	[tilespmem:s17], [sflag:$0x1] =	stream.indirect_vreg.gather [hbm4b:s8+s3], $0x80, v3, vm0, $0xb8;
	[tilespmem:$0x18280] =	vst v63  }
0x2f9: {  	s16 =	simm.s32 $0xBA80  }
0x2fa: {  	[tilespmem:s16], [sflag:$0x1] =	stream.indirect_vreg.gather [hbm4b:s9+s3], $0x80, v3, vm0, $0xb8;
	[tilespmem:$0x18280] =	vst v63  }
0x2fb: {  	_ =	swait.ge [sflag:s20], $0xC000  }
0x2fc: {  	[sflag:s20] =	ssyncset.done $0x0  }
0x2fd: {  	s17 =	rddreg [dreg:$0xb];
	[sflag:s20] =	ssyncadd.s32 $0xFFFF4000  }
0x2fe: {  	[hbm4b:s17+s3] =	stream.linear.scatter [tilespmem:s22], [sflag:$0x3], $0xC000, $0x38;
	[tilespmem:$0x18280] =	vst v63  }
0x2ff: {  	_ =	swait.ge [sflag:s11], $0xC000  }
0x300: {  	[sflag:s11] =	ssyncset.done $0x0  }
0x301: {  	[sflag:s11] =	ssyncadd.s32 $0xFFFF4000  }
0x302: {  	v3 =	vld [tilespmem:$0x240];
	_ =	sdelay $0x4  }
0x303: {  	v60 =	vshrl.u32 v3, $0x3  }
0x304: {  	v4 =	vmul.u32 $0x30, v60  }
0x305: {  	v3 =	vand.u32 $0x7, v3  }
0x306: {  	v3 =	vor.u32 v3, v4  }
0x307: {  	v4 =	vperm.xlane v3, v0;
	_ =	sdelay $0x1  }
0x308: {  	v4 =	vadd.s32 v1, v4;
	_ =	sdelay $0x3  }
0x309: {  	v3 =	vperm.xlane v3, v2  }
0x30a: {  	[tilespmem:s22], [sflag:$0x2] =	stream.indirect_vreg.gather [hbm4b:s1+s3], $0x80, v4, vm0, $0xb8;
	[tilespmem:$0x18280] =	vst v63  }
0x30b: {  	s18 =	simm.s32 $0xCA80;
	v3 =	vadd.s32 v1, v3  }
0x30c: {  	[tilespmem:s18], [sflag:$0x2] =	stream.indirect_vreg.gather [hbm4b:s8+s3], $0x80, v4, vm0, $0xb8;
	[tilespmem:$0x18280] =	vst v63  }
0x30d: {  	s24 =	simm.s32 $0xD280  }
0x30e: {  	[tilespmem:s24], [sflag:$0x2] =	stream.indirect_vreg.gather [hbm4b:s9+s3], $0x80, v4, vm0, $0xb8;
	[tilespmem:$0x18280] =	vst v63  }
0x30f: {  	s25 =	simm.s32 $0xDA80  }
0x310: {  	[tilespmem:s25], [sflag:$0x2] =	stream.indirect_vreg.gather [hbm4b:s1+s3], $0x80, v3, vm0, $0xb8;
	[tilespmem:$0x18280] =	vst v63  }
0x311: {  	s26 =	simm.s32 $0xE280  }
0x312: {  	[tilespmem:s26], [sflag:$0x2] =	stream.indirect_vreg.gather [hbm4b:s8+s3], $0x80, v3, vm0, $0xb8;
	[tilespmem:$0x18280] =	vst v63  }
0x313: {  	s28 =	simm.s32 $0xEA80  }
0x314: {  	[tilespmem:s28], [sflag:$0x2] =	stream.indirect_vreg.gather [hbm4b:s9+s3], $0x80, v3, vm0, $0xb8;
	[tilespmem:$0x18280] =	vst v63  }
0x315: {  	v3 =	vld [tilespmem:$0x250];
	_ =	sdelay $0x4  }
0x316: {  	v61 =	vshrl.u32 v3, $0x3  }
0x317: {  	v4 =	vmul.u32 $0x30, v61  }
0x318: {  	v3 =	vand.u32 $0x7, v3  }
0x319: {  	v3 =	vor.u32 v3, v4  }
0x31a: {  	v4 =	vperm.xlane v3, v0;
	_ =	sdelay $0x1  }
0x31b: {  	v4 =	vadd.s32 v1, v4;
	_ =	sdelay $0x3  }
0x31c: {  	s29 =	simm.s32 $0xF280;
	v3 =	vperm.xlane v3, v2  }
0x31d: {  	[tilespmem:s29], [sflag:$0x2] =	stream.indirect_vreg.gather [hbm4b:s1+s3], $0x80, v4, vm0, $0xb8;
	[tilespmem:$0x18280] =	vst v63  }
0x31e: {  	s30 =	simm.s32 $0xFA80;
	v3 =	vadd.s32 v1, v3  }
0x31f: {  	[tilespmem:s30], [sflag:$0x2] =	stream.indirect_vreg.gather [hbm4b:s8+s3], $0x80, v4, vm0, $0xb8;
	[tilespmem:$0x18280] =	vst v63  }
0x320: {  	s31 =	simm.s32 $0x10280  }
0x321: {  	[tilespmem:s31], [sflag:$0x2] =	stream.indirect_vreg.gather [hbm4b:s9+s3], $0x80, v4, vm0, $0xb8;
	[tilespmem:$0x18280] =	vst v63  }
0x322: {  	s2 =	simm.s32 $0x10A80  }
0x323: {  	[tilespmem:s2], [sflag:$0x2] =	stream.indirect_vreg.gather [hbm4b:s1+s3], $0x80, v3, vm0, $0xb8;
	[tilespmem:$0x18280] =	vst v63  }
0x324: {  	s4 =	simm.s32 $0x11280  }
0x325: {  	[tilespmem:s4], [sflag:$0x2] =	stream.indirect_vreg.gather [hbm4b:s8+s3], $0x80, v3, vm0, $0xb8;
	[tilespmem:$0x18280] =	vst v63  }
0x326: {  	s10 =	simm.s32 $0x11A80  }
0x327: {  	[tilespmem:s10], [sflag:$0x2] =	stream.indirect_vreg.gather [hbm4b:s9+s3], $0x80, v3, vm0, $0xb8;
	[tilespmem:$0x18280] =	vst v63  }
0x328: {  	v3 =	vld [tilespmem:$0x260];
	_ =	sdelay $0x4  }
0x329: {  	v62 =	vshrl.u32 v3, $0x3  }
0x32a: {  	v4 =	vmul.u32 $0x30, v62  }
0x32b: {  	v3 =	vand.u32 $0x7, v3  }
0x32c: {  	v3 =	vor.u32 v3, v4  }
0x32d: {  	v4 =	vperm.xlane v3, v0;
	_ =	sdelay $0x1  }
0x32e: {  	v4 =	vadd.s32 v1, v4;
	_ =	sdelay $0x3  }
0x32f: {  	s12 =	simm.s32 $0x12280;
	v3 =	vperm.xlane v3, v2  }
0x330: {  	[tilespmem:s12], [sflag:$0x2] =	stream.indirect_vreg.gather [hbm4b:s1+s3], $0x80, v4, vm0, $0xb8;
	[tilespmem:$0x18280] =	vst v63  }
0x331: {  	s13 =	simm.s32 $0x12A80;
	v3 =	vadd.s32 v1, v3  }
0x332: {  	[tilespmem:s13], [sflag:$0x2] =	stream.indirect_vreg.gather [hbm4b:s8+s3], $0x80, v4, vm0, $0xb8;
	[tilespmem:$0x18280] =	vst v63  }
0x333: {  	s14 =	simm.s32 $0x13280  }
0x334: {  	[tilespmem:s14], [sflag:$0x2] =	stream.indirect_vreg.gather [hbm4b:s9+s3], $0x80, v4, vm0, $0xb8;
	[tilespmem:$0x18280] =	vst v63  }
0x335: {  	s16 =	simm.s32 $0x13A80  }
0x336: {  	[tilespmem:s16], [sflag:$0x2] =	stream.indirect_vreg.gather [hbm4b:s1+s3], $0x80, v3, vm0, $0xb8;
	[tilespmem:$0x18280] =	vst v63  }
0x337: {  	s17 =	simm.s32 $0x14280  }
0x338: {  	[tilespmem:s17], [sflag:$0x2] =	stream.indirect_vreg.gather [hbm4b:s8+s3], $0x80, v3, vm0, $0xb8;
	[tilespmem:$0x18280] =	vst v63  }
0x339: {  	s18 =	simm.s32 $0x14A80  }
0x33a: {  	[tilespmem:s18], [sflag:$0x2] =	stream.indirect_vreg.gather [hbm4b:s9+s3], $0x80, v3, vm0, $0xb8;
	[tilespmem:$0x18280] =	vst v63  }
0x33b: {  	v3 =	vld [tilespmem:$0x270];
	_ =	sdelay $0x4  }
0x33c: {  	v63 =	vshrl.u32 v3, $0x3  }
0x33d: {  	v4 =	vmul.u32 $0x30, v63  }
0x33e: {  	v3 =	vand.u32 $0x7, v3  }
0x33f: {  	v3 =	vor.u32 v3, v4  }
0x340: {  	v4 =	vperm.xlane v3, v0;
	_ =	sdelay $0x1  }
0x341: {  	v4 =	vadd.s32 v1, v4;
	_ =	sdelay $0x3  }
0x342: {  	s21 =	simm.s32 $0x15280;
	v3 =	vperm.xlane v3, v2  }
0x343: {  	[tilespmem:s21], [sflag:$0x2] =	stream.indirect_vreg.gather [hbm4b:s1+s3], $0x80, v4, vm0, $0xb8;
	[tilespmem:$0x18280] =	vst v63  }
0x344: {  	s24 =	simm.s32 $0x15A80;
	v3 =	vadd.s32 v1, v3  }
0x345: {  	[tilespmem:s24], [sflag:$0x2] =	stream.indirect_vreg.gather [hbm4b:s8+s3], $0x80, v4, vm0, $0xb8;
	[tilespmem:$0x18280] =	vst v63  }
0x346: {  	s25 =	simm.s32 $0x16280  }
0x347: {  	[tilespmem:s25], [sflag:$0x2] =	stream.indirect_vreg.gather [hbm4b:s9+s3], $0x80, v4, vm0, $0xb8;
	[tilespmem:$0x18280] =	vst v63  }
0x348: {  	s26 =	simm.s32 $0x16A80  }
0x349: {  	[tilespmem:s26], [sflag:$0x2] =	stream.indirect_vreg.gather [hbm4b:s1+s3], $0x80, v3, vm0, $0xb8;
	[tilespmem:$0x18280] =	vst v63  }
0x34a: {  	s28 =	simm.s32 $0x17280  }
0x34b: {  	[tilespmem:s28], [sflag:$0x2] =	stream.indirect_vreg.gather [hbm4b:s8+s3], $0x80, v3, vm0, $0xb8;
	[tilespmem:$0x18280] =	vst v63  }
0x34c: {  	s29 =	simm.s32 $0x17A80  }
0x34d: {  	[tilespmem:s29], [sflag:$0x2] =	stream.indirect_vreg.gather [hbm4b:s9+s3], $0x80, v3, vm0, $0xb8;
	[tilespmem:$0x18280] =	vst v63  }
0x34e: {  	_ =	swait.ge [sflag:s19], $0xC000  }
0x34f: {  	[sflag:s19] =	ssyncset.done $0x0  }
0x350: {  	s30 =	rddreg [dreg:$0xc];
	[sflag:s19] =	ssyncadd.s32 $0xFFFF4000  }
0x351: {  	[hbm4b:s30+s3] =	stream.linear.scatter [tilespmem:s23], [sflag:$0x3], $0xC000, $0x38;
	[tilespmem:$0x18280] =	vst v63  }
0x352: {  	_ =	swait.ge [sflag:s11], $0xC000  }
0x353: {  	[sflag:s11] =	ssyncset.done $0x0  }
0x354: {  	[sflag:s11] =	ssyncadd.s32 $0xFFFF4000  }
0x355: {  	_ =	swait.ge [sflag:s20], $0xC000  }
0x356: {  	p0 =	sne.s32 s15, $0x1;
	[sflag:s20] =	ssyncset.done $0x0  }
.Ltmp0:
0x357: {  	s31 =	rddreg [dreg:$0xd];
	[sflag:s20] =	ssyncadd.s32 $0xFFFF4000;
	(pc) =	sbr.rel @p0 .LBB2_1-.Ltmp0, $4  }
0x358: {  	[hbm4b:s31+s3] =	stream.linear.scatter [tilespmem:s22], [sflag:$0x3], $0xC000, $0x38;
	[tilespmem:$0x18280] =	vst v63  }
0x359: {  	_ =	swait.ge [sflag:s11], $0xC000  }
0x35a: {  	[sflag:s11] =	ssyncset.done $0x0  }
0x35b: {  	s15 =	sadd.s32 $0xFFFFFFFF, s15;
	[sflag:s11] =	ssyncadd.s32 $0xFFFF4000  }
0x35c: {  	_ =	sfence.sel $0x180000  }
0x35d: {  	[bflag:$0x0] =	sbarrier.arrive $0xFFFF  }
0x35e: {  	_ =	strace $0x90000047  }
0x35f: {  	s0 =	stileid.u32;
	[bflag:$0x2] =	sbarrier.arrive $0xFFFF  }
0x360: {  	p0 =	sne.s32 s0, $0x0;
	s0 =	rddreg [dreg:$0x3]  }
0x361: {  	s0 =	sadd.s32 @!p0 $0x100000, s0  }
0x362: {  	[sflag:s0] =	ssyncadd.tile.s32 @!p0 $0x1;
	_ =	shalt  }
.Lfunc_end2:
_tile_overlayer_lowered:
.L_overlay_start_2:
0x363: {  	(tag) =	ssettag $0x2  }
0x364: {  	s0 =	rddreg [dreg:$0x0];
	s2 =	stileid.u32  }
0x365: {  	s1 =	rddreg [dreg:$0x1];
	p0 =	sne.s32 s2, $0x0  }
0x366: {  	s3 =	rddreg [dreg:$0x2];
	[bflag:$0x3] =	sbarrier.arrive $0xFFFF;
	s2 =	simm.s32 @!p0 $0x1C03  }
0x367: {  	[timem:s3], [sflag:s2] =	dma.local @!p0 [hbm:s0], s1  }
0x368: {  	s0 =	simm.s32 @!p0 $0x3  }
0x369: {  	_ =	swait.ge @!p0 [sflag:s0], s1  }
0x36a: {  	s1 =	ssub.s32 @!p0 $0x0, s1;
	[sflag:s0] =	ssyncset.done @!p0 $0x0  }
0x36b: {  	[sflag:s0] =	ssyncadd.s32 @!p0 s1  }
0x36c: {  	[bflag:$0x3] =	sbarrier.arrive $0xFFFF  }
0x36d: {  	_ =	shalt  }

</sc_bundles>
